<compile_context>
chip_gen: v7x
topology: tpu7x:2x2x1
jax: 0.10.2.dev20260603
libtpu: 0.0.44.dev20260713+nightly
codegen_flags: <defaults>
</compile_context>

<pallas_src>
import jax
import jax.numpy as jnp
from jax import lax
from jax.experimental import pallas as pl
from jax.experimental.pallas import tpu as pltpu
from jax.experimental.pallas import tpu_sc as plsc

_DELTA_VAR = 0.1
_DELTA_DIST = 0.3
_B = 2
_C = 128
_D = 32
_P = 4096
_E = 512
_NI = 4
_NS = 16
_TP = _P // 4
_L = 16
_AR = _D + 1


def _splat_f(x):
    return lax.broadcast_in_dim(x, (_L,), ())


def _rsqrt_newton(n):
    i = plsc.bitcast(n, jnp.int32)
    i = jnp.int32(0x5F3759DF) - lax.shift_right_logical(i, 1)
    y = plsc.bitcast(i, jnp.float32)
    for _ in range(3):
        y = y * (1.5 - 0.5 * n * y * y)
    return y


def _sc_body(emb_hbm, seg_hbm, val_hbm, edges_hbm, w_hbm, misc_hbm, zero_hbm,
             out_hbm,
             seg_v, emb_v, acc_v, cmb_v, mn_v, wq_v, mult_v, val_v, edges_v,
             we_v, misc_v, mc_v, mc2_v, part_v, partall_v, out_v, idx_v,
             sems,
             shared_acc, shared_mc, shared_part):
    f32 = jnp.float32
    i32 = jnp.int32
    s = lax.axis_index("s")
    j = s // 4
    q = s % 4
    batch = j % 2
    iota = lax.iota(i32, _L)
    zeros = jnp.zeros((_L,), f32)
    ones = jnp.ones((_L,), f32)
    zl = jnp.zeros((_L,), i32)

    cps = [
        pltpu.make_async_copy(seg_hbm.at[j, pl.ds(q * _TP, _TP)], seg_v,
                              sems.at[0]),
        pltpu.make_async_copy(emb_hbm.at[j, :, pl.ds(q * _TP, _TP)], emb_v,
                              sems.at[1]),
        pltpu.make_async_copy(val_hbm.at[batch], val_v, sems.at[2]),
        pltpu.make_async_copy(edges_hbm.at[batch], edges_v, sems.at[3]),
        pltpu.make_async_copy(w_hbm.at[batch], we_v, sems.at[4]),
        pltpu.make_async_copy(misc_hbm, misc_v, sems.at[5]),
        pltpu.make_async_copy(zero_hbm, acc_v, sems.at[6]),
    ]
    for cp in cps:
        cp.start()

    idx_v[pl.ds(0, _L)] = iota + j * _AR
    idx_v[pl.ds(_L, _L)] = iota + (j * _AR + _L)
    idx_v[pl.ds(_AR - _L, _L)] = iota + (j * _AR + _AR - _L)

    for cp in cps:
        cp.wait()

    @pl.when(q == 0)
    def _zero_zone():
        pltpu.sync_copy(acc_v, shared_acc.at[pl.ds(j * _AR, _AR)])
    plsc.subcore_barrier()

    row_cnt = jnp.full((_L,), _D, i32)

    @plsc.parallel_loop(0, _TP // _L, step=1, unroll=2)
    def scatter_group(grp):
        base = grp * _L
        s_l = seg_v[pl.ds(base, _L)]
        plsc.addupdate_scatter(acc_v.at[_D], [s_l], ones)
        for d in range(_D):
            e = emb_v[d, pl.ds(base, _L)]
            plsc.addupdate_scatter(acc_v.at[d], [s_l], e)

    pltpu.sync_copy(acc_v, shared_acc.at[idx_v], add=True)
    plsc.subcore_barrier()
    pltpu.sync_copy(shared_acc.at[pl.ds(j * _AR, _AR)], cmb_v)

    for g in range(_C // _L):
        mult_v[0, pl.ds(g * _L, _L)] = zeros
    for g in range(_C // _L):
        vl = val_v[pl.ds(g * _L, _L)]
        plsc.addupdate_scatter(mult_v.at[0], [vl], ones)

    def norm_group(g, _):
        cnt = cmb_v[_D, pl.ds(g * _L, _L)]
        inv_cnt = 1.0 / cnt
        ms = [cmb_v[d, pl.ds(g * _L, _L)] * inv_cnt for d in range(_D)]
        n0 = zeros
        n1 = zeros
        for d in range(16):
            n0 = n0 + ms[d] * ms[d]
            n1 = n1 + ms[d + 16] * ms[d + 16]
        y0 = _rsqrt_newton(n0)
        y1 = _rsqrt_newton(n1)
        for d in range(16):
            mn_v[d, pl.ds(g * _L, _L)] = ms[d] * y0 + 1e-10
            mn_v[d + 16, pl.ds(g * _L, _L)] = ms[d + 16] * y1 + 1e-10
        wq_v[0, pl.ds(g * _L, _L)] = mult_v[0, pl.ds(g * _L, _L)] * inv_cnt
        return 0
    lax.fori_loop(0, _C // _L, norm_group, 0)

    @plsc.parallel_loop(0, _TP // _L, step=1, unroll=2, carry=zeros)
    def intra_group(grp, acc):
        base = grp * _L
        s_l = seg_v[pl.ds(base, _L)]
        dot = zeros
        for d in range(_D):
            g = plsc.load_gather(mn_v.at[d], [s_l])
            e = emb_v[d, pl.ds(base, _L)]
            dot = dot + g * e
        wl = plsc.load_gather(wq_v.at[0], [s_l])
        return acc + wl * jnp.maximum((2.0 - dot) * 0.5 - _DELTA_VAR, 0.0)
    iacc = intra_group
    part_v[...] = iacc * (1.0 / _C)

    def mc_group(g, _):
        vl = val_v[pl.ds(g * _L, _L)]
        for d in range(_D):
            mc_v[d, pl.ds(g * _L, _L)] = plsc.load_gather(mn_v.at[d], [vl])
        return 0
    lax.fori_loop(0, _C // _L, mc_group, 0)

    @pl.when(q == 0)
    def _publish_mc():
        pltpu.sync_copy(mc_v, shared_mc.at[j])
    plsc.subcore_barrier()

    def edge_group(grp, acc):
        base = grp * _L
        e0 = edges_v[0, pl.ds(base, _L)]
        e1 = edges_v[1, pl.ds(base, _L)]
        sm = zeros
        for d in range(16):
            a = plsc.load_gather(mc_v.at[d], [e0])
            b = plsc.load_gather(mc_v.at[d], [e1])
            sm = sm + a * b
        inter = (1.0 - sm) * we_v[pl.ds(base, _L)]
        return acc + jnp.maximum(_DELTA_DIST - inter, 0.0)
    ngrp = _E // _L // 4
    eacc = lax.fori_loop(q * ngrp, (q + 1) * ngrp, edge_group, zeros)
    part_v[...] = part_v[...] + eacc * (1.0 / _E)

    @pl.when(jnp.logical_and(q == 1, j < 2))
    def _rd():
        pltpu.sync_copy(shared_mc.at[j], mc_v)
        pltpu.sync_copy(shared_mc.at[j + 2], mc2_v)

        def rd_acc(off):
            def body(d, acc):
                return acc + (mc_v[d, pl.ds(off, _L)]
                              * mc2_v[d, pl.ds(off, _L)])
            return lax.fori_loop(0, _D, body, zeros)
        s0 = rd_acc(0)
        s1 = rd_acc(16)
        rd1 = 1.0 - _splat_f(jnp.sum(s0)) * (1.0 / _D)
        rd2 = 1.0 - _splat_f(jnp.sum(s1)) * (1.0 / _D)
        ang = misc_v[...]
        term = (jnp.maximum(rd1 - _DELTA_VAR, 0.0)
                + jnp.maximum(_DELTA_DIST - rd2, 0.0) * ang) * (1.0 / _L)
        part_v[...] = part_v[...] + term

    pltpu.sync_copy(part_v, shared_part.at[s])
    plsc.subcore_barrier()

    @pl.when(s == 0)
    def _final():
        pltpu.sync_copy(shared_part, partall_v)
        tot = zeros
        for t in range(_NS):
            tot = tot + partall_v[t, pl.ds(0, _L)]
        out_v[...] = _splat_f(jnp.sum(tot))
        pltpu.sync_copy(out_v, out_hbm)


@jax.jit
def _run(embeddings, sp_seg, rot_sp, edges, weights, val_sp, rotation_angle):
    f32 = jnp.float32
    emb = embeddings.reshape(2 * _B, _D, _P)
    seg = jnp.concatenate([sp_seg.reshape(_B, _P),
                           rot_sp.reshape(_B, _P)], axis=0)
    misc = jnp.full((_L,), rotation_angle, f32)
    zero = jnp.zeros((_AR, _C), f32)

    mesh = plsc.VectorSubcoreMesh(core_axis_name="c", subcore_axis_name="s",
                                  num_cores=1)
    sc_call = pl.kernel(
        _sc_body,
        out_type=jax.ShapeDtypeStruct((_L,), f32),
        mesh=mesh,
        scratch_types=[
            pltpu.VMEM((_TP,), jnp.int32),
            pltpu.VMEM((_D, _TP), f32),
            pltpu.VMEM((_AR, _C), f32),
            pltpu.VMEM((_AR, _C), f32),
            pltpu.VMEM((_D, _C), f32),
            pltpu.VMEM((1, _C), f32),
            pltpu.VMEM((1, _C), f32),
            pltpu.VMEM((_C,), jnp.int32),
            pltpu.VMEM((2, _E), jnp.int32),
            pltpu.VMEM((_E,), f32),
            pltpu.VMEM((_L,), f32),
            pltpu.VMEM((_D, _C), f32),
            pltpu.VMEM((_D, _C), f32),
            pltpu.VMEM((_L,), f32),
            pltpu.VMEM((_NS, _L), f32),
            pltpu.VMEM((_L,), f32),
            pltpu.VMEM((_AR,), jnp.int32),
            pltpu.SemaphoreType.DMA((7,)),
            pltpu.VMEM_SHARED((_NI * _AR, _C), f32),
            pltpu.VMEM_SHARED((_NI, _D, _C), f32),
            pltpu.VMEM_SHARED((_NS, _L), f32),
        ],
        compiler_params=pltpu.CompilerParams(use_tc_tiling_on_sc=False,
                                             needs_layout_passes=False),
    )
    out = sc_call(emb, seg, val_sp, edges, weights, misc, zero)
    return out[0]


def kernel(embeddings, sp_seg, rot_sp, edges, weights, val_sp, rotation_angle):
    return _run(embeddings, sp_seg, rot_sp, edges, weights, val_sp,
                jnp.asarray(rotation_angle, jnp.float32))

# --- scband reference (transcript-rebuilt; emitter-appended) ---
"""Pipeline reference for scband-reg-rag-contrastive-weights-34806414966874 (READ-ONLY COPY).

The authoritative reference and input builder live on the scoring server;
editing this copy changes nothing except your own understanding.
"""

import jax, jax.numpy as jnp
import numpy as np

DELTA_VAR = 0.1
DELTA_DIST = 0.3
ALPHA = 1.0
BETA = 1.0
DIM_SLICES = [(0, 16), (16, 32)]
B = 2
C = 128
D = 32
H = 64
W = 64
E = 512


def _distance(x, y, axis, keepdims=True):
    return 1.0 - (x * y).sum(axis=axis, keepdims=keepdims)


def _norm_each_space(emb, axis):
    # only axis == 0 is used by the module
    parts = []
    for (a, b) in DIM_SLICES:
        sl = emb[a:b]
        parts.append(sl / jnp.linalg.norm(sl, axis=0, keepdims=True) + 1e-10)
    return jnp.concatenate(parts, axis=0)


def _get_mean_sp_embedding_and_dist(s_sp_seg, s_emb, sp_ids, Ci):
    # mask: [c, H, W]
    mask = (sp_ids[:, None, None] == s_sp_seg[None]).astype(jnp.float32)
    n_pix = mask.reshape(mask.shape[0], -1).sum(1)  # [c]
    masked = mask[:, None, :, :] * s_emb[None]  # [c, D, H, W]
    tm = jnp.swapaxes(masked, 0, 1)  # [D, c, H, W]
    sp_means = tm.reshape(tm.shape[0], tm.shape[1], -1).sum(2) / n_pix[None]  # [D, c]
    sp_means = _norm_each_space(sp_means, 0)
    (a0, b0), (a1, b1) = DIM_SLICES
    intra = (_distance(sp_means[a0:b0][:, :, None, None], tm[a0:b0], 0, False)
             + _distance(sp_means[a1:b1][:, :, None, None], tm[a1:b1], 0, False)) / 2.0
    intra = jnp.maximum(intra - DELTA_VAR, 0.0) / n_pix[:, None, None]
    intra = (intra * mask).sum() / Ci
    return sp_means, intra


def _forward(embeddings, weights, rotation_angle, sp_seg, rot_sp, edges, val_sp):
    loss = jnp.asarray(0.0, dtype=jnp.float32)
    emb, rot_emb = embeddings[:B], embeddings[B:]
    (a0, b0), (a1, b1) = DIM_SLICES
    for i in range(B):
        s_emb, s_remb = emb[i], rot_emb[i]
        s_sp, s_rsp = sp_seg[i], rot_sp[i]
        s_edges = edges[i]
        sp_ids = val_sp[i]
        Ci = sp_ids.shape[0]
        sp_means = []
        intra_sp_dist = jnp.asarray(0.0, dtype=jnp.float32)
        s1_loss = jnp.asarray(0.0, dtype=jnp.float32)
        s2_loss = jnp.asarray(0.0, dtype=jnp.float32)
        for e, sp in ((s_emb, s_sp), (s_remb, s_rsp)):
            m, d = _get_mean_sp_embedding_and_dist(sp, e, sp_ids, Ci)
            sp_means.append(m)
            intra_sp_dist = intra_sp_dist + d
        for m in sp_means:
            ef = jnp.take(m[a0:b0].T, s_edges, axis=0)  # [2, E, D1] gather
            inter = _distance(ef[0], ef[1], 1, False)  # [E]
            inter = inter * weights[i]
            inter = jnp.maximum(DELTA_DIST - inter, 0.0)
            s1_loss = s1_loss + inter.sum() / s_edges.shape[1]
        rd = _distance(sp_means[0][:, a0:b0], sp_means[1][:, a0:b0], 1, True).mean()
        s1_loss = s1_loss + jnp.maximum(rd - DELTA_VAR, 0.0)
        rd = _distance(sp_means[0][:, a1:b1], sp_means[1][:, a1:b1], 1, True).mean()
        s2_loss = s2_loss + jnp.maximum(DELTA_DIST - rd, 0.0) * rotation_angle
        loss = loss + ALPHA * (s1_loss + s2_loss) + BETA * intra_sp_dist
    return jnp.mean(loss)


def setup_inputs(seed: int = 0) -> dict:
    key = jax.random.key(seed)
    ks = [jax.random.fold_in(key, i) for i in range(8)]
    embeddings = jax.random.normal(ks[0], (2 * B, D, H, W), dtype=jnp.float32)
    sp_seg = jax.random.randint(ks[1], (B, H, W), 0, C, dtype=jnp.int32)
    rot_sp = jax.random.randint(ks[2], (B, H, W), 0, C, dtype=jnp.int32)
    edges = jax.random.randint(ks[3], (B, 2, E), 0, C, dtype=jnp.int32)
    weights = jax.random.uniform(ks[4], (B, E), dtype=jnp.float32)
    val_sp = jnp.sort(jax.random.randint(ks[5], (B, C), 0, C, dtype=jnp.int32), axis=-1)
    rotation_angle = jax.random.uniform(ks[6], (), dtype=jnp.float32)
    return {"embeddings": embeddings, "sp_seg": sp_seg, "rot_sp": rot_sp,
            "edges": edges, "weights": weights, "val_sp": val_sp,
            "rotation_angle": rotation_angle}


def reference(embeddings, sp_seg, rot_sp, edges, weights, val_sp, rotation_angle):
    return _forward(embeddings, weights, rotation_angle, sp_seg, rot_sp, edges, val_sp)

if __name__ == "__main__":
    import jax
    _d = setup_inputs()
    print(jax.jit(kernel)(*tuple(_d.values())))

</pallas_src>

<mosaic_0001>
#map = affine_map<(d0, d1) -> (0, 0, 0)>
#map1 = affine_map<(d0, d1) -> (0, 0)>
#map2 = affine_map<(d0, d1) -> (0)>
module attributes {stable_mosaic.version = 14 : i64} {
  func.func @_sc_body(%arg0: i32, %arg1: i32, %arg2: memref<4x32x4096xf32, #tpu.memory_space<hbm>>, %arg3: memref<4x4096xi32, #tpu.memory_space<hbm>>, %arg4: memref<2x128xi32, #tpu.memory_space<hbm>>, %arg5: memref<2x2x512xi32, #tpu.memory_space<hbm>>, %arg6: memref<2x512xf32, #tpu.memory_space<hbm>>, %arg7: memref<16xf32, #tpu.memory_space<hbm>>, %arg8: memref<33x128xf32, #tpu.memory_space<hbm>>, %arg9: memref<16xf32, #tpu.memory_space<hbm>>, %arg10: memref<1024xi32, #tpu.memory_space<vmem>>, %arg11: memref<32x1024xf32, #tpu.memory_space<vmem>>, %arg12: memref<33x128xf32, #tpu.memory_space<vmem>>, %arg13: memref<33x128xf32, #tpu.memory_space<vmem>>, %arg14: memref<32x128xf32, #tpu.memory_space<vmem>>, %arg15: memref<1x128xf32, #tpu.memory_space<vmem>>, %arg16: memref<1x128xf32, #tpu.memory_space<vmem>>, %arg17: memref<128xi32, #tpu.memory_space<vmem>>, %arg18: memref<2x512xi32, #tpu.memory_space<vmem>>, %arg19: memref<512xf32, #tpu.memory_space<vmem>>, %arg20: memref<16xf32, #tpu.memory_space<vmem>>, %arg21: memref<32x128xf32, #tpu.memory_space<vmem>>, %arg22: memref<32x128xf32, #tpu.memory_space<vmem>>, %arg23: memref<16xf32, #tpu.memory_space<vmem>>, %arg24: memref<16x16xf32, #tpu.memory_space<vmem>>, %arg25: memref<16xf32, #tpu.memory_space<vmem>>, %arg26: memref<33xi32, #tpu.memory_space<vmem>>, %arg27: memref<7x!tpu.dma_semaphore, #tpu.memory_space<semaphore_mem>>, %arg28: memref<132x128xf32, #tpu.memory_space<vmem_shared>>, %arg29: memref<4x32x128xf32, #tpu.memory_space<vmem_shared>>, %arg30: memref<16x16xf32, #tpu.memory_space<vmem_shared>>) attributes {dimension_semantics = [#tpu.dimension_semantics<core_parallel>, #tpu.dimension_semantics<subcore_parallel>], iteration_bounds = array<i64: 1, 16>, scalar_prefetch = 0 : i64, scratch_operands = 21 : i64, tpu.core_type = #tpu.core_type<sc_vector_subcore>, window_params = [{transform_indices = #map}, {transform_indices = #map1}, {transform_indices = #map1}, {transform_indices = #map}, {transform_indices = #map1}, {transform_indices = #map2}, {transform_indices = #map1}, {transform_indices = #map2}]} {
    %jit3A = arith.constant 4 : i32
    %div3A = arith.divsi %arg1, %jit3A : i32
    %sign3A = arith.constant 0 : i32
    %sign3A_0 = arith.cmpi sgt, %arg1, %sign3A : i32
    %sign3A_1 = arith.extui %sign3A_0 : i1 to i32
    %sign3A_2 = arith.constant 0 : i32
    %sign3A_3 = arith.cmpi slt, %arg1, %sign3A_2 : i32
    %sign3A_4 = arith.extui %sign3A_3 : i1 to i32
    %sign3A_5 = arith.subi %sign3A_1, %sign3A_4 : i32
    %sign3A_6 = arith.constant 0 : i32
    %sign3A_7 = arith.cmpi sgt, %jit3A, %sign3A_6 : i32
    %sign3A_8 = arith.extui %sign3A_7 : i1 to i32
    %sign3A_9 = arith.constant 0 : i32
    %sign3A_10 = arith.cmpi slt, %jit3A, %sign3A_9 : i32
    %sign3A_11 = arith.extui %sign3A_10 : i1 to i32
    %sign3A_12 = arith.subi %sign3A_8, %sign3A_11 : i32
    %ne3A = arith.cmpi ne, %sign3A_5, %sign3A_12 : i32
    %rem3A = arith.remsi %arg1, %jit3A : i32
    %ne3A_13 = arith.constant 0 : i32
    %ne3A_14 = arith.cmpi ne, %rem3A, %ne3A_13 : i32
    %and3A = arith.andi %ne3A, %ne3A_14 : i1
    %sub3A = arith.constant 1 : i32
    %sub3A_15 = arith.subi %div3A, %sub3A : i32
    %select_n3A = arith.select %and3A, %sub3A_15, %div3A : i32
    %jit3A_16 = arith.constant 4 : i32
    %eq3A = arith.constant 0 : i32
    %eq3A_17 = arith.cmpi eq, %jit3A_16, %eq3A : i32
    %jit3A_18 = arith.constant 1 : i32
    %select_n3A_19 = arith.select %eq3A_17, %jit3A_18, %jit3A_16 : i32
    %rem3A_20 = arith.remsi %arg1, %select_n3A_19 : i32
    %ne3A_21 = arith.constant 0 : i32
    %ne3A_22 = arith.cmpi ne, %rem3A_20, %ne3A_21 : i32
    %lt3A = arith.constant 0 : i32
    %lt3A_23 = arith.cmpi slt, %rem3A_20, %lt3A : i32
    %lt3A_24 = arith.constant 0 : i32
    %lt3A_25 = arith.cmpi slt, %select_n3A_19, %lt3A_24 : i32
    %ne3A_26 = arith.xori %lt3A_23, %lt3A_25 : i1
    %and3A_27 = arith.andi %ne3A_26, %ne3A_22 : i1
    %add3A = arith.addi %rem3A_20, %select_n3A_19 : i32
    %select_n3A_28 = arith.select %and3A_27, %add3A, %rem3A_20 : i32
    %jit3A_29 = arith.constant 2 : i32
    %eq3A_30 = arith.constant 0 : i32
    %eq3A_31 = arith.cmpi eq, %jit3A_29, %eq3A_30 : i32
    %jit3A_32 = arith.constant 1 : i32
    %select_n3A_33 = arith.select %eq3A_31, %jit3A_32, %jit3A_29 : i32
    %rem3A_34 = arith.remsi %select_n3A, %select_n3A_33 : i32
    %ne3A_35 = arith.constant 0 : i32
    %ne3A_36 = arith.cmpi ne, %rem3A_34, %ne3A_35 : i32
    %lt3A_37 = arith.constant 0 : i32
    %lt3A_38 = arith.cmpi slt, %rem3A_34, %lt3A_37 : i32
    %lt3A_39 = arith.constant 0 : i32
    %lt3A_40 = arith.cmpi slt, %select_n3A_33, %lt3A_39 : i32
    %ne3A_41 = arith.xori %lt3A_38, %lt3A_40 : i1
    %and3A_42 = arith.andi %ne3A_41, %ne3A_36 : i1
    %add3A_43 = arith.addi %rem3A_34, %select_n3A_33 : i32
    %select_n3A_44 = arith.select %and3A_42, %add3A_43, %rem3A_34 : i32
    %iota3A = tpu.iota {dimensions = array<i32: 0>} : vector<16xi32>
    %broadcast_in_dim3A = arith.constant 0.000000e+00 : f32
    %broadcast_in_dim3A_45 = vector.broadcast %broadcast_in_dim3A : f32 to vector<16xf32>
    %broadcast_in_dim3A_46 = arith.constant 1.000000e+00 : f32
    %broadcast_in_dim3A_47 = vector.broadcast %broadcast_in_dim3A_46 : f32 to vector<16xf32>
    %broadcast_in_dim3A_48 = arith.constant 0 : i32
    %broadcast_in_dim3A_49 = vector.broadcast %broadcast_in_dim3A_48 : i32 to vector<16xi32>
    %mul3A = arith.constant 1024 : i32
    %mul3A_50 = arith.muli %select_n3A_28, %mul3A : i32
    %mul3A_51 = arith.constant 1024 : i32
    %mul3A_52 = arith.muli %select_n3A_28, %mul3A_51 : i32
    %dma_start3A = arith.constant 0 : i32
    %dma_start3A_53 = tpu.memref_slice %arg3[%select_n3A, %mul3A_50] : memref<4x4096xi32, #tpu.memory_space<hbm>> -> memref<1x1024xi32, #tpu.memory_space<hbm>>
    %dma_start3A_54 = tpu.memref_squeeze %dma_start3A_53 : memref<1x1024xi32, #tpu.memory_space<hbm>> -> memref<1024xi32, #tpu.memory_space<hbm>>
    %dma_start3A_55 = tpu.memref_slice %arg27[%dma_start3A] : memref<7x!tpu.dma_semaphore, #tpu.memory_space<semaphore_mem>> -> memref<1x!tpu.dma_semaphore, #tpu.memory_space<semaphore_mem>>
    %dma_start3A_56 = tpu.memref_squeeze %dma_start3A_55 : memref<1x!tpu.dma_semaphore, #tpu.memory_space<semaphore_mem>> -> memref<!tpu.dma_semaphore, #tpu.memory_space<semaphore_mem>>
    %dma_start3A_57 = tpu.memref_slice %arg3[%select_n3A, %mul3A_50] : memref<4x4096xi32, #tpu.memory_space<hbm>> -> memref<1x1024xi32, #tpu.memory_space<hbm>>
    %dma_start3A_58 = tpu.memref_squeeze %dma_start3A_57 : memref<1x1024xi32, #tpu.memory_space<hbm>> -> memref<1024xi32, #tpu.memory_space<hbm>>
    tpu.enqueue_dma source(%dma_start3A_58 : memref<1024xi32, #tpu.memory_space<hbm>>) target(%arg10 : memref<1024xi32, #tpu.memory_space<vmem>>) target_semaphore(%dma_start3A_56 : memref<!tpu.dma_semaphore, #tpu.memory_space<semaphore_mem>>)
    %dma_start3A_59 = arith.constant 1 : i32
    %dma_start3A_60 = arith.constant 0 : i32
    %dma_start3A_61 = tpu.memref_slice %arg2[%select_n3A, %dma_start3A_60, %mul3A_52] : memref<4x32x4096xf32, #tpu.memory_space<hbm>> -> memref<1x32x1024xf32, #tpu.memory_space<hbm>>
    %dma_start3A_62 = tpu.memref_squeeze %dma_start3A_61 : memref<1x32x1024xf32, #tpu.memory_space<hbm>> -> memref<32x1024xf32, #tpu.memory_space<hbm>>
    %dma_start3A_63 = tpu.memref_slice %arg27[%dma_start3A_59] : memref<7x!tpu.dma_semaphore, #tpu.memory_space<semaphore_mem>> -> memref<1x!tpu.dma_semaphore, #tpu.memory_space<semaphore_mem>>
    %dma_start3A_64 = tpu.memref_squeeze %dma_start3A_63 : memref<1x!tpu.dma_semaphore, #tpu.memory_space<semaphore_mem>> -> memref<!tpu.dma_semaphore, #tpu.memory_space<semaphore_mem>>
    %dma_start3A_65 = arith.constant 0 : i32
    %dma_start3A_66 = tpu.memref_slice %arg2[%select_n3A, %dma_start3A_65, %mul3A_52] : memref<4x32x4096xf32, #tpu.memory_space<hbm>> -> memref<1x32x1024xf32, #tpu.memory_space<hbm>>
    %dma_start3A_67 = tpu.memref_squeeze %dma_start3A_66 : memref<1x32x1024xf32, #tpu.memory_space<hbm>> -> memref<32x1024xf32, #tpu.memory_space<hbm>>
    tpu.enqueue_dma source(%dma_start3A_67 : memref<32x1024xf32, #tpu.memory_space<hbm>>) target(%arg11 : memref<32x1024xf32, #tpu.memory_space<vmem>>) target_semaphore(%dma_start3A_64 : memref<!tpu.dma_semaphore, #tpu.memory_space<semaphore_mem>>)
    %dma_start3A_68 = arith.constant 2 : i32
    %dma_start3A_69 = arith.constant 0 : i32
    %dma_start3A_70 = tpu.memref_slice %arg4[%select_n3A_44, %dma_start3A_69] : memref<2x128xi32, #tpu.memory_space<hbm>> -> memref<1x128xi32, #tpu.memory_space<hbm>>
    %dma_start3A_71 = tpu.memref_squeeze %dma_start3A_70 : memref<1x128xi32, #tpu.memory_space<hbm>> -> memref<128xi32, #tpu.memory_space<hbm>>
    %dma_start3A_72 = tpu.memref_slice %arg27[%dma_start3A_68] : memref<7x!tpu.dma_semaphore, #tpu.memory_space<semaphore_mem>> -> memref<1x!tpu.dma_semaphore, #tpu.memory_space<semaphore_mem>>
    %dma_start3A_73 = tpu.memref_squeeze %dma_start3A_72 : memref<1x!tpu.dma_semaphore, #tpu.memory_space<semaphore_mem>> -> memref<!tpu.dma_semaphore, #tpu.memory_space<semaphore_mem>>
    %dma_start3A_74 = arith.constant 0 : i32
    %dma_start3A_75 = tpu.memref_slice %arg4[%select_n3A_44, %dma_start3A_74] : memref<2x128xi32, #tpu.memory_space<hbm>> -> memref<1x128xi32, #tpu.memory_space<hbm>>
    %dma_start3A_76 = tpu.memref_squeeze %dma_start3A_75 : memref<1x128xi32, #tpu.memory_space<hbm>> -> memref<128xi32, #tpu.memory_space<hbm>>
    tpu.enqueue_dma source(%dma_start3A_76 : memref<128xi32, #tpu.memory_space<hbm>>) target(%arg17 : memref<128xi32, #tpu.memory_space<vmem>>) target_semaphore(%dma_start3A_73 : memref<!tpu.dma_semaphore, #tpu.memory_space<semaphore_mem>>)
    %dma_start3A_77 = arith.constant 3 : i32
    %dma_start3A_78 = arith.constant 0 : i32
    %dma_start3A_79 = arith.constant 0 : i32
    %dma_start3A_80 = tpu.memref_slice %arg5[%select_n3A_44, %dma_start3A_78, %dma_start3A_79] : memref<2x2x512xi32, #tpu.memory_space<hbm>> -> memref<1x2x512xi32, #tpu.memory_space<hbm>>
    %dma_start3A_81 = tpu.memref_squeeze %dma_start3A_80 : memref<1x2x512xi32, #tpu.memory_space<hbm>> -> memref<2x512xi32, #tpu.memory_space<hbm>>
    %dma_start3A_82 = tpu.memref_slice %arg27[%dma_start3A_77] : memref<7x!tpu.dma_semaphore, #tpu.memory_space<semaphore_mem>> -> memref<1x!tpu.dma_semaphore, #tpu.memory_space<semaphore_mem>>
    %dma_start3A_83 = tpu.memref_squeeze %dma_start3A_82 : memref<1x!tpu.dma_semaphore, #tpu.memory_space<semaphore_mem>> -> memref<!tpu.dma_semaphore, #tpu.memory_space<semaphore_mem>>
    %dma_start3A_84 = arith.constant 0 : i32
    %dma_start3A_85 = arith.constant 0 : i32
    %dma_start3A_86 = tpu.memref_slice %arg5[%select_n3A_44, %dma_start3A_84, %dma_start3A_85] : memref<2x2x512xi32, #tpu.memory_space<hbm>> -> memref<1x2x512xi32, #tpu.memory_space<hbm>>
    %dma_start3A_87 = tpu.memref_squeeze %dma_start3A_86 : memref<1x2x512xi32, #tpu.memory_space<hbm>> -> memref<2x512xi32, #tpu.memory_space<hbm>>
    tpu.enqueue_dma source(%dma_start3A_87 : memref<2x512xi32, #tpu.memory_space<hbm>>) target(%arg18 : memref<2x512xi32, #tpu.memory_space<vmem>>) target_semaphore(%dma_start3A_83 : memref<!tpu.dma_semaphore, #tpu.memory_space<semaphore_mem>>)
    %dma_start3A_88 = arith.constant 4 : i32
    %dma_start3A_89 = arith.constant 0 : i32
    %dma_start3A_90 = tpu.memref_slice %arg6[%select_n3A_44, %dma_start3A_89] : memref<2x512xf32, #tpu.memory_space<hbm>> -> memref<1x512xf32, #tpu.memory_space<hbm>>
    %dma_start3A_91 = tpu.memref_squeeze %dma_start3A_90 : memref<1x512xf32, #tpu.memory_space<hbm>> -> memref<512xf32, #tpu.memory_space<hbm>>
    %dma_start3A_92 = tpu.memref_slice %arg27[%dma_start3A_88] : memref<7x!tpu.dma_semaphore, #tpu.memory_space<semaphore_mem>> -> memref<1x!tpu.dma_semaphore, #tpu.memory_space<semaphore_mem>>
    %dma_start3A_93 = tpu.memref_squeeze %dma_start3A_92 : memref<1x!tpu.dma_semaphore, #tpu.memory_space<semaphore_mem>> -> memref<!tpu.dma_semaphore, #tpu.memory_space<semaphore_mem>>
    %dma_start3A_94 = arith.constant 0 : i32
    %dma_start3A_95 = tpu.memref_slice %arg6[%select_n3A_44, %dma_start3A_94] : memref<2x512xf32, #tpu.memory_space<hbm>> -> memref<1x512xf32, #tpu.memory_space<hbm>>
    %dma_start3A_96 = tpu.memref_squeeze %dma_start3A_95 : memref<1x512xf32, #tpu.memory_space<hbm>> -> memref<512xf32, #tpu.memory_space<hbm>>
    tpu.enqueue_dma source(%dma_start3A_96 : memref<512xf32, #tpu.memory_space<hbm>>) target(%arg19 : memref<512xf32, #tpu.memory_space<vmem>>) target_semaphore(%dma_start3A_93 : memref<!tpu.dma_semaphore, #tpu.memory_space<semaphore_mem>>)
    %dma_start3A_97 = arith.constant 5 : i32
    %dma_start3A_98 = tpu.memref_slice %arg27[%dma_start3A_97] : memref<7x!tpu.dma_semaphore, #tpu.memory_space<semaphore_mem>> -> memref<1x!tpu.dma_semaphore, #tpu.memory_space<semaphore_mem>>
    %dma_start3A_99 = tpu.memref_squeeze %dma_start3A_98 : memref<1x!tpu.dma_semaphore, #tpu.memory_space<semaphore_mem>> -> memref<!tpu.dma_semaphore, #tpu.memory_space<semaphore_mem>>
    tpu.enqueue_dma source(%arg7 : memref<16xf32, #tpu.memory_space<hbm>>) target(%arg20 : memref<16xf32, #tpu.memory_space<vmem>>) target_semaphore(%dma_start3A_99 : memref<!tpu.dma_semaphore, #tpu.memory_space<semaphore_mem>>)
    %dma_start3A_100 = arith.constant 6 : i32
    %dma_start3A_101 = tpu.memref_slice %arg27[%dma_start3A_100] : memref<7x!tpu.dma_semaphore, #tpu.memory_space<semaphore_mem>> -> memref<1x!tpu.dma_semaphore, #tpu.memory_space<semaphore_mem>>
    %dma_start3A_102 = tpu.memref_squeeze %dma_start3A_101 : memref<1x!tpu.dma_semaphore, #tpu.memory_space<semaphore_mem>> -> memref<!tpu.dma_semaphore, #tpu.memory_space<semaphore_mem>>
    tpu.enqueue_dma source(%arg8 : memref<33x128xf32, #tpu.memory_space<hbm>>) target(%arg12 : memref<33x128xf32, #tpu.memory_space<vmem>>) target_semaphore(%dma_start3A_102 : memref<!tpu.dma_semaphore, #tpu.memory_space<semaphore_mem>>)
    %mul3A_103 = arith.constant 33 : i32
    %mul3A_104 = arith.muli %select_n3A, %mul3A_103 : i32
    %add3A_105 = vector.broadcast %mul3A_104 : i32 to vector<16xi32>
    %add3A_106 = arith.addi %iota3A, %add3A_105 : vector<16xi32>
    %swap3A = arith.constant 0 : index
    %swap3A_107 = tpu.vector_load %arg26[%swap3A] {strides = array<i32>} : memref<33xi32, #tpu.memory_space<vmem>>, vector<16xi32>,
    tpu.vector_store %arg26[%swap3A], %add3A_106 {strides = array<i32>} : memref<33xi32, #tpu.memory_space<vmem>>, vector<16xi32>,
    %mul3A_108 = arith.constant 33 : i32
    %mul3A_109 = arith.muli %select_n3A, %mul3A_108 : i32
    %add3A_110 = arith.constant 16 : i32
    %add3A_111 = arith.addi %mul3A_109, %add3A_110 : i32
    %add3A_112 = vector.broadcast %add3A_111 : i32 to vector<16xi32>
    %add3A_113 = arith.addi %iota3A, %add3A_112 : vector<16xi32>
    %swap3A_114 = arith.constant 16 : index
    %swap3A_115 = tpu.vector_load %arg26[%swap3A_114] {strides = array<i32>} : memref<33xi32, #tpu.memory_space<vmem>>, vector<16xi32>,
    tpu.vector_store %arg26[%swap3A_114], %add3A_113 {strides = array<i32>} : memref<33xi32, #tpu.memory_space<vmem>>, vector<16xi32>,
    %mul3A_116 = arith.constant 33 : i32
    %mul3A_117 = arith.muli %select_n3A, %mul3A_116 : i32
    %add3A_118 = arith.constant 33 : i32
    %add3A_119 = arith.addi %mul3A_117, %add3A_118 : i32
    %sub3A_120 = arith.constant 16 : i32
    %sub3A_121 = arith.subi %add3A_119, %sub3A_120 : i32
    %add3A_122 = vector.broadcast %sub3A_121 : i32 to vector<16xi32>
    %add3A_123 = arith.addi %iota3A, %add3A_122 : vector<16xi32>
    %swap3A_124 = arith.constant 17 : index
    %swap3A_125 = tpu.vector_load %arg26[%swap3A_124] {strides = array<i32>} : memref<33xi32, #tpu.memory_space<vmem>>, vector<16xi32>,
    tpu.vector_store %arg26[%swap3A_124], %add3A_123 {strides = array<i32>} : memref<33xi32, #tpu.memory_space<vmem>>, vector<16xi32>,
    %dma_wait3A = arith.constant 0 : i32
    %dma_wait3A_126 = tpu.memref_slice %arg3[%select_n3A, %mul3A_50] : memref<4x4096xi32, #tpu.memory_space<hbm>> -> memref<1x1024xi32, #tpu.memory_space<hbm>>
    %dma_wait3A_127 = tpu.memref_squeeze %dma_wait3A_126 : memref<1x1024xi32, #tpu.memory_space<hbm>> -> memref<1024xi32, #tpu.memory_space<hbm>>
    %dma_wait3A_128 = tpu.memref_slice %arg27[%dma_wait3A] : memref<7x!tpu.dma_semaphore, #tpu.memory_space<semaphore_mem>> -> memref<1x!tpu.dma_semaphore, #tpu.memory_space<semaphore_mem>>
    %dma_wait3A_129 = tpu.memref_squeeze %dma_wait3A_128 : memref<1x!tpu.dma_semaphore, #tpu.memory_space<semaphore_mem>> -> memref<!tpu.dma_semaphore, #tpu.memory_space<semaphore_mem>>
    %dma_wait3A_130 = tpu.memref_slice %arg3[%select_n3A, %mul3A_50] : memref<4x4096xi32, #tpu.memory_space<hbm>> -> memref<1x1024xi32, #tpu.memory_space<hbm>>
    %dma_wait3A_131 = tpu.memref_squeeze %dma_wait3A_130 : memref<1x1024xi32, #tpu.memory_space<hbm>> -> memref<1024xi32, #tpu.memory_space<hbm>>
    tpu.wait_dma2 semaphore(%dma_wait3A_129 : memref<!tpu.dma_semaphore, #tpu.memory_space<semaphore_mem>>) src(%dma_wait3A_131 : memref<1024xi32, #tpu.memory_space<hbm>>) dst(%arg10 : memref<1024xi32, #tpu.memory_space<vmem>>)
    %dma_wait3A_132 = arith.constant 1 : i32
    %dma_wait3A_133 = arith.constant 0 : i32
    %dma_wait3A_134 = tpu.memref_slice %arg2[%select_n3A, %dma_wait3A_133, %mul3A_52] : memref<4x32x4096xf32, #tpu.memory_space<hbm>> -> memref<1x32x1024xf32, #tpu.memory_space<hbm>>
    %dma_wait3A_135 = tpu.memref_squeeze %dma_wait3A_134 : memref<1x32x1024xf32, #tpu.memory_space<hbm>> -> memref<32x1024xf32, #tpu.memory_space<hbm>>
    %dma_wait3A_136 = tpu.memref_slice %arg27[%dma_wait3A_132] : memref<7x!tpu.dma_semaphore, #tpu.memory_space<semaphore_mem>> -> memref<1x!tpu.dma_semaphore, #tpu.memory_space<semaphore_mem>>
    %dma_wait3A_137 = tpu.memref_squeeze %dma_wait3A_136 : memref<1x!tpu.dma_semaphore, #tpu.memory_space<semaphore_mem>> -> memref<!tpu.dma_semaphore, #tpu.memory_space<semaphore_mem>>
    %dma_wait3A_138 = arith.constant 0 : i32
    %dma_wait3A_139 = tpu.memref_slice %arg2[%select_n3A, %dma_wait3A_138, %mul3A_52] : memref<4x32x4096xf32, #tpu.memory_space<hbm>> -> memref<1x32x1024xf32, #tpu.memory_space<hbm>>
    %dma_wait3A_140 = tpu.memref_squeeze %dma_wait3A_139 : memref<1x32x1024xf32, #tpu.memory_space<hbm>> -> memref<32x1024xf32, #tpu.memory_space<hbm>>
    tpu.wait_dma2 semaphore(%dma_wait3A_137 : memref<!tpu.dma_semaphore, #tpu.memory_space<semaphore_mem>>) src(%dma_wait3A_140 : memref<32x1024xf32, #tpu.memory_space<hbm>>) dst(%arg11 : memref<32x1024xf32, #tpu.memory_space<vmem>>)
    %dma_wait3A_141 = arith.constant 2 : i32
    %dma_wait3A_142 = arith.constant 0 : i32
    %dma_wait3A_143 = tpu.memref_slice %arg4[%select_n3A_44, %dma_wait3A_142] : memref<2x128xi32, #tpu.memory_space<hbm>> -> memref<1x128xi32, #tpu.memory_space<hbm>>
    %dma_wait3A_144 = tpu.memref_squeeze %dma_wait3A_143 : memref<1x128xi32, #tpu.memory_space<hbm>> -> memref<128xi32, #tpu.memory_space<hbm>>
    %dma_wait3A_145 = tpu.memref_slice %arg27[%dma_wait3A_141] : memref<7x!tpu.dma_semaphore, #tpu.memory_space<semaphore_mem>> -> memref<1x!tpu.dma_semaphore, #tpu.memory_space<semaphore_mem>>
    %dma_wait3A_146 = tpu.memref_squeeze %dma_wait3A_145 : memref<1x!tpu.dma_semaphore, #tpu.memory_space<semaphore_mem>> -> memref<!tpu.dma_semaphore, #tpu.memory_space<semaphore_mem>>
    %dma_wait3A_147 = arith.constant 0 : i32
    %dma_wait3A_148 = tpu.memref_slice %arg4[%select_n3A_44, %dma_wait3A_147] : memref<2x128xi32, #tpu.memory_space<hbm>> -> memref<1x128xi32, #tpu.memory_space<hbm>>
    %dma_wait3A_149 = tpu.memref_squeeze %dma_wait3A_148 : memref<1x128xi32, #tpu.memory_space<hbm>> -> memref<128xi32, #tpu.memory_space<hbm>>
    tpu.wait_dma2 semaphore(%dma_wait3A_146 : memref<!tpu.dma_semaphore, #tpu.memory_space<semaphore_mem>>) src(%dma_wait3A_149 : memref<128xi32, #tpu.memory_space<hbm>>) dst(%arg17 : memref<128xi32, #tpu.memory_space<vmem>>)
    %dma_wait3A_150 = arith.constant 3 : i32
    %dma_wait3A_151 = arith.constant 0 : i32
    %dma_wait3A_152 = arith.constant 0 : i32
    %dma_wait3A_153 = tpu.memref_slice %arg5[%select_n3A_44, %dma_wait3A_151, %dma_wait3A_152] : memref<2x2x512xi32, #tpu.memory_space<hbm>> -> memref<1x2x512xi32, #tpu.memory_space<hbm>>
    %dma_wait3A_154 = tpu.memref_squeeze %dma_wait3A_153 : memref<1x2x512xi32, #tpu.memory_space<hbm>> -> memref<2x512xi32, #tpu.memory_space<hbm>>
    %dma_wait3A_155 = tpu.memref_slice %arg27[%dma_wait3A_150] : memref<7x!tpu.dma_semaphore, #tpu.memory_space<semaphore_mem>> -> memref<1x!tpu.dma_semaphore, #tpu.memory_space<semaphore_mem>>
    %dma_wait3A_156 = tpu.memref_squeeze %dma_wait3A_155 : memref<1x!tpu.dma_semaphore, #tpu.memory_space<semaphore_mem>> -> memref<!tpu.dma_semaphore, #tpu.memory_space<semaphore_mem>>
    %dma_wait3A_157 = arith.constant 0 : i32
    %dma_wait3A_158 = arith.constant 0 : i32
    %dma_wait3A_159 = tpu.memref_slice %arg5[%select_n3A_44, %dma_wait3A_157, %dma_wait3A_158] : memref<2x2x512xi32, #tpu.memory_space<hbm>> -> memref<1x2x512xi32, #tpu.memory_space<hbm>>
    %dma_wait3A_160 = tpu.memref_squeeze %dma_wait3A_159 : memref<1x2x512xi32, #tpu.memory_space<hbm>> -> memref<2x512xi32, #tpu.memory_space<hbm>>
    tpu.wait_dma2 semaphore(%dma_wait3A_156 : memref<!tpu.dma_semaphore, #tpu.memory_space<semaphore_mem>>) src(%dma_wait3A_160 : memref<2x512xi32, #tpu.memory_space<hbm>>) dst(%arg18 : memref<2x512xi32, #tpu.memory_space<vmem>>)
    %dma_wait3A_161 = arith.constant 4 : i32
    %dma_wait3A_162 = arith.constant 0 : i32
    %dma_wait3A_163 = tpu.memref_slice %arg6[%select_n3A_44, %dma_wait3A_162] : memref<2x512xf32, #tpu.memory_space<hbm>> -> memref<1x512xf32, #tpu.memory_space<hbm>>
    %dma_wait3A_164 = tpu.memref_squeeze %dma_wait3A_163 : memref<1x512xf32, #tpu.memory_space<hbm>> -> memref<512xf32, #tpu.memory_space<hbm>>
    %dma_wait3A_165 = tpu.memref_slice %arg27[%dma_wait3A_161] : memref<7x!tpu.dma_semaphore, #tpu.memory_space<semaphore_mem>> -> memref<1x!tpu.dma_semaphore, #tpu.memory_space<semaphore_mem>>
    %dma_wait3A_166 = tpu.memref_squeeze %dma_wait3A_165 : memref<1x!tpu.dma_semaphore, #tpu.memory_space<semaphore_mem>> -> memref<!tpu.dma_semaphore, #tpu.memory_space<semaphore_mem>>
    %dma_wait3A_167 = arith.constant 0 : i32
    %dma_wait3A_168 = tpu.memref_slice %arg6[%select_n3A_44, %dma_wait3A_167] : memref<2x512xf32, #tpu.memory_space<hbm>> -> memref<1x512xf32, #tpu.memory_space<hbm>>
    %dma_wait3A_169 = tpu.memref_squeeze %dma_wait3A_168 : memref<1x512xf32, #tpu.memory_space<hbm>> -> memref<512xf32, #tpu.memory_space<hbm>>
    tpu.wait_dma2 semaphore(%dma_wait3A_166 : memref<!tpu.dma_semaphore, #tpu.memory_space<semaphore_mem>>) src(%dma_wait3A_169 : memref<512xf32, #tpu.memory_space<hbm>>) dst(%arg19 : memref<512xf32, #tpu.memory_space<vmem>>)
    %dma_wait3A_170 = arith.constant 5 : i32
    %dma_wait3A_171 = tpu.memref_slice %arg27[%dma_wait3A_170] : memref<7x!tpu.dma_semaphore, #tpu.memory_space<semaphore_mem>> -> memref<1x!tpu.dma_semaphore, #tpu.memory_space<semaphore_mem>>
    %dma_wait3A_172 = tpu.memref_squeeze %dma_wait3A_171 : memref<1x!tpu.dma_semaphore, #tpu.memory_space<semaphore_mem>> -> memref<!tpu.dma_semaphore, #tpu.memory_space<semaphore_mem>>
    tpu.wait_dma2 semaphore(%dma_wait3A_172 : memref<!tpu.dma_semaphore, #tpu.memory_space<semaphore_mem>>) src(%arg7 : memref<16xf32, #tpu.memory_space<hbm>>) dst(%arg20 : memref<16xf32, #tpu.memory_space<vmem>>)
    %dma_wait3A_173 = arith.constant 6 : i32
    %dma_wait3A_174 = tpu.memref_slice %arg27[%dma_wait3A_173] : memref<7x!tpu.dma_semaphore, #tpu.memory_space<semaphore_mem>> -> memref<1x!tpu.dma_semaphore, #tpu.memory_space<semaphore_mem>>
    %dma_wait3A_175 = tpu.memref_squeeze %dma_wait3A_174 : memref<1x!tpu.dma_semaphore, #tpu.memory_space<semaphore_mem>> -> memref<!tpu.dma_semaphore, #tpu.memory_space<semaphore_mem>>
    tpu.wait_dma2 semaphore(%dma_wait3A_175 : memref<!tpu.dma_semaphore, #tpu.memory_space<semaphore_mem>>) src(%arg8 : memref<33x128xf32, #tpu.memory_space<hbm>>) dst(%arg12 : memref<33x128xf32, #tpu.memory_space<vmem>>)
    %eq3A_176 = arith.constant 0 : i32
    %eq3A_177 = arith.cmpi eq, %select_n3A_28, %eq3A_176 : i32
    %convert_element_type3A = arith.extui %eq3A_177 : i1 to i32
    %cond3A = arith.constant 0 : i32
    %cond3A_178 = arith.cmpi ne, %convert_element_type3A, %cond3A : i32
    scf.if %cond3A_178 {
      %mul3A_329 = arith.constant 33 : i32
      %mul3A_330 = arith.muli %select_n3A, %mul3A_329 : i32
      "tpu.region"() ({
        %run_scoped3A = tpu.sem_alloc : memref<!tpu.dma_semaphore, #tpu.memory_space<semaphore_mem>>
        %dma_start3A_331 = arith.constant 0 : i32
        %dma_start3A_332 = tpu.memref_slice %arg28[%mul3A_330, %dma_start3A_331] : memref<132x128xf32, #tpu.memory_space<vmem_shared>> -> memref<33x128xf32, #tpu.memory_space<vmem_shared>>
        %dma_start3A_333 = arith.constant 0 : i32
        %dma_start3A_334 = tpu.memref_slice %arg28[%mul3A_330, %dma_start3A_333] : memref<132x128xf32, #tpu.memory_space<vmem_shared>> -> memref<33x128xf32, #tpu.memory_space<vmem_shared>>
        tpu.enqueue_dma source(%arg12 : memref<33x128xf32, #tpu.memory_space<vmem>>) target(%dma_start3A_334 : memref<33x128xf32, #tpu.memory_space<vmem_shared>>) target_semaphore(%run_scoped3A : memref<!tpu.dma_semaphore, #tpu.memory_space<semaphore_mem>>)
        %dma_wait3A_335 = arith.constant 0 : i32
        %dma_wait3A_336 = tpu.memref_slice %arg28[%mul3A_330, %dma_wait3A_335] : memref<132x128xf32, #tpu.memory_space<vmem_shared>> -> memref<33x128xf32, #tpu.memory_space<vmem_shared>>
        %dma_wait3A_337 = arith.constant 0 : i32
        %dma_wait3A_338 = tpu.memref_slice %arg28[%mul3A_330, %dma_wait3A_337] : memref<132x128xf32, #tpu.memory_space<vmem_shared>> -> memref<33x128xf32, #tpu.memory_space<vmem_shared>>
        tpu.wait_dma2 semaphore(%run_scoped3A : memref<!tpu.dma_semaphore, #tpu.memory_space<semaphore_mem>>) src(%arg12 : memref<33x128xf32, #tpu.memory_space<vmem>>) dst(%dma_wait3A_338 : memref<33x128xf32, #tpu.memory_space<vmem_shared>>)
        tpu.yield
      }) : () -> ()
    } else {
    }
    %barrier3A = arith.constant 0 : index
    tpu.barrier barrier_id(%barrier3A)
    %broadcast_in_dim3A_179 = arith.constant 32 : i32
    %broadcast_in_dim3A_180 = vector.broadcast %broadcast_in_dim3A_179 : i32 to vector<16xi32>
    %parallel_loop3A = arith.constant 0 : i32
    %parallel_loop3A_181 = arith.constant 64 : i32
    %parallel_loop3A_182 = arith.constant 1 : i32
    scf.for %parallel_loop3A_329 = %parallel_loop3A to %parallel_loop3A_181 step %parallel_loop3A_182  : i32 {
      %parallel_loop3A_330 = arith.constant 16 : i32
      %parallel_loop3A_331 = arith.muli %parallel_loop3A_329, %parallel_loop3A_330 : i32
      %parallel_loop3A_332 = arith.index_cast %parallel_loop3A_331 : i32 to index
      %parallel_loop3A_333 = tpu.vector_load %arg10[%parallel_loop3A_332] {strides = array<i32>} : memref<1024xi32, #tpu.memory_space<vmem>>, vector<16xi32>,
      %parallel_loop3A_334 = arith.constant 32 : i32
      %parallel_loop3A_335 = arith.constant 0 : i32
      %parallel_loop3A_336 = tpu.memref_slice %arg12[%parallel_loop3A_334, %parallel_loop3A_335] : memref<33x128xf32, #tpu.memory_space<vmem>> -> memref<1x128xf32, #tpu.memory_space<vmem>>
      %parallel_loop3A_337 = tpu.memref_squeeze %parallel_loop3A_336 : memref<1x128xf32, #tpu.memory_space<vmem>> -> memref<128xf32, #tpu.memory_space<vmem>>
      tpu.vector_store_idx %parallel_loop3A_337[%parallel_loop3A_333], %broadcast_in_dim3A_47 {add = true} : memref<128xf32, #tpu.memory_space<vmem>>[vector<16xi32>], vector<16xf32>,
      %parallel_loop3A_338 = arith.constant 0 : i32
      %parallel_loop3A_339 = arith.index_cast %parallel_loop3A_338 : i32 to index
      %parallel_loop3A_340 = arith.index_cast %parallel_loop3A_331 : i32 to index
      %parallel_loop3A_341 = tpu.vector_load %arg11[%parallel_loop3A_339, %parallel_loop3A_340] {strides = array<i32>} : memref<32x1024xf32, #tpu.memory_space<vmem>>, vector<16xf32>,
      %parallel_loop3A_342 = arith.constant 0 : i32
      %parallel_loop3A_343 = arith.constant 0 : i32
      %parallel_loop3A_344 = tpu.memref_slice %arg12[%parallel_loop3A_342, %parallel_loop3A_343] : memref<33x128xf32, #tpu.memory_space<vmem>> -> memref<1x128xf32, #tpu.memory_space<vmem>>
      %parallel_loop3A_345 = tpu.memref_squeeze %parallel_loop3A_344 : memref<1x128xf32, #tpu.memory_space<vmem>> -> memref<128xf32, #tpu.memory_space<vmem>>
      tpu.vector_store_idx %parallel_loop3A_345[%parallel_loop3A_333], %parallel_loop3A_341 {add = true} : memref<128xf32, #tpu.memory_space<vmem>>[vector<16xi32>], vector<16xf32>,
      %parallel_loop3A_346 = arith.constant 1 : i32
      %parallel_loop3A_347 = arith.index_cast %parallel_loop3A_346 : i32 to index
      %parallel_loop3A_348 = arith.index_cast %parallel_loop3A_331 : i32 to index
      %parallel_loop3A_349 = tpu.vector_load %arg11[%parallel_loop3A_347, %parallel_loop3A_348] {strides = array<i32>} : memref<32x1024xf32, #tpu.memory_space<vmem>>, vector<16xf32>,
      %parallel_loop3A_350 = arith.constant 1 : i32
      %parallel_loop3A_351 = arith.constant 0 : i32
      %parallel_loop3A_352 = tpu.memref_slice %arg12[%parallel_loop3A_350, %parallel_loop3A_351] : memref<33x128xf32, #tpu.memory_space<vmem>> -> memref<1x128xf32, #tpu.memory_space<vmem>>
      %parallel_loop3A_353 = tpu.memref_squeeze %parallel_loop3A_352 : memref<1x128xf32, #tpu.memory_space<vmem>> -> memref<128xf32, #tpu.memory_space<vmem>>
      tpu.vector_store_idx %parallel_loop3A_353[%parallel_loop3A_333], %parallel_loop3A_349 {add = true} : memref<128xf32, #tpu.memory_space<vmem>>[vector<16xi32>], vector<16xf32>,
      %parallel_loop3A_354 = arith.constant 2 : i32
      %parallel_loop3A_355 = arith.index_cast %parallel_loop3A_354 : i32 to index
      %parallel_loop3A_356 = arith.index_cast %parallel_loop3A_331 : i32 to index
      %parallel_loop3A_357 = tpu.vector_load %arg11[%parallel_loop3A_355, %parallel_loop3A_356] {strides = array<i32>} : memref<32x1024xf32, #tpu.memory_space<vmem>>, vector<16xf32>,
      %parallel_loop3A_358 = arith.constant 2 : i32
      %parallel_loop3A_359 = arith.constant 0 : i32
      %parallel_loop3A_360 = tpu.memref_slice %arg12[%parallel_loop3A_358, %parallel_loop3A_359] : memref<33x128xf32, #tpu.memory_space<vmem>> -> memref<1x128xf32, #tpu.memory_space<vmem>>
      %parallel_loop3A_361 = tpu.memref_squeeze %parallel_loop3A_360 : memref<1x128xf32, #tpu.memory_space<vmem>> -> memref<128xf32, #tpu.memory_space<vmem>>
      tpu.vector_store_idx %parallel_loop3A_361[%parallel_loop3A_333], %parallel_loop3A_357 {add = true} : memref<128xf32, #tpu.memory_space<vmem>>[vector<16xi32>], vector<16xf32>,
      %parallel_loop3A_362 = arith.constant 3 : i32
      %parallel_loop3A_363 = arith.index_cast %parallel_loop3A_362 : i32 to index
      %parallel_loop3A_364 = arith.index_cast %parallel_loop3A_331 : i32 to index
      %parallel_loop3A_365 = tpu.vector_load %arg11[%parallel_loop3A_363, %parallel_loop3A_364] {strides = array<i32>} : memref<32x1024xf32, #tpu.memory_space<vmem>>, vector<16xf32>,
      %parallel_loop3A_366 = arith.constant 3 : i32
      %parallel_loop3A_367 = arith.constant 0 : i32
      %parallel_loop3A_368 = tpu.memref_slice %arg12[%parallel_loop3A_366, %parallel_loop3A_367] : memref<33x128xf32, #tpu.memory_space<vmem>> -> memref<1x128xf32, #tpu.memory_space<vmem>>
      %parallel_loop3A_369 = tpu.memref_squeeze %parallel_loop3A_368 : memref<1x128xf32, #tpu.memory_space<vmem>> -> memref<128xf32, #tpu.memory_space<vmem>>
      tpu.vector_store_idx %parallel_loop3A_369[%parallel_loop3A_333], %parallel_loop3A_365 {add = true} : memref<128xf32, #tpu.memory_space<vmem>>[vector<16xi32>], vector<16xf32>,
      %parallel_loop3A_370 = arith.constant 4 : i32
      %parallel_loop3A_371 = arith.index_cast %parallel_loop3A_370 : i32 to index
      %parallel_loop3A_372 = arith.index_cast %parallel_loop3A_331 : i32 to index
      %parallel_loop3A_373 = tpu.vector_load %arg11[%parallel_loop3A_371, %parallel_loop3A_372] {strides = array<i32>} : memref<32x1024xf32, #tpu.memory_space<vmem>>, vector<16xf32>,
      %parallel_loop3A_374 = arith.constant 4 : i32
      %parallel_loop3A_375 = arith.constant 0 : i32
      %parallel_loop3A_376 = tpu.memref_slice %arg12[%parallel_loop3A_374, %parallel_loop3A_375] : memref<33x128xf32, #tpu.memory_space<vmem>> -> memref<1x128xf32, #tpu.memory_space<vmem>>
      %parallel_loop3A_377 = tpu.memref_squeeze %parallel_loop3A_376 : memref<1x128xf32, #tpu.memory_space<vmem>> -> memref<128xf32, #tpu.memory_space<vmem>>
      tpu.vector_store_idx %parallel_loop3A_377[%parallel_loop3A_333], %parallel_loop3A_373 {add = true} : memref<128xf32, #tpu.memory_space<vmem>>[vector<16xi32>], vector<16xf32>,
      %parallel_loop3A_378 = arith.constant 5 : i32
      %parallel_loop3A_379 = arith.index_cast %parallel_loop3A_378 : i32 to index
      %parallel_loop3A_380 = arith.index_cast %parallel_loop3A_331 : i32 to index
      %parallel_loop3A_381 = tpu.vector_load %arg11[%parallel_loop3A_379, %parallel_loop3A_380] {strides = array<i32>} : memref<32x1024xf32, #tpu.memory_space<vmem>>, vector<16xf32>,
      %parallel_loop3A_382 = arith.constant 5 : i32
      %parallel_loop3A_383 = arith.constant 0 : i32
      %parallel_loop3A_384 = tpu.memref_slice %arg12[%parallel_loop3A_382, %parallel_loop3A_383] : memref<33x128xf32, #tpu.memory_space<vmem>> -> memref<1x128xf32, #tpu.memory_space<vmem>>
      %parallel_loop3A_385 = tpu.memref_squeeze %parallel_loop3A_384 : memref<1x128xf32, #tpu.memory_space<vmem>> -> memref<128xf32, #tpu.memory_space<vmem>>
      tpu.vector_store_idx %parallel_loop3A_385[%parallel_loop3A_333], %parallel_loop3A_381 {add = true} : memref<128xf32, #tpu.memory_space<vmem>>[vector<16xi32>], vector<16xf32>,
      %parallel_loop3A_386 = arith.constant 6 : i32
      %parallel_loop3A_387 = arith.index_cast %parallel_loop3A_386 : i32 to index
      %parallel_loop3A_388 = arith.index_cast %parallel_loop3A_331 : i32 to index
      %parallel_loop3A_389 = tpu.vector_load %arg11[%parallel_loop3A_387, %parallel_loop3A_388] {strides = array<i32>} : memref<32x1024xf32, #tpu.memory_space<vmem>>, vector<16xf32>,
      %parallel_loop3A_390 = arith.constant 6 : i32
      %parallel_loop3A_391 = arith.constant 0 : i32
      %parallel_loop3A_392 = tpu.memref_slice %arg12[%parallel_loop3A_390, %parallel_loop3A_391] : memref<33x128xf32, #tpu.memory_space<vmem>> -> memref<1x128xf32, #tpu.memory_space<vmem>>
      %parallel_loop3A_393 = tpu.memref_squeeze %parallel_loop3A_392 : memref<1x128xf32, #tpu.memory_space<vmem>> -> memref<128xf32, #tpu.memory_space<vmem>>
      tpu.vector_store_idx %parallel_loop3A_393[%parallel_loop3A_333], %parallel_loop3A_389 {add = true} : memref<128xf32, #tpu.memory_space<vmem>>[vector<16xi32>], vector<16xf32>,
      %parallel_loop3A_394 = arith.constant 7 : i32
      %parallel_loop3A_395 = arith.index_cast %parallel_loop3A_394 : i32 to index
      %parallel_loop3A_396 = arith.index_cast %parallel_loop3A_331 : i32 to index
      %parallel_loop3A_397 = tpu.vector_load %arg11[%parallel_loop3A_395, %parallel_loop3A_396] {strides = array<i32>} : memref<32x1024xf32, #tpu.memory_space<vmem>>, vector<16xf32>,
      %parallel_loop3A_398 = arith.constant 7 : i32
      %parallel_loop3A_399 = arith.constant 0 : i32
      %parallel_loop3A_400 = tpu.memref_slice %arg12[%parallel_loop3A_398, %parallel_loop3A_399] : memref<33x128xf32, #tpu.memory_space<vmem>> -> memref<1x128xf32, #tpu.memory_space<vmem>>
      %parallel_loop3A_401 = tpu.memref_squeeze %parallel_loop3A_400 : memref<1x128xf32, #tpu.memory_space<vmem>> -> memref<128xf32, #tpu.memory_space<vmem>>
      tpu.vector_store_idx %parallel_loop3A_401[%parallel_loop3A_333], %parallel_loop3A_397 {add = true} : memref<128xf32, #tpu.memory_space<vmem>>[vector<16xi32>], vector<16xf32>,
      %parallel_loop3A_402 = arith.constant 8 : i32
      %parallel_loop3A_403 = arith.index_cast %parallel_loop3A_402 : i32 to index
      %parallel_loop3A_404 = arith.index_cast %parallel_loop3A_331 : i32 to index
      %parallel_loop3A_405 = tpu.vector_load %arg11[%parallel_loop3A_403, %parallel_loop3A_404] {strides = array<i32>} : memref<32x1024xf32, #tpu.memory_space<vmem>>, vector<16xf32>,
      %parallel_loop3A_406 = arith.constant 8 : i32
      %parallel_loop3A_407 = arith.constant 0 : i32
      %parallel_loop3A_408 = tpu.memref_slice %arg12[%parallel_loop3A_406, %parallel_loop3A_407] : memref<33x128xf32, #tpu.memory_space<vmem>> -> memref<1x128xf32, #tpu.memory_space<vmem>>
      %parallel_loop3A_409 = tpu.memref_squeeze %parallel_loop3A_408 : memref<1x128xf32, #tpu.memory_space<vmem>> -> memref<128xf32, #tpu.memory_space<vmem>>
      tpu.vector_store_idx %parallel_loop3A_409[%parallel_loop3A_333], %parallel_loop3A_405 {add = true} : memref<128xf32, #tpu.memory_space<vmem>>[vector<16xi32>], vector<16xf32>,
      %parallel_loop3A_410 = arith.constant 9 : i32
      %parallel_loop3A_411 = arith.index_cast %parallel_loop3A_410 : i32 to index
      %parallel_loop3A_412 = arith.index_cast %parallel_loop3A_331 : i32 to index
      %parallel_loop3A_413 = tpu.vector_load %arg11[%parallel_loop3A_411, %parallel_loop3A_412] {strides = array<i32>} : memref<32x1024xf32, #tpu.memory_space<vmem>>, vector<16xf32>,
      %parallel_loop3A_414 = arith.constant 9 : i32
      %parallel_loop3A_415 = arith.constant 0 : i32
      %parallel_loop3A_416 = tpu.memref_slice %arg12[%parallel_loop3A_414, %parallel_loop3A_415] : memref<33x128xf32, #tpu.memory_space<vmem>> -> memref<1x128xf32, #tpu.memory_space<vmem>>
      %parallel_loop3A_417 = tpu.memref_squeeze %parallel_loop3A_416 : memref<1x128xf32, #tpu.memory_space<vmem>> -> memref<128xf32, #tpu.memory_space<vmem>>
      tpu.vector_store_idx %parallel_loop3A_417[%parallel_loop3A_333], %parallel_loop3A_413 {add = true} : memref<128xf32, #tpu.memory_space<vmem>>[vector<16xi32>], vector<16xf32>,
      %parallel_loop3A_418 = arith.constant 10 : i32
      %parallel_loop3A_419 = arith.index_cast %parallel_loop3A_418 : i32 to index
      %parallel_loop3A_420 = arith.index_cast %parallel_loop3A_331 : i32 to index
      %parallel_loop3A_421 = tpu.vector_load %arg11[%parallel_loop3A_419, %parallel_loop3A_420] {strides = array<i32>} : memref<32x1024xf32, #tpu.memory_space<vmem>>, vector<16xf32>,
      %parallel_loop3A_422 = arith.constant 10 : i32
      %parallel_loop3A_423 = arith.constant 0 : i32
      %parallel_loop3A_424 = tpu.memref_slice %arg12[%parallel_loop3A_422, %parallel_loop3A_423] : memref<33x128xf32, #tpu.memory_space<vmem>> -> memref<1x128xf32, #tpu.memory_space<vmem>>
      %parallel_loop3A_425 = tpu.memref_squeeze %parallel_loop3A_424 : memref<1x128xf32, #tpu.memory_space<vmem>> -> memref<128xf32, #tpu.memory_space<vmem>>
      tpu.vector_store_idx %parallel_loop3A_425[%parallel_loop3A_333], %parallel_loop3A_421 {add = true} : memref<128xf32, #tpu.memory_space<vmem>>[vector<16xi32>], vector<16xf32>,
      %parallel_loop3A_426 = arith.constant 11 : i32
      %parallel_loop3A_427 = arith.index_cast %parallel_loop3A_426 : i32 to index
      %parallel_loop3A_428 = arith.index_cast %parallel_loop3A_331 : i32 to index
      %parallel_loop3A_429 = tpu.vector_load %arg11[%parallel_loop3A_427, %parallel_loop3A_428] {strides = array<i32>} : memref<32x1024xf32, #tpu.memory_space<vmem>>, vector<16xf32>,
      %parallel_loop3A_430 = arith.constant 11 : i32
      %parallel_loop3A_431 = arith.constant 0 : i32
      %parallel_loop3A_432 = tpu.memref_slice %arg12[%parallel_loop3A_430, %parallel_loop3A_431] : memref<33x128xf32, #tpu.memory_space<vmem>> -> memref<1x128xf32, #tpu.memory_space<vmem>>
      %parallel_loop3A_433 = tpu.memref_squeeze %parallel_loop3A_432 : memref<1x128xf32, #tpu.memory_space<vmem>> -> memref<128xf32, #tpu.memory_space<vmem>>
      tpu.vector_store_idx %parallel_loop3A_433[%parallel_loop3A_333], %parallel_loop3A_429 {add = true} : memref<128xf32, #tpu.memory_space<vmem>>[vector<16xi32>], vector<16xf32>,
      %parallel_loop3A_434 = arith.constant 12 : i32
      %parallel_loop3A_435 = arith.index_cast %parallel_loop3A_434 : i32 to index
      %parallel_loop3A_436 = arith.index_cast %parallel_loop3A_331 : i32 to index
      %parallel_loop3A_437 = tpu.vector_load %arg11[%parallel_loop3A_435, %parallel_loop3A_436] {strides = array<i32>} : memref<32x1024xf32, #tpu.memory_space<vmem>>, vector<16xf32>,
      %parallel_loop3A_438 = arith.constant 12 : i32
      %parallel_loop3A_439 = arith.constant 0 : i32
      %parallel_loop3A_440 = tpu.memref_slice %arg12[%parallel_loop3A_438, %parallel_loop3A_439] : memref<33x128xf32, #tpu.memory_space<vmem>> -> memref<1x128xf32, #tpu.memory_space<vmem>>
      %parallel_loop3A_441 = tpu.memref_squeeze %parallel_loop3A_440 : memref<1x128xf32, #tpu.memory_space<vmem>> -> memref<128xf32, #tpu.memory_space<vmem>>
      tpu.vector_store_idx %parallel_loop3A_441[%parallel_loop3A_333], %parallel_loop3A_437 {add = true} : memref<128xf32, #tpu.memory_space<vmem>>[vector<16xi32>], vector<16xf32>,
      %parallel_loop3A_442 = arith.constant 13 : i32
      %parallel_loop3A_443 = arith.index_cast %parallel_loop3A_442 : i32 to index
      %parallel_loop3A_444 = arith.index_cast %parallel_loop3A_331 : i32 to index
      %parallel_loop3A_445 = tpu.vector_load %arg11[%parallel_loop3A_443, %parallel_loop3A_444] {strides = array<i32>} : memref<32x1024xf32, #tpu.memory_space<vmem>>, vector<16xf32>,
      %parallel_loop3A_446 = arith.constant 13 : i32
      %parallel_loop3A_447 = arith.constant 0 : i32
      %parallel_loop3A_448 = tpu.memref_slice %arg12[%parallel_loop3A_446, %parallel_loop3A_447] : memref<33x128xf32, #tpu.memory_space<vmem>> -> memref<1x128xf32, #tpu.memory_space<vmem>>
      %parallel_loop3A_449 = tpu.memref_squeeze %parallel_loop3A_448 : memref<1x128xf32, #tpu.memory_space<vmem>> -> memref<128xf32, #tpu.memory_space<vmem>>
      tpu.vector_store_idx %parallel_loop3A_449[%parallel_loop3A_333], %parallel_loop3A_445 {add = true} : memref<128xf32, #tpu.memory_space<vmem>>[vector<16xi32>], vector<16xf32>,
      %parallel_loop3A_450 = arith.constant 14 : i32
      %parallel_loop3A_451 = arith.index_cast %parallel_loop3A_450 : i32 to index
      %parallel_loop3A_452 = arith.index_cast %parallel_loop3A_331 : i32 to index
      %parallel_loop3A_453 = tpu.vector_load %arg11[%parallel_loop3A_451, %parallel_loop3A_452] {strides = array<i32>} : memref<32x1024xf32, #tpu.memory_space<vmem>>, vector<16xf32>,
      %parallel_loop3A_454 = arith.constant 14 : i32
      %parallel_loop3A_455 = arith.constant 0 : i32
      %parallel_loop3A_456 = tpu.memref_slice %arg12[%parallel_loop3A_454, %parallel_loop3A_455] : memref<33x128xf32, #tpu.memory_space<vmem>> -> memref<1x128xf32, #tpu.memory_space<vmem>>
      %parallel_loop3A_457 = tpu.memref_squeeze %parallel_loop3A_456 : memref<1x128xf32, #tpu.memory_space<vmem>> -> memref<128xf32, #tpu.memory_space<vmem>>
      tpu.vector_store_idx %parallel_loop3A_457[%parallel_loop3A_333], %parallel_loop3A_453 {add = true} : memref<128xf32, #tpu.memory_space<vmem>>[vector<16xi32>], vector<16xf32>,
      %parallel_loop3A_458 = arith.constant 15 : i32
      %parallel_loop3A_459 = arith.index_cast %parallel_loop3A_458 : i32 to index
      %parallel_loop3A_460 = arith.index_cast %parallel_loop3A_331 : i32 to index
      %parallel_loop3A_461 = tpu.vector_load %arg11[%parallel_loop3A_459, %parallel_loop3A_460] {strides = array<i32>} : memref<32x1024xf32, #tpu.memory_space<vmem>>, vector<16xf32>,
      %parallel_loop3A_462 = arith.constant 15 : i32
      %parallel_loop3A_463 = arith.constant 0 : i32
      %parallel_loop3A_464 = tpu.memref_slice %arg12[%parallel_loop3A_462, %parallel_loop3A_463] : memref<33x128xf32, #tpu.memory_space<vmem>> -> memref<1x128xf32, #tpu.memory_space<vmem>>
      %parallel_loop3A_465 = tpu.memref_squeeze %parallel_loop3A_464 : memref<1x128xf32, #tpu.memory_space<vmem>> -> memref<128xf32, #tpu.memory_space<vmem>>
      tpu.vector_store_idx %parallel_loop3A_465[%parallel_loop3A_333], %parallel_loop3A_461 {add = true} : memref<128xf32, #tpu.memory_space<vmem>>[vector<16xi32>], vector<16xf32>,
      %parallel_loop3A_466 = arith.constant 16 : i32
      %parallel_loop3A_467 = arith.index_cast %parallel_loop3A_466 : i32 to index
      %parallel_loop3A_468 = arith.index_cast %parallel_loop3A_331 : i32 to index
      %parallel_loop3A_469 = tpu.vector_load %arg11[%parallel_loop3A_467, %parallel_loop3A_468] {strides = array<i32>} : memref<32x1024xf32, #tpu.memory_space<vmem>>, vector<16xf32>,
      %parallel_loop3A_470 = arith.constant 16 : i32
      %parallel_loop3A_471 = arith.constant 0 : i32
      %parallel_loop3A_472 = tpu.memref_slice %arg12[%parallel_loop3A_470, %parallel_loop3A_471] : memref<33x128xf32, #tpu.memory_space<vmem>> -> memref<1x128xf32, #tpu.memory_space<vmem>>
      %parallel_loop3A_473 = tpu.memref_squeeze %parallel_loop3A_472 : memref<1x128xf32, #tpu.memory_space<vmem>> -> memref<128xf32, #tpu.memory_space<vmem>>
      tpu.vector_store_idx %parallel_loop3A_473[%parallel_loop3A_333], %parallel_loop3A_469 {add = true} : memref<128xf32, #tpu.memory_space<vmem>>[vector<16xi32>], vector<16xf32>,
      %parallel_loop3A_474 = arith.constant 17 : i32
      %parallel_loop3A_475 = arith.index_cast %parallel_loop3A_474 : i32 to index
      %parallel_loop3A_476 = arith.index_cast %parallel_loop3A_331 : i32 to index
      %parallel_loop3A_477 = tpu.vector_load %arg11[%parallel_loop3A_475, %parallel_loop3A_476] {strides = array<i32>} : memref<32x1024xf32, #tpu.memory_space<vmem>>, vector<16xf32>,
      %parallel_loop3A_478 = arith.constant 17 : i32
      %parallel_loop3A_479 = arith.constant 0 : i32
      %parallel_loop3A_480 = tpu.memref_slice %arg12[%parallel_loop3A_478, %parallel_loop3A_479] : memref<33x128xf32, #tpu.memory_space<vmem>> -> memref<1x128xf32, #tpu.memory_space<vmem>>
      %parallel_loop3A_481 = tpu.memref_squeeze %parallel_loop3A_480 : memref<1x128xf32, #tpu.memory_space<vmem>> -> memref<128xf32, #tpu.memory_space<vmem>>
      tpu.vector_store_idx %parallel_loop3A_481[%parallel_loop3A_333], %parallel_loop3A_477 {add = true} : memref<128xf32, #tpu.memory_space<vmem>>[vector<16xi32>], vector<16xf32>,
      %parallel_loop3A_482 = arith.constant 18 : i32
      %parallel_loop3A_483 = arith.index_cast %parallel_loop3A_482 : i32 to index
      %parallel_loop3A_484 = arith.index_cast %parallel_loop3A_331 : i32 to index
      %parallel_loop3A_485 = tpu.vector_load %arg11[%parallel_loop3A_483, %parallel_loop3A_484] {strides = array<i32>} : memref<32x1024xf32, #tpu.memory_space<vmem>>, vector<16xf32>,
      %parallel_loop3A_486 = arith.constant 18 : i32
      %parallel_loop3A_487 = arith.constant 0 : i32
      %parallel_loop3A_488 = tpu.memref_slice %arg12[%parallel_loop3A_486, %parallel_loop3A_487] : memref<33x128xf32, #tpu.memory_space<vmem>> -> memref<1x128xf32, #tpu.memory_space<vmem>>
      %parallel_loop3A_489 = tpu.memref_squeeze %parallel_loop3A_488 : memref<1x128xf32, #tpu.memory_space<vmem>> -> memref<128xf32, #tpu.memory_space<vmem>>
      tpu.vector_store_idx %parallel_loop3A_489[%parallel_loop3A_333], %parallel_loop3A_485 {add = true} : memref<128xf32, #tpu.memory_space<vmem>>[vector<16xi32>], vector<16xf32>,
      %parallel_loop3A_490 = arith.constant 19 : i32
      %parallel_loop3A_491 = arith.index_cast %parallel_loop3A_490 : i32 to index
      %parallel_loop3A_492 = arith.index_cast %parallel_loop3A_331 : i32 to index
      %parallel_loop3A_493 = tpu.vector_load %arg11[%parallel_loop3A_491, %parallel_loop3A_492] {strides = array<i32>} : memref<32x1024xf32, #tpu.memory_space<vmem>>, vector<16xf32>,
      %parallel_loop3A_494 = arith.constant 19 : i32
      %parallel_loop3A_495 = arith.constant 0 : i32
      %parallel_loop3A_496 = tpu.memref_slice %arg12[%parallel_loop3A_494, %parallel_loop3A_495] : memref<33x128xf32, #tpu.memory_space<vmem>> -> memref<1x128xf32, #tpu.memory_space<vmem>>
      %parallel_loop3A_497 = tpu.memref_squeeze %parallel_loop3A_496 : memref<1x128xf32, #tpu.memory_space<vmem>> -> memref<128xf32, #tpu.memory_space<vmem>>
      tpu.vector_store_idx %parallel_loop3A_497[%parallel_loop3A_333], %parallel_loop3A_493 {add = true} : memref<128xf32, #tpu.memory_space<vmem>>[vector<16xi32>], vector<16xf32>,
      %parallel_loop3A_498 = arith.constant 20 : i32
      %parallel_loop3A_499 = arith.index_cast %parallel_loop3A_498 : i32 to index
      %parallel_loop3A_500 = arith.index_cast %parallel_loop3A_331 : i32 to index
      %parallel_loop3A_501 = tpu.vector_load %arg11[%parallel_loop3A_499, %parallel_loop3A_500] {strides = array<i32>} : memref<32x1024xf32, #tpu.memory_space<vmem>>, vector<16xf32>,
      %parallel_loop3A_502 = arith.constant 20 : i32
      %parallel_loop3A_503 = arith.constant 0 : i32
      %parallel_loop3A_504 = tpu.memref_slice %arg12[%parallel_loop3A_502, %parallel_loop3A_503] : memref<33x128xf32, #tpu.memory_space<vmem>> -> memref<1x128xf32, #tpu.memory_space<vmem>>
      %parallel_loop3A_505 = tpu.memref_squeeze %parallel_loop3A_504 : memref<1x128xf32, #tpu.memory_space<vmem>> -> memref<128xf32, #tpu.memory_space<vmem>>
      tpu.vector_store_idx %parallel_loop3A_505[%parallel_loop3A_333], %parallel_loop3A_501 {add = true} : memref<128xf32, #tpu.memory_space<vmem>>[vector<16xi32>], vector<16xf32>,
      %parallel_loop3A_506 = arith.constant 21 : i32
      %parallel_loop3A_507 = arith.index_cast %parallel_loop3A_506 : i32 to index
      %parallel_loop3A_508 = arith.index_cast %parallel_loop3A_331 : i32 to index
      %parallel_loop3A_509 = tpu.vector_load %arg11[%parallel_loop3A_507, %parallel_loop3A_508] {strides = array<i32>} : memref<32x1024xf32, #tpu.memory_space<vmem>>, vector<16xf32>,
      %parallel_loop3A_510 = arith.constant 21 : i32
      %parallel_loop3A_511 = arith.constant 0 : i32
      %parallel_loop3A_512 = tpu.memref_slice %arg12[%parallel_loop3A_510, %parallel_loop3A_511] : memref<33x128xf32, #tpu.memory_space<vmem>> -> memref<1x128xf32, #tpu.memory_space<vmem>>
      %parallel_loop3A_513 = tpu.memref_squeeze %parallel_loop3A_512 : memref<1x128xf32, #tpu.memory_space<vmem>> -> memref<128xf32, #tpu.memory_space<vmem>>
      tpu.vector_store_idx %parallel_loop3A_513[%parallel_loop3A_333], %parallel_loop3A_509 {add = true} : memref<128xf32, #tpu.memory_space<vmem>>[vector<16xi32>], vector<16xf32>,
      %parallel_loop3A_514 = arith.constant 22 : i32
      %parallel_loop3A_515 = arith.index_cast %parallel_loop3A_514 : i32 to index
      %parallel_loop3A_516 = arith.index_cast %parallel_loop3A_331 : i32 to index
      %parallel_loop3A_517 = tpu.vector_load %arg11[%parallel_loop3A_515, %parallel_loop3A_516] {strides = array<i32>} : memref<32x1024xf32, #tpu.memory_space<vmem>>, vector<16xf32>,
      %parallel_loop3A_518 = arith.constant 22 : i32
      %parallel_loop3A_519 = arith.constant 0 : i32
      %parallel_loop3A_520 = tpu.memref_slice %arg12[%parallel_loop3A_518, %parallel_loop3A_519] : memref<33x128xf32, #tpu.memory_space<vmem>> -> memref<1x128xf32, #tpu.memory_space<vmem>>
      %parallel_loop3A_521 = tpu.memref_squeeze %parallel_loop3A_520 : memref<1x128xf32, #tpu.memory_space<vmem>> -> memref<128xf32, #tpu.memory_space<vmem>>
      tpu.vector_store_idx %parallel_loop3A_521[%parallel_loop3A_333], %parallel_loop3A_517 {add = true} : memref<128xf32, #tpu.memory_space<vmem>>[vector<16xi32>], vector<16xf32>,
      %parallel_loop3A_522 = arith.constant 23 : i32
      %parallel_loop3A_523 = arith.index_cast %parallel_loop3A_522 : i32 to index
      %parallel_loop3A_524 = arith.index_cast %parallel_loop3A_331 : i32 to index
      %parallel_loop3A_525 = tpu.vector_load %arg11[%parallel_loop3A_523, %parallel_loop3A_524] {strides = array<i32>} : memref<32x1024xf32, #tpu.memory_space<vmem>>, vector<16xf32>,
      %parallel_loop3A_526 = arith.constant 23 : i32
      %parallel_loop3A_527 = arith.constant 0 : i32
      %parallel_loop3A_528 = tpu.memref_slice %arg12[%parallel_loop3A_526, %parallel_loop3A_527] : memref<33x128xf32, #tpu.memory_space<vmem>> -> memref<1x128xf32, #tpu.memory_space<vmem>>
      %parallel_loop3A_529 = tpu.memref_squeeze %parallel_loop3A_528 : memref<1x128xf32, #tpu.memory_space<vmem>> -> memref<128xf32, #tpu.memory_space<vmem>>
      tpu.vector_store_idx %parallel_loop3A_529[%parallel_loop3A_333], %parallel_loop3A_525 {add = true} : memref<128xf32, #tpu.memory_space<vmem>>[vector<16xi32>], vector<16xf32>,
      %parallel_loop3A_530 = arith.constant 24 : i32
      %parallel_loop3A_531 = arith.index_cast %parallel_loop3A_530 : i32 to index
      %parallel_loop3A_532 = arith.index_cast %parallel_loop3A_331 : i32 to index
      %parallel_loop3A_533 = tpu.vector_load %arg11[%parallel_loop3A_531, %parallel_loop3A_532] {strides = array<i32>} : memref<32x1024xf32, #tpu.memory_space<vmem>>, vector<16xf32>,
      %parallel_loop3A_534 = arith.constant 24 : i32
      %parallel_loop3A_535 = arith.constant 0 : i32
      %parallel_loop3A_536 = tpu.memref_slice %arg12[%parallel_loop3A_534, %parallel_loop3A_535] : memref<33x128xf32, #tpu.memory_space<vmem>> -> memref<1x128xf32, #tpu.memory_space<vmem>>
      %parallel_loop3A_537 = tpu.memref_squeeze %parallel_loop3A_536 : memref<1x128xf32, #tpu.memory_space<vmem>> -> memref<128xf32, #tpu.memory_space<vmem>>
      tpu.vector_store_idx %parallel_loop3A_537[%parallel_loop3A_333], %parallel_loop3A_533 {add = true} : memref<128xf32, #tpu.memory_space<vmem>>[vector<16xi32>], vector<16xf32>,
      %parallel_loop3A_538 = arith.constant 25 : i32
      %parallel_loop3A_539 = arith.index_cast %parallel_loop3A_538 : i32 to index
      %parallel_loop3A_540 = arith.index_cast %parallel_loop3A_331 : i32 to index
      %parallel_loop3A_541 = tpu.vector_load %arg11[%parallel_loop3A_539, %parallel_loop3A_540] {strides = array<i32>} : memref<32x1024xf32, #tpu.memory_space<vmem>>, vector<16xf32>,
      %parallel_loop3A_542 = arith.constant 25 : i32
      %parallel_loop3A_543 = arith.constant 0 : i32
      %parallel_loop3A_544 = tpu.memref_slice %arg12[%parallel_loop3A_542, %parallel_loop3A_543] : memref<33x128xf32, #tpu.memory_space<vmem>> -> memref<1x128xf32, #tpu.memory_space<vmem>>
      %parallel_loop3A_545 = tpu.memref_squeeze %parallel_loop3A_544 : memref<1x128xf32, #tpu.memory_space<vmem>> -> memref<128xf32, #tpu.memory_space<vmem>>
      tpu.vector_store_idx %parallel_loop3A_545[%parallel_loop3A_333], %parallel_loop3A_541 {add = true} : memref<128xf32, #tpu.memory_space<vmem>>[vector<16xi32>], vector<16xf32>,
      %parallel_loop3A_546 = arith.constant 26 : i32
      %parallel_loop3A_547 = arith.index_cast %parallel_loop3A_546 : i32 to index
      %parallel_loop3A_548 = arith.index_cast %parallel_loop3A_331 : i32 to index
      %parallel_loop3A_549 = tpu.vector_load %arg11[%parallel_loop3A_547, %parallel_loop3A_548] {strides = array<i32>} : memref<32x1024xf32, #tpu.memory_space<vmem>>, vector<16xf32>,
      %parallel_loop3A_550 = arith.constant 26 : i32
      %parallel_loop3A_551 = arith.constant 0 : i32
      %parallel_loop3A_552 = tpu.memref_slice %arg12[%parallel_loop3A_550, %parallel_loop3A_551] : memref<33x128xf32, #tpu.memory_space<vmem>> -> memref<1x128xf32, #tpu.memory_space<vmem>>
      %parallel_loop3A_553 = tpu.memref_squeeze %parallel_loop3A_552 : memref<1x128xf32, #tpu.memory_space<vmem>> -> memref<128xf32, #tpu.memory_space<vmem>>
      tpu.vector_store_idx %parallel_loop3A_553[%parallel_loop3A_333], %parallel_loop3A_549 {add = true} : memref<128xf32, #tpu.memory_space<vmem>>[vector<16xi32>], vector<16xf32>,
      %parallel_loop3A_554 = arith.constant 27 : i32
      %parallel_loop3A_555 = arith.index_cast %parallel_loop3A_554 : i32 to index
      %parallel_loop3A_556 = arith.index_cast %parallel_loop3A_331 : i32 to index
      %parallel_loop3A_557 = tpu.vector_load %arg11[%parallel_loop3A_555, %parallel_loop3A_556] {strides = array<i32>} : memref<32x1024xf32, #tpu.memory_space<vmem>>, vector<16xf32>,
      %parallel_loop3A_558 = arith.constant 27 : i32
      %parallel_loop3A_559 = arith.constant 0 : i32
      %parallel_loop3A_560 = tpu.memref_slice %arg12[%parallel_loop3A_558, %parallel_loop3A_559] : memref<33x128xf32, #tpu.memory_space<vmem>> -> memref<1x128xf32, #tpu.memory_space<vmem>>
      %parallel_loop3A_561 = tpu.memref_squeeze %parallel_loop3A_560 : memref<1x128xf32, #tpu.memory_space<vmem>> -> memref<128xf32, #tpu.memory_space<vmem>>
      tpu.vector_store_idx %parallel_loop3A_561[%parallel_loop3A_333], %parallel_loop3A_557 {add = true} : memref<128xf32, #tpu.memory_space<vmem>>[vector<16xi32>], vector<16xf32>,
      %parallel_loop3A_562 = arith.constant 28 : i32
      %parallel_loop3A_563 = arith.index_cast %parallel_loop3A_562 : i32 to index
      %parallel_loop3A_564 = arith.index_cast %parallel_loop3A_331 : i32 to index
      %parallel_loop3A_565 = tpu.vector_load %arg11[%parallel_loop3A_563, %parallel_loop3A_564] {strides = array<i32>} : memref<32x1024xf32, #tpu.memory_space<vmem>>, vector<16xf32>,
      %parallel_loop3A_566 = arith.constant 28 : i32
      %parallel_loop3A_567 = arith.constant 0 : i32
      %parallel_loop3A_568 = tpu.memref_slice %arg12[%parallel_loop3A_566, %parallel_loop3A_567] : memref<33x128xf32, #tpu.memory_space<vmem>> -> memref<1x128xf32, #tpu.memory_space<vmem>>
      %parallel_loop3A_569 = tpu.memref_squeeze %parallel_loop3A_568 : memref<1x128xf32, #tpu.memory_space<vmem>> -> memref<128xf32, #tpu.memory_space<vmem>>
      tpu.vector_store_idx %parallel_loop3A_569[%parallel_loop3A_333], %parallel_loop3A_565 {add = true} : memref<128xf32, #tpu.memory_space<vmem>>[vector<16xi32>], vector<16xf32>,
      %parallel_loop3A_570 = arith.constant 29 : i32
      %parallel_loop3A_571 = arith.index_cast %parallel_loop3A_570 : i32 to index
      %parallel_loop3A_572 = arith.index_cast %parallel_loop3A_331 : i32 to index
      %parallel_loop3A_573 = tpu.vector_load %arg11[%parallel_loop3A_571, %parallel_loop3A_572] {strides = array<i32>} : memref<32x1024xf32, #tpu.memory_space<vmem>>, vector<16xf32>,
      %parallel_loop3A_574 = arith.constant 29 : i32
      %parallel_loop3A_575 = arith.constant 0 : i32
      %parallel_loop3A_576 = tpu.memref_slice %arg12[%parallel_loop3A_574, %parallel_loop3A_575] : memref<33x128xf32, #tpu.memory_space<vmem>> -> memref<1x128xf32, #tpu.memory_space<vmem>>
      %parallel_loop3A_577 = tpu.memref_squeeze %parallel_loop3A_576 : memref<1x128xf32, #tpu.memory_space<vmem>> -> memref<128xf32, #tpu.memory_space<vmem>>
      tpu.vector_store_idx %parallel_loop3A_577[%parallel_loop3A_333], %parallel_loop3A_573 {add = true} : memref<128xf32, #tpu.memory_space<vmem>>[vector<16xi32>], vector<16xf32>,
      %parallel_loop3A_578 = arith.constant 30 : i32
      %parallel_loop3A_579 = arith.index_cast %parallel_loop3A_578 : i32 to index
      %parallel_loop3A_580 = arith.index_cast %parallel_loop3A_331 : i32 to index
      %parallel_loop3A_581 = tpu.vector_load %arg11[%parallel_loop3A_579, %parallel_loop3A_580] {strides = array<i32>} : memref<32x1024xf32, #tpu.memory_space<vmem>>, vector<16xf32>,
      %parallel_loop3A_582 = arith.constant 30 : i32
      %parallel_loop3A_583 = arith.constant 0 : i32
      %parallel_loop3A_584 = tpu.memref_slice %arg12[%parallel_loop3A_582, %parallel_loop3A_583] : memref<33x128xf32, #tpu.memory_space<vmem>> -> memref<1x128xf32, #tpu.memory_space<vmem>>
      %parallel_loop3A_585 = tpu.memref_squeeze %parallel_loop3A_584 : memref<1x128xf32, #tpu.memory_space<vmem>> -> memref<128xf32, #tpu.memory_space<vmem>>
      tpu.vector_store_idx %parallel_loop3A_585[%parallel_loop3A_333], %parallel_loop3A_581 {add = true} : memref<128xf32, #tpu.memory_space<vmem>>[vector<16xi32>], vector<16xf32>,
      %parallel_loop3A_586 = arith.constant 31 : i32
      %parallel_loop3A_587 = arith.index_cast %parallel_loop3A_586 : i32 to index
      %parallel_loop3A_588 = arith.index_cast %parallel_loop3A_331 : i32 to index
      %parallel_loop3A_589 = tpu.vector_load %arg11[%parallel_loop3A_587, %parallel_loop3A_588] {strides = array<i32>} : memref<32x1024xf32, #tpu.memory_space<vmem>>, vector<16xf32>,
      %parallel_loop3A_590 = arith.constant 31 : i32
      %parallel_loop3A_591 = arith.constant 0 : i32
      %parallel_loop3A_592 = tpu.memref_slice %arg12[%parallel_loop3A_590, %parallel_loop3A_591] : memref<33x128xf32, #tpu.memory_space<vmem>> -> memref<1x128xf32, #tpu.memory_space<vmem>>
      %parallel_loop3A_593 = tpu.memref_squeeze %parallel_loop3A_592 : memref<1x128xf32, #tpu.memory_space<vmem>> -> memref<128xf32, #tpu.memory_space<vmem>>
      tpu.vector_store_idx %parallel_loop3A_593[%parallel_loop3A_333], %parallel_loop3A_589 {add = true} : memref<128xf32, #tpu.memory_space<vmem>>[vector<16xi32>], vector<16xf32>,
    } {sc.loop_unroll_factor = 2 : i64, sc.parallel_access}
    "tpu.region"() ({
      %run_scoped3A = tpu.sem_alloc : memref<!tpu.dma_semaphore, #tpu.memory_space<semaphore_mem>>
      %dma_start3A_329 = arith.constant 0 : i32
      %dma_start3A_330 = arith.constant 0 : i32
      %dma_start3A_331 = tpu.memref_slice %arg28[%dma_start3A_329, %dma_start3A_330] : memref<132x128xf32, #tpu.memory_space<vmem_shared>> -> memref<132x128xf32, #tpu.memory_space<vmem_shared>>
      tpu.enqueue_indirect_dma source(%arg12 : memref<33x128xf32, #tpu.memory_space<vmem>>) target(%dma_start3A_331 : memref<132x128xf32, #tpu.memory_space<vmem_shared>>) offsets(%arg26 : memref<33xi32, #tpu.memory_space<vmem>>) semaphore(%run_scoped3A : memref<!tpu.dma_semaphore, #tpu.memory_space<semaphore_mem>>) {add = true}
      %dma_wait3A_332 = arith.constant 0 : i32
      %dma_wait3A_333 = arith.constant 0 : i32
      %dma_wait3A_334 = tpu.memref_slice %arg28[%dma_wait3A_332, %dma_wait3A_333] : memref<132x128xf32, #tpu.memory_space<vmem_shared>> -> memref<132x128xf32, #tpu.memory_space<vmem_shared>>
      tpu.wait_indirect_dma semaphore(%run_scoped3A : memref<!tpu.dma_semaphore, #tpu.memory_space<semaphore_mem>>) src(%arg12 : memref<33x128xf32, #tpu.memory_space<vmem>>) dst(%dma_wait3A_334 : memref<132x128xf32, #tpu.memory_space<vmem_shared>>)
      tpu.yield
    }) : () -> ()
    %barrier3A_183 = arith.constant 0 : index
    tpu.barrier barrier_id(%barrier3A_183)
    %mul3A_184 = arith.constant 33 : i32
    %mul3A_185 = arith.muli %select_n3A, %mul3A_184 : i32
    "tpu.region"() ({
      %run_scoped3A = tpu.sem_alloc : memref<!tpu.dma_semaphore, #tpu.memory_space<semaphore_mem>>
      %dma_start3A_329 = arith.constant 0 : i32
      %dma_start3A_330 = tpu.memref_slice %arg28[%mul3A_185, %dma_start3A_329] : memref<132x128xf32, #tpu.memory_space<vmem_shared>> -> memref<33x128xf32, #tpu.memory_space<vmem_shared>>
      %dma_start3A_331 = arith.constant 0 : i32
      %dma_start3A_332 = tpu.memref_slice %arg28[%mul3A_185, %dma_start3A_331] : memref<132x128xf32, #tpu.memory_space<vmem_shared>> -> memref<33x128xf32, #tpu.memory_space<vmem_shared>>
      tpu.enqueue_dma source(%dma_start3A_332 : memref<33x128xf32, #tpu.memory_space<vmem_shared>>) target(%arg13 : memref<33x128xf32, #tpu.memory_space<vmem>>) target_semaphore(%run_scoped3A : memref<!tpu.dma_semaphore, #tpu.memory_space<semaphore_mem>>)
      %dma_wait3A_333 = arith.constant 0 : i32
      %dma_wait3A_334 = tpu.memref_slice %arg28[%mul3A_185, %dma_wait3A_333] : memref<132x128xf32, #tpu.memory_space<vmem_shared>> -> memref<33x128xf32, #tpu.memory_space<vmem_shared>>
      %dma_wait3A_335 = arith.constant 0 : i32
      %dma_wait3A_336 = tpu.memref_slice %arg28[%mul3A_185, %dma_wait3A_335] : memref<132x128xf32, #tpu.memory_space<vmem_shared>> -> memref<33x128xf32, #tpu.memory_space<vmem_shared>>
      tpu.wait_dma2 semaphore(%run_scoped3A : memref<!tpu.dma_semaphore, #tpu.memory_space<semaphore_mem>>) src(%dma_wait3A_336 : memref<33x128xf32, #tpu.memory_space<vmem_shared>>) dst(%arg13 : memref<33x128xf32, #tpu.memory_space<vmem>>)
      tpu.yield
    }) : () -> ()
    %swap3A_186 = arith.constant 0 : i32
    %swap3A_187 = arith.index_cast %swap3A_186 : i32 to index
    %swap3A_188 = arith.constant 0 : index
    %swap3A_189 = tpu.vector_load %arg16[%swap3A_187, %swap3A_188] {strides = array<i32>} : memref<1x128xf32, #tpu.memory_space<vmem>>, vector<16xf32>,
    tpu.vector_store %arg16[%swap3A_187, %swap3A_188], %broadcast_in_dim3A_45 {strides = array<i32>} : memref<1x128xf32, #tpu.memory_space<vmem>>, vector<16xf32>,
    %swap3A_190 = arith.constant 0 : i32
    %swap3A_191 = arith.index_cast %swap3A_190 : i32 to index
    %swap3A_192 = arith.constant 16 : index
    %swap3A_193 = tpu.vector_load %arg16[%swap3A_191, %swap3A_192] {strides = array<i32>} : memref<1x128xf32, #tpu.memory_space<vmem>>, vector<16xf32>,
    tpu.vector_store %arg16[%swap3A_191, %swap3A_192], %broadcast_in_dim3A_45 {strides = array<i32>} : memref<1x128xf32, #tpu.memory_space<vmem>>, vector<16xf32>,
    %swap3A_194 = arith.constant 0 : i32
    %swap3A_195 = arith.index_cast %swap3A_194 : i32 to index
    %swap3A_196 = arith.constant 32 : index
    %swap3A_197 = tpu.vector_load %arg16[%swap3A_195, %swap3A_196] {strides = array<i32>} : memref<1x128xf32, #tpu.memory_space<vmem>>, vector<16xf32>,
    tpu.vector_store %arg16[%swap3A_195, %swap3A_196], %broadcast_in_dim3A_45 {strides = array<i32>} : memref<1x128xf32, #tpu.memory_space<vmem>>, vector<16xf32>,
    %swap3A_198 = arith.constant 0 : i32
    %swap3A_199 = arith.index_cast %swap3A_198 : i32 to index
    %swap3A_200 = arith.constant 48 : index
    %swap3A_201 = tpu.vector_load %arg16[%swap3A_199, %swap3A_200] {strides = array<i32>} : memref<1x128xf32, #tpu.memory_space<vmem>>, vector<16xf32>,
    tpu.vector_store %arg16[%swap3A_199, %swap3A_200], %broadcast_in_dim3A_45 {strides = array<i32>} : memref<1x128xf32, #tpu.memory_space<vmem>>, vector<16xf32>,
    %swap3A_202 = arith.constant 0 : i32
    %swap3A_203 = arith.index_cast %swap3A_202 : i32 to index
    %swap3A_204 = arith.constant 64 : index
    %swap3A_205 = tpu.vector_load %arg16[%swap3A_203, %swap3A_204] {strides = array<i32>} : memref<1x128xf32, #tpu.memory_space<vmem>>, vector<16xf32>,
    tpu.vector_store %arg16[%swap3A_203, %swap3A_204], %broadcast_in_dim3A_45 {strides = array<i32>} : memref<1x128xf32, #tpu.memory_space<vmem>>, vector<16xf32>,
    %swap3A_206 = arith.constant 0 : i32
    %swap3A_207 = arith.index_cast %swap3A_206 : i32 to index
    %swap3A_208 = arith.constant 80 : index
    %swap3A_209 = tpu.vector_load %arg16[%swap3A_207, %swap3A_208] {strides = array<i32>} : memref<1x128xf32, #tpu.memory_space<vmem>>, vector<16xf32>,
    tpu.vector_store %arg16[%swap3A_207, %swap3A_208], %broadcast_in_dim3A_45 {strides = array<i32>} : memref<1x128xf32, #tpu.memory_space<vmem>>, vector<16xf32>,
    %swap3A_210 = arith.constant 0 : i32
    %swap3A_211 = arith.index_cast %swap3A_210 : i32 to index
    %swap3A_212 = arith.constant 96 : index
    %swap3A_213 = tpu.vector_load %arg16[%swap3A_211, %swap3A_212] {strides = array<i32>} : memref<1x128xf32, #tpu.memory_space<vmem>>, vector<16xf32>,
    tpu.vector_store %arg16[%swap3A_211, %swap3A_212], %broadcast_in_dim3A_45 {strides = array<i32>} : memref<1x128xf32, #tpu.memory_space<vmem>>, vector<16xf32>,
    %swap3A_214 = arith.constant 0 : i32
    %swap3A_215 = arith.index_cast %swap3A_214 : i32 to index
    %swap3A_216 = arith.constant 112 : index
    %swap3A_217 = tpu.vector_load %arg16[%swap3A_215, %swap3A_216] {strides = array<i32>} : memref<1x128xf32, #tpu.memory_space<vmem>>, vector<16xf32>,
    tpu.vector_store %arg16[%swap3A_215, %swap3A_216], %broadcast_in_dim3A_45 {strides = array<i32>} : memref<1x128xf32, #tpu.memory_space<vmem>>, vector<16xf32>,
    %get3A = arith.constant 0 : index
    %get3A_218 = tpu.vector_load %arg17[%get3A] {strides = array<i32>} : memref<128xi32, #tpu.memory_space<vmem>>, vector<16xi32>,
    %scatter3A = arith.constant 0 : i32
    %scatter3A_219 = arith.constant 0 : i32
    %scatter3A_220 = tpu.memref_slice %arg16[%scatter3A, %scatter3A_219] : memref<1x128xf32, #tpu.memory_space<vmem>> -> memref<1x128xf32, #tpu.memory_space<vmem>>
    %scatter3A_221 = tpu.memref_squeeze %scatter3A_220 : memref<1x128xf32, #tpu.memory_space<vmem>> -> memref<128xf32, #tpu.memory_space<vmem>>
    tpu.vector_store_idx %scatter3A_221[%get3A_218], %broadcast_in_dim3A_47 {add = true} : memref<128xf32, #tpu.memory_space<vmem>>[vector<16xi32>], vector<16xf32>,
    %get3A_222 = arith.constant 16 : index
    %get3A_223 = tpu.vector_load %arg17[%get3A_222] {strides = array<i32>} : memref<128xi32, #tpu.memory_space<vmem>>, vector<16xi32>,
    %scatter3A_224 = arith.constant 0 : i32
    %scatter3A_225 = arith.constant 0 : i32
    %scatter3A_226 = tpu.memref_slice %arg16[%scatter3A_224, %scatter3A_225] : memref<1x128xf32, #tpu.memory_space<vmem>> -> memref<1x128xf32, #tpu.memory_space<vmem>>
    %scatter3A_227 = tpu.memref_squeeze %scatter3A_226 : memref<1x128xf32, #tpu.memory_space<vmem>> -> memref<128xf32, #tpu.memory_space<vmem>>
    tpu.vector_store_idx %scatter3A_227[%get3A_223], %broadcast_in_dim3A_47 {add = true} : memref<128xf32, #tpu.memory_space<vmem>>[vector<16xi32>], vector<16xf32>,
    %get3A_228 = arith.constant 32 : index
    %get3A_229 = tpu.vector_load %arg17[%get3A_228] {strides = array<i32>} : memref<128xi32, #tpu.memory_space<vmem>>, vector<16xi32>,
    %scatter3A_230 = arith.constant 0 : i32
    %scatter3A_231 = arith.constant 0 : i32
    %scatter3A_232 = tpu.memref_slice %arg16[%scatter3A_230, %scatter3A_231] : memref<1x128xf32, #tpu.memory_space<vmem>> -> memref<1x128xf32, #tpu.memory_space<vmem>>
    %scatter3A_233 = tpu.memref_squeeze %scatter3A_232 : memref<1x128xf32, #tpu.memory_space<vmem>> -> memref<128xf32, #tpu.memory_space<vmem>>
    tpu.vector_store_idx %scatter3A_233[%get3A_229], %broadcast_in_dim3A_47 {add = true} : memref<128xf32, #tpu.memory_space<vmem>>[vector<16xi32>], vector<16xf32>,
    %get3A_234 = arith.constant 48 : index
    %get3A_235 = tpu.vector_load %arg17[%get3A_234] {strides = array<i32>} : memref<128xi32, #tpu.memory_space<vmem>>, vector<16xi32>,
    %scatter3A_236 = arith.constant 0 : i32
    %scatter3A_237 = arith.constant 0 : i32
    %scatter3A_238 = tpu.memref_slice %arg16[%scatter3A_236, %scatter3A_237] : memref<1x128xf32, #tpu.memory_space<vmem>> -> memref<1x128xf32, #tpu.memory_space<vmem>>
    %scatter3A_239 = tpu.memref_squeeze %scatter3A_238 : memref<1x128xf32, #tpu.memory_space<vmem>> -> memref<128xf32, #tpu.memory_space<vmem>>
    tpu.vector_store_idx %scatter3A_239[%get3A_235], %broadcast_in_dim3A_47 {add = true} : memref<128xf32, #tpu.memory_space<vmem>>[vector<16xi32>], vector<16xf32>,
    %get3A_240 = arith.constant 64 : index
    %get3A_241 = tpu.vector_load %arg17[%get3A_240] {strides = array<i32>} : memref<128xi32, #tpu.memory_space<vmem>>, vector<16xi32>,
    %scatter3A_242 = arith.constant 0 : i32
    %scatter3A_243 = arith.constant 0 : i32
    %scatter3A_244 = tpu.memref_slice %arg16[%scatter3A_242, %scatter3A_243] : memref<1x128xf32, #tpu.memory_space<vmem>> -> memref<1x128xf32, #tpu.memory_space<vmem>>
    %scatter3A_245 = tpu.memref_squeeze %scatter3A_244 : memref<1x128xf32, #tpu.memory_space<vmem>> -> memref<128xf32, #tpu.memory_space<vmem>>
    tpu.vector_store_idx %scatter3A_245[%get3A_241], %broadcast_in_dim3A_47 {add = true} : memref<128xf32, #tpu.memory_space<vmem>>[vector<16xi32>], vector<16xf32>,
    %get3A_246 = arith.constant 80 : index
    %get3A_247 = tpu.vector_load %arg17[%get3A_246] {strides = array<i32>} : memref<128xi32, #tpu.memory_space<vmem>>, vector<16xi32>,
    %scatter3A_248 = arith.constant 0 : i32
    %scatter3A_249 = arith.constant 0 : i32
    %scatter3A_250 = tpu.memref_slice %arg16[%scatter3A_248, %scatter3A_249] : memref<1x128xf32, #tpu.memory_space<vmem>> -> memref<1x128xf32, #tpu.memory_space<vmem>>
    %scatter3A_251 = tpu.memref_squeeze %scatter3A_250 : memref<1x128xf32, #tpu.memory_space<vmem>> -> memref<128xf32, #tpu.memory_space<vmem>>
    tpu.vector_store_idx %scatter3A_251[%get3A_247], %broadcast_in_dim3A_47 {add = true} : memref<128xf32, #tpu.memory_space<vmem>>[vector<16xi32>], vector<16xf32>,
    %get3A_252 = arith.constant 96 : index
    %get3A_253 = tpu.vector_load %arg17[%get3A_252] {strides = array<i32>} : memref<128xi32, #tpu.memory_space<vmem>>, vector<16xi32>,
    %scatter3A_254 = arith.constant 0 : i32
    %scatter3A_255 = arith.constant 0 : i32
    %scatter3A_256 = tpu.memref_slice %arg16[%scatter3A_254, %scatter3A_255] : memref<1x128xf32, #tpu.memory_space<vmem>> -> memref<1x128xf32, #tpu.memory_space<vmem>>
    %scatter3A_257 = tpu.memref_squeeze %scatter3A_256 : memref<1x128xf32, #tpu.memory_space<vmem>> -> memref<128xf32, #tpu.memory_space<vmem>>
    tpu.vector_store_idx %scatter3A_257[%get3A_253], %broadcast_in_dim3A_47 {add = true} : memref<128xf32, #tpu.memory_space<vmem>>[vector<16xi32>], vector<16xf32>,
    %get3A_258 = arith.constant 112 : index
    %get3A_259 = tpu.vector_load %arg17[%get3A_258] {strides = array<i32>} : memref<128xi32, #tpu.memory_space<vmem>>, vector<16xi32>,
    %scatter3A_260 = arith.constant 0 : i32
    %scatter3A_261 = arith.constant 0 : i32
    %scatter3A_262 = tpu.memref_slice %arg16[%scatter3A_260, %scatter3A_261] : memref<1x128xf32, #tpu.memory_space<vmem>> -> memref<1x128xf32, #tpu.memory_space<vmem>>
    %scatter3A_263 = tpu.memref_squeeze %scatter3A_262 : memref<1x128xf32, #tpu.memory_space<vmem>> -> memref<128xf32, #tpu.memory_space<vmem>>
    tpu.vector_store_idx %scatter3A_263[%get3A_259], %broadcast_in_dim3A_47 {add = true} : memref<128xf32, #tpu.memory_space<vmem>>[vector<16xi32>], vector<16xf32>,
    %scan3A = arith.constant 0 : i32
    %scan3A_264 = arith.constant 0 : i32
    %scan3A_265 = arith.constant 8 : i32
    %scan3A_266 = arith.addi %scan3A_264, %scan3A_265 : i32
    %scan3A_267 = arith.constant 1 : i32
    %scan3A_268 = scf.for %scan3A_329 = %scan3A_264 to %scan3A_266 step %scan3A_267 iter_args(%scan3A_330 = %scan3A) -> (i32)  : i32 {
      %mul3A_331 = arith.constant 16 : i32
      %mul3A_332 = arith.muli %scan3A_329, %mul3A_331 : i32
      %get3A_333 = arith.constant 32 : i32
      %get3A_334 = arith.index_cast %get3A_333 : i32 to index
      %get3A_335 = arith.index_cast %mul3A_332 : i32 to index
      %get3A_336 = tpu.vector_load %arg13[%get3A_334, %get3A_335] {strides = array<i32>} : memref<33x128xf32, #tpu.memory_space<vmem>>, vector<16xf32>,
      %div3A_337 = arith.constant 1.000000e+00 : f32
      %div3A_338 = vector.broadcast %div3A_337 : f32 to vector<16xf32>
      %div3A_339 = arith.divf %div3A_338, %get3A_336 : vector<16xf32>
      %mul3A_340 = arith.constant 16 : i32
      %mul3A_341 = arith.muli %scan3A_329, %mul3A_340 : i32
      %get3A_342 = arith.constant 0 : i32
      %get3A_343 = arith.index_cast %get3A_342 : i32 to index
      %get3A_344 = arith.index_cast %mul3A_341 : i32 to index
      %get3A_345 = tpu.vector_load %arg13[%get3A_343, %get3A_344] {strides = array<i32>} : memref<33x128xf32, #tpu.memory_space<vmem>>, vector<16xf32>,
      %mul3A_346 = arith.mulf %get3A_345, %div3A_339 : vector<16xf32>
      %mul3A_347 = arith.constant 16 : i32
      %mul3A_348 = arith.muli %scan3A_329, %mul3A_347 : i32
      %get3A_349 = arith.constant 1 : i32
      %get3A_350 = arith.index_cast %get3A_349 : i32 to index
      %get3A_351 = arith.index_cast %mul3A_348 : i32 to index
      %get3A_352 = tpu.vector_load %arg13[%get3A_350, %get3A_351] {strides = array<i32>} : memref<33x128xf32, #tpu.memory_space<vmem>>, vector<16xf32>,
      %mul3A_353 = arith.mulf %get3A_352, %div3A_339 : vector<16xf32>
      %mul3A_354 = arith.constant 16 : i32
      %mul3A_355 = arith.muli %scan3A_329, %mul3A_354 : i32
      %get3A_356 = arith.constant 2 : i32
      %get3A_357 = arith.index_cast %get3A_356 : i32 to index
      %get3A_358 = arith.index_cast %mul3A_355 : i32 to index
      %get3A_359 = tpu.vector_load %arg13[%get3A_357, %get3A_358] {strides = array<i32>} : memref<33x128xf32, #tpu.memory_space<vmem>>, vector<16xf32>,
      %mul3A_360 = arith.mulf %get3A_359, %div3A_339 : vector<16xf32>
      %mul3A_361 = arith.constant 16 : i32
      %mul3A_362 = arith.muli %scan3A_329, %mul3A_361 : i32
      %get3A_363 = arith.constant 3 : i32
      %get3A_364 = arith.index_cast %get3A_363 : i32 to index
      %get3A_365 = arith.index_cast %mul3A_362 : i32 to index
      %get3A_366 = tpu.vector_load %arg13[%get3A_364, %get3A_365] {strides = array<i32>} : memref<33x128xf32, #tpu.memory_space<vmem>>, vector<16xf32>,
      %mul3A_367 = arith.mulf %get3A_366, %div3A_339 : vector<16xf32>
      %mul3A_368 = arith.constant 16 : i32
      %mul3A_369 = arith.muli %scan3A_329, %mul3A_368 : i32
      %get3A_370 = arith.constant 4 : i32
      %get3A_371 = arith.index_cast %get3A_370 : i32 to index
      %get3A_372 = arith.index_cast %mul3A_369 : i32 to index
      %get3A_373 = tpu.vector_load %arg13[%get3A_371, %get3A_372] {strides = array<i32>} : memref<33x128xf32, #tpu.memory_space<vmem>>, vector<16xf32>,
      %mul3A_374 = arith.mulf %get3A_373, %div3A_339 : vector<16xf32>
      %mul3A_375 = arith.constant 16 : i32
      %mul3A_376 = arith.muli %scan3A_329, %mul3A_375 : i32
      %get3A_377 = arith.constant 5 : i32
      %get3A_378 = arith.index_cast %get3A_377 : i32 to index
      %get3A_379 = arith.index_cast %mul3A_376 : i32 to index
      %get3A_380 = tpu.vector_load %arg13[%get3A_378, %get3A_379] {strides = array<i32>} : memref<33x128xf32, #tpu.memory_space<vmem>>, vector<16xf32>,
      %mul3A_381 = arith.mulf %get3A_380, %div3A_339 : vector<16xf32>
      %mul3A_382 = arith.constant 16 : i32
      %mul3A_383 = arith.muli %scan3A_329, %mul3A_382 : i32
      %get3A_384 = arith.constant 6 : i32
      %get3A_385 = arith.index_cast %get3A_384 : i32 to index
      %get3A_386 = arith.index_cast %mul3A_383 : i32 to index
      %get3A_387 = tpu.vector_load %arg13[%get3A_385, %get3A_386] {strides = array<i32>} : memref<33x128xf32, #tpu.memory_space<vmem>>, vector<16xf32>,
      %mul3A_388 = arith.mulf %get3A_387, %div3A_339 : vector<16xf32>
      %mul3A_389 = arith.constant 16 : i32
      %mul3A_390 = arith.muli %scan3A_329, %mul3A_389 : i32
      %get3A_391 = arith.constant 7 : i32
      %get3A_392 = arith.index_cast %get3A_391 : i32 to index
      %get3A_393 = arith.index_cast %mul3A_390 : i32 to index
      %get3A_394 = tpu.vector_load %arg13[%get3A_392, %get3A_393] {strides = array<i32>} : memref<33x128xf32, #tpu.memory_space<vmem>>, vector<16xf32>,
      %mul3A_395 = arith.mulf %get3A_394, %div3A_339 : vector<16xf32>
      %mul3A_396 = arith.constant 16 : i32
      %mul3A_397 = arith.muli %scan3A_329, %mul3A_396 : i32
      %get3A_398 = arith.constant 8 : i32
      %get3A_399 = arith.index_cast %get3A_398 : i32 to index
      %get3A_400 = arith.index_cast %mul3A_397 : i32 to index
      %get3A_401 = tpu.vector_load %arg13[%get3A_399, %get3A_400] {strides = array<i32>} : memref<33x128xf32, #tpu.memory_space<vmem>>, vector<16xf32>,
      %mul3A_402 = arith.mulf %get3A_401, %div3A_339 : vector<16xf32>
      %mul3A_403 = arith.constant 16 : i32
      %mul3A_404 = arith.muli %scan3A_329, %mul3A_403 : i32
      %get3A_405 = arith.constant 9 : i32
      %get3A_406 = arith.index_cast %get3A_405 : i32 to index
      %get3A_407 = arith.index_cast %mul3A_404 : i32 to index
      %get3A_408 = tpu.vector_load %arg13[%get3A_406, %get3A_407] {strides = array<i32>} : memref<33x128xf32, #tpu.memory_space<vmem>>, vector<16xf32>,
      %mul3A_409 = arith.mulf %get3A_408, %div3A_339 : vector<16xf32>
      %mul3A_410 = arith.constant 16 : i32
      %mul3A_411 = arith.muli %scan3A_329, %mul3A_410 : i32
      %get3A_412 = arith.constant 10 : i32
      %get3A_413 = arith.index_cast %get3A_412 : i32 to index
      %get3A_414 = arith.index_cast %mul3A_411 : i32 to index
      %get3A_415 = tpu.vector_load %arg13[%get3A_413, %get3A_414] {strides = array<i32>} : memref<33x128xf32, #tpu.memory_space<vmem>>, vector<16xf32>,
      %mul3A_416 = arith.mulf %get3A_415, %div3A_339 : vector<16xf32>
      %mul3A_417 = arith.constant 16 : i32
      %mul3A_418 = arith.muli %scan3A_329, %mul3A_417 : i32
      %get3A_419 = arith.constant 11 : i32
      %get3A_420 = arith.index_cast %get3A_419 : i32 to index
      %get3A_421 = arith.index_cast %mul3A_418 : i32 to index
      %get3A_422 = tpu.vector_load %arg13[%get3A_420, %get3A_421] {strides = array<i32>} : memref<33x128xf32, #tpu.memory_space<vmem>>, vector<16xf32>,
      %mul3A_423 = arith.mulf %get3A_422, %div3A_339 : vector<16xf32>
      %mul3A_424 = arith.constant 16 : i32
      %mul3A_425 = arith.muli %scan3A_329, %mul3A_424 : i32
      %get3A_426 = arith.constant 12 : i32
      %get3A_427 = arith.index_cast %get3A_426 : i32 to index
      %get3A_428 = arith.index_cast %mul3A_425 : i32 to index
      %get3A_429 = tpu.vector_load %arg13[%get3A_427, %get3A_428] {strides = array<i32>} : memref<33x128xf32, #tpu.memory_space<vmem>>, vector<16xf32>,
      %mul3A_430 = arith.mulf %get3A_429, %div3A_339 : vector<16xf32>
      %mul3A_431 = arith.constant 16 : i32
      %mul3A_432 = arith.muli %scan3A_329, %mul3A_431 : i32
      %get3A_433 = arith.constant 13 : i32
      %get3A_434 = arith.index_cast %get3A_433 : i32 to index
      %get3A_435 = arith.index_cast %mul3A_432 : i32 to index
      %get3A_436 = tpu.vector_load %arg13[%get3A_434, %get3A_435] {strides = array<i32>} : memref<33x128xf32, #tpu.memory_space<vmem>>, vector<16xf32>,
      %mul3A_437 = arith.mulf %get3A_436, %div3A_339 : vector<16xf32>
      %mul3A_438 = arith.constant 16 : i32
      %mul3A_439 = arith.muli %scan3A_329, %mul3A_438 : i32
      %get3A_440 = arith.constant 14 : i32
      %get3A_441 = arith.index_cast %get3A_440 : i32 to index
      %get3A_442 = arith.index_cast %mul3A_439 : i32 to index
      %get3A_443 = tpu.vector_load %arg13[%get3A_441, %get3A_442] {strides = array<i32>} : memref<33x128xf32, #tpu.memory_space<vmem>>, vector<16xf32>,
      %mul3A_444 = arith.mulf %get3A_443, %div3A_339 : vector<16xf32>
      %mul3A_445 = arith.constant 16 : i32
      %mul3A_446 = arith.muli %scan3A_329, %mul3A_445 : i32
      %get3A_447 = arith.constant 15 : i32
      %get3A_448 = arith.index_cast %get3A_447 : i32 to index
      %get3A_449 = arith.index_cast %mul3A_446 : i32 to index
      %get3A_450 = tpu.vector_load %arg13[%get3A_448, %get3A_449] {strides = array<i32>} : memref<33x128xf32, #tpu.memory_space<vmem>>, vector<16xf32>,
      %mul3A_451 = arith.mulf %get3A_450, %div3A_339 : vector<16xf32>
      %mul3A_452 = arith.constant 16 : i32
      %mul3A_453 = arith.muli %scan3A_329, %mul3A_452 : i32
      %get3A_454 = arith.constant 16 : i32
      %get3A_455 = arith.index_cast %get3A_454 : i32 to index
      %get3A_456 = arith.index_cast %mul3A_453 : i32 to index
      %get3A_457 = tpu.vector_load %arg13[%get3A_455, %get3A_456] {strides = array<i32>} : memref<33x128xf32, #tpu.memory_space<vmem>>, vector<16xf32>,
      %mul3A_458 = arith.mulf %get3A_457, %div3A_339 : vector<16xf32>
      %mul3A_459 = arith.constant 16 : i32
      %mul3A_460 = arith.muli %scan3A_329, %mul3A_459 : i32
      %get3A_461 = arith.constant 17 : i32
      %get3A_462 = arith.index_cast %get3A_461 : i32 to index
      %get3A_463 = arith.index_cast %mul3A_460 : i32 to index
      %get3A_464 = tpu.vector_load %arg13[%get3A_462, %get3A_463] {strides = array<i32>} : memref<33x128xf32, #tpu.memory_space<vmem>>, vector<16xf32>,
      %mul3A_465 = arith.mulf %get3A_464, %div3A_339 : vector<16xf32>
      %mul3A_466 = arith.constant 16 : i32
      %mul3A_467 = arith.muli %scan3A_329, %mul3A_466 : i32
      %get3A_468 = arith.constant 18 : i32
      %get3A_469 = arith.index_cast %get3A_468 : i32 to index
      %get3A_470 = arith.index_cast %mul3A_467 : i32 to index
      %get3A_471 = tpu.vector_load %arg13[%get3A_469, %get3A_470] {strides = array<i32>} : memref<33x128xf32, #tpu.memory_space<vmem>>, vector<16xf32>,
      %mul3A_472 = arith.mulf %get3A_471, %div3A_339 : vector<16xf32>
      %mul3A_473 = arith.constant 16 : i32
      %mul3A_474 = arith.muli %scan3A_329, %mul3A_473 : i32
      %get3A_475 = arith.constant 19 : i32
      %get3A_476 = arith.index_cast %get3A_475 : i32 to index
      %get3A_477 = arith.index_cast %mul3A_474 : i32 to index
      %get3A_478 = tpu.vector_load %arg13[%get3A_476, %get3A_477] {strides = array<i32>} : memref<33x128xf32, #tpu.memory_space<vmem>>, vector<16xf32>,
      %mul3A_479 = arith.mulf %get3A_478, %div3A_339 : vector<16xf32>
      %mul3A_480 = arith.constant 16 : i32
      %mul3A_481 = arith.muli %scan3A_329, %mul3A_480 : i32
      %get3A_482 = arith.constant 20 : i32
      %get3A_483 = arith.index_cast %get3A_482 : i32 to index
      %get3A_484 = arith.index_cast %mul3A_481 : i32 to index
      %get3A_485 = tpu.vector_load %arg13[%get3A_483, %get3A_484] {strides = array<i32>} : memref<33x128xf32, #tpu.memory_space<vmem>>, vector<16xf32>,
      %mul3A_486 = arith.mulf %get3A_485, %div3A_339 : vector<16xf32>
      %mul3A_487 = arith.constant 16 : i32
      %mul3A_488 = arith.muli %scan3A_329, %mul3A_487 : i32
      %get3A_489 = arith.constant 21 : i32
      %get3A_490 = arith.index_cast %get3A_489 : i32 to index
      %get3A_491 = arith.index_cast %mul3A_488 : i32 to index
      %get3A_492 = tpu.vector_load %arg13[%get3A_490, %get3A_491] {strides = array<i32>} : memref<33x128xf32, #tpu.memory_space<vmem>>, vector<16xf32>,
      %mul3A_493 = arith.mulf %get3A_492, %div3A_339 : vector<16xf32>
      %mul3A_494 = arith.constant 16 : i32
      %mul3A_495 = arith.muli %scan3A_329, %mul3A_494 : i32
      %get3A_496 = arith.constant 22 : i32
      %get3A_497 = arith.index_cast %get3A_496 : i32 to index
      %get3A_498 = arith.index_cast %mul3A_495 : i32 to index
      %get3A_499 = tpu.vector_load %arg13[%get3A_497, %get3A_498] {strides = array<i32>} : memref<33x128xf32, #tpu.memory_space<vmem>>, vector<16xf32>,
      %mul3A_500 = arith.mulf %get3A_499, %div3A_339 : vector<16xf32>
      %mul3A_501 = arith.constant 16 : i32
      %mul3A_502 = arith.muli %scan3A_329, %mul3A_501 : i32
      %get3A_503 = arith.constant 23 : i32
      %get3A_504 = arith.index_cast %get3A_503 : i32 to index
      %get3A_505 = arith.index_cast %mul3A_502 : i32 to index
      %get3A_506 = tpu.vector_load %arg13[%get3A_504, %get3A_505] {strides = array<i32>} : memref<33x128xf32, #tpu.memory_space<vmem>>, vector<16xf32>,
      %mul3A_507 = arith.mulf %get3A_506, %div3A_339 : vector<16xf32>
      %mul3A_508 = arith.constant 16 : i32
      %mul3A_509 = arith.muli %scan3A_329, %mul3A_508 : i32
      %get3A_510 = arith.constant 24 : i32
      %get3A_511 = arith.index_cast %get3A_510 : i32 to index
      %get3A_512 = arith.index_cast %mul3A_509 : i32 to index
      %get3A_513 = tpu.vector_load %arg13[%get3A_511, %get3A_512] {strides = array<i32>} : memref<33x128xf32, #tpu.memory_space<vmem>>, vector<16xf32>,
      %mul3A_514 = arith.mulf %get3A_513, %div3A_339 : vector<16xf32>
      %mul3A_515 = arith.constant 16 : i32
      %mul3A_516 = arith.muli %scan3A_329, %mul3A_515 : i32
      %get3A_517 = arith.constant 25 : i32
      %get3A_518 = arith.index_cast %get3A_517 : i32 to index
      %get3A_519 = arith.index_cast %mul3A_516 : i32 to index
      %get3A_520 = tpu.vector_load %arg13[%get3A_518, %get3A_519] {strides = array<i32>} : memref<33x128xf32, #tpu.memory_space<vmem>>, vector<16xf32>,
      %mul3A_521 = arith.mulf %get3A_520, %div3A_339 : vector<16xf32>
      %mul3A_522 = arith.constant 16 : i32
      %mul3A_523 = arith.muli %scan3A_329, %mul3A_522 : i32
      %get3A_524 = arith.constant 26 : i32
      %get3A_525 = arith.index_cast %get3A_524 : i32 to index
      %get3A_526 = arith.index_cast %mul3A_523 : i32 to index
      %get3A_527 = tpu.vector_load %arg13[%get3A_525, %get3A_526] {strides = array<i32>} : memref<33x128xf32, #tpu.memory_space<vmem>>, vector<16xf32>,
      %mul3A_528 = arith.mulf %get3A_527, %div3A_339 : vector<16xf32>
      %mul3A_529 = arith.constant 16 : i32
      %mul3A_530 = arith.muli %scan3A_329, %mul3A_529 : i32
      %get3A_531 = arith.constant 27 : i32
      %get3A_532 = arith.index_cast %get3A_531 : i32 to index
      %get3A_533 = arith.index_cast %mul3A_530 : i32 to index
      %get3A_534 = tpu.vector_load %arg13[%get3A_532, %get3A_533] {strides = array<i32>} : memref<33x128xf32, #tpu.memory_space<vmem>>, vector<16xf32>,
      %mul3A_535 = arith.mulf %get3A_534, %div3A_339 : vector<16xf32>
      %mul3A_536 = arith.constant 16 : i32
      %mul3A_537 = arith.muli %scan3A_329, %mul3A_536 : i32
      %get3A_538 = arith.constant 28 : i32
      %get3A_539 = arith.index_cast %get3A_538 : i32 to index
      %get3A_540 = arith.index_cast %mul3A_537 : i32 to index
      %get3A_541 = tpu.vector_load %arg13[%get3A_539, %get3A_540] {strides = array<i32>} : memref<33x128xf32, #tpu.memory_space<vmem>>, vector<16xf32>,
      %mul3A_542 = arith.mulf %get3A_541, %div3A_339 : vector<16xf32>
      %mul3A_543 = arith.constant 16 : i32
      %mul3A_544 = arith.muli %scan3A_329, %mul3A_543 : i32
      %get3A_545 = arith.constant 29 : i32
      %get3A_546 = arith.index_cast %get3A_545 : i32 to index
      %get3A_547 = arith.index_cast %mul3A_544 : i32 to index
      %get3A_548 = tpu.vector_load %arg13[%get3A_546, %get3A_547] {strides = array<i32>} : memref<33x128xf32, #tpu.memory_space<vmem>>, vector<16xf32>,
      %mul3A_549 = arith.mulf %get3A_548, %div3A_339 : vector<16xf32>
      %mul3A_550 = arith.constant 16 : i32
      %mul3A_551 = arith.muli %scan3A_329, %mul3A_550 : i32
      %get3A_552 = arith.constant 30 : i32
      %get3A_553 = arith.index_cast %get3A_552 : i32 to index
      %get3A_554 = arith.index_cast %mul3A_551 : i32 to index
      %get3A_555 = tpu.vector_load %arg13[%get3A_553, %get3A_554] {strides = array<i32>} : memref<33x128xf32, #tpu.memory_space<vmem>>, vector<16xf32>,
      %mul3A_556 = arith.mulf %get3A_555, %div3A_339 : vector<16xf32>
      %mul3A_557 = arith.constant 16 : i32
      %mul3A_558 = arith.muli %scan3A_329, %mul3A_557 : i32
      %get3A_559 = arith.constant 31 : i32
      %get3A_560 = arith.index_cast %get3A_559 : i32 to index
      %get3A_561 = arith.index_cast %mul3A_558 : i32 to index
      %get3A_562 = tpu.vector_load %arg13[%get3A_560, %get3A_561] {strides = array<i32>} : memref<33x128xf32, #tpu.memory_space<vmem>>, vector<16xf32>,
      %mul3A_563 = arith.mulf %get3A_562, %div3A_339 : vector<16xf32>
      %mul3A_564 = arith.mulf %mul3A_346, %mul3A_346 : vector<16xf32>
      %add3A_565 = arith.addf %broadcast_in_dim3A_45, %mul3A_564 : vector<16xf32>
      %mul3A_566 = arith.mulf %mul3A_458, %mul3A_458 : vector<16xf32>
      %add3A_567 = arith.addf %broadcast_in_dim3A_45, %mul3A_566 : vector<16xf32>
      %mul3A_568 = arith.mulf %mul3A_353, %mul3A_353 : vector<16xf32>
      %add3A_569 = arith.addf %add3A_565, %mul3A_568 : vector<16xf32>
      %mul3A_570 = arith.mulf %mul3A_465, %mul3A_465 : vector<16xf32>
      %add3A_571 = arith.addf %add3A_567, %mul3A_570 : vector<16xf32>
      %mul3A_572 = arith.mulf %mul3A_360, %mul3A_360 : vector<16xf32>
      %add3A_573 = arith.addf %add3A_569, %mul3A_572 : vector<16xf32>
      %mul3A_574 = arith.mulf %mul3A_472, %mul3A_472 : vector<16xf32>
      %add3A_575 = arith.addf %add3A_571, %mul3A_574 : vector<16xf32>
      %mul3A_576 = arith.mulf %mul3A_367, %mul3A_367 : vector<16xf32>
      %add3A_577 = arith.addf %add3A_573, %mul3A_576 : vector<16xf32>
      %mul3A_578 = arith.mulf %mul3A_479, %mul3A_479 : vector<16xf32>
      %add3A_579 = arith.addf %add3A_575, %mul3A_578 : vector<16xf32>
      %mul3A_580 = arith.mulf %mul3A_374, %mul3A_374 : vector<16xf32>
      %add3A_581 = arith.addf %add3A_577, %mul3A_580 : vector<16xf32>
      %mul3A_582 = arith.mulf %mul3A_486, %mul3A_486 : vector<16xf32>
      %add3A_583 = arith.addf %add3A_579, %mul3A_582 : vector<16xf32>
      %mul3A_584 = arith.mulf %mul3A_381, %mul3A_381 : vector<16xf32>
      %add3A_585 = arith.addf %add3A_581, %mul3A_584 : vector<16xf32>
      %mul3A_586 = arith.mulf %mul3A_493, %mul3A_493 : vector<16xf32>
      %add3A_587 = arith.addf %add3A_583, %mul3A_586 : vector<16xf32>
      %mul3A_588 = arith.mulf %mul3A_388, %mul3A_388 : vector<16xf32>
      %add3A_589 = arith.addf %add3A_585, %mul3A_588 : vector<16xf32>
      %mul3A_590 = arith.mulf %mul3A_500, %mul3A_500 : vector<16xf32>
      %add3A_591 = arith.addf %add3A_587, %mul3A_590 : vector<16xf32>
      %mul3A_592 = arith.mulf %mul3A_395, %mul3A_395 : vector<16xf32>
      %add3A_593 = arith.addf %add3A_589, %mul3A_592 : vector<16xf32>
      %mul3A_594 = arith.mulf %mul3A_507, %mul3A_507 : vector<16xf32>
      %add3A_595 = arith.addf %add3A_591, %mul3A_594 : vector<16xf32>
      %mul3A_596 = arith.mulf %mul3A_402, %mul3A_402 : vector<16xf32>
      %add3A_597 = arith.addf %add3A_593, %mul3A_596 : vector<16xf32>
      %mul3A_598 = arith.mulf %mul3A_514, %mul3A_514 : vector<16xf32>
      %add3A_599 = arith.addf %add3A_595, %mul3A_598 : vector<16xf32>
      %mul3A_600 = arith.mulf %mul3A_409, %mul3A_409 : vector<16xf32>
      %add3A_601 = arith.addf %add3A_597, %mul3A_600 : vector<16xf32>
      %mul3A_602 = arith.mulf %mul3A_521, %mul3A_521 : vector<16xf32>
      %add3A_603 = arith.addf %add3A_599, %mul3A_602 : vector<16xf32>
      %mul3A_604 = arith.mulf %mul3A_416, %mul3A_416 : vector<16xf32>
      %add3A_605 = arith.addf %add3A_601, %mul3A_604 : vector<16xf32>
      %mul3A_606 = arith.mulf %mul3A_528, %mul3A_528 : vector<16xf32>
      %add3A_607 = arith.addf %add3A_603, %mul3A_606 : vector<16xf32>
      %mul3A_608 = arith.mulf %mul3A_423, %mul3A_423 : vector<16xf32>
      %add3A_609 = arith.addf %add3A_605, %mul3A_608 : vector<16xf32>
      %mul3A_610 = arith.mulf %mul3A_535, %mul3A_535 : vector<16xf32>
      %add3A_611 = arith.addf %add3A_607, %mul3A_610 : vector<16xf32>
      %mul3A_612 = arith.mulf %mul3A_430, %mul3A_430 : vector<16xf32>
      %add3A_613 = arith.addf %add3A_609, %mul3A_612 : vector<16xf32>
      %mul3A_614 = arith.mulf %mul3A_542, %mul3A_542 : vector<16xf32>
      %add3A_615 = arith.addf %add3A_611, %mul3A_614 : vector<16xf32>
      %mul3A_616 = arith.mulf %mul3A_437, %mul3A_437 : vector<16xf32>
      %add3A_617 = arith.addf %add3A_613, %mul3A_616 : vector<16xf32>
      %mul3A_618 = arith.mulf %mul3A_549, %mul3A_549 : vector<16xf32>
      %add3A_619 = arith.addf %add3A_615, %mul3A_618 : vector<16xf32>
      %mul3A_620 = arith.mulf %mul3A_444, %mul3A_444 : vector<16xf32>
      %add3A_621 = arith.addf %add3A_617, %mul3A_620 : vector<16xf32>
      %mul3A_622 = arith.mulf %mul3A_556, %mul3A_556 : vector<16xf32>
      %add3A_623 = arith.addf %add3A_619, %mul3A_622 : vector<16xf32>
      %mul3A_624 = arith.mulf %mul3A_451, %mul3A_451 : vector<16xf32>
      %add3A_625 = arith.addf %add3A_621, %mul3A_624 : vector<16xf32>
      %mul3A_626 = arith.mulf %mul3A_563, %mul3A_563 : vector<16xf32>
      %add3A_627 = arith.addf %add3A_623, %mul3A_626 : vector<16xf32>
      %bitcast3A = vector.bitcast %add3A_625 : vector<16xf32> to vector<16xi32>
      %shift_right_logical3A = arith.constant 1 : i32
      %shift_right_logical3A_628 = vector.broadcast %shift_right_logical3A : i32 to vector<16xi32>
      %shift_right_logical3A_629 = arith.shrui %bitcast3A, %shift_right_logical3A_628 : vector<16xi32>
      %sub3A_630 = arith.constant 1597463007 : i32
      %sub3A_631 = vector.broadcast %sub3A_630 : i32 to vector<16xi32>
      %sub3A_632 = arith.subi %sub3A_631, %shift_right_logical3A_629 : vector<16xi32>
      %bitcast3A_633 = vector.bitcast %sub3A_632 : vector<16xi32> to vector<16xf32>
      %mul3A_634 = arith.constant 5.000000e-01 : f32
      %mul3A_635 = vector.broadcast %mul3A_634 : f32 to vector<16xf32>
      %mul3A_636 = arith.mulf %mul3A_635, %add3A_625 : vector<16xf32>
      %mul3A_637 = arith.mulf %mul3A_636, %bitcast3A_633 : vector<16xf32>
      %mul3A_638 = arith.mulf %mul3A_637, %bitcast3A_633 : vector<16xf32>
      %sub3A_639 = arith.constant 1.500000e+00 : f32
      %sub3A_640 = vector.broadcast %sub3A_639 : f32 to vector<16xf32>
      %sub3A_641 = arith.subf %sub3A_640, %mul3A_638 : vector<16xf32>
      %mul3A_642 = arith.mulf %bitcast3A_633, %sub3A_641 : vector<16xf32>
      %mul3A_643 = arith.constant 5.000000e-01 : f32
      %mul3A_644 = vector.broadcast %mul3A_643 : f32 to vector<16xf32>
      %mul3A_645 = arith.mulf %mul3A_644, %add3A_625 : vector<16xf32>
      %mul3A_646 = arith.mulf %mul3A_645, %mul3A_642 : vector<16xf32>
      %mul3A_647 = arith.mulf %mul3A_646, %mul3A_642 : vector<16xf32>
      %sub3A_648 = arith.constant 1.500000e+00 : f32
      %sub3A_649 = vector.broadcast %sub3A_648 : f32 to vector<16xf32>
      %sub3A_650 = arith.subf %sub3A_649, %mul3A_647 : vector<16xf32>
      %mul3A_651 = arith.mulf %mul3A_642, %sub3A_650 : vector<16xf32>
      %mul3A_652 = arith.constant 5.000000e-01 : f32
      %mul3A_653 = vector.broadcast %mul3A_652 : f32 to vector<16xf32>
      %mul3A_654 = arith.mulf %mul3A_653, %add3A_625 : vector<16xf32>
      %mul3A_655 = arith.mulf %mul3A_654, %mul3A_651 : vector<16xf32>
      %mul3A_656 = arith.mulf %mul3A_655, %mul3A_651 : vector<16xf32>
      %sub3A_657 = arith.constant 1.500000e+00 : f32
      %sub3A_658 = vector.broadcast %sub3A_657 : f32 to vector<16xf32>
      %sub3A_659 = arith.subf %sub3A_658, %mul3A_656 : vector<16xf32>
      %mul3A_660 = arith.mulf %mul3A_651, %sub3A_659 : vector<16xf32>
      %bitcast3A_661 = vector.bitcast %add3A_627 : vector<16xf32> to vector<16xi32>
      %shift_right_logical3A_662 = arith.constant 1 : i32
      %shift_right_logical3A_663 = vector.broadcast %shift_right_logical3A_662 : i32 to vector<16xi32>
      %shift_right_logical3A_664 = arith.shrui %bitcast3A_661, %shift_right_logical3A_663 : vector<16xi32>
      %sub3A_665 = arith.constant 1597463007 : i32
      %sub3A_666 = vector.broadcast %sub3A_665 : i32 to vector<16xi32>
      %sub3A_667 = arith.subi %sub3A_666, %shift_right_logical3A_664 : vector<16xi32>
      %bitcast3A_668 = vector.bitcast %sub3A_667 : vector<16xi32> to vector<16xf32>
      %mul3A_669 = arith.constant 5.000000e-01 : f32
      %mul3A_670 = vector.broadcast %mul3A_669 : f32 to vector<16xf32>
      %mul3A_671 = arith.mulf %mul3A_670, %add3A_627 : vector<16xf32>
      %mul3A_672 = arith.mulf %mul3A_671, %bitcast3A_668 : vector<16xf32>
      %mul3A_673 = arith.mulf %mul3A_672, %bitcast3A_668 : vector<16xf32>
      %sub3A_674 = arith.constant 1.500000e+00 : f32
      %sub3A_675 = vector.broadcast %sub3A_674 : f32 to vector<16xf32>
      %sub3A_676 = arith.subf %sub3A_675, %mul3A_673 : vector<16xf32>
      %mul3A_677 = arith.mulf %bitcast3A_668, %sub3A_676 : vector<16xf32>
      %mul3A_678 = arith.constant 5.000000e-01 : f32
      %mul3A_679 = vector.broadcast %mul3A_678 : f32 to vector<16xf32>
      %mul3A_680 = arith.mulf %mul3A_679, %add3A_627 : vector<16xf32>
      %mul3A_681 = arith.mulf %mul3A_680, %mul3A_677 : vector<16xf32>
      %mul3A_682 = arith.mulf %mul3A_681, %mul3A_677 : vector<16xf32>
      %sub3A_683 = arith.constant 1.500000e+00 : f32
      %sub3A_684 = vector.broadcast %sub3A_683 : f32 to vector<16xf32>
      %sub3A_685 = arith.subf %sub3A_684, %mul3A_682 : vector<16xf32>
      %mul3A_686 = arith.mulf %mul3A_677, %sub3A_685 : vector<16xf32>
      %mul3A_687 = arith.constant 5.000000e-01 : f32
      %mul3A_688 = vector.broadcast %mul3A_687 : f32 to vector<16xf32>
      %mul3A_689 = arith.mulf %mul3A_688, %add3A_627 : vector<16xf32>
      %mul3A_690 = arith.mulf %mul3A_689, %mul3A_686 : vector<16xf32>
      %mul3A_691 = arith.mulf %mul3A_690, %mul3A_686 : vector<16xf32>
      %sub3A_692 = arith.constant 1.500000e+00 : f32
      %sub3A_693 = vector.broadcast %sub3A_692 : f32 to vector<16xf32>
      %sub3A_694 = arith.subf %sub3A_693, %mul3A_691 : vector<16xf32>
      %mul3A_695 = arith.mulf %mul3A_686, %sub3A_694 : vector<16xf32>
      %mul3A_696 = arith.mulf %mul3A_346, %mul3A_660 : vector<16xf32>
      %add3A_697 = arith.constant 1.000000e-10 : f32
      %add3A_698 = vector.broadcast %add3A_697 : f32 to vector<16xf32>
      %add3A_699 = arith.addf %mul3A_696, %add3A_698 : vector<16xf32>
      %mul3A_700 = arith.constant 16 : i32
      %mul3A_701 = arith.muli %scan3A_329, %mul3A_700 : i32
      %swap3A_702 = arith.constant 0 : i32
      %swap3A_703 = arith.index_cast %swap3A_702 : i32 to index
      %swap3A_704 = arith.index_cast %mul3A_701 : i32 to index
      %swap3A_705 = tpu.vector_load %arg14[%swap3A_703, %swap3A_704] {strides = array<i32>} : memref<32x128xf32, #tpu.memory_space<vmem>>, vector<16xf32>,
      tpu.vector_store %arg14[%swap3A_703, %swap3A_704], %add3A_699 {strides = array<i32>} : memref<32x128xf32, #tpu.memory_space<vmem>>, vector<16xf32>,
      %mul3A_706 = arith.mulf %mul3A_458, %mul3A_695 : vector<16xf32>
      %add3A_707 = arith.constant 1.000000e-10 : f32
      %add3A_708 = vector.broadcast %add3A_707 : f32 to vector<16xf32>
      %add3A_709 = arith.addf %mul3A_706, %add3A_708 : vector<16xf32>
      %mul3A_710 = arith.constant 16 : i32
      %mul3A_711 = arith.muli %scan3A_329, %mul3A_710 : i32
      %swap3A_712 = arith.constant 16 : i32
      %swap3A_713 = arith.index_cast %swap3A_712 : i32 to index
      %swap3A_714 = arith.index_cast %mul3A_711 : i32 to index
      %swap3A_715 = tpu.vector_load %arg14[%swap3A_713, %swap3A_714] {strides = array<i32>} : memref<32x128xf32, #tpu.memory_space<vmem>>, vector<16xf32>,
      tpu.vector_store %arg14[%swap3A_713, %swap3A_714], %add3A_709 {strides = array<i32>} : memref<32x128xf32, #tpu.memory_space<vmem>>, vector<16xf32>,
      %mul3A_716 = arith.mulf %mul3A_353, %mul3A_660 : vector<16xf32>
      %add3A_717 = arith.constant 1.000000e-10 : f32
      %add3A_718 = vector.broadcast %add3A_717 : f32 to vector<16xf32>
      %add3A_719 = arith.addf %mul3A_716, %add3A_718 : vector<16xf32>
      %mul3A_720 = arith.constant 16 : i32
      %mul3A_721 = arith.muli %scan3A_329, %mul3A_720 : i32
      %swap3A_722 = arith.constant 1 : i32
      %swap3A_723 = arith.index_cast %swap3A_722 : i32 to index
      %swap3A_724 = arith.index_cast %mul3A_721 : i32 to index
      %swap3A_725 = tpu.vector_load %arg14[%swap3A_723, %swap3A_724] {strides = array<i32>} : memref<32x128xf32, #tpu.memory_space<vmem>>, vector<16xf32>,
      tpu.vector_store %arg14[%swap3A_723, %swap3A_724], %add3A_719 {strides = array<i32>} : memref<32x128xf32, #tpu.memory_space<vmem>>, vector<16xf32>,
      %mul3A_726 = arith.mulf %mul3A_465, %mul3A_695 : vector<16xf32>
      %add3A_727 = arith.constant 1.000000e-10 : f32
      %add3A_728 = vector.broadcast %add3A_727 : f32 to vector<16xf32>
      %add3A_729 = arith.addf %mul3A_726, %add3A_728 : vector<16xf32>
      %mul3A_730 = arith.constant 16 : i32
      %mul3A_731 = arith.muli %scan3A_329, %mul3A_730 : i32
      %swap3A_732 = arith.constant 17 : i32
      %swap3A_733 = arith.index_cast %swap3A_732 : i32 to index
      %swap3A_734 = arith.index_cast %mul3A_731 : i32 to index
      %swap3A_735 = tpu.vector_load %arg14[%swap3A_733, %swap3A_734] {strides = array<i32>} : memref<32x128xf32, #tpu.memory_space<vmem>>, vector<16xf32>,
      tpu.vector_store %arg14[%swap3A_733, %swap3A_734], %add3A_729 {strides = array<i32>} : memref<32x128xf32, #tpu.memory_space<vmem>>, vector<16xf32>,
      %mul3A_736 = arith.mulf %mul3A_360, %mul3A_660 : vector<16xf32>
      %add3A_737 = arith.constant 1.000000e-10 : f32
      %add3A_738 = vector.broadcast %add3A_737 : f32 to vector<16xf32>
      %add3A_739 = arith.addf %mul3A_736, %add3A_738 : vector<16xf32>
      %mul3A_740 = arith.constant 16 : i32
      %mul3A_741 = arith.muli %scan3A_329, %mul3A_740 : i32
      %swap3A_742 = arith.constant 2 : i32
      %swap3A_743 = arith.index_cast %swap3A_742 : i32 to index
      %swap3A_744 = arith.index_cast %mul3A_741 : i32 to index
      %swap3A_745 = tpu.vector_load %arg14[%swap3A_743, %swap3A_744] {strides = array<i32>} : memref<32x128xf32, #tpu.memory_space<vmem>>, vector<16xf32>,
      tpu.vector_store %arg14[%swap3A_743, %swap3A_744], %add3A_739 {strides = array<i32>} : memref<32x128xf32, #tpu.memory_space<vmem>>, vector<16xf32>,
      %mul3A_746 = arith.mulf %mul3A_472, %mul3A_695 : vector<16xf32>
      %add3A_747 = arith.constant 1.000000e-10 : f32
      %add3A_748 = vector.broadcast %add3A_747 : f32 to vector<16xf32>
      %add3A_749 = arith.addf %mul3A_746, %add3A_748 : vector<16xf32>
      %mul3A_750 = arith.constant 16 : i32
      %mul3A_751 = arith.muli %scan3A_329, %mul3A_750 : i32
      %swap3A_752 = arith.constant 18 : i32
      %swap3A_753 = arith.index_cast %swap3A_752 : i32 to index
      %swap3A_754 = arith.index_cast %mul3A_751 : i32 to index
      %swap3A_755 = tpu.vector_load %arg14[%swap3A_753, %swap3A_754] {strides = array<i32>} : memref<32x128xf32, #tpu.memory_space<vmem>>, vector<16xf32>,
      tpu.vector_store %arg14[%swap3A_753, %swap3A_754], %add3A_749 {strides = array<i32>} : memref<32x128xf32, #tpu.memory_space<vmem>>, vector<16xf32>,
      %mul3A_756 = arith.mulf %mul3A_367, %mul3A_660 : vector<16xf32>
      %add3A_757 = arith.constant 1.000000e-10 : f32
      %add3A_758 = vector.broadcast %add3A_757 : f32 to vector<16xf32>
      %add3A_759 = arith.addf %mul3A_756, %add3A_758 : vector<16xf32>
      %mul3A_760 = arith.constant 16 : i32
      %mul3A_761 = arith.muli %scan3A_329, %mul3A_760 : i32
      %swap3A_762 = arith.constant 3 : i32
      %swap3A_763 = arith.index_cast %swap3A_762 : i32 to index
      %swap3A_764 = arith.index_cast %mul3A_761 : i32 to index
      %swap3A_765 = tpu.vector_load %arg14[%swap3A_763, %swap3A_764] {strides = array<i32>} : memref<32x128xf32, #tpu.memory_space<vmem>>, vector<16xf32>,
      tpu.vector_store %arg14[%swap3A_763, %swap3A_764], %add3A_759 {strides = array<i32>} : memref<32x128xf32, #tpu.memory_space<vmem>>, vector<16xf32>,
      %mul3A_766 = arith.mulf %mul3A_479, %mul3A_695 : vector<16xf32>
      %add3A_767 = arith.constant 1.000000e-10 : f32
      %add3A_768 = vector.broadcast %add3A_767 : f32 to vector<16xf32>
      %add3A_769 = arith.addf %mul3A_766, %add3A_768 : vector<16xf32>
      %mul3A_770 = arith.constant 16 : i32
      %mul3A_771 = arith.muli %scan3A_329, %mul3A_770 : i32
      %swap3A_772 = arith.constant 19 : i32
      %swap3A_773 = arith.index_cast %swap3A_772 : i32 to index
      %swap3A_774 = arith.index_cast %mul3A_771 : i32 to index
      %swap3A_775 = tpu.vector_load %arg14[%swap3A_773, %swap3A_774] {strides = array<i32>} : memref<32x128xf32, #tpu.memory_space<vmem>>, vector<16xf32>,
      tpu.vector_store %arg14[%swap3A_773, %swap3A_774], %add3A_769 {strides = array<i32>} : memref<32x128xf32, #tpu.memory_space<vmem>>, vector<16xf32>,
      %mul3A_776 = arith.mulf %mul3A_374, %mul3A_660 : vector<16xf32>
      %add3A_777 = arith.constant 1.000000e-10 : f32
      %add3A_778 = vector.broadcast %add3A_777 : f32 to vector<16xf32>
      %add3A_779 = arith.addf %mul3A_776, %add3A_778 : vector<16xf32>
      %mul3A_780 = arith.constant 16 : i32
      %mul3A_781 = arith.muli %scan3A_329, %mul3A_780 : i32
      %swap3A_782 = arith.constant 4 : i32
      %swap3A_783 = arith.index_cast %swap3A_782 : i32 to index
      %swap3A_784 = arith.index_cast %mul3A_781 : i32 to index
      %swap3A_785 = tpu.vector_load %arg14[%swap3A_783, %swap3A_784] {strides = array<i32>} : memref<32x128xf32, #tpu.memory_space<vmem>>, vector<16xf32>,
      tpu.vector_store %arg14[%swap3A_783, %swap3A_784], %add3A_779 {strides = array<i32>} : memref<32x128xf32, #tpu.memory_space<vmem>>, vector<16xf32>,
      %mul3A_786 = arith.mulf %mul3A_486, %mul3A_695 : vector<16xf32>
      %add3A_787 = arith.constant 1.000000e-10 : f32
      %add3A_788 = vector.broadcast %add3A_787 : f32 to vector<16xf32>
      %add3A_789 = arith.addf %mul3A_786, %add3A_788 : vector<16xf32>
      %mul3A_790 = arith.constant 16 : i32
      %mul3A_791 = arith.muli %scan3A_329, %mul3A_790 : i32
      %swap3A_792 = arith.constant 20 : i32
      %swap3A_793 = arith.index_cast %swap3A_792 : i32 to index
      %swap3A_794 = arith.index_cast %mul3A_791 : i32 to index
      %swap3A_795 = tpu.vector_load %arg14[%swap3A_793, %swap3A_794] {strides = array<i32>} : memref<32x128xf32, #tpu.memory_space<vmem>>, vector<16xf32>,
      tpu.vector_store %arg14[%swap3A_793, %swap3A_794], %add3A_789 {strides = array<i32>} : memref<32x128xf32, #tpu.memory_space<vmem>>, vector<16xf32>,
      %mul3A_796 = arith.mulf %mul3A_381, %mul3A_660 : vector<16xf32>
      %add3A_797 = arith.constant 1.000000e-10 : f32
      %add3A_798 = vector.broadcast %add3A_797 : f32 to vector<16xf32>
      %add3A_799 = arith.addf %mul3A_796, %add3A_798 : vector<16xf32>
      %mul3A_800 = arith.constant 16 : i32
      %mul3A_801 = arith.muli %scan3A_329, %mul3A_800 : i32
      %swap3A_802 = arith.constant 5 : i32
      %swap3A_803 = arith.index_cast %swap3A_802 : i32 to index
      %swap3A_804 = arith.index_cast %mul3A_801 : i32 to index
      %swap3A_805 = tpu.vector_load %arg14[%swap3A_803, %swap3A_804] {strides = array<i32>} : memref<32x128xf32, #tpu.memory_space<vmem>>, vector<16xf32>,
      tpu.vector_store %arg14[%swap3A_803, %swap3A_804], %add3A_799 {strides = array<i32>} : memref<32x128xf32, #tpu.memory_space<vmem>>, vector<16xf32>,
      %mul3A_806 = arith.mulf %mul3A_493, %mul3A_695 : vector<16xf32>
      %add3A_807 = arith.constant 1.000000e-10 : f32
      %add3A_808 = vector.broadcast %add3A_807 : f32 to vector<16xf32>
      %add3A_809 = arith.addf %mul3A_806, %add3A_808 : vector<16xf32>
      %mul3A_810 = arith.constant 16 : i32
      %mul3A_811 = arith.muli %scan3A_329, %mul3A_810 : i32
      %swap3A_812 = arith.constant 21 : i32
      %swap3A_813 = arith.index_cast %swap3A_812 : i32 to index
      %swap3A_814 = arith.index_cast %mul3A_811 : i32 to index
      %swap3A_815 = tpu.vector_load %arg14[%swap3A_813, %swap3A_814] {strides = array<i32>} : memref<32x128xf32, #tpu.memory_space<vmem>>, vector<16xf32>,
      tpu.vector_store %arg14[%swap3A_813, %swap3A_814], %add3A_809 {strides = array<i32>} : memref<32x128xf32, #tpu.memory_space<vmem>>, vector<16xf32>,
      %mul3A_816 = arith.mulf %mul3A_388, %mul3A_660 : vector<16xf32>
      %add3A_817 = arith.constant 1.000000e-10 : f32
      %add3A_818 = vector.broadcast %add3A_817 : f32 to vector<16xf32>
      %add3A_819 = arith.addf %mul3A_816, %add3A_818 : vector<16xf32>
      %mul3A_820 = arith.constant 16 : i32
      %mul3A_821 = arith.muli %scan3A_329, %mul3A_820 : i32
      %swap3A_822 = arith.constant 6 : i32
      %swap3A_823 = arith.index_cast %swap3A_822 : i32 to index
      %swap3A_824 = arith.index_cast %mul3A_821 : i32 to index
      %swap3A_825 = tpu.vector_load %arg14[%swap3A_823, %swap3A_824] {strides = array<i32>} : memref<32x128xf32, #tpu.memory_space<vmem>>, vector<16xf32>,
      tpu.vector_store %arg14[%swap3A_823, %swap3A_824], %add3A_819 {strides = array<i32>} : memref<32x128xf32, #tpu.memory_space<vmem>>, vector<16xf32>,
      %mul3A_826 = arith.mulf %mul3A_500, %mul3A_695 : vector<16xf32>
      %add3A_827 = arith.constant 1.000000e-10 : f32
      %add3A_828 = vector.broadcast %add3A_827 : f32 to vector<16xf32>
      %add3A_829 = arith.addf %mul3A_826, %add3A_828 : vector<16xf32>
      %mul3A_830 = arith.constant 16 : i32
      %mul3A_831 = arith.muli %scan3A_329, %mul3A_830 : i32
      %swap3A_832 = arith.constant 22 : i32
      %swap3A_833 = arith.index_cast %swap3A_832 : i32 to index
      %swap3A_834 = arith.index_cast %mul3A_831 : i32 to index
      %swap3A_835 = tpu.vector_load %arg14[%swap3A_833, %swap3A_834] {strides = array<i32>} : memref<32x128xf32, #tpu.memory_space<vmem>>, vector<16xf32>,
      tpu.vector_store %arg14[%swap3A_833, %swap3A_834], %add3A_829 {strides = array<i32>} : memref<32x128xf32, #tpu.memory_space<vmem>>, vector<16xf32>,
      %mul3A_836 = arith.mulf %mul3A_395, %mul3A_660 : vector<16xf32>
      %add3A_837 = arith.constant 1.000000e-10 : f32
      %add3A_838 = vector.broadcast %add3A_837 : f32 to vector<16xf32>
      %add3A_839 = arith.addf %mul3A_836, %add3A_838 : vector<16xf32>
      %mul3A_840 = arith.constant 16 : i32
      %mul3A_841 = arith.muli %scan3A_329, %mul3A_840 : i32
      %swap3A_842 = arith.constant 7 : i32
      %swap3A_843 = arith.index_cast %swap3A_842 : i32 to index
      %swap3A_844 = arith.index_cast %mul3A_841 : i32 to index
      %swap3A_845 = tpu.vector_load %arg14[%swap3A_843, %swap3A_844] {strides = array<i32>} : memref<32x128xf32, #tpu.memory_space<vmem>>, vector<16xf32>,
      tpu.vector_store %arg14[%swap3A_843, %swap3A_844], %add3A_839 {strides = array<i32>} : memref<32x128xf32, #tpu.memory_space<vmem>>, vector<16xf32>,
      %mul3A_846 = arith.mulf %mul3A_507, %mul3A_695 : vector<16xf32>
      %add3A_847 = arith.constant 1.000000e-10 : f32
      %add3A_848 = vector.broadcast %add3A_847 : f32 to vector<16xf32>
      %add3A_849 = arith.addf %mul3A_846, %add3A_848 : vector<16xf32>
      %mul3A_850 = arith.constant 16 : i32
      %mul3A_851 = arith.muli %scan3A_329, %mul3A_850 : i32
      %swap3A_852 = arith.constant 23 : i32
      %swap3A_853 = arith.index_cast %swap3A_852 : i32 to index
      %swap3A_854 = arith.index_cast %mul3A_851 : i32 to index
      %swap3A_855 = tpu.vector_load %arg14[%swap3A_853, %swap3A_854] {strides = array<i32>} : memref<32x128xf32, #tpu.memory_space<vmem>>, vector<16xf32>,
      tpu.vector_store %arg14[%swap3A_853, %swap3A_854], %add3A_849 {strides = array<i32>} : memref<32x128xf32, #tpu.memory_space<vmem>>, vector<16xf32>,
      %mul3A_856 = arith.mulf %mul3A_402, %mul3A_660 : vector<16xf32>
      %add3A_857 = arith.constant 1.000000e-10 : f32
      %add3A_858 = vector.broadcast %add3A_857 : f32 to vector<16xf32>
      %add3A_859 = arith.addf %mul3A_856, %add3A_858 : vector<16xf32>
      %mul3A_860 = arith.constant 16 : i32
      %mul3A_861 = arith.muli %scan3A_329, %mul3A_860 : i32
      %swap3A_862 = arith.constant 8 : i32
      %swap3A_863 = arith.index_cast %swap3A_862 : i32 to index
      %swap3A_864 = arith.index_cast %mul3A_861 : i32 to index
      %swap3A_865 = tpu.vector_load %arg14[%swap3A_863, %swap3A_864] {strides = array<i32>} : memref<32x128xf32, #tpu.memory_space<vmem>>, vector<16xf32>,
      tpu.vector_store %arg14[%swap3A_863, %swap3A_864], %add3A_859 {strides = array<i32>} : memref<32x128xf32, #tpu.memory_space<vmem>>, vector<16xf32>,
      %mul3A_866 = arith.mulf %mul3A_514, %mul3A_695 : vector<16xf32>
      %add3A_867 = arith.constant 1.000000e-10 : f32
      %add3A_868 = vector.broadcast %add3A_867 : f32 to vector<16xf32>
      %add3A_869 = arith.addf %mul3A_866, %add3A_868 : vector<16xf32>
      %mul3A_870 = arith.constant 16 : i32
      %mul3A_871 = arith.muli %scan3A_329, %mul3A_870 : i32
      %swap3A_872 = arith.constant 24 : i32
      %swap3A_873 = arith.index_cast %swap3A_872 : i32 to index
      %swap3A_874 = arith.index_cast %mul3A_871 : i32 to index
      %swap3A_875 = tpu.vector_load %arg14[%swap3A_873, %swap3A_874] {strides = array<i32>} : memref<32x128xf32, #tpu.memory_space<vmem>>, vector<16xf32>,
      tpu.vector_store %arg14[%swap3A_873, %swap3A_874], %add3A_869 {strides = array<i32>} : memref<32x128xf32, #tpu.memory_space<vmem>>, vector<16xf32>,
      %mul3A_876 = arith.mulf %mul3A_409, %mul3A_660 : vector<16xf32>
      %add3A_877 = arith.constant 1.000000e-10 : f32
      %add3A_878 = vector.broadcast %add3A_877 : f32 to vector<16xf32>
      %add3A_879 = arith.addf %mul3A_876, %add3A_878 : vector<16xf32>
      %mul3A_880 = arith.constant 16 : i32
      %mul3A_881 = arith.muli %scan3A_329, %mul3A_880 : i32
      %swap3A_882 = arith.constant 9 : i32
      %swap3A_883 = arith.index_cast %swap3A_882 : i32 to index
      %swap3A_884 = arith.index_cast %mul3A_881 : i32 to index
      %swap3A_885 = tpu.vector_load %arg14[%swap3A_883, %swap3A_884] {strides = array<i32>} : memref<32x128xf32, #tpu.memory_space<vmem>>, vector<16xf32>,
      tpu.vector_store %arg14[%swap3A_883, %swap3A_884], %add3A_879 {strides = array<i32>} : memref<32x128xf32, #tpu.memory_space<vmem>>, vector<16xf32>,
      %mul3A_886 = arith.mulf %mul3A_521, %mul3A_695 : vector<16xf32>
      %add3A_887 = arith.constant 1.000000e-10 : f32
      %add3A_888 = vector.broadcast %add3A_887 : f32 to vector<16xf32>
      %add3A_889 = arith.addf %mul3A_886, %add3A_888 : vector<16xf32>
      %mul3A_890 = arith.constant 16 : i32
      %mul3A_891 = arith.muli %scan3A_329, %mul3A_890 : i32
      %swap3A_892 = arith.constant 25 : i32
      %swap3A_893 = arith.index_cast %swap3A_892 : i32 to index
      %swap3A_894 = arith.index_cast %mul3A_891 : i32 to index
      %swap3A_895 = tpu.vector_load %arg14[%swap3A_893, %swap3A_894] {strides = array<i32>} : memref<32x128xf32, #tpu.memory_space<vmem>>, vector<16xf32>,
      tpu.vector_store %arg14[%swap3A_893, %swap3A_894], %add3A_889 {strides = array<i32>} : memref<32x128xf32, #tpu.memory_space<vmem>>, vector<16xf32>,
      %mul3A_896 = arith.mulf %mul3A_416, %mul3A_660 : vector<16xf32>
      %add3A_897 = arith.constant 1.000000e-10 : f32
      %add3A_898 = vector.broadcast %add3A_897 : f32 to vector<16xf32>
      %add3A_899 = arith.addf %mul3A_896, %add3A_898 : vector<16xf32>
      %mul3A_900 = arith.constant 16 : i32
      %mul3A_901 = arith.muli %scan3A_329, %mul3A_900 : i32
      %swap3A_902 = arith.constant 10 : i32
      %swap3A_903 = arith.index_cast %swap3A_902 : i32 to index
      %swap3A_904 = arith.index_cast %mul3A_901 : i32 to index
      %swap3A_905 = tpu.vector_load %arg14[%swap3A_903, %swap3A_904] {strides = array<i32>} : memref<32x128xf32, #tpu.memory_space<vmem>>, vector<16xf32>,
      tpu.vector_store %arg14[%swap3A_903, %swap3A_904], %add3A_899 {strides = array<i32>} : memref<32x128xf32, #tpu.memory_space<vmem>>, vector<16xf32>,
      %mul3A_906 = arith.mulf %mul3A_528, %mul3A_695 : vector<16xf32>
      %add3A_907 = arith.constant 1.000000e-10 : f32
      %add3A_908 = vector.broadcast %add3A_907 : f32 to vector<16xf32>
      %add3A_909 = arith.addf %mul3A_906, %add3A_908 : vector<16xf32>
      %mul3A_910 = arith.constant 16 : i32
      %mul3A_911 = arith.muli %scan3A_329, %mul3A_910 : i32
      %swap3A_912 = arith.constant 26 : i32
      %swap3A_913 = arith.index_cast %swap3A_912 : i32 to index
      %swap3A_914 = arith.index_cast %mul3A_911 : i32 to index
      %swap3A_915 = tpu.vector_load %arg14[%swap3A_913, %swap3A_914] {strides = array<i32>} : memref<32x128xf32, #tpu.memory_space<vmem>>, vector<16xf32>,
      tpu.vector_store %arg14[%swap3A_913, %swap3A_914], %add3A_909 {strides = array<i32>} : memref<32x128xf32, #tpu.memory_space<vmem>>, vector<16xf32>,
      %mul3A_916 = arith.mulf %mul3A_423, %mul3A_660 : vector<16xf32>
      %add3A_917 = arith.constant 1.000000e-10 : f32
      %add3A_918 = vector.broadcast %add3A_917 : f32 to vector<16xf32>
      %add3A_919 = arith.addf %mul3A_916, %add3A_918 : vector<16xf32>
      %mul3A_920 = arith.constant 16 : i32
      %mul3A_921 = arith.muli %scan3A_329, %mul3A_920 : i32
      %swap3A_922 = arith.constant 11 : i32
      %swap3A_923 = arith.index_cast %swap3A_922 : i32 to index
      %swap3A_924 = arith.index_cast %mul3A_921 : i32 to index
      %swap3A_925 = tpu.vector_load %arg14[%swap3A_923, %swap3A_924] {strides = array<i32>} : memref<32x128xf32, #tpu.memory_space<vmem>>, vector<16xf32>,
      tpu.vector_store %arg14[%swap3A_923, %swap3A_924], %add3A_919 {strides = array<i32>} : memref<32x128xf32, #tpu.memory_space<vmem>>, vector<16xf32>,
      %mul3A_926 = arith.mulf %mul3A_535, %mul3A_695 : vector<16xf32>
      %add3A_927 = arith.constant 1.000000e-10 : f32
      %add3A_928 = vector.broadcast %add3A_927 : f32 to vector<16xf32>
      %add3A_929 = arith.addf %mul3A_926, %add3A_928 : vector<16xf32>
      %mul3A_930 = arith.constant 16 : i32
      %mul3A_931 = arith.muli %scan3A_329, %mul3A_930 : i32
      %swap3A_932 = arith.constant 27 : i32
      %swap3A_933 = arith.index_cast %swap3A_932 : i32 to index
      %swap3A_934 = arith.index_cast %mul3A_931 : i32 to index
      %swap3A_935 = tpu.vector_load %arg14[%swap3A_933, %swap3A_934] {strides = array<i32>} : memref<32x128xf32, #tpu.memory_space<vmem>>, vector<16xf32>,
      tpu.vector_store %arg14[%swap3A_933, %swap3A_934], %add3A_929 {strides = array<i32>} : memref<32x128xf32, #tpu.memory_space<vmem>>, vector<16xf32>,
      %mul3A_936 = arith.mulf %mul3A_430, %mul3A_660 : vector<16xf32>
      %add3A_937 = arith.constant 1.000000e-10 : f32
      %add3A_938 = vector.broadcast %add3A_937 : f32 to vector<16xf32>
      %add3A_939 = arith.addf %mul3A_936, %add3A_938 : vector<16xf32>
      %mul3A_940 = arith.constant 16 : i32
      %mul3A_941 = arith.muli %scan3A_329, %mul3A_940 : i32
      %swap3A_942 = arith.constant 12 : i32
      %swap3A_943 = arith.index_cast %swap3A_942 : i32 to index
      %swap3A_944 = arith.index_cast %mul3A_941 : i32 to index
      %swap3A_945 = tpu.vector_load %arg14[%swap3A_943, %swap3A_944] {strides = array<i32>} : memref<32x128xf32, #tpu.memory_space<vmem>>, vector<16xf32>,
      tpu.vector_store %arg14[%swap3A_943, %swap3A_944], %add3A_939 {strides = array<i32>} : memref<32x128xf32, #tpu.memory_space<vmem>>, vector<16xf32>,
      %mul3A_946 = arith.mulf %mul3A_542, %mul3A_695 : vector<16xf32>
      %add3A_947 = arith.constant 1.000000e-10 : f32
      %add3A_948 = vector.broadcast %add3A_947 : f32 to vector<16xf32>
      %add3A_949 = arith.addf %mul3A_946, %add3A_948 : vector<16xf32>
      %mul3A_950 = arith.constant 16 : i32
      %mul3A_951 = arith.muli %scan3A_329, %mul3A_950 : i32
      %swap3A_952 = arith.constant 28 : i32
      %swap3A_953 = arith.index_cast %swap3A_952 : i32 to index
      %swap3A_954 = arith.index_cast %mul3A_951 : i32 to index
      %swap3A_955 = tpu.vector_load %arg14[%swap3A_953, %swap3A_954] {strides = array<i32>} : memref<32x128xf32, #tpu.memory_space<vmem>>, vector<16xf32>,
      tpu.vector_store %arg14[%swap3A_953, %swap3A_954], %add3A_949 {strides = array<i32>} : memref<32x128xf32, #tpu.memory_space<vmem>>, vector<16xf32>,
      %mul3A_956 = arith.mulf %mul3A_437, %mul3A_660 : vector<16xf32>
      %add3A_957 = arith.constant 1.000000e-10 : f32
      %add3A_958 = vector.broadcast %add3A_957 : f32 to vector<16xf32>
      %add3A_959 = arith.addf %mul3A_956, %add3A_958 : vector<16xf32>
      %mul3A_960 = arith.constant 16 : i32
      %mul3A_961 = arith.muli %scan3A_329, %mul3A_960 : i32
      %swap3A_962 = arith.constant 13 : i32
      %swap3A_963 = arith.index_cast %swap3A_962 : i32 to index
      %swap3A_964 = arith.index_cast %mul3A_961 : i32 to index
      %swap3A_965 = tpu.vector_load %arg14[%swap3A_963, %swap3A_964] {strides = array<i32>} : memref<32x128xf32, #tpu.memory_space<vmem>>, vector<16xf32>,
      tpu.vector_store %arg14[%swap3A_963, %swap3A_964], %add3A_959 {strides = array<i32>} : memref<32x128xf32, #tpu.memory_space<vmem>>, vector<16xf32>,
      %mul3A_966 = arith.mulf %mul3A_549, %mul3A_695 : vector<16xf32>
      %add3A_967 = arith.constant 1.000000e-10 : f32
      %add3A_968 = vector.broadcast %add3A_967 : f32 to vector<16xf32>
      %add3A_969 = arith.addf %mul3A_966, %add3A_968 : vector<16xf32>
      %mul3A_970 = arith.constant 16 : i32
      %mul3A_971 = arith.muli %scan3A_329, %mul3A_970 : i32
      %swap3A_972 = arith.constant 29 : i32
      %swap3A_973 = arith.index_cast %swap3A_972 : i32 to index
      %swap3A_974 = arith.index_cast %mul3A_971 : i32 to index
      %swap3A_975 = tpu.vector_load %arg14[%swap3A_973, %swap3A_974] {strides = array<i32>} : memref<32x128xf32, #tpu.memory_space<vmem>>, vector<16xf32>,
      tpu.vector_store %arg14[%swap3A_973, %swap3A_974], %add3A_969 {strides = array<i32>} : memref<32x128xf32, #tpu.memory_space<vmem>>, vector<16xf32>,
      %mul3A_976 = arith.mulf %mul3A_444, %mul3A_660 : vector<16xf32>
      %add3A_977 = arith.constant 1.000000e-10 : f32
      %add3A_978 = vector.broadcast %add3A_977 : f32 to vector<16xf32>
      %add3A_979 = arith.addf %mul3A_976, %add3A_978 : vector<16xf32>
      %mul3A_980 = arith.constant 16 : i32
      %mul3A_981 = arith.muli %scan3A_329, %mul3A_980 : i32
      %swap3A_982 = arith.constant 14 : i32
      %swap3A_983 = arith.index_cast %swap3A_982 : i32 to index
      %swap3A_984 = arith.index_cast %mul3A_981 : i32 to index
      %swap3A_985 = tpu.vector_load %arg14[%swap3A_983, %swap3A_984] {strides = array<i32>} : memref<32x128xf32, #tpu.memory_space<vmem>>, vector<16xf32>,
      tpu.vector_store %arg14[%swap3A_983, %swap3A_984], %add3A_979 {strides = array<i32>} : memref<32x128xf32, #tpu.memory_space<vmem>>, vector<16xf32>,
      %mul3A_986 = arith.mulf %mul3A_556, %mul3A_695 : vector<16xf32>
      %add3A_987 = arith.constant 1.000000e-10 : f32
      %add3A_988 = vector.broadcast %add3A_987 : f32 to vector<16xf32>
      %add3A_989 = arith.addf %mul3A_986, %add3A_988 : vector<16xf32>
      %mul3A_990 = arith.constant 16 : i32
      %mul3A_991 = arith.muli %scan3A_329, %mul3A_990 : i32
      %swap3A_992 = arith.constant 30 : i32
      %swap3A_993 = arith.index_cast %swap3A_992 : i32 to index
      %swap3A_994 = arith.index_cast %mul3A_991 : i32 to index
      %swap3A_995 = tpu.vector_load %arg14[%swap3A_993, %swap3A_994] {strides = array<i32>} : memref<32x128xf32, #tpu.memory_space<vmem>>, vector<16xf32>,
      tpu.vector_store %arg14[%swap3A_993, %swap3A_994], %add3A_989 {strides = array<i32>} : memref<32x128xf32, #tpu.memory_space<vmem>>, vector<16xf32>,
      %mul3A_996 = arith.mulf %mul3A_451, %mul3A_660 : vector<16xf32>
      %add3A_997 = arith.constant 1.000000e-10 : f32
      %add3A_998 = vector.broadcast %add3A_997 : f32 to vector<16xf32>
      %add3A_999 = arith.addf %mul3A_996, %add3A_998 : vector<16xf32>
      %mul3A_1000 = arith.constant 16 : i32
      %mul3A_1001 = arith.muli %scan3A_329, %mul3A_1000 : i32
      %swap3A_1002 = arith.constant 15 : i32
      %swap3A_1003 = arith.index_cast %swap3A_1002 : i32 to index
      %swap3A_1004 = arith.index_cast %mul3A_1001 : i32 to index
      %swap3A_1005 = tpu.vector_load %arg14[%swap3A_1003, %swap3A_1004] {strides = array<i32>} : memref<32x128xf32, #tpu.memory_space<vmem>>, vector<16xf32>,
      tpu.vector_store %arg14[%swap3A_1003, %swap3A_1004], %add3A_999 {strides = array<i32>} : memref<32x128xf32, #tpu.memory_space<vmem>>, vector<16xf32>,
      %mul3A_1006 = arith.mulf %mul3A_563, %mul3A_695 : vector<16xf32>
      %add3A_1007 = arith.constant 1.000000e-10 : f32
      %add3A_1008 = vector.broadcast %add3A_1007 : f32 to vector<16xf32>
      %add3A_1009 = arith.addf %mul3A_1006, %add3A_1008 : vector<16xf32>
      %mul3A_1010 = arith.constant 16 : i32
      %mul3A_1011 = arith.muli %scan3A_329, %mul3A_1010 : i32
      %swap3A_1012 = arith.constant 31 : i32
      %swap3A_1013 = arith.index_cast %swap3A_1012 : i32 to index
      %swap3A_1014 = arith.index_cast %mul3A_1011 : i32 to index
      %swap3A_1015 = tpu.vector_load %arg14[%swap3A_1013, %swap3A_1014] {strides = array<i32>} : memref<32x128xf32, #tpu.memory_space<vmem>>, vector<16xf32>,
      tpu.vector_store %arg14[%swap3A_1013, %swap3A_1014], %add3A_1009 {strides = array<i32>} : memref<32x128xf32, #tpu.memory_space<vmem>>, vector<16xf32>,
      %mul3A_1016 = arith.constant 16 : i32
      %mul3A_1017 = arith.muli %scan3A_329, %mul3A_1016 : i32
      %get3A_1018 = arith.constant 0 : i32
      %get3A_1019 = arith.index_cast %get3A_1018 : i32 to index
      %get3A_1020 = arith.index_cast %mul3A_1017 : i32 to index
      %get3A_1021 = tpu.vector_load %arg16[%get3A_1019, %get3A_1020] {strides = array<i32>} : memref<1x128xf32, #tpu.memory_space<vmem>>, vector<16xf32>,
      %mul3A_1022 = arith.mulf %get3A_1021, %div3A_339 : vector<16xf32>
      %mul3A_1023 = arith.constant 16 : i32
      %mul3A_1024 = arith.muli %scan3A_329, %mul3A_1023 : i32
      %swap3A_1025 = arith.constant 0 : i32
      %swap3A_1026 = arith.index_cast %swap3A_1025 : i32 to index
      %swap3A_1027 = arith.index_cast %mul3A_1024 : i32 to index
      %swap3A_1028 = tpu.vector_load %arg15[%swap3A_1026, %swap3A_1027] {strides = array<i32>} : memref<1x128xf32, #tpu.memory_space<vmem>>, vector<16xf32>,
      tpu.vector_store %arg15[%swap3A_1026, %swap3A_1027], %mul3A_1022 {strides = array<i32>} : memref<1x128xf32, #tpu.memory_space<vmem>>, vector<16xf32>,
      %scan3A_1029 = arith.constant 0 : i32
      scf.yield %scan3A_1029 : i32
    }
    %scan3A_269 = arith.constant 8 : i32
    %parallel_loop3A_270 = arith.constant 0 : i32
    %parallel_loop3A_271 = arith.constant 64 : i32
    %parallel_loop3A_272 = arith.constant 1 : i32
    %parallel_loop3A_273 = scf.for %parallel_loop3A_329 = %parallel_loop3A_270 to %parallel_loop3A_271 step %parallel_loop3A_272 iter_args(%parallel_loop3A_330 = %broadcast_in_dim3A_45) -> (vector<16xf32>)  : i32 {
      %parallel_loop3A_331 = arith.constant 16 : i32
      %parallel_loop3A_332 = arith.muli %parallel_loop3A_329, %parallel_loop3A_331 : i32
      %parallel_loop3A_333 = arith.index_cast %parallel_loop3A_332 : i32 to index
      %parallel_loop3A_334 = tpu.vector_load %arg10[%parallel_loop3A_333] {strides = array<i32>} : memref<1024xi32, #tpu.memory_space<vmem>>, vector<16xi32>,
      %parallel_loop3A_335 = arith.constant 0 : i32
      %parallel_loop3A_336 = arith.constant 0 : i32
      %parallel_loop3A_337 = tpu.memref_slice %arg14[%parallel_loop3A_335, %parallel_loop3A_336] : memref<32x128xf32, #tpu.memory_space<vmem>> -> memref<1x128xf32, #tpu.memory_space<vmem>>
      %parallel_loop3A_338 = tpu.memref_squeeze %parallel_loop3A_337 : memref<1x128xf32, #tpu.memory_space<vmem>> -> memref<128xf32, #tpu.memory_space<vmem>>
      %parallel_loop3A_339 = tpu.vector_load_idx %parallel_loop3A_338[%parallel_loop3A_334] : memref<128xf32, #tpu.memory_space<vmem>>[vector<16xi32>], vector<16xf32>,
      %parallel_loop3A_340 = arith.constant 0 : i32
      %parallel_loop3A_341 = arith.index_cast %parallel_loop3A_340 : i32 to index
      %parallel_loop3A_342 = arith.index_cast %parallel_loop3A_332 : i32 to index
      %parallel_loop3A_343 = tpu.vector_load %arg11[%parallel_loop3A_341, %parallel_loop3A_342] {strides = array<i32>} : memref<32x1024xf32, #tpu.memory_space<vmem>>, vector<16xf32>,
      %parallel_loop3A_344 = arith.mulf %parallel_loop3A_339, %parallel_loop3A_343 : vector<16xf32>
      %parallel_loop3A_345 = arith.addf %broadcast_in_dim3A_45, %parallel_loop3A_344 : vector<16xf32>
      %parallel_loop3A_346 = arith.constant 1 : i32
      %parallel_loop3A_347 = arith.constant 0 : i32
      %parallel_loop3A_348 = tpu.memref_slice %arg14[%parallel_loop3A_346, %parallel_loop3A_347] : memref<32x128xf32, #tpu.memory_space<vmem>> -> memref<1x128xf32, #tpu.memory_space<vmem>>
      %parallel_loop3A_349 = tpu.memref_squeeze %parallel_loop3A_348 : memref<1x128xf32, #tpu.memory_space<vmem>> -> memref<128xf32, #tpu.memory_space<vmem>>
      %parallel_loop3A_350 = tpu.vector_load_idx %parallel_loop3A_349[%parallel_loop3A_334] : memref<128xf32, #tpu.memory_space<vmem>>[vector<16xi32>], vector<16xf32>,
      %parallel_loop3A_351 = arith.constant 1 : i32
      %parallel_loop3A_352 = arith.index_cast %parallel_loop3A_351 : i32 to index
      %parallel_loop3A_353 = arith.index_cast %parallel_loop3A_332 : i32 to index
      %parallel_loop3A_354 = tpu.vector_load %arg11[%parallel_loop3A_352, %parallel_loop3A_353] {strides = array<i32>} : memref<32x1024xf32, #tpu.memory_space<vmem>>, vector<16xf32>,
      %parallel_loop3A_355 = arith.mulf %parallel_loop3A_350, %parallel_loop3A_354 : vector<16xf32>
      %parallel_loop3A_356 = arith.addf %parallel_loop3A_345, %parallel_loop3A_355 : vector<16xf32>
      %parallel_loop3A_357 = arith.constant 2 : i32
      %parallel_loop3A_358 = arith.constant 0 : i32
      %parallel_loop3A_359 = tpu.memref_slice %arg14[%parallel_loop3A_357, %parallel_loop3A_358] : memref<32x128xf32, #tpu.memory_space<vmem>> -> memref<1x128xf32, #tpu.memory_space<vmem>>
      %parallel_loop3A_360 = tpu.memref_squeeze %parallel_loop3A_359 : memref<1x128xf32, #tpu.memory_space<vmem>> -> memref<128xf32, #tpu.memory_space<vmem>>
      %parallel_loop3A_361 = tpu.vector_load_idx %parallel_loop3A_360[%parallel_loop3A_334] : memref<128xf32, #tpu.memory_space<vmem>>[vector<16xi32>], vector<16xf32>,
      %parallel_loop3A_362 = arith.constant 2 : i32
      %parallel_loop3A_363 = arith.index_cast %parallel_loop3A_362 : i32 to index
      %parallel_loop3A_364 = arith.index_cast %parallel_loop3A_332 : i32 to index
      %parallel_loop3A_365 = tpu.vector_load %arg11[%parallel_loop3A_363, %parallel_loop3A_364] {strides = array<i32>} : memref<32x1024xf32, #tpu.memory_space<vmem>>, vector<16xf32>,
      %parallel_loop3A_366 = arith.mulf %parallel_loop3A_361, %parallel_loop3A_365 : vector<16xf32>
      %parallel_loop3A_367 = arith.addf %parallel_loop3A_356, %parallel_loop3A_366 : vector<16xf32>
      %parallel_loop3A_368 = arith.constant 3 : i32
      %parallel_loop3A_369 = arith.constant 0 : i32
      %parallel_loop3A_370 = tpu.memref_slice %arg14[%parallel_loop3A_368, %parallel_loop3A_369] : memref<32x128xf32, #tpu.memory_space<vmem>> -> memref<1x128xf32, #tpu.memory_space<vmem>>
      %parallel_loop3A_371 = tpu.memref_squeeze %parallel_loop3A_370 : memref<1x128xf32, #tpu.memory_space<vmem>> -> memref<128xf32, #tpu.memory_space<vmem>>
      %parallel_loop3A_372 = tpu.vector_load_idx %parallel_loop3A_371[%parallel_loop3A_334] : memref<128xf32, #tpu.memory_space<vmem>>[vector<16xi32>], vector<16xf32>,
      %parallel_loop3A_373 = arith.constant 3 : i32
      %parallel_loop3A_374 = arith.index_cast %parallel_loop3A_373 : i32 to index
      %parallel_loop3A_375 = arith.index_cast %parallel_loop3A_332 : i32 to index
      %parallel_loop3A_376 = tpu.vector_load %arg11[%parallel_loop3A_374, %parallel_loop3A_375] {strides = array<i32>} : memref<32x1024xf32, #tpu.memory_space<vmem>>, vector<16xf32>,
      %parallel_loop3A_377 = arith.mulf %parallel_loop3A_372, %parallel_loop3A_376 : vector<16xf32>
      %parallel_loop3A_378 = arith.addf %parallel_loop3A_367, %parallel_loop3A_377 : vector<16xf32>
      %parallel_loop3A_379 = arith.constant 4 : i32
      %parallel_loop3A_380 = arith.constant 0 : i32
      %parallel_loop3A_381 = tpu.memref_slice %arg14[%parallel_loop3A_379, %parallel_loop3A_380] : memref<32x128xf32, #tpu.memory_space<vmem>> -> memref<1x128xf32, #tpu.memory_space<vmem>>
      %parallel_loop3A_382 = tpu.memref_squeeze %parallel_loop3A_381 : memref<1x128xf32, #tpu.memory_space<vmem>> -> memref<128xf32, #tpu.memory_space<vmem>>
      %parallel_loop3A_383 = tpu.vector_load_idx %parallel_loop3A_382[%parallel_loop3A_334] : memref<128xf32, #tpu.memory_space<vmem>>[vector<16xi32>], vector<16xf32>,
      %parallel_loop3A_384 = arith.constant 4 : i32
      %parallel_loop3A_385 = arith.index_cast %parallel_loop3A_384 : i32 to index
      %parallel_loop3A_386 = arith.index_cast %parallel_loop3A_332 : i32 to index
      %parallel_loop3A_387 = tpu.vector_load %arg11[%parallel_loop3A_385, %parallel_loop3A_386] {strides = array<i32>} : memref<32x1024xf32, #tpu.memory_space<vmem>>, vector<16xf32>,
      %parallel_loop3A_388 = arith.mulf %parallel_loop3A_383, %parallel_loop3A_387 : vector<16xf32>
      %parallel_loop3A_389 = arith.addf %parallel_loop3A_378, %parallel_loop3A_388 : vector<16xf32>
      %parallel_loop3A_390 = arith.constant 5 : i32
      %parallel_loop3A_391 = arith.constant 0 : i32
      %parallel_loop3A_392 = tpu.memref_slice %arg14[%parallel_loop3A_390, %parallel_loop3A_391] : memref<32x128xf32, #tpu.memory_space<vmem>> -> memref<1x128xf32, #tpu.memory_space<vmem>>
      %parallel_loop3A_393 = tpu.memref_squeeze %parallel_loop3A_392 : memref<1x128xf32, #tpu.memory_space<vmem>> -> memref<128xf32, #tpu.memory_space<vmem>>
      %parallel_loop3A_394 = tpu.vector_load_idx %parallel_loop3A_393[%parallel_loop3A_334] : memref<128xf32, #tpu.memory_space<vmem>>[vector<16xi32>], vector<16xf32>,
      %parallel_loop3A_395 = arith.constant 5 : i32
      %parallel_loop3A_396 = arith.index_cast %parallel_loop3A_395 : i32 to index
      %parallel_loop3A_397 = arith.index_cast %parallel_loop3A_332 : i32 to index
      %parallel_loop3A_398 = tpu.vector_load %arg11[%parallel_loop3A_396, %parallel_loop3A_397] {strides = array<i32>} : memref<32x1024xf32, #tpu.memory_space<vmem>>, vector<16xf32>,
      %parallel_loop3A_399 = arith.mulf %parallel_loop3A_394, %parallel_loop3A_398 : vector<16xf32>
      %parallel_loop3A_400 = arith.addf %parallel_loop3A_389, %parallel_loop3A_399 : vector<16xf32>
      %parallel_loop3A_401 = arith.constant 6 : i32
      %parallel_loop3A_402 = arith.constant 0 : i32
      %parallel_loop3A_403 = tpu.memref_slice %arg14[%parallel_loop3A_401, %parallel_loop3A_402] : memref<32x128xf32, #tpu.memory_space<vmem>> -> memref<1x128xf32, #tpu.memory_space<vmem>>
      %parallel_loop3A_404 = tpu.memref_squeeze %parallel_loop3A_403 : memref<1x128xf32, #tpu.memory_space<vmem>> -> memref<128xf32, #tpu.memory_space<vmem>>
      %parallel_loop3A_405 = tpu.vector_load_idx %parallel_loop3A_404[%parallel_loop3A_334] : memref<128xf32, #tpu.memory_space<vmem>>[vector<16xi32>], vector<16xf32>,
      %parallel_loop3A_406 = arith.constant 6 : i32
      %parallel_loop3A_407 = arith.index_cast %parallel_loop3A_406 : i32 to index
      %parallel_loop3A_408 = arith.index_cast %parallel_loop3A_332 : i32 to index
      %parallel_loop3A_409 = tpu.vector_load %arg11[%parallel_loop3A_407, %parallel_loop3A_408] {strides = array<i32>} : memref<32x1024xf32, #tpu.memory_space<vmem>>, vector<16xf32>,
      %parallel_loop3A_410 = arith.mulf %parallel_loop3A_405, %parallel_loop3A_409 : vector<16xf32>
      %parallel_loop3A_411 = arith.addf %parallel_loop3A_400, %parallel_loop3A_410 : vector<16xf32>
      %parallel_loop3A_412 = arith.constant 7 : i32
      %parallel_loop3A_413 = arith.constant 0 : i32
      %parallel_loop3A_414 = tpu.memref_slice %arg14[%parallel_loop3A_412, %parallel_loop3A_413] : memref<32x128xf32, #tpu.memory_space<vmem>> -> memref<1x128xf32, #tpu.memory_space<vmem>>
      %parallel_loop3A_415 = tpu.memref_squeeze %parallel_loop3A_414 : memref<1x128xf32, #tpu.memory_space<vmem>> -> memref<128xf32, #tpu.memory_space<vmem>>
      %parallel_loop3A_416 = tpu.vector_load_idx %parallel_loop3A_415[%parallel_loop3A_334] : memref<128xf32, #tpu.memory_space<vmem>>[vector<16xi32>], vector<16xf32>,
      %parallel_loop3A_417 = arith.constant 7 : i32
      %parallel_loop3A_418 = arith.index_cast %parallel_loop3A_417 : i32 to index
      %parallel_loop3A_419 = arith.index_cast %parallel_loop3A_332 : i32 to index
      %parallel_loop3A_420 = tpu.vector_load %arg11[%parallel_loop3A_418, %parallel_loop3A_419] {strides = array<i32>} : memref<32x1024xf32, #tpu.memory_space<vmem>>, vector<16xf32>,
      %parallel_loop3A_421 = arith.mulf %parallel_loop3A_416, %parallel_loop3A_420 : vector<16xf32>
      %parallel_loop3A_422 = arith.addf %parallel_loop3A_411, %parallel_loop3A_421 : vector<16xf32>
      %parallel_loop3A_423 = arith.constant 8 : i32
      %parallel_loop3A_424 = arith.constant 0 : i32
      %parallel_loop3A_425 = tpu.memref_slice %arg14[%parallel_loop3A_423, %parallel_loop3A_424] : memref<32x128xf32, #tpu.memory_space<vmem>> -> memref<1x128xf32, #tpu.memory_space<vmem>>
      %parallel_loop3A_426 = tpu.memref_squeeze %parallel_loop3A_425 : memref<1x128xf32, #tpu.memory_space<vmem>> -> memref<128xf32, #tpu.memory_space<vmem>>
      %parallel_loop3A_427 = tpu.vector_load_idx %parallel_loop3A_426[%parallel_loop3A_334] : memref<128xf32, #tpu.memory_space<vmem>>[vector<16xi32>], vector<16xf32>,
      %parallel_loop3A_428 = arith.constant 8 : i32
      %parallel_loop3A_429 = arith.index_cast %parallel_loop3A_428 : i32 to index
      %parallel_loop3A_430 = arith.index_cast %parallel_loop3A_332 : i32 to index
      %parallel_loop3A_431 = tpu.vector_load %arg11[%parallel_loop3A_429, %parallel_loop3A_430] {strides = array<i32>} : memref<32x1024xf32, #tpu.memory_space<vmem>>, vector<16xf32>,
      %parallel_loop3A_432 = arith.mulf %parallel_loop3A_427, %parallel_loop3A_431 : vector<16xf32>
      %parallel_loop3A_433 = arith.addf %parallel_loop3A_422, %parallel_loop3A_432 : vector<16xf32>
      %parallel_loop3A_434 = arith.constant 9 : i32
      %parallel_loop3A_435 = arith.constant 0 : i32
      %parallel_loop3A_436 = tpu.memref_slice %arg14[%parallel_loop3A_434, %parallel_loop3A_435] : memref<32x128xf32, #tpu.memory_space<vmem>> -> memref<1x128xf32, #tpu.memory_space<vmem>>
      %parallel_loop3A_437 = tpu.memref_squeeze %parallel_loop3A_436 : memref<1x128xf32, #tpu.memory_space<vmem>> -> memref<128xf32, #tpu.memory_space<vmem>>
      %parallel_loop3A_438 = tpu.vector_load_idx %parallel_loop3A_437[%parallel_loop3A_334] : memref<128xf32, #tpu.memory_space<vmem>>[vector<16xi32>], vector<16xf32>,
      %parallel_loop3A_439 = arith.constant 9 : i32
      %parallel_loop3A_440 = arith.index_cast %parallel_loop3A_439 : i32 to index
      %parallel_loop3A_441 = arith.index_cast %parallel_loop3A_332 : i32 to index
      %parallel_loop3A_442 = tpu.vector_load %arg11[%parallel_loop3A_440, %parallel_loop3A_441] {strides = array<i32>} : memref<32x1024xf32, #tpu.memory_space<vmem>>, vector<16xf32>,
      %parallel_loop3A_443 = arith.mulf %parallel_loop3A_438, %parallel_loop3A_442 : vector<16xf32>
      %parallel_loop3A_444 = arith.addf %parallel_loop3A_433, %parallel_loop3A_443 : vector<16xf32>
      %parallel_loop3A_445 = arith.constant 10 : i32
      %parallel_loop3A_446 = arith.constant 0 : i32
      %parallel_loop3A_447 = tpu.memref_slice %arg14[%parallel_loop3A_445, %parallel_loop3A_446] : memref<32x128xf32, #tpu.memory_space<vmem>> -> memref<1x128xf32, #tpu.memory_space<vmem>>
      %parallel_loop3A_448 = tpu.memref_squeeze %parallel_loop3A_447 : memref<1x128xf32, #tpu.memory_space<vmem>> -> memref<128xf32, #tpu.memory_space<vmem>>
      %parallel_loop3A_449 = tpu.vector_load_idx %parallel_loop3A_448[%parallel_loop3A_334] : memref<128xf32, #tpu.memory_space<vmem>>[vector<16xi32>], vector<16xf32>,
      %parallel_loop3A_450 = arith.constant 10 : i32
      %parallel_loop3A_451 = arith.index_cast %parallel_loop3A_450 : i32 to index
      %parallel_loop3A_452 = arith.index_cast %parallel_loop3A_332 : i32 to index
      %parallel_loop3A_453 = tpu.vector_load %arg11[%parallel_loop3A_451, %parallel_loop3A_452] {strides = array<i32>} : memref<32x1024xf32, #tpu.memory_space<vmem>>, vector<16xf32>,
      %parallel_loop3A_454 = arith.mulf %parallel_loop3A_449, %parallel_loop3A_453 : vector<16xf32>
      %parallel_loop3A_455 = arith.addf %parallel_loop3A_444, %parallel_loop3A_454 : vector<16xf32>
      %parallel_loop3A_456 = arith.constant 11 : i32
      %parallel_loop3A_457 = arith.constant 0 : i32
      %parallel_loop3A_458 = tpu.memref_slice %arg14[%parallel_loop3A_456, %parallel_loop3A_457] : memref<32x128xf32, #tpu.memory_space<vmem>> -> memref<1x128xf32, #tpu.memory_space<vmem>>
      %parallel_loop3A_459 = tpu.memref_squeeze %parallel_loop3A_458 : memref<1x128xf32, #tpu.memory_space<vmem>> -> memref<128xf32, #tpu.memory_space<vmem>>
      %parallel_loop3A_460 = tpu.vector_load_idx %parallel_loop3A_459[%parallel_loop3A_334] : memref<128xf32, #tpu.memory_space<vmem>>[vector<16xi32>], vector<16xf32>,
      %parallel_loop3A_461 = arith.constant 11 : i32
      %parallel_loop3A_462 = arith.index_cast %parallel_loop3A_461 : i32 to index
      %parallel_loop3A_463 = arith.index_cast %parallel_loop3A_332 : i32 to index
      %parallel_loop3A_464 = tpu.vector_load %arg11[%parallel_loop3A_462, %parallel_loop3A_463] {strides = array<i32>} : memref<32x1024xf32, #tpu.memory_space<vmem>>, vector<16xf32>,
      %parallel_loop3A_465 = arith.mulf %parallel_loop3A_460, %parallel_loop3A_464 : vector<16xf32>
      %parallel_loop3A_466 = arith.addf %parallel_loop3A_455, %parallel_loop3A_465 : vector<16xf32>
      %parallel_loop3A_467 = arith.constant 12 : i32
      %parallel_loop3A_468 = arith.constant 0 : i32
      %parallel_loop3A_469 = tpu.memref_slice %arg14[%parallel_loop3A_467, %parallel_loop3A_468] : memref<32x128xf32, #tpu.memory_space<vmem>> -> memref<1x128xf32, #tpu.memory_space<vmem>>
      %parallel_loop3A_470 = tpu.memref_squeeze %parallel_loop3A_469 : memref<1x128xf32, #tpu.memory_space<vmem>> -> memref<128xf32, #tpu.memory_space<vmem>>
      %parallel_loop3A_471 = tpu.vector_load_idx %parallel_loop3A_470[%parallel_loop3A_334] : memref<128xf32, #tpu.memory_space<vmem>>[vector<16xi32>], vector<16xf32>,
      %parallel_loop3A_472 = arith.constant 12 : i32
      %parallel_loop3A_473 = arith.index_cast %parallel_loop3A_472 : i32 to index
      %parallel_loop3A_474 = arith.index_cast %parallel_loop3A_332 : i32 to index
      %parallel_loop3A_475 = tpu.vector_load %arg11[%parallel_loop3A_473, %parallel_loop3A_474] {strides = array<i32>} : memref<32x1024xf32, #tpu.memory_space<vmem>>, vector<16xf32>,
      %parallel_loop3A_476 = arith.mulf %parallel_loop3A_471, %parallel_loop3A_475 : vector<16xf32>
      %parallel_loop3A_477 = arith.addf %parallel_loop3A_466, %parallel_loop3A_476 : vector<16xf32>
      %parallel_loop3A_478 = arith.constant 13 : i32
      %parallel_loop3A_479 = arith.constant 0 : i32
      %parallel_loop3A_480 = tpu.memref_slice %arg14[%parallel_loop3A_478, %parallel_loop3A_479] : memref<32x128xf32, #tpu.memory_space<vmem>> -> memref<1x128xf32, #tpu.memory_space<vmem>>
      %parallel_loop3A_481 = tpu.memref_squeeze %parallel_loop3A_480 : memref<1x128xf32, #tpu.memory_space<vmem>> -> memref<128xf32, #tpu.memory_space<vmem>>
      %parallel_loop3A_482 = tpu.vector_load_idx %parallel_loop3A_481[%parallel_loop3A_334] : memref<128xf32, #tpu.memory_space<vmem>>[vector<16xi32>], vector<16xf32>,
      %parallel_loop3A_483 = arith.constant 13 : i32
      %parallel_loop3A_484 = arith.index_cast %parallel_loop3A_483 : i32 to index
      %parallel_loop3A_485 = arith.index_cast %parallel_loop3A_332 : i32 to index
      %parallel_loop3A_486 = tpu.vector_load %arg11[%parallel_loop3A_484, %parallel_loop3A_485] {strides = array<i32>} : memref<32x1024xf32, #tpu.memory_space<vmem>>, vector<16xf32>,
      %parallel_loop3A_487 = arith.mulf %parallel_loop3A_482, %parallel_loop3A_486 : vector<16xf32>
      %parallel_loop3A_488 = arith.addf %parallel_loop3A_477, %parallel_loop3A_487 : vector<16xf32>
      %parallel_loop3A_489 = arith.constant 14 : i32
      %parallel_loop3A_490 = arith.constant 0 : i32
      %parallel_loop3A_491 = tpu.memref_slice %arg14[%parallel_loop3A_489, %parallel_loop3A_490] : memref<32x128xf32, #tpu.memory_space<vmem>> -> memref<1x128xf32, #tpu.memory_space<vmem>>
      %parallel_loop3A_492 = tpu.memref_squeeze %parallel_loop3A_491 : memref<1x128xf32, #tpu.memory_space<vmem>> -> memref<128xf32, #tpu.memory_space<vmem>>
      %parallel_loop3A_493 = tpu.vector_load_idx %parallel_loop3A_492[%parallel_loop3A_334] : memref<128xf32, #tpu.memory_space<vmem>>[vector<16xi32>], vector<16xf32>,
      %parallel_loop3A_494 = arith.constant 14 : i32
      %parallel_loop3A_495 = arith.index_cast %parallel_loop3A_494 : i32 to index
      %parallel_loop3A_496 = arith.index_cast %parallel_loop3A_332 : i32 to index
      %parallel_loop3A_497 = tpu.vector_load %arg11[%parallel_loop3A_495, %parallel_loop3A_496] {strides = array<i32>} : memref<32x1024xf32, #tpu.memory_space<vmem>>, vector<16xf32>,
      %parallel_loop3A_498 = arith.mulf %parallel_loop3A_493, %parallel_loop3A_497 : vector<16xf32>
      %parallel_loop3A_499 = arith.addf %parallel_loop3A_488, %parallel_loop3A_498 : vector<16xf32>
      %parallel_loop3A_500 = arith.constant 15 : i32
      %parallel_loop3A_501 = arith.constant 0 : i32
      %parallel_loop3A_502 = tpu.memref_slice %arg14[%parallel_loop3A_500, %parallel_loop3A_501] : memref<32x128xf32, #tpu.memory_space<vmem>> -> memref<1x128xf32, #tpu.memory_space<vmem>>
      %parallel_loop3A_503 = tpu.memref_squeeze %parallel_loop3A_502 : memref<1x128xf32, #tpu.memory_space<vmem>> -> memref<128xf32, #tpu.memory_space<vmem>>
      %parallel_loop3A_504 = tpu.vector_load_idx %parallel_loop3A_503[%parallel_loop3A_334] : memref<128xf32, #tpu.memory_space<vmem>>[vector<16xi32>], vector<16xf32>,
      %parallel_loop3A_505 = arith.constant 15 : i32
      %parallel_loop3A_506 = arith.index_cast %parallel_loop3A_505 : i32 to index
      %parallel_loop3A_507 = arith.index_cast %parallel_loop3A_332 : i32 to index
      %parallel_loop3A_508 = tpu.vector_load %arg11[%parallel_loop3A_506, %parallel_loop3A_507] {strides = array<i32>} : memref<32x1024xf32, #tpu.memory_space<vmem>>, vector<16xf32>,
      %parallel_loop3A_509 = arith.mulf %parallel_loop3A_504, %parallel_loop3A_508 : vector<16xf32>
      %parallel_loop3A_510 = arith.addf %parallel_loop3A_499, %parallel_loop3A_509 : vector<16xf32>
      %parallel_loop3A_511 = arith.constant 16 : i32
      %parallel_loop3A_512 = arith.constant 0 : i32
      %parallel_loop3A_513 = tpu.memref_slice %arg14[%parallel_loop3A_511, %parallel_loop3A_512] : memref<32x128xf32, #tpu.memory_space<vmem>> -> memref<1x128xf32, #tpu.memory_space<vmem>>
      %parallel_loop3A_514 = tpu.memref_squeeze %parallel_loop3A_513 : memref<1x128xf32, #tpu.memory_space<vmem>> -> memref<128xf32, #tpu.memory_space<vmem>>
      %parallel_loop3A_515 = tpu.vector_load_idx %parallel_loop3A_514[%parallel_loop3A_334] : memref<128xf32, #tpu.memory_space<vmem>>[vector<16xi32>], vector<16xf32>,
      %parallel_loop3A_516 = arith.constant 16 : i32
      %parallel_loop3A_517 = arith.index_cast %parallel_loop3A_516 : i32 to index
      %parallel_loop3A_518 = arith.index_cast %parallel_loop3A_332 : i32 to index
      %parallel_loop3A_519 = tpu.vector_load %arg11[%parallel_loop3A_517, %parallel_loop3A_518] {strides = array<i32>} : memref<32x1024xf32, #tpu.memory_space<vmem>>, vector<16xf32>,
      %parallel_loop3A_520 = arith.mulf %parallel_loop3A_515, %parallel_loop3A_519 : vector<16xf32>
      %parallel_loop3A_521 = arith.addf %parallel_loop3A_510, %parallel_loop3A_520 : vector<16xf32>
      %parallel_loop3A_522 = arith.constant 17 : i32
      %parallel_loop3A_523 = arith.constant 0 : i32
      %parallel_loop3A_524 = tpu.memref_slice %arg14[%parallel_loop3A_522, %parallel_loop3A_523] : memref<32x128xf32, #tpu.memory_space<vmem>> -> memref<1x128xf32, #tpu.memory_space<vmem>>
      %parallel_loop3A_525 = tpu.memref_squeeze %parallel_loop3A_524 : memref<1x128xf32, #tpu.memory_space<vmem>> -> memref<128xf32, #tpu.memory_space<vmem>>
      %parallel_loop3A_526 = tpu.vector_load_idx %parallel_loop3A_525[%parallel_loop3A_334] : memref<128xf32, #tpu.memory_space<vmem>>[vector<16xi32>], vector<16xf32>,
      %parallel_loop3A_527 = arith.constant 17 : i32
      %parallel_loop3A_528 = arith.index_cast %parallel_loop3A_527 : i32 to index
      %parallel_loop3A_529 = arith.index_cast %parallel_loop3A_332 : i32 to index
      %parallel_loop3A_530 = tpu.vector_load %arg11[%parallel_loop3A_528, %parallel_loop3A_529] {strides = array<i32>} : memref<32x1024xf32, #tpu.memory_space<vmem>>, vector<16xf32>,
      %parallel_loop3A_531 = arith.mulf %parallel_loop3A_526, %parallel_loop3A_530 : vector<16xf32>
      %parallel_loop3A_532 = arith.addf %parallel_loop3A_521, %parallel_loop3A_531 : vector<16xf32>
      %parallel_loop3A_533 = arith.constant 18 : i32
      %parallel_loop3A_534 = arith.constant 0 : i32
      %parallel_loop3A_535 = tpu.memref_slice %arg14[%parallel_loop3A_533, %parallel_loop3A_534] : memref<32x128xf32, #tpu.memory_space<vmem>> -> memref<1x128xf32, #tpu.memory_space<vmem>>
      %parallel_loop3A_536 = tpu.memref_squeeze %parallel_loop3A_535 : memref<1x128xf32, #tpu.memory_space<vmem>> -> memref<128xf32, #tpu.memory_space<vmem>>
      %parallel_loop3A_537 = tpu.vector_load_idx %parallel_loop3A_536[%parallel_loop3A_334] : memref<128xf32, #tpu.memory_space<vmem>>[vector<16xi32>], vector<16xf32>,
      %parallel_loop3A_538 = arith.constant 18 : i32
      %parallel_loop3A_539 = arith.index_cast %parallel_loop3A_538 : i32 to index
      %parallel_loop3A_540 = arith.index_cast %parallel_loop3A_332 : i32 to index
      %parallel_loop3A_541 = tpu.vector_load %arg11[%parallel_loop3A_539, %parallel_loop3A_540] {strides = array<i32>} : memref<32x1024xf32, #tpu.memory_space<vmem>>, vector<16xf32>,
      %parallel_loop3A_542 = arith.mulf %parallel_loop3A_537, %parallel_loop3A_541 : vector<16xf32>
      %parallel_loop3A_543 = arith.addf %parallel_loop3A_532, %parallel_loop3A_542 : vector<16xf32>
      %parallel_loop3A_544 = arith.constant 19 : i32
      %parallel_loop3A_545 = arith.constant 0 : i32
      %parallel_loop3A_546 = tpu.memref_slice %arg14[%parallel_loop3A_544, %parallel_loop3A_545] : memref<32x128xf32, #tpu.memory_space<vmem>> -> memref<1x128xf32, #tpu.memory_space<vmem>>
      %parallel_loop3A_547 = tpu.memref_squeeze %parallel_loop3A_546 : memref<1x128xf32, #tpu.memory_space<vmem>> -> memref<128xf32, #tpu.memory_space<vmem>>
      %parallel_loop3A_548 = tpu.vector_load_idx %parallel_loop3A_547[%parallel_loop3A_334] : memref<128xf32, #tpu.memory_space<vmem>>[vector<16xi32>], vector<16xf32>,
      %parallel_loop3A_549 = arith.constant 19 : i32
      %parallel_loop3A_550 = arith.index_cast %parallel_loop3A_549 : i32 to index
      %parallel_loop3A_551 = arith.index_cast %parallel_loop3A_332 : i32 to index
      %parallel_loop3A_552 = tpu.vector_load %arg11[%parallel_loop3A_550, %parallel_loop3A_551] {strides = array<i32>} : memref<32x1024xf32, #tpu.memory_space<vmem>>, vector<16xf32>,
      %parallel_loop3A_553 = arith.mulf %parallel_loop3A_548, %parallel_loop3A_552 : vector<16xf32>
      %parallel_loop3A_554 = arith.addf %parallel_loop3A_543, %parallel_loop3A_553 : vector<16xf32>
      %parallel_loop3A_555 = arith.constant 20 : i32
      %parallel_loop3A_556 = arith.constant 0 : i32
      %parallel_loop3A_557 = tpu.memref_slice %arg14[%parallel_loop3A_555, %parallel_loop3A_556] : memref<32x128xf32, #tpu.memory_space<vmem>> -> memref<1x128xf32, #tpu.memory_space<vmem>>
      %parallel_loop3A_558 = tpu.memref_squeeze %parallel_loop3A_557 : memref<1x128xf32, #tpu.memory_space<vmem>> -> memref<128xf32, #tpu.memory_space<vmem>>
      %parallel_loop3A_559 = tpu.vector_load_idx %parallel_loop3A_558[%parallel_loop3A_334] : memref<128xf32, #tpu.memory_space<vmem>>[vector<16xi32>], vector<16xf32>,
      %parallel_loop3A_560 = arith.constant 20 : i32
      %parallel_loop3A_561 = arith.index_cast %parallel_loop3A_560 : i32 to index
      %parallel_loop3A_562 = arith.index_cast %parallel_loop3A_332 : i32 to index
      %parallel_loop3A_563 = tpu.vector_load %arg11[%parallel_loop3A_561, %parallel_loop3A_562] {strides = array<i32>} : memref<32x1024xf32, #tpu.memory_space<vmem>>, vector<16xf32>,
      %parallel_loop3A_564 = arith.mulf %parallel_loop3A_559, %parallel_loop3A_563 : vector<16xf32>
      %parallel_loop3A_565 = arith.addf %parallel_loop3A_554, %parallel_loop3A_564 : vector<16xf32>
      %parallel_loop3A_566 = arith.constant 21 : i32
      %parallel_loop3A_567 = arith.constant 0 : i32
      %parallel_loop3A_568 = tpu.memref_slice %arg14[%parallel_loop3A_566, %parallel_loop3A_567] : memref<32x128xf32, #tpu.memory_space<vmem>> -> memref<1x128xf32, #tpu.memory_space<vmem>>
      %parallel_loop3A_569 = tpu.memref_squeeze %parallel_loop3A_568 : memref<1x128xf32, #tpu.memory_space<vmem>> -> memref<128xf32, #tpu.memory_space<vmem>>
      %parallel_loop3A_570 = tpu.vector_load_idx %parallel_loop3A_569[%parallel_loop3A_334] : memref<128xf32, #tpu.memory_space<vmem>>[vector<16xi32>], vector<16xf32>,
      %parallel_loop3A_571 = arith.constant 21 : i32
      %parallel_loop3A_572 = arith.index_cast %parallel_loop3A_571 : i32 to index
      %parallel_loop3A_573 = arith.index_cast %parallel_loop3A_332 : i32 to index
      %parallel_loop3A_574 = tpu.vector_load %arg11[%parallel_loop3A_572, %parallel_loop3A_573] {strides = array<i32>} : memref<32x1024xf32, #tpu.memory_space<vmem>>, vector<16xf32>,
      %parallel_loop3A_575 = arith.mulf %parallel_loop3A_570, %parallel_loop3A_574 : vector<16xf32>
      %parallel_loop3A_576 = arith.addf %parallel_loop3A_565, %parallel_loop3A_575 : vector<16xf32>
      %parallel_loop3A_577 = arith.constant 22 : i32
      %parallel_loop3A_578 = arith.constant 0 : i32
      %parallel_loop3A_579 = tpu.memref_slice %arg14[%parallel_loop3A_577, %parallel_loop3A_578] : memref<32x128xf32, #tpu.memory_space<vmem>> -> memref<1x128xf32, #tpu.memory_space<vmem>>
      %parallel_loop3A_580 = tpu.memref_squeeze %parallel_loop3A_579 : memref<1x128xf32, #tpu.memory_space<vmem>> -> memref<128xf32, #tpu.memory_space<vmem>>
      %parallel_loop3A_581 = tpu.vector_load_idx %parallel_loop3A_580[%parallel_loop3A_334] : memref<128xf32, #tpu.memory_space<vmem>>[vector<16xi32>], vector<16xf32>,
      %parallel_loop3A_582 = arith.constant 22 : i32
      %parallel_loop3A_583 = arith.index_cast %parallel_loop3A_582 : i32 to index
      %parallel_loop3A_584 = arith.index_cast %parallel_loop3A_332 : i32 to index
      %parallel_loop3A_585 = tpu.vector_load %arg11[%parallel_loop3A_583, %parallel_loop3A_584] {strides = array<i32>} : memref<32x1024xf32, #tpu.memory_space<vmem>>, vector<16xf32>,
      %parallel_loop3A_586 = arith.mulf %parallel_loop3A_581, %parallel_loop3A_585 : vector<16xf32>
      %parallel_loop3A_587 = arith.addf %parallel_loop3A_576, %parallel_loop3A_586 : vector<16xf32>
      %parallel_loop3A_588 = arith.constant 23 : i32
      %parallel_loop3A_589 = arith.constant 0 : i32
      %parallel_loop3A_590 = tpu.memref_slice %arg14[%parallel_loop3A_588, %parallel_loop3A_589] : memref<32x128xf32, #tpu.memory_space<vmem>> -> memref<1x128xf32, #tpu.memory_space<vmem>>
      %parallel_loop3A_591 = tpu.memref_squeeze %parallel_loop3A_590 : memref<1x128xf32, #tpu.memory_space<vmem>> -> memref<128xf32, #tpu.memory_space<vmem>>
      %parallel_loop3A_592 = tpu.vector_load_idx %parallel_loop3A_591[%parallel_loop3A_334] : memref<128xf32, #tpu.memory_space<vmem>>[vector<16xi32>], vector<16xf32>,
      %parallel_loop3A_593 = arith.constant 23 : i32
      %parallel_loop3A_594 = arith.index_cast %parallel_loop3A_593 : i32 to index
      %parallel_loop3A_595 = arith.index_cast %parallel_loop3A_332 : i32 to index
      %parallel_loop3A_596 = tpu.vector_load %arg11[%parallel_loop3A_594, %parallel_loop3A_595] {strides = array<i32>} : memref<32x1024xf32, #tpu.memory_space<vmem>>, vector<16xf32>,
      %parallel_loop3A_597 = arith.mulf %parallel_loop3A_592, %parallel_loop3A_596 : vector<16xf32>
      %parallel_loop3A_598 = arith.addf %parallel_loop3A_587, %parallel_loop3A_597 : vector<16xf32>
      %parallel_loop3A_599 = arith.constant 24 : i32
      %parallel_loop3A_600 = arith.constant 0 : i32
      %parallel_loop3A_601 = tpu.memref_slice %arg14[%parallel_loop3A_599, %parallel_loop3A_600] : memref<32x128xf32, #tpu.memory_space<vmem>> -> memref<1x128xf32, #tpu.memory_space<vmem>>
      %parallel_loop3A_602 = tpu.memref_squeeze %parallel_loop3A_601 : memref<1x128xf32, #tpu.memory_space<vmem>> -> memref<128xf32, #tpu.memory_space<vmem>>
      %parallel_loop3A_603 = tpu.vector_load_idx %parallel_loop3A_602[%parallel_loop3A_334] : memref<128xf32, #tpu.memory_space<vmem>>[vector<16xi32>], vector<16xf32>,
      %parallel_loop3A_604 = arith.constant 24 : i32
      %parallel_loop3A_605 = arith.index_cast %parallel_loop3A_604 : i32 to index
      %parallel_loop3A_606 = arith.index_cast %parallel_loop3A_332 : i32 to index
      %parallel_loop3A_607 = tpu.vector_load %arg11[%parallel_loop3A_605, %parallel_loop3A_606] {strides = array<i32>} : memref<32x1024xf32, #tpu.memory_space<vmem>>, vector<16xf32>,
      %parallel_loop3A_608 = arith.mulf %parallel_loop3A_603, %parallel_loop3A_607 : vector<16xf32>
      %parallel_loop3A_609 = arith.addf %parallel_loop3A_598, %parallel_loop3A_608 : vector<16xf32>
      %parallel_loop3A_610 = arith.constant 25 : i32
      %parallel_loop3A_611 = arith.constant 0 : i32
      %parallel_loop3A_612 = tpu.memref_slice %arg14[%parallel_loop3A_610, %parallel_loop3A_611] : memref<32x128xf32, #tpu.memory_space<vmem>> -> memref<1x128xf32, #tpu.memory_space<vmem>>
      %parallel_loop3A_613 = tpu.memref_squeeze %parallel_loop3A_612 : memref<1x128xf32, #tpu.memory_space<vmem>> -> memref<128xf32, #tpu.memory_space<vmem>>
      %parallel_loop3A_614 = tpu.vector_load_idx %parallel_loop3A_613[%parallel_loop3A_334] : memref<128xf32, #tpu.memory_space<vmem>>[vector<16xi32>], vector<16xf32>,
      %parallel_loop3A_615 = arith.constant 25 : i32
      %parallel_loop3A_616 = arith.index_cast %parallel_loop3A_615 : i32 to index
      %parallel_loop3A_617 = arith.index_cast %parallel_loop3A_332 : i32 to index
      %parallel_loop3A_618 = tpu.vector_load %arg11[%parallel_loop3A_616, %parallel_loop3A_617] {strides = array<i32>} : memref<32x1024xf32, #tpu.memory_space<vmem>>, vector<16xf32>,
      %parallel_loop3A_619 = arith.mulf %parallel_loop3A_614, %parallel_loop3A_618 : vector<16xf32>
      %parallel_loop3A_620 = arith.addf %parallel_loop3A_609, %parallel_loop3A_619 : vector<16xf32>
      %parallel_loop3A_621 = arith.constant 26 : i32
      %parallel_loop3A_622 = arith.constant 0 : i32
      %parallel_loop3A_623 = tpu.memref_slice %arg14[%parallel_loop3A_621, %parallel_loop3A_622] : memref<32x128xf32, #tpu.memory_space<vmem>> -> memref<1x128xf32, #tpu.memory_space<vmem>>
      %parallel_loop3A_624 = tpu.memref_squeeze %parallel_loop3A_623 : memref<1x128xf32, #tpu.memory_space<vmem>> -> memref<128xf32, #tpu.memory_space<vmem>>
      %parallel_loop3A_625 = tpu.vector_load_idx %parallel_loop3A_624[%parallel_loop3A_334] : memref<128xf32, #tpu.memory_space<vmem>>[vector<16xi32>], vector<16xf32>,
      %parallel_loop3A_626 = arith.constant 26 : i32
      %parallel_loop3A_627 = arith.index_cast %parallel_loop3A_626 : i32 to index
      %parallel_loop3A_628 = arith.index_cast %parallel_loop3A_332 : i32 to index
      %parallel_loop3A_629 = tpu.vector_load %arg11[%parallel_loop3A_627, %parallel_loop3A_628] {strides = array<i32>} : memref<32x1024xf32, #tpu.memory_space<vmem>>, vector<16xf32>,
      %parallel_loop3A_630 = arith.mulf %parallel_loop3A_625, %parallel_loop3A_629 : vector<16xf32>
      %parallel_loop3A_631 = arith.addf %parallel_loop3A_620, %parallel_loop3A_630 : vector<16xf32>
      %parallel_loop3A_632 = arith.constant 27 : i32
      %parallel_loop3A_633 = arith.constant 0 : i32
      %parallel_loop3A_634 = tpu.memref_slice %arg14[%parallel_loop3A_632, %parallel_loop3A_633] : memref<32x128xf32, #tpu.memory_space<vmem>> -> memref<1x128xf32, #tpu.memory_space<vmem>>
      %parallel_loop3A_635 = tpu.memref_squeeze %parallel_loop3A_634 : memref<1x128xf32, #tpu.memory_space<vmem>> -> memref<128xf32, #tpu.memory_space<vmem>>
      %parallel_loop3A_636 = tpu.vector_load_idx %parallel_loop3A_635[%parallel_loop3A_334] : memref<128xf32, #tpu.memory_space<vmem>>[vector<16xi32>], vector<16xf32>,
      %parallel_loop3A_637 = arith.constant 27 : i32
      %parallel_loop3A_638 = arith.index_cast %parallel_loop3A_637 : i32 to index
      %parallel_loop3A_639 = arith.index_cast %parallel_loop3A_332 : i32 to index
      %parallel_loop3A_640 = tpu.vector_load %arg11[%parallel_loop3A_638, %parallel_loop3A_639] {strides = array<i32>} : memref<32x1024xf32, #tpu.memory_space<vmem>>, vector<16xf32>,
      %parallel_loop3A_641 = arith.mulf %parallel_loop3A_636, %parallel_loop3A_640 : vector<16xf32>
      %parallel_loop3A_642 = arith.addf %parallel_loop3A_631, %parallel_loop3A_641 : vector<16xf32>
      %parallel_loop3A_643 = arith.constant 28 : i32
      %parallel_loop3A_644 = arith.constant 0 : i32
      %parallel_loop3A_645 = tpu.memref_slice %arg14[%parallel_loop3A_643, %parallel_loop3A_644] : memref<32x128xf32, #tpu.memory_space<vmem>> -> memref<1x128xf32, #tpu.memory_space<vmem>>
      %parallel_loop3A_646 = tpu.memref_squeeze %parallel_loop3A_645 : memref<1x128xf32, #tpu.memory_space<vmem>> -> memref<128xf32, #tpu.memory_space<vmem>>
      %parallel_loop3A_647 = tpu.vector_load_idx %parallel_loop3A_646[%parallel_loop3A_334] : memref<128xf32, #tpu.memory_space<vmem>>[vector<16xi32>], vector<16xf32>,
      %parallel_loop3A_648 = arith.constant 28 : i32
      %parallel_loop3A_649 = arith.index_cast %parallel_loop3A_648 : i32 to index
      %parallel_loop3A_650 = arith.index_cast %parallel_loop3A_332 : i32 to index
      %parallel_loop3A_651 = tpu.vector_load %arg11[%parallel_loop3A_649, %parallel_loop3A_650] {strides = array<i32>} : memref<32x1024xf32, #tpu.memory_space<vmem>>, vector<16xf32>,
      %parallel_loop3A_652 = arith.mulf %parallel_loop3A_647, %parallel_loop3A_651 : vector<16xf32>
      %parallel_loop3A_653 = arith.addf %parallel_loop3A_642, %parallel_loop3A_652 : vector<16xf32>
      %parallel_loop3A_654 = arith.constant 29 : i32
      %parallel_loop3A_655 = arith.constant 0 : i32
      %parallel_loop3A_656 = tpu.memref_slice %arg14[%parallel_loop3A_654, %parallel_loop3A_655] : memref<32x128xf32, #tpu.memory_space<vmem>> -> memref<1x128xf32, #tpu.memory_space<vmem>>
      %parallel_loop3A_657 = tpu.memref_squeeze %parallel_loop3A_656 : memref<1x128xf32, #tpu.memory_space<vmem>> -> memref<128xf32, #tpu.memory_space<vmem>>
      %parallel_loop3A_658 = tpu.vector_load_idx %parallel_loop3A_657[%parallel_loop3A_334] : memref<128xf32, #tpu.memory_space<vmem>>[vector<16xi32>], vector<16xf32>,
      %parallel_loop3A_659 = arith.constant 29 : i32
      %parallel_loop3A_660 = arith.index_cast %parallel_loop3A_659 : i32 to index
      %parallel_loop3A_661 = arith.index_cast %parallel_loop3A_332 : i32 to index
      %parallel_loop3A_662 = tpu.vector_load %arg11[%parallel_loop3A_660, %parallel_loop3A_661] {strides = array<i32>} : memref<32x1024xf32, #tpu.memory_space<vmem>>, vector<16xf32>,
      %parallel_loop3A_663 = arith.mulf %parallel_loop3A_658, %parallel_loop3A_662 : vector<16xf32>
      %parallel_loop3A_664 = arith.addf %parallel_loop3A_653, %parallel_loop3A_663 : vector<16xf32>
      %parallel_loop3A_665 = arith.constant 30 : i32
      %parallel_loop3A_666 = arith.constant 0 : i32
      %parallel_loop3A_667 = tpu.memref_slice %arg14[%parallel_loop3A_665, %parallel_loop3A_666] : memref<32x128xf32, #tpu.memory_space<vmem>> -> memref<1x128xf32, #tpu.memory_space<vmem>>
      %parallel_loop3A_668 = tpu.memref_squeeze %parallel_loop3A_667 : memref<1x128xf32, #tpu.memory_space<vmem>> -> memref<128xf32, #tpu.memory_space<vmem>>
      %parallel_loop3A_669 = tpu.vector_load_idx %parallel_loop3A_668[%parallel_loop3A_334] : memref<128xf32, #tpu.memory_space<vmem>>[vector<16xi32>], vector<16xf32>,
      %parallel_loop3A_670 = arith.constant 30 : i32
      %parallel_loop3A_671 = arith.index_cast %parallel_loop3A_670 : i32 to index
      %parallel_loop3A_672 = arith.index_cast %parallel_loop3A_332 : i32 to index
      %parallel_loop3A_673 = tpu.vector_load %arg11[%parallel_loop3A_671, %parallel_loop3A_672] {strides = array<i32>} : memref<32x1024xf32, #tpu.memory_space<vmem>>, vector<16xf32>,
      %parallel_loop3A_674 = arith.mulf %parallel_loop3A_669, %parallel_loop3A_673 : vector<16xf32>
      %parallel_loop3A_675 = arith.addf %parallel_loop3A_664, %parallel_loop3A_674 : vector<16xf32>
      %parallel_loop3A_676 = arith.constant 31 : i32
      %parallel_loop3A_677 = arith.constant 0 : i32
      %parallel_loop3A_678 = tpu.memref_slice %arg14[%parallel_loop3A_676, %parallel_loop3A_677] : memref<32x128xf32, #tpu.memory_space<vmem>> -> memref<1x128xf32, #tpu.memory_space<vmem>>
      %parallel_loop3A_679 = tpu.memref_squeeze %parallel_loop3A_678 : memref<1x128xf32, #tpu.memory_space<vmem>> -> memref<128xf32, #tpu.memory_space<vmem>>
      %parallel_loop3A_680 = tpu.vector_load_idx %parallel_loop3A_679[%parallel_loop3A_334] : memref<128xf32, #tpu.memory_space<vmem>>[vector<16xi32>], vector<16xf32>,
      %parallel_loop3A_681 = arith.constant 31 : i32
      %parallel_loop3A_682 = arith.index_cast %parallel_loop3A_681 : i32 to index
      %parallel_loop3A_683 = arith.index_cast %parallel_loop3A_332 : i32 to index
      %parallel_loop3A_684 = tpu.vector_load %arg11[%parallel_loop3A_682, %parallel_loop3A_683] {strides = array<i32>} : memref<32x1024xf32, #tpu.memory_space<vmem>>, vector<16xf32>,
      %parallel_loop3A_685 = arith.mulf %parallel_loop3A_680, %parallel_loop3A_684 : vector<16xf32>
      %parallel_loop3A_686 = arith.addf %parallel_loop3A_675, %parallel_loop3A_685 : vector<16xf32>
      %parallel_loop3A_687 = arith.constant 0 : i32
      %parallel_loop3A_688 = arith.constant 0 : i32
      %parallel_loop3A_689 = tpu.memref_slice %arg15[%parallel_loop3A_687, %parallel_loop3A_688] : memref<1x128xf32, #tpu.memory_space<vmem>> -> memref<1x128xf32, #tpu.memory_space<vmem>>
      %parallel_loop3A_690 = tpu.memref_squeeze %parallel_loop3A_689 : memref<1x128xf32, #tpu.memory_space<vmem>> -> memref<128xf32, #tpu.memory_space<vmem>>
      %parallel_loop3A_691 = tpu.vector_load_idx %parallel_loop3A_690[%parallel_loop3A_334] : memref<128xf32, #tpu.memory_space<vmem>>[vector<16xi32>], vector<16xf32>,
      %parallel_loop3A_692 = arith.constant 2.000000e+00 : f32
      %parallel_loop3A_693 = vector.broadcast %parallel_loop3A_692 : f32 to vector<16xf32>
      %parallel_loop3A_694 = arith.subf %parallel_loop3A_693, %parallel_loop3A_686 : vector<16xf32>
      %parallel_loop3A_695 = arith.constant 5.000000e-01 : f32
      %parallel_loop3A_696 = vector.broadcast %parallel_loop3A_695 : f32 to vector<16xf32>
      %parallel_loop3A_697 = arith.mulf %parallel_loop3A_694, %parallel_loop3A_696 : vector<16xf32>
      %parallel_loop3A_698 = arith.constant 1.000000e-01 : f32
      %parallel_loop3A_699 = vector.broadcast %parallel_loop3A_698 : f32 to vector<16xf32>
      %parallel_loop3A_700 = arith.subf %parallel_loop3A_697, %parallel_loop3A_699 : vector<16xf32>
      %parallel_loop3A_701 = arith.constant 0.000000e+00 : f32
      %parallel_loop3A_702 = vector.broadcast %parallel_loop3A_701 : f32 to vector<16xf32>
      %parallel_loop3A_703 = arith.maximumf %parallel_loop3A_700, %parallel_loop3A_702 : vector<16xf32>
      %parallel_loop3A_704 = arith.mulf %parallel_loop3A_691, %parallel_loop3A_703 : vector<16xf32>
      %parallel_loop3A_705 = arith.addf %parallel_loop3A_330, %parallel_loop3A_704 : vector<16xf32>
      scf.yield %parallel_loop3A_705 : vector<16xf32>
    } {sc.loop_unroll_factor = 2 : i64, sc.parallel_access}
    %mul3A_274 = arith.constant 7.812500e-03 : f32
    %mul3A_275 = vector.broadcast %mul3A_274 : f32 to vector<16xf32>
    %mul3A_276 = arith.mulf %parallel_loop3A_273, %mul3A_275 : vector<16xf32>
    %swap3A_277 = arith.constant 0 : index
    %swap3A_278 = tpu.vector_load %arg23[%swap3A_277] {strides = array<i32>} : memref<16xf32, #tpu.memory_space<vmem>>, vector<16xf32>,
    tpu.vector_store %arg23[%swap3A_277], %mul3A_276 {strides = array<i32>} : memref<16xf32, #tpu.memory_space<vmem>>, vector<16xf32>,
    %scan3A_279 = arith.constant 0 : i32
    %scan3A_280 = arith.constant 0 : i32
    %scan3A_281 = arith.constant 8 : i32
    %scan3A_282 = arith.addi %scan3A_280, %scan3A_281 : i32
    %scan3A_283 = arith.constant 1 : i32
    %scan3A_284 = scf.for %scan3A_329 = %scan3A_280 to %scan3A_282 step %scan3A_283 iter_args(%scan3A_330 = %scan3A_279) -> (i32)  : i32 {
      %mul3A_331 = arith.constant 16 : i32
      %mul3A_332 = arith.muli %scan3A_329, %mul3A_331 : i32
      %get3A_333 = arith.index_cast %mul3A_332 : i32 to index
      %get3A_334 = tpu.vector_load %arg17[%get3A_333] {strides = array<i32>} : memref<128xi32, #tpu.memory_space<vmem>>, vector<16xi32>,
      %gather3A = arith.constant 0 : i32
      %gather3A_335 = arith.constant 0 : i32
      %gather3A_336 = tpu.memref_slice %arg14[%gather3A, %gather3A_335] : memref<32x128xf32, #tpu.memory_space<vmem>> -> memref<1x128xf32, #tpu.memory_space<vmem>>
      %gather3A_337 = tpu.memref_squeeze %gather3A_336 : memref<1x128xf32, #tpu.memory_space<vmem>> -> memref<128xf32, #tpu.memory_space<vmem>>
      %gather3A_338 = tpu.vector_load_idx %gather3A_337[%get3A_334] : memref<128xf32, #tpu.memory_space<vmem>>[vector<16xi32>], vector<16xf32>,
      %mul3A_339 = arith.constant 16 : i32
      %mul3A_340 = arith.muli %scan3A_329, %mul3A_339 : i32
      %swap3A_341 = arith.constant 0 : i32
      %swap3A_342 = arith.index_cast %swap3A_341 : i32 to index
      %swap3A_343 = arith.index_cast %mul3A_340 : i32 to index
      %swap3A_344 = tpu.vector_load %arg21[%swap3A_342, %swap3A_343] {strides = array<i32>} : memref<32x128xf32, #tpu.memory_space<vmem>>, vector<16xf32>,
      tpu.vector_store %arg21[%swap3A_342, %swap3A_343], %gather3A_338 {strides = array<i32>} : memref<32x128xf32, #tpu.memory_space<vmem>>, vector<16xf32>,
      %gather3A_345 = arith.constant 1 : i32
      %gather3A_346 = arith.constant 0 : i32
      %gather3A_347 = tpu.memref_slice %arg14[%gather3A_345, %gather3A_346] : memref<32x128xf32, #tpu.memory_space<vmem>> -> memref<1x128xf32, #tpu.memory_space<vmem>>
      %gather3A_348 = tpu.memref_squeeze %gather3A_347 : memref<1x128xf32, #tpu.memory_space<vmem>> -> memref<128xf32, #tpu.memory_space<vmem>>
      %gather3A_349 = tpu.vector_load_idx %gather3A_348[%get3A_334] : memref<128xf32, #tpu.memory_space<vmem>>[vector<16xi32>], vector<16xf32>,
      %mul3A_350 = arith.constant 16 : i32
      %mul3A_351 = arith.muli %scan3A_329, %mul3A_350 : i32
      %swap3A_352 = arith.constant 1 : i32
      %swap3A_353 = arith.index_cast %swap3A_352 : i32 to index
      %swap3A_354 = arith.index_cast %mul3A_351 : i32 to index
      %swap3A_355 = tpu.vector_load %arg21[%swap3A_353, %swap3A_354] {strides = array<i32>} : memref<32x128xf32, #tpu.memory_space<vmem>>, vector<16xf32>,
      tpu.vector_store %arg21[%swap3A_353, %swap3A_354], %gather3A_349 {strides = array<i32>} : memref<32x128xf32, #tpu.memory_space<vmem>>, vector<16xf32>,
      %gather3A_356 = arith.constant 2 : i32
      %gather3A_357 = arith.constant 0 : i32
      %gather3A_358 = tpu.memref_slice %arg14[%gather3A_356, %gather3A_357] : memref<32x128xf32, #tpu.memory_space<vmem>> -> memref<1x128xf32, #tpu.memory_space<vmem>>
      %gather3A_359 = tpu.memref_squeeze %gather3A_358 : memref<1x128xf32, #tpu.memory_space<vmem>> -> memref<128xf32, #tpu.memory_space<vmem>>
      %gather3A_360 = tpu.vector_load_idx %gather3A_359[%get3A_334] : memref<128xf32, #tpu.memory_space<vmem>>[vector<16xi32>], vector<16xf32>,
      %mul3A_361 = arith.constant 16 : i32
      %mul3A_362 = arith.muli %scan3A_329, %mul3A_361 : i32
      %swap3A_363 = arith.constant 2 : i32
      %swap3A_364 = arith.index_cast %swap3A_363 : i32 to index
      %swap3A_365 = arith.index_cast %mul3A_362 : i32 to index
      %swap3A_366 = tpu.vector_load %arg21[%swap3A_364, %swap3A_365] {strides = array<i32>} : memref<32x128xf32, #tpu.memory_space<vmem>>, vector<16xf32>,
      tpu.vector_store %arg21[%swap3A_364, %swap3A_365], %gather3A_360 {strides = array<i32>} : memref<32x128xf32, #tpu.memory_space<vmem>>, vector<16xf32>,
      %gather3A_367 = arith.constant 3 : i32
      %gather3A_368 = arith.constant 0 : i32
      %gather3A_369 = tpu.memref_slice %arg14[%gather3A_367, %gather3A_368] : memref<32x128xf32, #tpu.memory_space<vmem>> -> memref<1x128xf32, #tpu.memory_space<vmem>>
      %gather3A_370 = tpu.memref_squeeze %gather3A_369 : memref<1x128xf32, #tpu.memory_space<vmem>> -> memref<128xf32, #tpu.memory_space<vmem>>
      %gather3A_371 = tpu.vector_load_idx %gather3A_370[%get3A_334] : memref<128xf32, #tpu.memory_space<vmem>>[vector<16xi32>], vector<16xf32>,
      %mul3A_372 = arith.constant 16 : i32
      %mul3A_373 = arith.muli %scan3A_329, %mul3A_372 : i32
      %swap3A_374 = arith.constant 3 : i32
      %swap3A_375 = arith.index_cast %swap3A_374 : i32 to index
      %swap3A_376 = arith.index_cast %mul3A_373 : i32 to index
      %swap3A_377 = tpu.vector_load %arg21[%swap3A_375, %swap3A_376] {strides = array<i32>} : memref<32x128xf32, #tpu.memory_space<vmem>>, vector<16xf32>,
      tpu.vector_store %arg21[%swap3A_375, %swap3A_376], %gather3A_371 {strides = array<i32>} : memref<32x128xf32, #tpu.memory_space<vmem>>, vector<16xf32>,
      %gather3A_378 = arith.constant 4 : i32
      %gather3A_379 = arith.constant 0 : i32
      %gather3A_380 = tpu.memref_slice %arg14[%gather3A_378, %gather3A_379] : memref<32x128xf32, #tpu.memory_space<vmem>> -> memref<1x128xf32, #tpu.memory_space<vmem>>
      %gather3A_381 = tpu.memref_squeeze %gather3A_380 : memref<1x128xf32, #tpu.memory_space<vmem>> -> memref<128xf32, #tpu.memory_space<vmem>>
      %gather3A_382 = tpu.vector_load_idx %gather3A_381[%get3A_334] : memref<128xf32, #tpu.memory_space<vmem>>[vector<16xi32>], vector<16xf32>,
      %mul3A_383 = arith.constant 16 : i32
      %mul3A_384 = arith.muli %scan3A_329, %mul3A_383 : i32
      %swap3A_385 = arith.constant 4 : i32
      %swap3A_386 = arith.index_cast %swap3A_385 : i32 to index
      %swap3A_387 = arith.index_cast %mul3A_384 : i32 to index
      %swap3A_388 = tpu.vector_load %arg21[%swap3A_386, %swap3A_387] {strides = array<i32>} : memref<32x128xf32, #tpu.memory_space<vmem>>, vector<16xf32>,
      tpu.vector_store %arg21[%swap3A_386, %swap3A_387], %gather3A_382 {strides = array<i32>} : memref<32x128xf32, #tpu.memory_space<vmem>>, vector<16xf32>,
      %gather3A_389 = arith.constant 5 : i32
      %gather3A_390 = arith.constant 0 : i32
      %gather3A_391 = tpu.memref_slice %arg14[%gather3A_389, %gather3A_390] : memref<32x128xf32, #tpu.memory_space<vmem>> -> memref<1x128xf32, #tpu.memory_space<vmem>>
      %gather3A_392 = tpu.memref_squeeze %gather3A_391 : memref<1x128xf32, #tpu.memory_space<vmem>> -> memref<128xf32, #tpu.memory_space<vmem>>
      %gather3A_393 = tpu.vector_load_idx %gather3A_392[%get3A_334] : memref<128xf32, #tpu.memory_space<vmem>>[vector<16xi32>], vector<16xf32>,
      %mul3A_394 = arith.constant 16 : i32
      %mul3A_395 = arith.muli %scan3A_329, %mul3A_394 : i32
      %swap3A_396 = arith.constant 5 : i32
      %swap3A_397 = arith.index_cast %swap3A_396 : i32 to index
      %swap3A_398 = arith.index_cast %mul3A_395 : i32 to index
      %swap3A_399 = tpu.vector_load %arg21[%swap3A_397, %swap3A_398] {strides = array<i32>} : memref<32x128xf32, #tpu.memory_space<vmem>>, vector<16xf32>,
      tpu.vector_store %arg21[%swap3A_397, %swap3A_398], %gather3A_393 {strides = array<i32>} : memref<32x128xf32, #tpu.memory_space<vmem>>, vector<16xf32>,
      %gather3A_400 = arith.constant 6 : i32
      %gather3A_401 = arith.constant 0 : i32
      %gather3A_402 = tpu.memref_slice %arg14[%gather3A_400, %gather3A_401] : memref<32x128xf32, #tpu.memory_space<vmem>> -> memref<1x128xf32, #tpu.memory_space<vmem>>
      %gather3A_403 = tpu.memref_squeeze %gather3A_402 : memref<1x128xf32, #tpu.memory_space<vmem>> -> memref<128xf32, #tpu.memory_space<vmem>>
      %gather3A_404 = tpu.vector_load_idx %gather3A_403[%get3A_334] : memref<128xf32, #tpu.memory_space<vmem>>[vector<16xi32>], vector<16xf32>,
      %mul3A_405 = arith.constant 16 : i32
      %mul3A_406 = arith.muli %scan3A_329, %mul3A_405 : i32
      %swap3A_407 = arith.constant 6 : i32
      %swap3A_408 = arith.index_cast %swap3A_407 : i32 to index
      %swap3A_409 = arith.index_cast %mul3A_406 : i32 to index
      %swap3A_410 = tpu.vector_load %arg21[%swap3A_408, %swap3A_409] {strides = array<i32>} : memref<32x128xf32, #tpu.memory_space<vmem>>, vector<16xf32>,
      tpu.vector_store %arg21[%swap3A_408, %swap3A_409], %gather3A_404 {strides = array<i32>} : memref<32x128xf32, #tpu.memory_space<vmem>>, vector<16xf32>,
      %gather3A_411 = arith.constant 7 : i32
      %gather3A_412 = arith.constant 0 : i32
      %gather3A_413 = tpu.memref_slice %arg14[%gather3A_411, %gather3A_412] : memref<32x128xf32, #tpu.memory_space<vmem>> -> memref<1x128xf32, #tpu.memory_space<vmem>>
      %gather3A_414 = tpu.memref_squeeze %gather3A_413 : memref<1x128xf32, #tpu.memory_space<vmem>> -> memref<128xf32, #tpu.memory_space<vmem>>
      %gather3A_415 = tpu.vector_load_idx %gather3A_414[%get3A_334] : memref<128xf32, #tpu.memory_space<vmem>>[vector<16xi32>], vector<16xf32>,
      %mul3A_416 = arith.constant 16 : i32
      %mul3A_417 = arith.muli %scan3A_329, %mul3A_416 : i32
      %swap3A_418 = arith.constant 7 : i32
      %swap3A_419 = arith.index_cast %swap3A_418 : i32 to index
      %swap3A_420 = arith.index_cast %mul3A_417 : i32 to index
      %swap3A_421 = tpu.vector_load %arg21[%swap3A_419, %swap3A_420] {strides = array<i32>} : memref<32x128xf32, #tpu.memory_space<vmem>>, vector<16xf32>,
      tpu.vector_store %arg21[%swap3A_419, %swap3A_420], %gather3A_415 {strides = array<i32>} : memref<32x128xf32, #tpu.memory_space<vmem>>, vector<16xf32>,
      %gather3A_422 = arith.constant 8 : i32
      %gather3A_423 = arith.constant 0 : i32
      %gather3A_424 = tpu.memref_slice %arg14[%gather3A_422, %gather3A_423] : memref<32x128xf32, #tpu.memory_space<vmem>> -> memref<1x128xf32, #tpu.memory_space<vmem>>
      %gather3A_425 = tpu.memref_squeeze %gather3A_424 : memref<1x128xf32, #tpu.memory_space<vmem>> -> memref<128xf32, #tpu.memory_space<vmem>>
      %gather3A_426 = tpu.vector_load_idx %gather3A_425[%get3A_334] : memref<128xf32, #tpu.memory_space<vmem>>[vector<16xi32>], vector<16xf32>,
      %mul3A_427 = arith.constant 16 : i32
      %mul3A_428 = arith.muli %scan3A_329, %mul3A_427 : i32
      %swap3A_429 = arith.constant 8 : i32
      %swap3A_430 = arith.index_cast %swap3A_429 : i32 to index
      %swap3A_431 = arith.index_cast %mul3A_428 : i32 to index
      %swap3A_432 = tpu.vector_load %arg21[%swap3A_430, %swap3A_431] {strides = array<i32>} : memref<32x128xf32, #tpu.memory_space<vmem>>, vector<16xf32>,
      tpu.vector_store %arg21[%swap3A_430, %swap3A_431], %gather3A_426 {strides = array<i32>} : memref<32x128xf32, #tpu.memory_space<vmem>>, vector<16xf32>,
      %gather3A_433 = arith.constant 9 : i32
      %gather3A_434 = arith.constant 0 : i32
      %gather3A_435 = tpu.memref_slice %arg14[%gather3A_433, %gather3A_434] : memref<32x128xf32, #tpu.memory_space<vmem>> -> memref<1x128xf32, #tpu.memory_space<vmem>>
      %gather3A_436 = tpu.memref_squeeze %gather3A_435 : memref<1x128xf32, #tpu.memory_space<vmem>> -> memref<128xf32, #tpu.memory_space<vmem>>
      %gather3A_437 = tpu.vector_load_idx %gather3A_436[%get3A_334] : memref<128xf32, #tpu.memory_space<vmem>>[vector<16xi32>], vector<16xf32>,
      %mul3A_438 = arith.constant 16 : i32
      %mul3A_439 = arith.muli %scan3A_329, %mul3A_438 : i32
      %swap3A_440 = arith.constant 9 : i32
      %swap3A_441 = arith.index_cast %swap3A_440 : i32 to index
      %swap3A_442 = arith.index_cast %mul3A_439 : i32 to index
      %swap3A_443 = tpu.vector_load %arg21[%swap3A_441, %swap3A_442] {strides = array<i32>} : memref<32x128xf32, #tpu.memory_space<vmem>>, vector<16xf32>,
      tpu.vector_store %arg21[%swap3A_441, %swap3A_442], %gather3A_437 {strides = array<i32>} : memref<32x128xf32, #tpu.memory_space<vmem>>, vector<16xf32>,
      %gather3A_444 = arith.constant 10 : i32
      %gather3A_445 = arith.constant 0 : i32
      %gather3A_446 = tpu.memref_slice %arg14[%gather3A_444, %gather3A_445] : memref<32x128xf32, #tpu.memory_space<vmem>> -> memref<1x128xf32, #tpu.memory_space<vmem>>
      %gather3A_447 = tpu.memref_squeeze %gather3A_446 : memref<1x128xf32, #tpu.memory_space<vmem>> -> memref<128xf32, #tpu.memory_space<vmem>>
      %gather3A_448 = tpu.vector_load_idx %gather3A_447[%get3A_334] : memref<128xf32, #tpu.memory_space<vmem>>[vector<16xi32>], vector<16xf32>,
      %mul3A_449 = arith.constant 16 : i32
      %mul3A_450 = arith.muli %scan3A_329, %mul3A_449 : i32
      %swap3A_451 = arith.constant 10 : i32
      %swap3A_452 = arith.index_cast %swap3A_451 : i32 to index
      %swap3A_453 = arith.index_cast %mul3A_450 : i32 to index
      %swap3A_454 = tpu.vector_load %arg21[%swap3A_452, %swap3A_453] {strides = array<i32>} : memref<32x128xf32, #tpu.memory_space<vmem>>, vector<16xf32>,
      tpu.vector_store %arg21[%swap3A_452, %swap3A_453], %gather3A_448 {strides = array<i32>} : memref<32x128xf32, #tpu.memory_space<vmem>>, vector<16xf32>,
      %gather3A_455 = arith.constant 11 : i32
      %gather3A_456 = arith.constant 0 : i32
      %gather3A_457 = tpu.memref_slice %arg14[%gather3A_455, %gather3A_456] : memref<32x128xf32, #tpu.memory_space<vmem>> -> memref<1x128xf32, #tpu.memory_space<vmem>>
      %gather3A_458 = tpu.memref_squeeze %gather3A_457 : memref<1x128xf32, #tpu.memory_space<vmem>> -> memref<128xf32, #tpu.memory_space<vmem>>
      %gather3A_459 = tpu.vector_load_idx %gather3A_458[%get3A_334] : memref<128xf32, #tpu.memory_space<vmem>>[vector<16xi32>], vector<16xf32>,
      %mul3A_460 = arith.constant 16 : i32
      %mul3A_461 = arith.muli %scan3A_329, %mul3A_460 : i32
      %swap3A_462 = arith.constant 11 : i32
      %swap3A_463 = arith.index_cast %swap3A_462 : i32 to index
      %swap3A_464 = arith.index_cast %mul3A_461 : i32 to index
      %swap3A_465 = tpu.vector_load %arg21[%swap3A_463, %swap3A_464] {strides = array<i32>} : memref<32x128xf32, #tpu.memory_space<vmem>>, vector<16xf32>,
      tpu.vector_store %arg21[%swap3A_463, %swap3A_464], %gather3A_459 {strides = array<i32>} : memref<32x128xf32, #tpu.memory_space<vmem>>, vector<16xf32>,
      %gather3A_466 = arith.constant 12 : i32
      %gather3A_467 = arith.constant 0 : i32
      %gather3A_468 = tpu.memref_slice %arg14[%gather3A_466, %gather3A_467] : memref<32x128xf32, #tpu.memory_space<vmem>> -> memref<1x128xf32, #tpu.memory_space<vmem>>
      %gather3A_469 = tpu.memref_squeeze %gather3A_468 : memref<1x128xf32, #tpu.memory_space<vmem>> -> memref<128xf32, #tpu.memory_space<vmem>>
      %gather3A_470 = tpu.vector_load_idx %gather3A_469[%get3A_334] : memref<128xf32, #tpu.memory_space<vmem>>[vector<16xi32>], vector<16xf32>,
      %mul3A_471 = arith.constant 16 : i32
      %mul3A_472 = arith.muli %scan3A_329, %mul3A_471 : i32
      %swap3A_473 = arith.constant 12 : i32
      %swap3A_474 = arith.index_cast %swap3A_473 : i32 to index
      %swap3A_475 = arith.index_cast %mul3A_472 : i32 to index
      %swap3A_476 = tpu.vector_load %arg21[%swap3A_474, %swap3A_475] {strides = array<i32>} : memref<32x128xf32, #tpu.memory_space<vmem>>, vector<16xf32>,
      tpu.vector_store %arg21[%swap3A_474, %swap3A_475], %gather3A_470 {strides = array<i32>} : memref<32x128xf32, #tpu.memory_space<vmem>>, vector<16xf32>,
      %gather3A_477 = arith.constant 13 : i32
      %gather3A_478 = arith.constant 0 : i32
      %gather3A_479 = tpu.memref_slice %arg14[%gather3A_477, %gather3A_478] : memref<32x128xf32, #tpu.memory_space<vmem>> -> memref<1x128xf32, #tpu.memory_space<vmem>>
      %gather3A_480 = tpu.memref_squeeze %gather3A_479 : memref<1x128xf32, #tpu.memory_space<vmem>> -> memref<128xf32, #tpu.memory_space<vmem>>
      %gather3A_481 = tpu.vector_load_idx %gather3A_480[%get3A_334] : memref<128xf32, #tpu.memory_space<vmem>>[vector<16xi32>], vector<16xf32>,
      %mul3A_482 = arith.constant 16 : i32
      %mul3A_483 = arith.muli %scan3A_329, %mul3A_482 : i32
      %swap3A_484 = arith.constant 13 : i32
      %swap3A_485 = arith.index_cast %swap3A_484 : i32 to index
      %swap3A_486 = arith.index_cast %mul3A_483 : i32 to index
      %swap3A_487 = tpu.vector_load %arg21[%swap3A_485, %swap3A_486] {strides = array<i32>} : memref<32x128xf32, #tpu.memory_space<vmem>>, vector<16xf32>,
      tpu.vector_store %arg21[%swap3A_485, %swap3A_486], %gather3A_481 {strides = array<i32>} : memref<32x128xf32, #tpu.memory_space<vmem>>, vector<16xf32>,
      %gather3A_488 = arith.constant 14 : i32
      %gather3A_489 = arith.constant 0 : i32
      %gather3A_490 = tpu.memref_slice %arg14[%gather3A_488, %gather3A_489] : memref<32x128xf32, #tpu.memory_space<vmem>> -> memref<1x128xf32, #tpu.memory_space<vmem>>
      %gather3A_491 = tpu.memref_squeeze %gather3A_490 : memref<1x128xf32, #tpu.memory_space<vmem>> -> memref<128xf32, #tpu.memory_space<vmem>>
      %gather3A_492 = tpu.vector_load_idx %gather3A_491[%get3A_334] : memref<128xf32, #tpu.memory_space<vmem>>[vector<16xi32>], vector<16xf32>,
      %mul3A_493 = arith.constant 16 : i32
      %mul3A_494 = arith.muli %scan3A_329, %mul3A_493 : i32
      %swap3A_495 = arith.constant 14 : i32
      %swap3A_496 = arith.index_cast %swap3A_495 : i32 to index
      %swap3A_497 = arith.index_cast %mul3A_494 : i32 to index
      %swap3A_498 = tpu.vector_load %arg21[%swap3A_496, %swap3A_497] {strides = array<i32>} : memref<32x128xf32, #tpu.memory_space<vmem>>, vector<16xf32>,
      tpu.vector_store %arg21[%swap3A_496, %swap3A_497], %gather3A_492 {strides = array<i32>} : memref<32x128xf32, #tpu.memory_space<vmem>>, vector<16xf32>,
      %gather3A_499 = arith.constant 15 : i32
      %gather3A_500 = arith.constant 0 : i32
      %gather3A_501 = tpu.memref_slice %arg14[%gather3A_499, %gather3A_500] : memref<32x128xf32, #tpu.memory_space<vmem>> -> memref<1x128xf32, #tpu.memory_space<vmem>>
      %gather3A_502 = tpu.memref_squeeze %gather3A_501 : memref<1x128xf32, #tpu.memory_space<vmem>> -> memref<128xf32, #tpu.memory_space<vmem>>
      %gather3A_503 = tpu.vector_load_idx %gather3A_502[%get3A_334] : memref<128xf32, #tpu.memory_space<vmem>>[vector<16xi32>], vector<16xf32>,
      %mul3A_504 = arith.constant 16 : i32
      %mul3A_505 = arith.muli %scan3A_329, %mul3A_504 : i32
      %swap3A_506 = arith.constant 15 : i32
      %swap3A_507 = arith.index_cast %swap3A_506 : i32 to index
      %swap3A_508 = arith.index_cast %mul3A_505 : i32 to index
      %swap3A_509 = tpu.vector_load %arg21[%swap3A_507, %swap3A_508] {strides = array<i32>} : memref<32x128xf32, #tpu.memory_space<vmem>>, vector<16xf32>,
      tpu.vector_store %arg21[%swap3A_507, %swap3A_508], %gather3A_503 {strides = array<i32>} : memref<32x128xf32, #tpu.memory_space<vmem>>, vector<16xf32>,
      %gather3A_510 = arith.constant 16 : i32
      %gather3A_511 = arith.constant 0 : i32
      %gather3A_512 = tpu.memref_slice %arg14[%gather3A_510, %gather3A_511] : memref<32x128xf32, #tpu.memory_space<vmem>> -> memref<1x128xf32, #tpu.memory_space<vmem>>
      %gather3A_513 = tpu.memref_squeeze %gather3A_512 : memref<1x128xf32, #tpu.memory_space<vmem>> -> memref<128xf32, #tpu.memory_space<vmem>>
      %gather3A_514 = tpu.vector_load_idx %gather3A_513[%get3A_334] : memref<128xf32, #tpu.memory_space<vmem>>[vector<16xi32>], vector<16xf32>,
      %mul3A_515 = arith.constant 16 : i32
      %mul3A_516 = arith.muli %scan3A_329, %mul3A_515 : i32
      %swap3A_517 = arith.constant 16 : i32
      %swap3A_518 = arith.index_cast %swap3A_517 : i32 to index
      %swap3A_519 = arith.index_cast %mul3A_516 : i32 to index
      %swap3A_520 = tpu.vector_load %arg21[%swap3A_518, %swap3A_519] {strides = array<i32>} : memref<32x128xf32, #tpu.memory_space<vmem>>, vector<16xf32>,
      tpu.vector_store %arg21[%swap3A_518, %swap3A_519], %gather3A_514 {strides = array<i32>} : memref<32x128xf32, #tpu.memory_space<vmem>>, vector<16xf32>,
      %gather3A_521 = arith.constant 17 : i32
      %gather3A_522 = arith.constant 0 : i32
      %gather3A_523 = tpu.memref_slice %arg14[%gather3A_521, %gather3A_522] : memref<32x128xf32, #tpu.memory_space<vmem>> -> memref<1x128xf32, #tpu.memory_space<vmem>>
      %gather3A_524 = tpu.memref_squeeze %gather3A_523 : memref<1x128xf32, #tpu.memory_space<vmem>> -> memref<128xf32, #tpu.memory_space<vmem>>
      %gather3A_525 = tpu.vector_load_idx %gather3A_524[%get3A_334] : memref<128xf32, #tpu.memory_space<vmem>>[vector<16xi32>], vector<16xf32>,
      %mul3A_526 = arith.constant 16 : i32
      %mul3A_527 = arith.muli %scan3A_329, %mul3A_526 : i32
      %swap3A_528 = arith.constant 17 : i32
      %swap3A_529 = arith.index_cast %swap3A_528 : i32 to index
      %swap3A_530 = arith.index_cast %mul3A_527 : i32 to index
      %swap3A_531 = tpu.vector_load %arg21[%swap3A_529, %swap3A_530] {strides = array<i32>} : memref<32x128xf32, #tpu.memory_space<vmem>>, vector<16xf32>,
      tpu.vector_store %arg21[%swap3A_529, %swap3A_530], %gather3A_525 {strides = array<i32>} : memref<32x128xf32, #tpu.memory_space<vmem>>, vector<16xf32>,
      %gather3A_532 = arith.constant 18 : i32
      %gather3A_533 = arith.constant 0 : i32
      %gather3A_534 = tpu.memref_slice %arg14[%gather3A_532, %gather3A_533] : memref<32x128xf32, #tpu.memory_space<vmem>> -> memref<1x128xf32, #tpu.memory_space<vmem>>
      %gather3A_535 = tpu.memref_squeeze %gather3A_534 : memref<1x128xf32, #tpu.memory_space<vmem>> -> memref<128xf32, #tpu.memory_space<vmem>>
      %gather3A_536 = tpu.vector_load_idx %gather3A_535[%get3A_334] : memref<128xf32, #tpu.memory_space<vmem>>[vector<16xi32>], vector<16xf32>,
      %mul3A_537 = arith.constant 16 : i32
      %mul3A_538 = arith.muli %scan3A_329, %mul3A_537 : i32
      %swap3A_539 = arith.constant 18 : i32
      %swap3A_540 = arith.index_cast %swap3A_539 : i32 to index
      %swap3A_541 = arith.index_cast %mul3A_538 : i32 to index
      %swap3A_542 = tpu.vector_load %arg21[%swap3A_540, %swap3A_541] {strides = array<i32>} : memref<32x128xf32, #tpu.memory_space<vmem>>, vector<16xf32>,
      tpu.vector_store %arg21[%swap3A_540, %swap3A_541], %gather3A_536 {strides = array<i32>} : memref<32x128xf32, #tpu.memory_space<vmem>>, vector<16xf32>,
      %gather3A_543 = arith.constant 19 : i32
      %gather3A_544 = arith.constant 0 : i32
      %gather3A_545 = tpu.memref_slice %arg14[%gather3A_543, %gather3A_544] : memref<32x128xf32, #tpu.memory_space<vmem>> -> memref<1x128xf32, #tpu.memory_space<vmem>>
      %gather3A_546 = tpu.memref_squeeze %gather3A_545 : memref<1x128xf32, #tpu.memory_space<vmem>> -> memref<128xf32, #tpu.memory_space<vmem>>
      %gather3A_547 = tpu.vector_load_idx %gather3A_546[%get3A_334] : memref<128xf32, #tpu.memory_space<vmem>>[vector<16xi32>], vector<16xf32>,
      %mul3A_548 = arith.constant 16 : i32
      %mul3A_549 = arith.muli %scan3A_329, %mul3A_548 : i32
      %swap3A_550 = arith.constant 19 : i32
      %swap3A_551 = arith.index_cast %swap3A_550 : i32 to index
      %swap3A_552 = arith.index_cast %mul3A_549 : i32 to index
      %swap3A_553 = tpu.vector_load %arg21[%swap3A_551, %swap3A_552] {strides = array<i32>} : memref<32x128xf32, #tpu.memory_space<vmem>>, vector<16xf32>,
      tpu.vector_store %arg21[%swap3A_551, %swap3A_552], %gather3A_547 {strides = array<i32>} : memref<32x128xf32, #tpu.memory_space<vmem>>, vector<16xf32>,
      %gather3A_554 = arith.constant 20 : i32
      %gather3A_555 = arith.constant 0 : i32
      %gather3A_556 = tpu.memref_slice %arg14[%gather3A_554, %gather3A_555] : memref<32x128xf32, #tpu.memory_space<vmem>> -> memref<1x128xf32, #tpu.memory_space<vmem>>
      %gather3A_557 = tpu.memref_squeeze %gather3A_556 : memref<1x128xf32, #tpu.memory_space<vmem>> -> memref<128xf32, #tpu.memory_space<vmem>>
      %gather3A_558 = tpu.vector_load_idx %gather3A_557[%get3A_334] : memref<128xf32, #tpu.memory_space<vmem>>[vector<16xi32>], vector<16xf32>,
      %mul3A_559 = arith.constant 16 : i32
      %mul3A_560 = arith.muli %scan3A_329, %mul3A_559 : i32
      %swap3A_561 = arith.constant 20 : i32
      %swap3A_562 = arith.index_cast %swap3A_561 : i32 to index
      %swap3A_563 = arith.index_cast %mul3A_560 : i32 to index
      %swap3A_564 = tpu.vector_load %arg21[%swap3A_562, %swap3A_563] {strides = array<i32>} : memref<32x128xf32, #tpu.memory_space<vmem>>, vector<16xf32>,
      tpu.vector_store %arg21[%swap3A_562, %swap3A_563], %gather3A_558 {strides = array<i32>} : memref<32x128xf32, #tpu.memory_space<vmem>>, vector<16xf32>,
      %gather3A_565 = arith.constant 21 : i32
      %gather3A_566 = arith.constant 0 : i32
      %gather3A_567 = tpu.memref_slice %arg14[%gather3A_565, %gather3A_566] : memref<32x128xf32, #tpu.memory_space<vmem>> -> memref<1x128xf32, #tpu.memory_space<vmem>>
      %gather3A_568 = tpu.memref_squeeze %gather3A_567 : memref<1x128xf32, #tpu.memory_space<vmem>> -> memref<128xf32, #tpu.memory_space<vmem>>
      %gather3A_569 = tpu.vector_load_idx %gather3A_568[%get3A_334] : memref<128xf32, #tpu.memory_space<vmem>>[vector<16xi32>], vector<16xf32>,
      %mul3A_570 = arith.constant 16 : i32
      %mul3A_571 = arith.muli %scan3A_329, %mul3A_570 : i32
      %swap3A_572 = arith.constant 21 : i32
      %swap3A_573 = arith.index_cast %swap3A_572 : i32 to index
      %swap3A_574 = arith.index_cast %mul3A_571 : i32 to index
      %swap3A_575 = tpu.vector_load %arg21[%swap3A_573, %swap3A_574] {strides = array<i32>} : memref<32x128xf32, #tpu.memory_space<vmem>>, vector<16xf32>,
      tpu.vector_store %arg21[%swap3A_573, %swap3A_574], %gather3A_569 {strides = array<i32>} : memref<32x128xf32, #tpu.memory_space<vmem>>, vector<16xf32>,
      %gather3A_576 = arith.constant 22 : i32
      %gather3A_577 = arith.constant 0 : i32
      %gather3A_578 = tpu.memref_slice %arg14[%gather3A_576, %gather3A_577] : memref<32x128xf32, #tpu.memory_space<vmem>> -> memref<1x128xf32, #tpu.memory_space<vmem>>
      %gather3A_579 = tpu.memref_squeeze %gather3A_578 : memref<1x128xf32, #tpu.memory_space<vmem>> -> memref<128xf32, #tpu.memory_space<vmem>>
      %gather3A_580 = tpu.vector_load_idx %gather3A_579[%get3A_334] : memref<128xf32, #tpu.memory_space<vmem>>[vector<16xi32>], vector<16xf32>,
      %mul3A_581 = arith.constant 16 : i32
      %mul3A_582 = arith.muli %scan3A_329, %mul3A_581 : i32
      %swap3A_583 = arith.constant 22 : i32
      %swap3A_584 = arith.index_cast %swap3A_583 : i32 to index
      %swap3A_585 = arith.index_cast %mul3A_582 : i32 to index
      %swap3A_586 = tpu.vector_load %arg21[%swap3A_584, %swap3A_585] {strides = array<i32>} : memref<32x128xf32, #tpu.memory_space<vmem>>, vector<16xf32>,
      tpu.vector_store %arg21[%swap3A_584, %swap3A_585], %gather3A_580 {strides = array<i32>} : memref<32x128xf32, #tpu.memory_space<vmem>>, vector<16xf32>,
      %gather3A_587 = arith.constant 23 : i32
      %gather3A_588 = arith.constant 0 : i32
      %gather3A_589 = tpu.memref_slice %arg14[%gather3A_587, %gather3A_588] : memref<32x128xf32, #tpu.memory_space<vmem>> -> memref<1x128xf32, #tpu.memory_space<vmem>>
      %gather3A_590 = tpu.memref_squeeze %gather3A_589 : memref<1x128xf32, #tpu.memory_space<vmem>> -> memref<128xf32, #tpu.memory_space<vmem>>
      %gather3A_591 = tpu.vector_load_idx %gather3A_590[%get3A_334] : memref<128xf32, #tpu.memory_space<vmem>>[vector<16xi32>], vector<16xf32>,
      %mul3A_592 = arith.constant 16 : i32
      %mul3A_593 = arith.muli %scan3A_329, %mul3A_592 : i32
      %swap3A_594 = arith.constant 23 : i32
      %swap3A_595 = arith.index_cast %swap3A_594 : i32 to index
      %swap3A_596 = arith.index_cast %mul3A_593 : i32 to index
      %swap3A_597 = tpu.vector_load %arg21[%swap3A_595, %swap3A_596] {strides = array<i32>} : memref<32x128xf32, #tpu.memory_space<vmem>>, vector<16xf32>,
      tpu.vector_store %arg21[%swap3A_595, %swap3A_596], %gather3A_591 {strides = array<i32>} : memref<32x128xf32, #tpu.memory_space<vmem>>, vector<16xf32>,
      %gather3A_598 = arith.constant 24 : i32
      %gather3A_599 = arith.constant 0 : i32
      %gather3A_600 = tpu.memref_slice %arg14[%gather3A_598, %gather3A_599] : memref<32x128xf32, #tpu.memory_space<vmem>> -> memref<1x128xf32, #tpu.memory_space<vmem>>
      %gather3A_601 = tpu.memref_squeeze %gather3A_600 : memref<1x128xf32, #tpu.memory_space<vmem>> -> memref<128xf32, #tpu.memory_space<vmem>>
      %gather3A_602 = tpu.vector_load_idx %gather3A_601[%get3A_334] : memref<128xf32, #tpu.memory_space<vmem>>[vector<16xi32>], vector<16xf32>,
      %mul3A_603 = arith.constant 16 : i32
      %mul3A_604 = arith.muli %scan3A_329, %mul3A_603 : i32
      %swap3A_605 = arith.constant 24 : i32
      %swap3A_606 = arith.index_cast %swap3A_605 : i32 to index
      %swap3A_607 = arith.index_cast %mul3A_604 : i32 to index
      %swap3A_608 = tpu.vector_load %arg21[%swap3A_606, %swap3A_607] {strides = array<i32>} : memref<32x128xf32, #tpu.memory_space<vmem>>, vector<16xf32>,
      tpu.vector_store %arg21[%swap3A_606, %swap3A_607], %gather3A_602 {strides = array<i32>} : memref<32x128xf32, #tpu.memory_space<vmem>>, vector<16xf32>,
      %gather3A_609 = arith.constant 25 : i32
      %gather3A_610 = arith.constant 0 : i32
      %gather3A_611 = tpu.memref_slice %arg14[%gather3A_609, %gather3A_610] : memref<32x128xf32, #tpu.memory_space<vmem>> -> memref<1x128xf32, #tpu.memory_space<vmem>>
      %gather3A_612 = tpu.memref_squeeze %gather3A_611 : memref<1x128xf32, #tpu.memory_space<vmem>> -> memref<128xf32, #tpu.memory_space<vmem>>
      %gather3A_613 = tpu.vector_load_idx %gather3A_612[%get3A_334] : memref<128xf32, #tpu.memory_space<vmem>>[vector<16xi32>], vector<16xf32>,
      %mul3A_614 = arith.constant 16 : i32
      %mul3A_615 = arith.muli %scan3A_329, %mul3A_614 : i32
      %swap3A_616 = arith.constant 25 : i32
      %swap3A_617 = arith.index_cast %swap3A_616 : i32 to index
      %swap3A_618 = arith.index_cast %mul3A_615 : i32 to index
      %swap3A_619 = tpu.vector_load %arg21[%swap3A_617, %swap3A_618] {strides = array<i32>} : memref<32x128xf32, #tpu.memory_space<vmem>>, vector<16xf32>,
      tpu.vector_store %arg21[%swap3A_617, %swap3A_618], %gather3A_613 {strides = array<i32>} : memref<32x128xf32, #tpu.memory_space<vmem>>, vector<16xf32>,
      %gather3A_620 = arith.constant 26 : i32
      %gather3A_621 = arith.constant 0 : i32
      %gather3A_622 = tpu.memref_slice %arg14[%gather3A_620, %gather3A_621] : memref<32x128xf32, #tpu.memory_space<vmem>> -> memref<1x128xf32, #tpu.memory_space<vmem>>
      %gather3A_623 = tpu.memref_squeeze %gather3A_622 : memref<1x128xf32, #tpu.memory_space<vmem>> -> memref<128xf32, #tpu.memory_space<vmem>>
      %gather3A_624 = tpu.vector_load_idx %gather3A_623[%get3A_334] : memref<128xf32, #tpu.memory_space<vmem>>[vector<16xi32>], vector<16xf32>,
      %mul3A_625 = arith.constant 16 : i32
      %mul3A_626 = arith.muli %scan3A_329, %mul3A_625 : i32
      %swap3A_627 = arith.constant 26 : i32
      %swap3A_628 = arith.index_cast %swap3A_627 : i32 to index
      %swap3A_629 = arith.index_cast %mul3A_626 : i32 to index
      %swap3A_630 = tpu.vector_load %arg21[%swap3A_628, %swap3A_629] {strides = array<i32>} : memref<32x128xf32, #tpu.memory_space<vmem>>, vector<16xf32>,
      tpu.vector_store %arg21[%swap3A_628, %swap3A_629], %gather3A_624 {strides = array<i32>} : memref<32x128xf32, #tpu.memory_space<vmem>>, vector<16xf32>,
      %gather3A_631 = arith.constant 27 : i32
      %gather3A_632 = arith.constant 0 : i32
      %gather3A_633 = tpu.memref_slice %arg14[%gather3A_631, %gather3A_632] : memref<32x128xf32, #tpu.memory_space<vmem>> -> memref<1x128xf32, #tpu.memory_space<vmem>>
      %gather3A_634 = tpu.memref_squeeze %gather3A_633 : memref<1x128xf32, #tpu.memory_space<vmem>> -> memref<128xf32, #tpu.memory_space<vmem>>
      %gather3A_635 = tpu.vector_load_idx %gather3A_634[%get3A_334] : memref<128xf32, #tpu.memory_space<vmem>>[vector<16xi32>], vector<16xf32>,
      %mul3A_636 = arith.constant 16 : i32
      %mul3A_637 = arith.muli %scan3A_329, %mul3A_636 : i32
      %swap3A_638 = arith.constant 27 : i32
      %swap3A_639 = arith.index_cast %swap3A_638 : i32 to index
      %swap3A_640 = arith.index_cast %mul3A_637 : i32 to index
      %swap3A_641 = tpu.vector_load %arg21[%swap3A_639, %swap3A_640] {strides = array<i32>} : memref<32x128xf32, #tpu.memory_space<vmem>>, vector<16xf32>,
      tpu.vector_store %arg21[%swap3A_639, %swap3A_640], %gather3A_635 {strides = array<i32>} : memref<32x128xf32, #tpu.memory_space<vmem>>, vector<16xf32>,
      %gather3A_642 = arith.constant 28 : i32
      %gather3A_643 = arith.constant 0 : i32
      %gather3A_644 = tpu.memref_slice %arg14[%gather3A_642, %gather3A_643] : memref<32x128xf32, #tpu.memory_space<vmem>> -> memref<1x128xf32, #tpu.memory_space<vmem>>
      %gather3A_645 = tpu.memref_squeeze %gather3A_644 : memref<1x128xf32, #tpu.memory_space<vmem>> -> memref<128xf32, #tpu.memory_space<vmem>>
      %gather3A_646 = tpu.vector_load_idx %gather3A_645[%get3A_334] : memref<128xf32, #tpu.memory_space<vmem>>[vector<16xi32>], vector<16xf32>,
      %mul3A_647 = arith.constant 16 : i32
      %mul3A_648 = arith.muli %scan3A_329, %mul3A_647 : i32
      %swap3A_649 = arith.constant 28 : i32
      %swap3A_650 = arith.index_cast %swap3A_649 : i32 to index
      %swap3A_651 = arith.index_cast %mul3A_648 : i32 to index
      %swap3A_652 = tpu.vector_load %arg21[%swap3A_650, %swap3A_651] {strides = array<i32>} : memref<32x128xf32, #tpu.memory_space<vmem>>, vector<16xf32>,
      tpu.vector_store %arg21[%swap3A_650, %swap3A_651], %gather3A_646 {strides = array<i32>} : memref<32x128xf32, #tpu.memory_space<vmem>>, vector<16xf32>,
      %gather3A_653 = arith.constant 29 : i32
      %gather3A_654 = arith.constant 0 : i32
      %gather3A_655 = tpu.memref_slice %arg14[%gather3A_653, %gather3A_654] : memref<32x128xf32, #tpu.memory_space<vmem>> -> memref<1x128xf32, #tpu.memory_space<vmem>>
      %gather3A_656 = tpu.memref_squeeze %gather3A_655 : memref<1x128xf32, #tpu.memory_space<vmem>> -> memref<128xf32, #tpu.memory_space<vmem>>
      %gather3A_657 = tpu.vector_load_idx %gather3A_656[%get3A_334] : memref<128xf32, #tpu.memory_space<vmem>>[vector<16xi32>], vector<16xf32>,
      %mul3A_658 = arith.constant 16 : i32
      %mul3A_659 = arith.muli %scan3A_329, %mul3A_658 : i32
      %swap3A_660 = arith.constant 29 : i32
      %swap3A_661 = arith.index_cast %swap3A_660 : i32 to index
      %swap3A_662 = arith.index_cast %mul3A_659 : i32 to index
      %swap3A_663 = tpu.vector_load %arg21[%swap3A_661, %swap3A_662] {strides = array<i32>} : memref<32x128xf32, #tpu.memory_space<vmem>>, vector<16xf32>,
      tpu.vector_store %arg21[%swap3A_661, %swap3A_662], %gather3A_657 {strides = array<i32>} : memref<32x128xf32, #tpu.memory_space<vmem>>, vector<16xf32>,
      %gather3A_664 = arith.constant 30 : i32
      %gather3A_665 = arith.constant 0 : i32
      %gather3A_666 = tpu.memref_slice %arg14[%gather3A_664, %gather3A_665] : memref<32x128xf32, #tpu.memory_space<vmem>> -> memref<1x128xf32, #tpu.memory_space<vmem>>
      %gather3A_667 = tpu.memref_squeeze %gather3A_666 : memref<1x128xf32, #tpu.memory_space<vmem>> -> memref<128xf32, #tpu.memory_space<vmem>>
      %gather3A_668 = tpu.vector_load_idx %gather3A_667[%get3A_334] : memref<128xf32, #tpu.memory_space<vmem>>[vector<16xi32>], vector<16xf32>,
      %mul3A_669 = arith.constant 16 : i32
      %mul3A_670 = arith.muli %scan3A_329, %mul3A_669 : i32
      %swap3A_671 = arith.constant 30 : i32
      %swap3A_672 = arith.index_cast %swap3A_671 : i32 to index
      %swap3A_673 = arith.index_cast %mul3A_670 : i32 to index
      %swap3A_674 = tpu.vector_load %arg21[%swap3A_672, %swap3A_673] {strides = array<i32>} : memref<32x128xf32, #tpu.memory_space<vmem>>, vector<16xf32>,
      tpu.vector_store %arg21[%swap3A_672, %swap3A_673], %gather3A_668 {strides = array<i32>} : memref<32x128xf32, #tpu.memory_space<vmem>>, vector<16xf32>,
      %gather3A_675 = arith.constant 31 : i32
      %gather3A_676 = arith.constant 0 : i32
      %gather3A_677 = tpu.memref_slice %arg14[%gather3A_675, %gather3A_676] : memref<32x128xf32, #tpu.memory_space<vmem>> -> memref<1x128xf32, #tpu.memory_space<vmem>>
      %gather3A_678 = tpu.memref_squeeze %gather3A_677 : memref<1x128xf32, #tpu.memory_space<vmem>> -> memref<128xf32, #tpu.memory_space<vmem>>
      %gather3A_679 = tpu.vector_load_idx %gather3A_678[%get3A_334] : memref<128xf32, #tpu.memory_space<vmem>>[vector<16xi32>], vector<16xf32>,
      %mul3A_680 = arith.constant 16 : i32
      %mul3A_681 = arith.muli %scan3A_329, %mul3A_680 : i32
      %swap3A_682 = arith.constant 31 : i32
      %swap3A_683 = arith.index_cast %swap3A_682 : i32 to index
      %swap3A_684 = arith.index_cast %mul3A_681 : i32 to index
      %swap3A_685 = tpu.vector_load %arg21[%swap3A_683, %swap3A_684] {strides = array<i32>} : memref<32x128xf32, #tpu.memory_space<vmem>>, vector<16xf32>,
      tpu.vector_store %arg21[%swap3A_683, %swap3A_684], %gather3A_679 {strides = array<i32>} : memref<32x128xf32, #tpu.memory_space<vmem>>, vector<16xf32>,
      %scan3A_686 = arith.constant 0 : i32
      scf.yield %scan3A_686 : i32
    }
    %scan3A_285 = arith.constant 8 : i32
    %eq3A_286 = arith.constant 0 : i32
    %eq3A_287 = arith.cmpi eq, %select_n3A_28, %eq3A_286 : i32
    %convert_element_type3A_288 = arith.extui %eq3A_287 : i1 to i32
    %cond3A_289 = arith.constant 0 : i32
    %cond3A_290 = arith.cmpi ne, %convert_element_type3A_288, %cond3A_289 : i32
    scf.if %cond3A_290 {
      "tpu.region"() ({
        %run_scoped3A = tpu.sem_alloc : memref<!tpu.dma_semaphore, #tpu.memory_space<semaphore_mem>>
        %dma_start3A_329 = arith.constant 0 : i32
        %dma_start3A_330 = arith.constant 0 : i32
        %dma_start3A_331 = tpu.memref_slice %arg29[%select_n3A, %dma_start3A_329, %dma_start3A_330] : memref<4x32x128xf32, #tpu.memory_space<vmem_shared>> -> memref<1x32x128xf32, #tpu.memory_space<vmem_shared>>
        %dma_start3A_332 = tpu.memref_squeeze %dma_start3A_331 : memref<1x32x128xf32, #tpu.memory_space<vmem_shared>> -> memref<32x128xf32, #tpu.memory_space<vmem_shared>>
        %dma_start3A_333 = arith.constant 0 : i32
        %dma_start3A_334 = arith.constant 0 : i32
        %dma_start3A_335 = tpu.memref_slice %arg29[%select_n3A, %dma_start3A_333, %dma_start3A_334] : memref<4x32x128xf32, #tpu.memory_space<vmem_shared>> -> memref<1x32x128xf32, #tpu.memory_space<vmem_shared>>
        %dma_start3A_336 = tpu.memref_squeeze %dma_start3A_335 : memref<1x32x128xf32, #tpu.memory_space<vmem_shared>> -> memref<32x128xf32, #tpu.memory_space<vmem_shared>>
        tpu.enqueue_dma source(%arg21 : memref<32x128xf32, #tpu.memory_space<vmem>>) target(%dma_start3A_336 : memref<32x128xf32, #tpu.memory_space<vmem_shared>>) target_semaphore(%run_scoped3A : memref<!tpu.dma_semaphore, #tpu.memory_space<semaphore_mem>>)
        %dma_wait3A_337 = arith.constant 0 : i32
        %dma_wait3A_338 = arith.constant 0 : i32
        %dma_wait3A_339 = tpu.memref_slice %arg29[%select_n3A, %dma_wait3A_337, %dma_wait3A_338] : memref<4x32x128xf32, #tpu.memory_space<vmem_shared>> -> memref<1x32x128xf32, #tpu.memory_space<vmem_shared>>
        %dma_wait3A_340 = tpu.memref_squeeze %dma_wait3A_339 : memref<1x32x128xf32, #tpu.memory_space<vmem_shared>> -> memref<32x128xf32, #tpu.memory_space<vmem_shared>>
        %dma_wait3A_341 = arith.constant 0 : i32
        %dma_wait3A_342 = arith.constant 0 : i32
        %dma_wait3A_343 = tpu.memref_slice %arg29[%select_n3A, %dma_wait3A_341, %dma_wait3A_342] : memref<4x32x128xf32, #tpu.memory_space<vmem_shared>> -> memref<1x32x128xf32, #tpu.memory_space<vmem_shared>>
        %dma_wait3A_344 = tpu.memref_squeeze %dma_wait3A_343 : memref<1x32x128xf32, #tpu.memory_space<vmem_shared>> -> memref<32x128xf32, #tpu.memory_space<vmem_shared>>
        tpu.wait_dma2 semaphore(%run_scoped3A : memref<!tpu.dma_semaphore, #tpu.memory_space<semaphore_mem>>) src(%arg21 : memref<32x128xf32, #tpu.memory_space<vmem>>) dst(%dma_wait3A_344 : memref<32x128xf32, #tpu.memory_space<vmem_shared>>)
        tpu.yield
      }) : () -> ()
    } else {
    }
    %barrier3A_291 = arith.constant 0 : index
    tpu.barrier barrier_id(%barrier3A_291)
    %mul3A_292 = arith.constant 8 : i32
    %mul3A_293 = arith.muli %select_n3A_28, %mul3A_292 : i32
    %add3A_294 = arith.constant 1 : i32
    %add3A_295 = arith.addi %select_n3A_28, %add3A_294 : i32
    %mul3A_296 = arith.constant 8 : i32
    %mul3A_297 = arith.muli %add3A_295, %mul3A_296 : i32
    %while3A = arith.subi %mul3A_297, %mul3A_293 : i32
    %while3A_298 = arith.addi %mul3A_293, %while3A : i32
    %while3A_299 = arith.constant 1 : i32
    %while3A_300 = arith.divsi %while3A, %while3A_299 : i32
    %while3A_301 = arith.muli %while3A_300, %while3A_299 : i32
    %while3A_302 = arith.addi %mul3A_293, %while3A_301 : i32
    %while3A_303 = arith.constant 1 : i32
    %while3A_304 = scf.for %while3A_329 = %mul3A_293 to %while3A_302 step %while3A_303 iter_args(%while3A_330 = %broadcast_in_dim3A_45) -> (vector<16xf32>)  : i32 {
      %mul3A_331 = arith.constant 16 : i32
      %mul3A_332 = arith.muli %while3A_329, %mul3A_331 : i32
      %get3A_333 = arith.constant 0 : i32
      %get3A_334 = arith.index_cast %get3A_333 : i32 to index
      %get3A_335 = arith.index_cast %mul3A_332 : i32 to index
      %get3A_336 = tpu.vector_load %arg18[%get3A_334, %get3A_335] {strides = array<i32>} : memref<2x512xi32, #tpu.memory_space<vmem>>, vector<16xi32>,
      %get3A_337 = arith.constant 1 : i32
      %get3A_338 = arith.index_cast %get3A_337 : i32 to index
      %get3A_339 = arith.index_cast %mul3A_332 : i32 to index
      %get3A_340 = tpu.vector_load %arg18[%get3A_338, %get3A_339] {strides = array<i32>} : memref<2x512xi32, #tpu.memory_space<vmem>>, vector<16xi32>,
      %gather3A = arith.constant 0 : i32
      %gather3A_341 = arith.constant 0 : i32
      %gather3A_342 = tpu.memref_slice %arg21[%gather3A, %gather3A_341] : memref<32x128xf32, #tpu.memory_space<vmem>> -> memref<1x128xf32, #tpu.memory_space<vmem>>
      %gather3A_343 = tpu.memref_squeeze %gather3A_342 : memref<1x128xf32, #tpu.memory_space<vmem>> -> memref<128xf32, #tpu.memory_space<vmem>>
      %gather3A_344 = tpu.vector_load_idx %gather3A_343[%get3A_336] : memref<128xf32, #tpu.memory_space<vmem>>[vector<16xi32>], vector<16xf32>,
      %gather3A_345 = arith.constant 0 : i32
      %gather3A_346 = arith.constant 0 : i32
      %gather3A_347 = tpu.memref_slice %arg21[%gather3A_345, %gather3A_346] : memref<32x128xf32, #tpu.memory_space<vmem>> -> memref<1x128xf32, #tpu.memory_space<vmem>>
      %gather3A_348 = tpu.memref_squeeze %gather3A_347 : memref<1x128xf32, #tpu.memory_space<vmem>> -> memref<128xf32, #tpu.memory_space<vmem>>
      %gather3A_349 = tpu.vector_load_idx %gather3A_348[%get3A_340] : memref<128xf32, #tpu.memory_space<vmem>>[vector<16xi32>], vector<16xf32>,
      %mul3A_350 = arith.mulf %gather3A_344, %gather3A_349 : vector<16xf32>
      %add3A_351 = arith.addf %broadcast_in_dim3A_45, %mul3A_350 : vector<16xf32>
      %gather3A_352 = arith.constant 1 : i32
      %gather3A_353 = arith.constant 0 : i32
      %gather3A_354 = tpu.memref_slice %arg21[%gather3A_352, %gather3A_353] : memref<32x128xf32, #tpu.memory_space<vmem>> -> memref<1x128xf32, #tpu.memory_space<vmem>>
      %gather3A_355 = tpu.memref_squeeze %gather3A_354 : memref<1x128xf32, #tpu.memory_space<vmem>> -> memref<128xf32, #tpu.memory_space<vmem>>
      %gather3A_356 = tpu.vector_load_idx %gather3A_355[%get3A_336] : memref<128xf32, #tpu.memory_space<vmem>>[vector<16xi32>], vector<16xf32>,
      %gather3A_357 = arith.constant 1 : i32
      %gather3A_358 = arith.constant 0 : i32
      %gather3A_359 = tpu.memref_slice %arg21[%gather3A_357, %gather3A_358] : memref<32x128xf32, #tpu.memory_space<vmem>> -> memref<1x128xf32, #tpu.memory_space<vmem>>
      %gather3A_360 = tpu.memref_squeeze %gather3A_359 : memref<1x128xf32, #tpu.memory_space<vmem>> -> memref<128xf32, #tpu.memory_space<vmem>>
      %gather3A_361 = tpu.vector_load_idx %gather3A_360[%get3A_340] : memref<128xf32, #tpu.memory_space<vmem>>[vector<16xi32>], vector<16xf32>,
      %mul3A_362 = arith.mulf %gather3A_356, %gather3A_361 : vector<16xf32>
      %add3A_363 = arith.addf %add3A_351, %mul3A_362 : vector<16xf32>
      %gather3A_364 = arith.constant 2 : i32
      %gather3A_365 = arith.constant 0 : i32
      %gather3A_366 = tpu.memref_slice %arg21[%gather3A_364, %gather3A_365] : memref<32x128xf32, #tpu.memory_space<vmem>> -> memref<1x128xf32, #tpu.memory_space<vmem>>
      %gather3A_367 = tpu.memref_squeeze %gather3A_366 : memref<1x128xf32, #tpu.memory_space<vmem>> -> memref<128xf32, #tpu.memory_space<vmem>>
      %gather3A_368 = tpu.vector_load_idx %gather3A_367[%get3A_336] : memref<128xf32, #tpu.memory_space<vmem>>[vector<16xi32>], vector<16xf32>,
      %gather3A_369 = arith.constant 2 : i32
      %gather3A_370 = arith.constant 0 : i32
      %gather3A_371 = tpu.memref_slice %arg21[%gather3A_369, %gather3A_370] : memref<32x128xf32, #tpu.memory_space<vmem>> -> memref<1x128xf32, #tpu.memory_space<vmem>>
      %gather3A_372 = tpu.memref_squeeze %gather3A_371 : memref<1x128xf32, #tpu.memory_space<vmem>> -> memref<128xf32, #tpu.memory_space<vmem>>
      %gather3A_373 = tpu.vector_load_idx %gather3A_372[%get3A_340] : memref<128xf32, #tpu.memory_space<vmem>>[vector<16xi32>], vector<16xf32>,
      %mul3A_374 = arith.mulf %gather3A_368, %gather3A_373 : vector<16xf32>
      %add3A_375 = arith.addf %add3A_363, %mul3A_374 : vector<16xf32>
      %gather3A_376 = arith.constant 3 : i32
      %gather3A_377 = arith.constant 0 : i32
      %gather3A_378 = tpu.memref_slice %arg21[%gather3A_376, %gather3A_377] : memref<32x128xf32, #tpu.memory_space<vmem>> -> memref<1x128xf32, #tpu.memory_space<vmem>>
      %gather3A_379 = tpu.memref_squeeze %gather3A_378 : memref<1x128xf32, #tpu.memory_space<vmem>> -> memref<128xf32, #tpu.memory_space<vmem>>
      %gather3A_380 = tpu.vector_load_idx %gather3A_379[%get3A_336] : memref<128xf32, #tpu.memory_space<vmem>>[vector<16xi32>], vector<16xf32>,
      %gather3A_381 = arith.constant 3 : i32
      %gather3A_382 = arith.constant 0 : i32
      %gather3A_383 = tpu.memref_slice %arg21[%gather3A_381, %gather3A_382] : memref<32x128xf32, #tpu.memory_space<vmem>> -> memref<1x128xf32, #tpu.memory_space<vmem>>
      %gather3A_384 = tpu.memref_squeeze %gather3A_383 : memref<1x128xf32, #tpu.memory_space<vmem>> -> memref<128xf32, #tpu.memory_space<vmem>>
      %gather3A_385 = tpu.vector_load_idx %gather3A_384[%get3A_340] : memref<128xf32, #tpu.memory_space<vmem>>[vector<16xi32>], vector<16xf32>,
      %mul3A_386 = arith.mulf %gather3A_380, %gather3A_385 : vector<16xf32>
      %add3A_387 = arith.addf %add3A_375, %mul3A_386 : vector<16xf32>
      %gather3A_388 = arith.constant 4 : i32
      %gather3A_389 = arith.constant 0 : i32
      %gather3A_390 = tpu.memref_slice %arg21[%gather3A_388, %gather3A_389] : memref<32x128xf32, #tpu.memory_space<vmem>> -> memref<1x128xf32, #tpu.memory_space<vmem>>
      %gather3A_391 = tpu.memref_squeeze %gather3A_390 : memref<1x128xf32, #tpu.memory_space<vmem>> -> memref<128xf32, #tpu.memory_space<vmem>>
      %gather3A_392 = tpu.vector_load_idx %gather3A_391[%get3A_336] : memref<128xf32, #tpu.memory_space<vmem>>[vector<16xi32>], vector<16xf32>,
      %gather3A_393 = arith.constant 4 : i32
      %gather3A_394 = arith.constant 0 : i32
      %gather3A_395 = tpu.memref_slice %arg21[%gather3A_393, %gather3A_394] : memref<32x128xf32, #tpu.memory_space<vmem>> -> memref<1x128xf32, #tpu.memory_space<vmem>>
      %gather3A_396 = tpu.memref_squeeze %gather3A_395 : memref<1x128xf32, #tpu.memory_space<vmem>> -> memref<128xf32, #tpu.memory_space<vmem>>
      %gather3A_397 = tpu.vector_load_idx %gather3A_396[%get3A_340] : memref<128xf32, #tpu.memory_space<vmem>>[vector<16xi32>], vector<16xf32>,
      %mul3A_398 = arith.mulf %gather3A_392, %gather3A_397 : vector<16xf32>
      %add3A_399 = arith.addf %add3A_387, %mul3A_398 : vector<16xf32>
      %gather3A_400 = arith.constant 5 : i32
      %gather3A_401 = arith.constant 0 : i32
      %gather3A_402 = tpu.memref_slice %arg21[%gather3A_400, %gather3A_401] : memref<32x128xf32, #tpu.memory_space<vmem>> -> memref<1x128xf32, #tpu.memory_space<vmem>>
      %gather3A_403 = tpu.memref_squeeze %gather3A_402 : memref<1x128xf32, #tpu.memory_space<vmem>> -> memref<128xf32, #tpu.memory_space<vmem>>
      %gather3A_404 = tpu.vector_load_idx %gather3A_403[%get3A_336] : memref<128xf32, #tpu.memory_space<vmem>>[vector<16xi32>], vector<16xf32>,
      %gather3A_405 = arith.constant 5 : i32
      %gather3A_406 = arith.constant 0 : i32
      %gather3A_407 = tpu.memref_slice %arg21[%gather3A_405, %gather3A_406] : memref<32x128xf32, #tpu.memory_space<vmem>> -> memref<1x128xf32, #tpu.memory_space<vmem>>
      %gather3A_408 = tpu.memref_squeeze %gather3A_407 : memref<1x128xf32, #tpu.memory_space<vmem>> -> memref<128xf32, #tpu.memory_space<vmem>>
      %gather3A_409 = tpu.vector_load_idx %gather3A_408[%get3A_340] : memref<128xf32, #tpu.memory_space<vmem>>[vector<16xi32>], vector<16xf32>,
      %mul3A_410 = arith.mulf %gather3A_404, %gather3A_409 : vector<16xf32>
      %add3A_411 = arith.addf %add3A_399, %mul3A_410 : vector<16xf32>
      %gather3A_412 = arith.constant 6 : i32
      %gather3A_413 = arith.constant 0 : i32
      %gather3A_414 = tpu.memref_slice %arg21[%gather3A_412, %gather3A_413] : memref<32x128xf32, #tpu.memory_space<vmem>> -> memref<1x128xf32, #tpu.memory_space<vmem>>
      %gather3A_415 = tpu.memref_squeeze %gather3A_414 : memref<1x128xf32, #tpu.memory_space<vmem>> -> memref<128xf32, #tpu.memory_space<vmem>>
      %gather3A_416 = tpu.vector_load_idx %gather3A_415[%get3A_336] : memref<128xf32, #tpu.memory_space<vmem>>[vector<16xi32>], vector<16xf32>,
      %gather3A_417 = arith.constant 6 : i32
      %gather3A_418 = arith.constant 0 : i32
      %gather3A_419 = tpu.memref_slice %arg21[%gather3A_417, %gather3A_418] : memref<32x128xf32, #tpu.memory_space<vmem>> -> memref<1x128xf32, #tpu.memory_space<vmem>>
      %gather3A_420 = tpu.memref_squeeze %gather3A_419 : memref<1x128xf32, #tpu.memory_space<vmem>> -> memref<128xf32, #tpu.memory_space<vmem>>
      %gather3A_421 = tpu.vector_load_idx %gather3A_420[%get3A_340] : memref<128xf32, #tpu.memory_space<vmem>>[vector<16xi32>], vector<16xf32>,
      %mul3A_422 = arith.mulf %gather3A_416, %gather3A_421 : vector<16xf32>
      %add3A_423 = arith.addf %add3A_411, %mul3A_422 : vector<16xf32>
      %gather3A_424 = arith.constant 7 : i32
      %gather3A_425 = arith.constant 0 : i32
      %gather3A_426 = tpu.memref_slice %arg21[%gather3A_424, %gather3A_425] : memref<32x128xf32, #tpu.memory_space<vmem>> -> memref<1x128xf32, #tpu.memory_space<vmem>>
      %gather3A_427 = tpu.memref_squeeze %gather3A_426 : memref<1x128xf32, #tpu.memory_space<vmem>> -> memref<128xf32, #tpu.memory_space<vmem>>
      %gather3A_428 = tpu.vector_load_idx %gather3A_427[%get3A_336] : memref<128xf32, #tpu.memory_space<vmem>>[vector<16xi32>], vector<16xf32>,
      %gather3A_429 = arith.constant 7 : i32
      %gather3A_430 = arith.constant 0 : i32
      %gather3A_431 = tpu.memref_slice %arg21[%gather3A_429, %gather3A_430] : memref<32x128xf32, #tpu.memory_space<vmem>> -> memref<1x128xf32, #tpu.memory_space<vmem>>
      %gather3A_432 = tpu.memref_squeeze %gather3A_431 : memref<1x128xf32, #tpu.memory_space<vmem>> -> memref<128xf32, #tpu.memory_space<vmem>>
      %gather3A_433 = tpu.vector_load_idx %gather3A_432[%get3A_340] : memref<128xf32, #tpu.memory_space<vmem>>[vector<16xi32>], vector<16xf32>,
      %mul3A_434 = arith.mulf %gather3A_428, %gather3A_433 : vector<16xf32>
      %add3A_435 = arith.addf %add3A_423, %mul3A_434 : vector<16xf32>
      %gather3A_436 = arith.constant 8 : i32
      %gather3A_437 = arith.constant 0 : i32
      %gather3A_438 = tpu.memref_slice %arg21[%gather3A_436, %gather3A_437] : memref<32x128xf32, #tpu.memory_space<vmem>> -> memref<1x128xf32, #tpu.memory_space<vmem>>
      %gather3A_439 = tpu.memref_squeeze %gather3A_438 : memref<1x128xf32, #tpu.memory_space<vmem>> -> memref<128xf32, #tpu.memory_space<vmem>>
      %gather3A_440 = tpu.vector_load_idx %gather3A_439[%get3A_336] : memref<128xf32, #tpu.memory_space<vmem>>[vector<16xi32>], vector<16xf32>,
      %gather3A_441 = arith.constant 8 : i32
      %gather3A_442 = arith.constant 0 : i32
      %gather3A_443 = tpu.memref_slice %arg21[%gather3A_441, %gather3A_442] : memref<32x128xf32, #tpu.memory_space<vmem>> -> memref<1x128xf32, #tpu.memory_space<vmem>>
      %gather3A_444 = tpu.memref_squeeze %gather3A_443 : memref<1x128xf32, #tpu.memory_space<vmem>> -> memref<128xf32, #tpu.memory_space<vmem>>
      %gather3A_445 = tpu.vector_load_idx %gather3A_444[%get3A_340] : memref<128xf32, #tpu.memory_space<vmem>>[vector<16xi32>], vector<16xf32>,
      %mul3A_446 = arith.mulf %gather3A_440, %gather3A_445 : vector<16xf32>
      %add3A_447 = arith.addf %add3A_435, %mul3A_446 : vector<16xf32>
      %gather3A_448 = arith.constant 9 : i32
      %gather3A_449 = arith.constant 0 : i32
      %gather3A_450 = tpu.memref_slice %arg21[%gather3A_448, %gather3A_449] : memref<32x128xf32, #tpu.memory_space<vmem>> -> memref<1x128xf32, #tpu.memory_space<vmem>>
      %gather3A_451 = tpu.memref_squeeze %gather3A_450 : memref<1x128xf32, #tpu.memory_space<vmem>> -> memref<128xf32, #tpu.memory_space<vmem>>
      %gather3A_452 = tpu.vector_load_idx %gather3A_451[%get3A_336] : memref<128xf32, #tpu.memory_space<vmem>>[vector<16xi32>], vector<16xf32>,
      %gather3A_453 = arith.constant 9 : i32
      %gather3A_454 = arith.constant 0 : i32
      %gather3A_455 = tpu.memref_slice %arg21[%gather3A_453, %gather3A_454] : memref<32x128xf32, #tpu.memory_space<vmem>> -> memref<1x128xf32, #tpu.memory_space<vmem>>
      %gather3A_456 = tpu.memref_squeeze %gather3A_455 : memref<1x128xf32, #tpu.memory_space<vmem>> -> memref<128xf32, #tpu.memory_space<vmem>>
      %gather3A_457 = tpu.vector_load_idx %gather3A_456[%get3A_340] : memref<128xf32, #tpu.memory_space<vmem>>[vector<16xi32>], vector<16xf32>,
      %mul3A_458 = arith.mulf %gather3A_452, %gather3A_457 : vector<16xf32>
      %add3A_459 = arith.addf %add3A_447, %mul3A_458 : vector<16xf32>
      %gather3A_460 = arith.constant 10 : i32
      %gather3A_461 = arith.constant 0 : i32
      %gather3A_462 = tpu.memref_slice %arg21[%gather3A_460, %gather3A_461] : memref<32x128xf32, #tpu.memory_space<vmem>> -> memref<1x128xf32, #tpu.memory_space<vmem>>
      %gather3A_463 = tpu.memref_squeeze %gather3A_462 : memref<1x128xf32, #tpu.memory_space<vmem>> -> memref<128xf32, #tpu.memory_space<vmem>>
      %gather3A_464 = tpu.vector_load_idx %gather3A_463[%get3A_336] : memref<128xf32, #tpu.memory_space<vmem>>[vector<16xi32>], vector<16xf32>,
      %gather3A_465 = arith.constant 10 : i32
      %gather3A_466 = arith.constant 0 : i32
      %gather3A_467 = tpu.memref_slice %arg21[%gather3A_465, %gather3A_466] : memref<32x128xf32, #tpu.memory_space<vmem>> -> memref<1x128xf32, #tpu.memory_space<vmem>>
      %gather3A_468 = tpu.memref_squeeze %gather3A_467 : memref<1x128xf32, #tpu.memory_space<vmem>> -> memref<128xf32, #tpu.memory_space<vmem>>
      %gather3A_469 = tpu.vector_load_idx %gather3A_468[%get3A_340] : memref<128xf32, #tpu.memory_space<vmem>>[vector<16xi32>], vector<16xf32>,
      %mul3A_470 = arith.mulf %gather3A_464, %gather3A_469 : vector<16xf32>
      %add3A_471 = arith.addf %add3A_459, %mul3A_470 : vector<16xf32>
      %gather3A_472 = arith.constant 11 : i32
      %gather3A_473 = arith.constant 0 : i32
      %gather3A_474 = tpu.memref_slice %arg21[%gather3A_472, %gather3A_473] : memref<32x128xf32, #tpu.memory_space<vmem>> -> memref<1x128xf32, #tpu.memory_space<vmem>>
      %gather3A_475 = tpu.memref_squeeze %gather3A_474 : memref<1x128xf32, #tpu.memory_space<vmem>> -> memref<128xf32, #tpu.memory_space<vmem>>
      %gather3A_476 = tpu.vector_load_idx %gather3A_475[%get3A_336] : memref<128xf32, #tpu.memory_space<vmem>>[vector<16xi32>], vector<16xf32>,
      %gather3A_477 = arith.constant 11 : i32
      %gather3A_478 = arith.constant 0 : i32
      %gather3A_479 = tpu.memref_slice %arg21[%gather3A_477, %gather3A_478] : memref<32x128xf32, #tpu.memory_space<vmem>> -> memref<1x128xf32, #tpu.memory_space<vmem>>
      %gather3A_480 = tpu.memref_squeeze %gather3A_479 : memref<1x128xf32, #tpu.memory_space<vmem>> -> memref<128xf32, #tpu.memory_space<vmem>>
      %gather3A_481 = tpu.vector_load_idx %gather3A_480[%get3A_340] : memref<128xf32, #tpu.memory_space<vmem>>[vector<16xi32>], vector<16xf32>,
      %mul3A_482 = arith.mulf %gather3A_476, %gather3A_481 : vector<16xf32>
      %add3A_483 = arith.addf %add3A_471, %mul3A_482 : vector<16xf32>
      %gather3A_484 = arith.constant 12 : i32
      %gather3A_485 = arith.constant 0 : i32
      %gather3A_486 = tpu.memref_slice %arg21[%gather3A_484, %gather3A_485] : memref<32x128xf32, #tpu.memory_space<vmem>> -> memref<1x128xf32, #tpu.memory_space<vmem>>
      %gather3A_487 = tpu.memref_squeeze %gather3A_486 : memref<1x128xf32, #tpu.memory_space<vmem>> -> memref<128xf32, #tpu.memory_space<vmem>>
      %gather3A_488 = tpu.vector_load_idx %gather3A_487[%get3A_336] : memref<128xf32, #tpu.memory_space<vmem>>[vector<16xi32>], vector<16xf32>,
      %gather3A_489 = arith.constant 12 : i32
      %gather3A_490 = arith.constant 0 : i32
      %gather3A_491 = tpu.memref_slice %arg21[%gather3A_489, %gather3A_490] : memref<32x128xf32, #tpu.memory_space<vmem>> -> memref<1x128xf32, #tpu.memory_space<vmem>>
      %gather3A_492 = tpu.memref_squeeze %gather3A_491 : memref<1x128xf32, #tpu.memory_space<vmem>> -> memref<128xf32, #tpu.memory_space<vmem>>
      %gather3A_493 = tpu.vector_load_idx %gather3A_492[%get3A_340] : memref<128xf32, #tpu.memory_space<vmem>>[vector<16xi32>], vector<16xf32>,
      %mul3A_494 = arith.mulf %gather3A_488, %gather3A_493 : vector<16xf32>
      %add3A_495 = arith.addf %add3A_483, %mul3A_494 : vector<16xf32>
      %gather3A_496 = arith.constant 13 : i32
      %gather3A_497 = arith.constant 0 : i32
      %gather3A_498 = tpu.memref_slice %arg21[%gather3A_496, %gather3A_497] : memref<32x128xf32, #tpu.memory_space<vmem>> -> memref<1x128xf32, #tpu.memory_space<vmem>>
      %gather3A_499 = tpu.memref_squeeze %gather3A_498 : memref<1x128xf32, #tpu.memory_space<vmem>> -> memref<128xf32, #tpu.memory_space<vmem>>
      %gather3A_500 = tpu.vector_load_idx %gather3A_499[%get3A_336] : memref<128xf32, #tpu.memory_space<vmem>>[vector<16xi32>], vector<16xf32>,
      %gather3A_501 = arith.constant 13 : i32
      %gather3A_502 = arith.constant 0 : i32
      %gather3A_503 = tpu.memref_slice %arg21[%gather3A_501, %gather3A_502] : memref<32x128xf32, #tpu.memory_space<vmem>> -> memref<1x128xf32, #tpu.memory_space<vmem>>
      %gather3A_504 = tpu.memref_squeeze %gather3A_503 : memref<1x128xf32, #tpu.memory_space<vmem>> -> memref<128xf32, #tpu.memory_space<vmem>>
      %gather3A_505 = tpu.vector_load_idx %gather3A_504[%get3A_340] : memref<128xf32, #tpu.memory_space<vmem>>[vector<16xi32>], vector<16xf32>,
      %mul3A_506 = arith.mulf %gather3A_500, %gather3A_505 : vector<16xf32>
      %add3A_507 = arith.addf %add3A_495, %mul3A_506 : vector<16xf32>
      %gather3A_508 = arith.constant 14 : i32
      %gather3A_509 = arith.constant 0 : i32
      %gather3A_510 = tpu.memref_slice %arg21[%gather3A_508, %gather3A_509] : memref<32x128xf32, #tpu.memory_space<vmem>> -> memref<1x128xf32, #tpu.memory_space<vmem>>
      %gather3A_511 = tpu.memref_squeeze %gather3A_510 : memref<1x128xf32, #tpu.memory_space<vmem>> -> memref<128xf32, #tpu.memory_space<vmem>>
      %gather3A_512 = tpu.vector_load_idx %gather3A_511[%get3A_336] : memref<128xf32, #tpu.memory_space<vmem>>[vector<16xi32>], vector<16xf32>,
      %gather3A_513 = arith.constant 14 : i32
      %gather3A_514 = arith.constant 0 : i32
      %gather3A_515 = tpu.memref_slice %arg21[%gather3A_513, %gather3A_514] : memref<32x128xf32, #tpu.memory_space<vmem>> -> memref<1x128xf32, #tpu.memory_space<vmem>>
      %gather3A_516 = tpu.memref_squeeze %gather3A_515 : memref<1x128xf32, #tpu.memory_space<vmem>> -> memref<128xf32, #tpu.memory_space<vmem>>
      %gather3A_517 = tpu.vector_load_idx %gather3A_516[%get3A_340] : memref<128xf32, #tpu.memory_space<vmem>>[vector<16xi32>], vector<16xf32>,
      %mul3A_518 = arith.mulf %gather3A_512, %gather3A_517 : vector<16xf32>
      %add3A_519 = arith.addf %add3A_507, %mul3A_518 : vector<16xf32>
      %gather3A_520 = arith.constant 15 : i32
      %gather3A_521 = arith.constant 0 : i32
      %gather3A_522 = tpu.memref_slice %arg21[%gather3A_520, %gather3A_521] : memref<32x128xf32, #tpu.memory_space<vmem>> -> memref<1x128xf32, #tpu.memory_space<vmem>>
      %gather3A_523 = tpu.memref_squeeze %gather3A_522 : memref<1x128xf32, #tpu.memory_space<vmem>> -> memref<128xf32, #tpu.memory_space<vmem>>
      %gather3A_524 = tpu.vector_load_idx %gather3A_523[%get3A_336] : memref<128xf32, #tpu.memory_space<vmem>>[vector<16xi32>], vector<16xf32>,
      %gather3A_525 = arith.constant 15 : i32
      %gather3A_526 = arith.constant 0 : i32
      %gather3A_527 = tpu.memref_slice %arg21[%gather3A_525, %gather3A_526] : memref<32x128xf32, #tpu.memory_space<vmem>> -> memref<1x128xf32, #tpu.memory_space<vmem>>
      %gather3A_528 = tpu.memref_squeeze %gather3A_527 : memref<1x128xf32, #tpu.memory_space<vmem>> -> memref<128xf32, #tpu.memory_space<vmem>>
      %gather3A_529 = tpu.vector_load_idx %gather3A_528[%get3A_340] : memref<128xf32, #tpu.memory_space<vmem>>[vector<16xi32>], vector<16xf32>,
      %mul3A_530 = arith.mulf %gather3A_524, %gather3A_529 : vector<16xf32>
      %add3A_531 = arith.addf %add3A_519, %mul3A_530 : vector<16xf32>
      %sub3A_532 = arith.constant 1.000000e+00 : f32
      %sub3A_533 = vector.broadcast %sub3A_532 : f32 to vector<16xf32>
      %sub3A_534 = arith.subf %sub3A_533, %add3A_531 : vector<16xf32>
      %get3A_535 = arith.index_cast %mul3A_332 : i32 to index
      %get3A_536 = tpu.vector_load %arg19[%get3A_535] {strides = array<i32>} : memref<512xf32, #tpu.memory_space<vmem>>, vector<16xf32>,
      %mul3A_537 = arith.mulf %sub3A_534, %get3A_536 : vector<16xf32>
      %sub3A_538 = arith.constant 3.000000e-01 : f32
      %sub3A_539 = vector.broadcast %sub3A_538 : f32 to vector<16xf32>
      %sub3A_540 = arith.subf %sub3A_539, %mul3A_537 : vector<16xf32>
      %max3A = arith.constant 0.000000e+00 : f32
      %max3A_541 = vector.broadcast %max3A : f32 to vector<16xf32>
      %max3A_542 = arith.maximumf %sub3A_540, %max3A_541 : vector<16xf32>
      %add3A_543 = arith.addf %while3A_330, %max3A_542 : vector<16xf32>
      scf.yield %add3A_543 : vector<16xf32>
    }
    %while3A_305 = arith.constant 1 : i32
    %while3A_306 = scf.for %while3A_329 = %while3A_302 to %while3A_298 step %while3A_305 iter_args(%while3A_330 = %while3A_304) -> (vector<16xf32>)  : i32 {
      %mul3A_331 = arith.constant 16 : i32
      %mul3A_332 = arith.muli %while3A_329, %mul3A_331 : i32
      %get3A_333 = arith.constant 0 : i32
      %get3A_334 = arith.index_cast %get3A_333 : i32 to index
      %get3A_335 = arith.index_cast %mul3A_332 : i32 to index
      %get3A_336 = tpu.vector_load %arg18[%get3A_334, %get3A_335] {strides = array<i32>} : memref<2x512xi32, #tpu.memory_space<vmem>>, vector<16xi32>,
      %get3A_337 = arith.constant 1 : i32
      %get3A_338 = arith.index_cast %get3A_337 : i32 to index
      %get3A_339 = arith.index_cast %mul3A_332 : i32 to index
      %get3A_340 = tpu.vector_load %arg18[%get3A_338, %get3A_339] {strides = array<i32>} : memref<2x512xi32, #tpu.memory_space<vmem>>, vector<16xi32>,
      %gather3A = arith.constant 0 : i32
      %gather3A_341 = arith.constant 0 : i32
      %gather3A_342 = tpu.memref_slice %arg21[%gather3A, %gather3A_341] : memref<32x128xf32, #tpu.memory_space<vmem>> -> memref<1x128xf32, #tpu.memory_space<vmem>>
      %gather3A_343 = tpu.memref_squeeze %gather3A_342 : memref<1x128xf32, #tpu.memory_space<vmem>> -> memref<128xf32, #tpu.memory_space<vmem>>
      %gather3A_344 = tpu.vector_load_idx %gather3A_343[%get3A_336] : memref<128xf32, #tpu.memory_space<vmem>>[vector<16xi32>], vector<16xf32>,
      %gather3A_345 = arith.constant 0 : i32
      %gather3A_346 = arith.constant 0 : i32
      %gather3A_347 = tpu.memref_slice %arg21[%gather3A_345, %gather3A_346] : memref<32x128xf32, #tpu.memory_space<vmem>> -> memref<1x128xf32, #tpu.memory_space<vmem>>
      %gather3A_348 = tpu.memref_squeeze %gather3A_347 : memref<1x128xf32, #tpu.memory_space<vmem>> -> memref<128xf32, #tpu.memory_space<vmem>>
      %gather3A_349 = tpu.vector_load_idx %gather3A_348[%get3A_340] : memref<128xf32, #tpu.memory_space<vmem>>[vector<16xi32>], vector<16xf32>,
      %mul3A_350 = arith.mulf %gather3A_344, %gather3A_349 : vector<16xf32>
      %add3A_351 = arith.addf %broadcast_in_dim3A_45, %mul3A_350 : vector<16xf32>
      %gather3A_352 = arith.constant 1 : i32
      %gather3A_353 = arith.constant 0 : i32
      %gather3A_354 = tpu.memref_slice %arg21[%gather3A_352, %gather3A_353] : memref<32x128xf32, #tpu.memory_space<vmem>> -> memref<1x128xf32, #tpu.memory_space<vmem>>
      %gather3A_355 = tpu.memref_squeeze %gather3A_354 : memref<1x128xf32, #tpu.memory_space<vmem>> -> memref<128xf32, #tpu.memory_space<vmem>>
      %gather3A_356 = tpu.vector_load_idx %gather3A_355[%get3A_336] : memref<128xf32, #tpu.memory_space<vmem>>[vector<16xi32>], vector<16xf32>,
      %gather3A_357 = arith.constant 1 : i32
      %gather3A_358 = arith.constant 0 : i32
      %gather3A_359 = tpu.memref_slice %arg21[%gather3A_357, %gather3A_358] : memref<32x128xf32, #tpu.memory_space<vmem>> -> memref<1x128xf32, #tpu.memory_space<vmem>>
      %gather3A_360 = tpu.memref_squeeze %gather3A_359 : memref<1x128xf32, #tpu.memory_space<vmem>> -> memref<128xf32, #tpu.memory_space<vmem>>
      %gather3A_361 = tpu.vector_load_idx %gather3A_360[%get3A_340] : memref<128xf32, #tpu.memory_space<vmem>>[vector<16xi32>], vector<16xf32>,
      %mul3A_362 = arith.mulf %gather3A_356, %gather3A_361 : vector<16xf32>
      %add3A_363 = arith.addf %add3A_351, %mul3A_362 : vector<16xf32>
      %gather3A_364 = arith.constant 2 : i32
      %gather3A_365 = arith.constant 0 : i32
      %gather3A_366 = tpu.memref_slice %arg21[%gather3A_364, %gather3A_365] : memref<32x128xf32, #tpu.memory_space<vmem>> -> memref<1x128xf32, #tpu.memory_space<vmem>>
      %gather3A_367 = tpu.memref_squeeze %gather3A_366 : memref<1x128xf32, #tpu.memory_space<vmem>> -> memref<128xf32, #tpu.memory_space<vmem>>
      %gather3A_368 = tpu.vector_load_idx %gather3A_367[%get3A_336] : memref<128xf32, #tpu.memory_space<vmem>>[vector<16xi32>], vector<16xf32>,
      %gather3A_369 = arith.constant 2 : i32
      %gather3A_370 = arith.constant 0 : i32
      %gather3A_371 = tpu.memref_slice %arg21[%gather3A_369, %gather3A_370] : memref<32x128xf32, #tpu.memory_space<vmem>> -> memref<1x128xf32, #tpu.memory_space<vmem>>
      %gather3A_372 = tpu.memref_squeeze %gather3A_371 : memref<1x128xf32, #tpu.memory_space<vmem>> -> memref<128xf32, #tpu.memory_space<vmem>>
      %gather3A_373 = tpu.vector_load_idx %gather3A_372[%get3A_340] : memref<128xf32, #tpu.memory_space<vmem>>[vector<16xi32>], vector<16xf32>,
      %mul3A_374 = arith.mulf %gather3A_368, %gather3A_373 : vector<16xf32>
      %add3A_375 = arith.addf %add3A_363, %mul3A_374 : vector<16xf32>
      %gather3A_376 = arith.constant 3 : i32
      %gather3A_377 = arith.constant 0 : i32
      %gather3A_378 = tpu.memref_slice %arg21[%gather3A_376, %gather3A_377] : memref<32x128xf32, #tpu.memory_space<vmem>> -> memref<1x128xf32, #tpu.memory_space<vmem>>
      %gather3A_379 = tpu.memref_squeeze %gather3A_378 : memref<1x128xf32, #tpu.memory_space<vmem>> -> memref<128xf32, #tpu.memory_space<vmem>>
      %gather3A_380 = tpu.vector_load_idx %gather3A_379[%get3A_336] : memref<128xf32, #tpu.memory_space<vmem>>[vector<16xi32>], vector<16xf32>,
      %gather3A_381 = arith.constant 3 : i32
      %gather3A_382 = arith.constant 0 : i32
      %gather3A_383 = tpu.memref_slice %arg21[%gather3A_381, %gather3A_382] : memref<32x128xf32, #tpu.memory_space<vmem>> -> memref<1x128xf32, #tpu.memory_space<vmem>>
      %gather3A_384 = tpu.memref_squeeze %gather3A_383 : memref<1x128xf32, #tpu.memory_space<vmem>> -> memref<128xf32, #tpu.memory_space<vmem>>
      %gather3A_385 = tpu.vector_load_idx %gather3A_384[%get3A_340] : memref<128xf32, #tpu.memory_space<vmem>>[vector<16xi32>], vector<16xf32>,
      %mul3A_386 = arith.mulf %gather3A_380, %gather3A_385 : vector<16xf32>
      %add3A_387 = arith.addf %add3A_375, %mul3A_386 : vector<16xf32>
      %gather3A_388 = arith.constant 4 : i32
      %gather3A_389 = arith.constant 0 : i32
      %gather3A_390 = tpu.memref_slice %arg21[%gather3A_388, %gather3A_389] : memref<32x128xf32, #tpu.memory_space<vmem>> -> memref<1x128xf32, #tpu.memory_space<vmem>>
      %gather3A_391 = tpu.memref_squeeze %gather3A_390 : memref<1x128xf32, #tpu.memory_space<vmem>> -> memref<128xf32, #tpu.memory_space<vmem>>
      %gather3A_392 = tpu.vector_load_idx %gather3A_391[%get3A_336] : memref<128xf32, #tpu.memory_space<vmem>>[vector<16xi32>], vector<16xf32>,
      %gather3A_393 = arith.constant 4 : i32
      %gather3A_394 = arith.constant 0 : i32
      %gather3A_395 = tpu.memref_slice %arg21[%gather3A_393, %gather3A_394] : memref<32x128xf32, #tpu.memory_space<vmem>> -> memref<1x128xf32, #tpu.memory_space<vmem>>
      %gather3A_396 = tpu.memref_squeeze %gather3A_395 : memref<1x128xf32, #tpu.memory_space<vmem>> -> memref<128xf32, #tpu.memory_space<vmem>>
      %gather3A_397 = tpu.vector_load_idx %gather3A_396[%get3A_340] : memref<128xf32, #tpu.memory_space<vmem>>[vector<16xi32>], vector<16xf32>,
      %mul3A_398 = arith.mulf %gather3A_392, %gather3A_397 : vector<16xf32>
      %add3A_399 = arith.addf %add3A_387, %mul3A_398 : vector<16xf32>
      %gather3A_400 = arith.constant 5 : i32
      %gather3A_401 = arith.constant 0 : i32
      %gather3A_402 = tpu.memref_slice %arg21[%gather3A_400, %gather3A_401] : memref<32x128xf32, #tpu.memory_space<vmem>> -> memref<1x128xf32, #tpu.memory_space<vmem>>
      %gather3A_403 = tpu.memref_squeeze %gather3A_402 : memref<1x128xf32, #tpu.memory_space<vmem>> -> memref<128xf32, #tpu.memory_space<vmem>>
      %gather3A_404 = tpu.vector_load_idx %gather3A_403[%get3A_336] : memref<128xf32, #tpu.memory_space<vmem>>[vector<16xi32>], vector<16xf32>,
      %gather3A_405 = arith.constant 5 : i32
      %gather3A_406 = arith.constant 0 : i32
      %gather3A_407 = tpu.memref_slice %arg21[%gather3A_405, %gather3A_406] : memref<32x128xf32, #tpu.memory_space<vmem>> -> memref<1x128xf32, #tpu.memory_space<vmem>>
      %gather3A_408 = tpu.memref_squeeze %gather3A_407 : memref<1x128xf32, #tpu.memory_space<vmem>> -> memref<128xf32, #tpu.memory_space<vmem>>
      %gather3A_409 = tpu.vector_load_idx %gather3A_408[%get3A_340] : memref<128xf32, #tpu.memory_space<vmem>>[vector<16xi32>], vector<16xf32>,
      %mul3A_410 = arith.mulf %gather3A_404, %gather3A_409 : vector<16xf32>
      %add3A_411 = arith.addf %add3A_399, %mul3A_410 : vector<16xf32>
      %gather3A_412 = arith.constant 6 : i32
      %gather3A_413 = arith.constant 0 : i32
      %gather3A_414 = tpu.memref_slice %arg21[%gather3A_412, %gather3A_413] : memref<32x128xf32, #tpu.memory_space<vmem>> -> memref<1x128xf32, #tpu.memory_space<vmem>>
      %gather3A_415 = tpu.memref_squeeze %gather3A_414 : memref<1x128xf32, #tpu.memory_space<vmem>> -> memref<128xf32, #tpu.memory_space<vmem>>
      %gather3A_416 = tpu.vector_load_idx %gather3A_415[%get3A_336] : memref<128xf32, #tpu.memory_space<vmem>>[vector<16xi32>], vector<16xf32>,
      %gather3A_417 = arith.constant 6 : i32
      %gather3A_418 = arith.constant 0 : i32
      %gather3A_419 = tpu.memref_slice %arg21[%gather3A_417, %gather3A_418] : memref<32x128xf32, #tpu.memory_space<vmem>> -> memref<1x128xf32, #tpu.memory_space<vmem>>
      %gather3A_420 = tpu.memref_squeeze %gather3A_419 : memref<1x128xf32, #tpu.memory_space<vmem>> -> memref<128xf32, #tpu.memory_space<vmem>>
      %gather3A_421 = tpu.vector_load_idx %gather3A_420[%get3A_340] : memref<128xf32, #tpu.memory_space<vmem>>[vector<16xi32>], vector<16xf32>,
      %mul3A_422 = arith.mulf %gather3A_416, %gather3A_421 : vector<16xf32>
      %add3A_423 = arith.addf %add3A_411, %mul3A_422 : vector<16xf32>
      %gather3A_424 = arith.constant 7 : i32
      %gather3A_425 = arith.constant 0 : i32
      %gather3A_426 = tpu.memref_slice %arg21[%gather3A_424, %gather3A_425] : memref<32x128xf32, #tpu.memory_space<vmem>> -> memref<1x128xf32, #tpu.memory_space<vmem>>
      %gather3A_427 = tpu.memref_squeeze %gather3A_426 : memref<1x128xf32, #tpu.memory_space<vmem>> -> memref<128xf32, #tpu.memory_space<vmem>>
      %gather3A_428 = tpu.vector_load_idx %gather3A_427[%get3A_336] : memref<128xf32, #tpu.memory_space<vmem>>[vector<16xi32>], vector<16xf32>,
      %gather3A_429 = arith.constant 7 : i32
      %gather3A_430 = arith.constant 0 : i32
      %gather3A_431 = tpu.memref_slice %arg21[%gather3A_429, %gather3A_430] : memref<32x128xf32, #tpu.memory_space<vmem>> -> memref<1x128xf32, #tpu.memory_space<vmem>>
      %gather3A_432 = tpu.memref_squeeze %gather3A_431 : memref<1x128xf32, #tpu.memory_space<vmem>> -> memref<128xf32, #tpu.memory_space<vmem>>
      %gather3A_433 = tpu.vector_load_idx %gather3A_432[%get3A_340] : memref<128xf32, #tpu.memory_space<vmem>>[vector<16xi32>], vector<16xf32>,
      %mul3A_434 = arith.mulf %gather3A_428, %gather3A_433 : vector<16xf32>
      %add3A_435 = arith.addf %add3A_423, %mul3A_434 : vector<16xf32>
      %gather3A_436 = arith.constant 8 : i32
      %gather3A_437 = arith.constant 0 : i32
      %gather3A_438 = tpu.memref_slice %arg21[%gather3A_436, %gather3A_437] : memref<32x128xf32, #tpu.memory_space<vmem>> -> memref<1x128xf32, #tpu.memory_space<vmem>>
      %gather3A_439 = tpu.memref_squeeze %gather3A_438 : memref<1x128xf32, #tpu.memory_space<vmem>> -> memref<128xf32, #tpu.memory_space<vmem>>
      %gather3A_440 = tpu.vector_load_idx %gather3A_439[%get3A_336] : memref<128xf32, #tpu.memory_space<vmem>>[vector<16xi32>], vector<16xf32>,
      %gather3A_441 = arith.constant 8 : i32
      %gather3A_442 = arith.constant 0 : i32
      %gather3A_443 = tpu.memref_slice %arg21[%gather3A_441, %gather3A_442] : memref<32x128xf32, #tpu.memory_space<vmem>> -> memref<1x128xf32, #tpu.memory_space<vmem>>
      %gather3A_444 = tpu.memref_squeeze %gather3A_443 : memref<1x128xf32, #tpu.memory_space<vmem>> -> memref<128xf32, #tpu.memory_space<vmem>>
      %gather3A_445 = tpu.vector_load_idx %gather3A_444[%get3A_340] : memref<128xf32, #tpu.memory_space<vmem>>[vector<16xi32>], vector<16xf32>,
      %mul3A_446 = arith.mulf %gather3A_440, %gather3A_445 : vector<16xf32>
      %add3A_447 = arith.addf %add3A_435, %mul3A_446 : vector<16xf32>
      %gather3A_448 = arith.constant 9 : i32
      %gather3A_449 = arith.constant 0 : i32
      %gather3A_450 = tpu.memref_slice %arg21[%gather3A_448, %gather3A_449] : memref<32x128xf32, #tpu.memory_space<vmem>> -> memref<1x128xf32, #tpu.memory_space<vmem>>
      %gather3A_451 = tpu.memref_squeeze %gather3A_450 : memref<1x128xf32, #tpu.memory_space<vmem>> -> memref<128xf32, #tpu.memory_space<vmem>>
      %gather3A_452 = tpu.vector_load_idx %gather3A_451[%get3A_336] : memref<128xf32, #tpu.memory_space<vmem>>[vector<16xi32>], vector<16xf32>,
      %gather3A_453 = arith.constant 9 : i32
      %gather3A_454 = arith.constant 0 : i32
      %gather3A_455 = tpu.memref_slice %arg21[%gather3A_453, %gather3A_454] : memref<32x128xf32, #tpu.memory_space<vmem>> -> memref<1x128xf32, #tpu.memory_space<vmem>>
      %gather3A_456 = tpu.memref_squeeze %gather3A_455 : memref<1x128xf32, #tpu.memory_space<vmem>> -> memref<128xf32, #tpu.memory_space<vmem>>
      %gather3A_457 = tpu.vector_load_idx %gather3A_456[%get3A_340] : memref<128xf32, #tpu.memory_space<vmem>>[vector<16xi32>], vector<16xf32>,
      %mul3A_458 = arith.mulf %gather3A_452, %gather3A_457 : vector<16xf32>
      %add3A_459 = arith.addf %add3A_447, %mul3A_458 : vector<16xf32>
      %gather3A_460 = arith.constant 10 : i32
      %gather3A_461 = arith.constant 0 : i32
      %gather3A_462 = tpu.memref_slice %arg21[%gather3A_460, %gather3A_461] : memref<32x128xf32, #tpu.memory_space<vmem>> -> memref<1x128xf32, #tpu.memory_space<vmem>>
      %gather3A_463 = tpu.memref_squeeze %gather3A_462 : memref<1x128xf32, #tpu.memory_space<vmem>> -> memref<128xf32, #tpu.memory_space<vmem>>
      %gather3A_464 = tpu.vector_load_idx %gather3A_463[%get3A_336] : memref<128xf32, #tpu.memory_space<vmem>>[vector<16xi32>], vector<16xf32>,
      %gather3A_465 = arith.constant 10 : i32
      %gather3A_466 = arith.constant 0 : i32
      %gather3A_467 = tpu.memref_slice %arg21[%gather3A_465, %gather3A_466] : memref<32x128xf32, #tpu.memory_space<vmem>> -> memref<1x128xf32, #tpu.memory_space<vmem>>
      %gather3A_468 = tpu.memref_squeeze %gather3A_467 : memref<1x128xf32, #tpu.memory_space<vmem>> -> memref<128xf32, #tpu.memory_space<vmem>>
      %gather3A_469 = tpu.vector_load_idx %gather3A_468[%get3A_340] : memref<128xf32, #tpu.memory_space<vmem>>[vector<16xi32>], vector<16xf32>,
      %mul3A_470 = arith.mulf %gather3A_464, %gather3A_469 : vector<16xf32>
      %add3A_471 = arith.addf %add3A_459, %mul3A_470 : vector<16xf32>
      %gather3A_472 = arith.constant 11 : i32
      %gather3A_473 = arith.constant 0 : i32
      %gather3A_474 = tpu.memref_slice %arg21[%gather3A_472, %gather3A_473] : memref<32x128xf32, #tpu.memory_space<vmem>> -> memref<1x128xf32, #tpu.memory_space<vmem>>
      %gather3A_475 = tpu.memref_squeeze %gather3A_474 : memref<1x128xf32, #tpu.memory_space<vmem>> -> memref<128xf32, #tpu.memory_space<vmem>>
      %gather3A_476 = tpu.vector_load_idx %gather3A_475[%get3A_336] : memref<128xf32, #tpu.memory_space<vmem>>[vector<16xi32>], vector<16xf32>,
      %gather3A_477 = arith.constant 11 : i32
      %gather3A_478 = arith.constant 0 : i32
      %gather3A_479 = tpu.memref_slice %arg21[%gather3A_477, %gather3A_478] : memref<32x128xf32, #tpu.memory_space<vmem>> -> memref<1x128xf32, #tpu.memory_space<vmem>>
      %gather3A_480 = tpu.memref_squeeze %gather3A_479 : memref<1x128xf32, #tpu.memory_space<vmem>> -> memref<128xf32, #tpu.memory_space<vmem>>
      %gather3A_481 = tpu.vector_load_idx %gather3A_480[%get3A_340] : memref<128xf32, #tpu.memory_space<vmem>>[vector<16xi32>], vector<16xf32>,
      %mul3A_482 = arith.mulf %gather3A_476, %gather3A_481 : vector<16xf32>
      %add3A_483 = arith.addf %add3A_471, %mul3A_482 : vector<16xf32>
      %gather3A_484 = arith.constant 12 : i32
      %gather3A_485 = arith.constant 0 : i32
      %gather3A_486 = tpu.memref_slice %arg21[%gather3A_484, %gather3A_485] : memref<32x128xf32, #tpu.memory_space<vmem>> -> memref<1x128xf32, #tpu.memory_space<vmem>>
      %gather3A_487 = tpu.memref_squeeze %gather3A_486 : memref<1x128xf32, #tpu.memory_space<vmem>> -> memref<128xf32, #tpu.memory_space<vmem>>
      %gather3A_488 = tpu.vector_load_idx %gather3A_487[%get3A_336] : memref<128xf32, #tpu.memory_space<vmem>>[vector<16xi32>], vector<16xf32>,
      %gather3A_489 = arith.constant 12 : i32
      %gather3A_490 = arith.constant 0 : i32
      %gather3A_491 = tpu.memref_slice %arg21[%gather3A_489, %gather3A_490] : memref<32x128xf32, #tpu.memory_space<vmem>> -> memref<1x128xf32, #tpu.memory_space<vmem>>
      %gather3A_492 = tpu.memref_squeeze %gather3A_491 : memref<1x128xf32, #tpu.memory_space<vmem>> -> memref<128xf32, #tpu.memory_space<vmem>>
      %gather3A_493 = tpu.vector_load_idx %gather3A_492[%get3A_340] : memref<128xf32, #tpu.memory_space<vmem>>[vector<16xi32>], vector<16xf32>,
      %mul3A_494 = arith.mulf %gather3A_488, %gather3A_493 : vector<16xf32>
      %add3A_495 = arith.addf %add3A_483, %mul3A_494 : vector<16xf32>
      %gather3A_496 = arith.constant 13 : i32
      %gather3A_497 = arith.constant 0 : i32
      %gather3A_498 = tpu.memref_slice %arg21[%gather3A_496, %gather3A_497] : memref<32x128xf32, #tpu.memory_space<vmem>> -> memref<1x128xf32, #tpu.memory_space<vmem>>
      %gather3A_499 = tpu.memref_squeeze %gather3A_498 : memref<1x128xf32, #tpu.memory_space<vmem>> -> memref<128xf32, #tpu.memory_space<vmem>>
      %gather3A_500 = tpu.vector_load_idx %gather3A_499[%get3A_336] : memref<128xf32, #tpu.memory_space<vmem>>[vector<16xi32>], vector<16xf32>,
      %gather3A_501 = arith.constant 13 : i32
      %gather3A_502 = arith.constant 0 : i32
      %gather3A_503 = tpu.memref_slice %arg21[%gather3A_501, %gather3A_502] : memref<32x128xf32, #tpu.memory_space<vmem>> -> memref<1x128xf32, #tpu.memory_space<vmem>>
      %gather3A_504 = tpu.memref_squeeze %gather3A_503 : memref<1x128xf32, #tpu.memory_space<vmem>> -> memref<128xf32, #tpu.memory_space<vmem>>
      %gather3A_505 = tpu.vector_load_idx %gather3A_504[%get3A_340] : memref<128xf32, #tpu.memory_space<vmem>>[vector<16xi32>], vector<16xf32>,
      %mul3A_506 = arith.mulf %gather3A_500, %gather3A_505 : vector<16xf32>
      %add3A_507 = arith.addf %add3A_495, %mul3A_506 : vector<16xf32>
      %gather3A_508 = arith.constant 14 : i32
      %gather3A_509 = arith.constant 0 : i32
      %gather3A_510 = tpu.memref_slice %arg21[%gather3A_508, %gather3A_509] : memref<32x128xf32, #tpu.memory_space<vmem>> -> memref<1x128xf32, #tpu.memory_space<vmem>>
      %gather3A_511 = tpu.memref_squeeze %gather3A_510 : memref<1x128xf32, #tpu.memory_space<vmem>> -> memref<128xf32, #tpu.memory_space<vmem>>
      %gather3A_512 = tpu.vector_load_idx %gather3A_511[%get3A_336] : memref<128xf32, #tpu.memory_space<vmem>>[vector<16xi32>], vector<16xf32>,
      %gather3A_513 = arith.constant 14 : i32
      %gather3A_514 = arith.constant 0 : i32
      %gather3A_515 = tpu.memref_slice %arg21[%gather3A_513, %gather3A_514] : memref<32x128xf32, #tpu.memory_space<vmem>> -> memref<1x128xf32, #tpu.memory_space<vmem>>
      %gather3A_516 = tpu.memref_squeeze %gather3A_515 : memref<1x128xf32, #tpu.memory_space<vmem>> -> memref<128xf32, #tpu.memory_space<vmem>>
      %gather3A_517 = tpu.vector_load_idx %gather3A_516[%get3A_340] : memref<128xf32, #tpu.memory_space<vmem>>[vector<16xi32>], vector<16xf32>,
      %mul3A_518 = arith.mulf %gather3A_512, %gather3A_517 : vector<16xf32>
      %add3A_519 = arith.addf %add3A_507, %mul3A_518 : vector<16xf32>
      %gather3A_520 = arith.constant 15 : i32
      %gather3A_521 = arith.constant 0 : i32
      %gather3A_522 = tpu.memref_slice %arg21[%gather3A_520, %gather3A_521] : memref<32x128xf32, #tpu.memory_space<vmem>> -> memref<1x128xf32, #tpu.memory_space<vmem>>
      %gather3A_523 = tpu.memref_squeeze %gather3A_522 : memref<1x128xf32, #tpu.memory_space<vmem>> -> memref<128xf32, #tpu.memory_space<vmem>>
      %gather3A_524 = tpu.vector_load_idx %gather3A_523[%get3A_336] : memref<128xf32, #tpu.memory_space<vmem>>[vector<16xi32>], vector<16xf32>,
      %gather3A_525 = arith.constant 15 : i32
      %gather3A_526 = arith.constant 0 : i32
      %gather3A_527 = tpu.memref_slice %arg21[%gather3A_525, %gather3A_526] : memref<32x128xf32, #tpu.memory_space<vmem>> -> memref<1x128xf32, #tpu.memory_space<vmem>>
      %gather3A_528 = tpu.memref_squeeze %gather3A_527 : memref<1x128xf32, #tpu.memory_space<vmem>> -> memref<128xf32, #tpu.memory_space<vmem>>
      %gather3A_529 = tpu.vector_load_idx %gather3A_528[%get3A_340] : memref<128xf32, #tpu.memory_space<vmem>>[vector<16xi32>], vector<16xf32>,
      %mul3A_530 = arith.mulf %gather3A_524, %gather3A_529 : vector<16xf32>
      %add3A_531 = arith.addf %add3A_519, %mul3A_530 : vector<16xf32>
      %sub3A_532 = arith.constant 1.000000e+00 : f32
      %sub3A_533 = vector.broadcast %sub3A_532 : f32 to vector<16xf32>
      %sub3A_534 = arith.subf %sub3A_533, %add3A_531 : vector<16xf32>
      %get3A_535 = arith.index_cast %mul3A_332 : i32 to index
      %get3A_536 = tpu.vector_load %arg19[%get3A_535] {strides = array<i32>} : memref<512xf32, #tpu.memory_space<vmem>>, vector<16xf32>,
      %mul3A_537 = arith.mulf %sub3A_534, %get3A_536 : vector<16xf32>
      %sub3A_538 = arith.constant 3.000000e-01 : f32
      %sub3A_539 = vector.broadcast %sub3A_538 : f32 to vector<16xf32>
      %sub3A_540 = arith.subf %sub3A_539, %mul3A_537 : vector<16xf32>
      %max3A = arith.constant 0.000000e+00 : f32
      %max3A_541 = vector.broadcast %max3A : f32 to vector<16xf32>
      %max3A_542 = arith.maximumf %sub3A_540, %max3A_541 : vector<16xf32>
      %add3A_543 = arith.addf %while3A_330, %max3A_542 : vector<16xf32>
      scf.yield %add3A_543 : vector<16xf32>
    }
    %get3A_307 = arith.constant 0 : index
    %get3A_308 = tpu.vector_load %arg23[%get3A_307] {strides = array<i32>} : memref<16xf32, #tpu.memory_space<vmem>>, vector<16xf32>,
    %mul3A_309 = arith.constant 0.001953125 : f32
    %mul3A_310 = vector.broadcast %mul3A_309 : f32 to vector<16xf32>
    %mul3A_311 = arith.mulf %while3A_306, %mul3A_310 : vector<16xf32>
    %add3A_312 = arith.addf %get3A_308, %mul3A_311 : vector<16xf32>
    %swap3A_313 = arith.constant 0 : index
    %swap3A_314 = tpu.vector_load %arg23[%swap3A_313] {strides = array<i32>} : memref<16xf32, #tpu.memory_space<vmem>>, vector<16xf32>,
    tpu.vector_store %arg23[%swap3A_313], %add3A_312 {strides = array<i32>} : memref<16xf32, #tpu.memory_space<vmem>>, vector<16xf32>,
    %eq3A_315 = arith.constant 1 : i32
    %eq3A_316 = arith.cmpi eq, %select_n3A_28, %eq3A_315 : i32
    %lt3A_317 = arith.constant 2 : i32
    %lt3A_318 = arith.cmpi slt, %select_n3A, %lt3A_317 : i32
    %and3A_319 = arith.andi %eq3A_316, %lt3A_318 : i1
    %convert_element_type3A_320 = arith.extui %and3A_319 : i1 to i32
    %cond3A_321 = arith.constant 0 : i32
    %cond3A_322 = arith.cmpi ne, %convert_element_type3A_320, %cond3A_321 : i32
    scf.if %cond3A_322 {
      "tpu.region"() ({
        %run_scoped3A = tpu.sem_alloc : memref<!tpu.dma_semaphore, #tpu.memory_space<semaphore_mem>>
        %dma_start3A_387 = arith.constant 0 : i32
        %dma_start3A_388 = arith.constant 0 : i32
        %dma_start3A_389 = tpu.memref_slice %arg29[%select_n3A, %dma_start3A_387, %dma_start3A_388] : memref<4x32x128xf32, #tpu.memory_space<vmem_shared>> -> memref<1x32x128xf32, #tpu.memory_space<vmem_shared>>
        %dma_start3A_390 = tpu.memref_squeeze %dma_start3A_389 : memref<1x32x128xf32, #tpu.memory_space<vmem_shared>> -> memref<32x128xf32, #tpu.memory_space<vmem_shared>>
        %dma_start3A_391 = arith.constant 0 : i32
        %dma_start3A_392 = arith.constant 0 : i32
        %dma_start3A_393 = tpu.memref_slice %arg29[%select_n3A, %dma_start3A_391, %dma_start3A_392] : memref<4x32x128xf32, #tpu.memory_space<vmem_shared>> -> memref<1x32x128xf32, #tpu.memory_space<vmem_shared>>
        %dma_start3A_394 = tpu.memref_squeeze %dma_start3A_393 : memref<1x32x128xf32, #tpu.memory_space<vmem_shared>> -> memref<32x128xf32, #tpu.memory_space<vmem_shared>>
        tpu.enqueue_dma source(%dma_start3A_394 : memref<32x128xf32, #tpu.memory_space<vmem_shared>>) target(%arg21 : memref<32x128xf32, #tpu.memory_space<vmem>>) target_semaphore(%run_scoped3A : memref<!tpu.dma_semaphore, #tpu.memory_space<semaphore_mem>>)
        %dma_wait3A_395 = arith.constant 0 : i32
        %dma_wait3A_396 = arith.constant 0 : i32
        %dma_wait3A_397 = tpu.memref_slice %arg29[%select_n3A, %dma_wait3A_395, %dma_wait3A_396] : memref<4x32x128xf32, #tpu.memory_space<vmem_shared>> -> memref<1x32x128xf32, #tpu.memory_space<vmem_shared>>
        %dma_wait3A_398 = tpu.memref_squeeze %dma_wait3A_397 : memref<1x32x128xf32, #tpu.memory_space<vmem_shared>> -> memref<32x128xf32, #tpu.memory_space<vmem_shared>>
        %dma_wait3A_399 = arith.constant 0 : i32
        %dma_wait3A_400 = arith.constant 0 : i32
        %dma_wait3A_401 = tpu.memref_slice %arg29[%select_n3A, %dma_wait3A_399, %dma_wait3A_400] : memref<4x32x128xf32, #tpu.memory_space<vmem_shared>> -> memref<1x32x128xf32, #tpu.memory_space<vmem_shared>>
        %dma_wait3A_402 = tpu.memref_squeeze %dma_wait3A_401 : memref<1x32x128xf32, #tpu.memory_space<vmem_shared>> -> memref<32x128xf32, #tpu.memory_space<vmem_shared>>
        tpu.wait_dma2 semaphore(%run_scoped3A : memref<!tpu.dma_semaphore, #tpu.memory_space<semaphore_mem>>) src(%dma_wait3A_402 : memref<32x128xf32, #tpu.memory_space<vmem_shared>>) dst(%arg21 : memref<32x128xf32, #tpu.memory_space<vmem>>)
        tpu.yield
      }) : () -> ()
      %add3A_329 = arith.constant 2 : i32
      %add3A_330 = arith.addi %select_n3A, %add3A_329 : i32
      "tpu.region"() ({
        %run_scoped3A = tpu.sem_alloc : memref<!tpu.dma_semaphore, #tpu.memory_space<semaphore_mem>>
        %dma_start3A_387 = arith.constant 0 : i32
        %dma_start3A_388 = arith.constant 0 : i32
        %dma_start3A_389 = tpu.memref_slice %arg29[%add3A_330, %dma_start3A_387, %dma_start3A_388] : memref<4x32x128xf32, #tpu.memory_space<vmem_shared>> -> memref<1x32x128xf32, #tpu.memory_space<vmem_shared>>
        %dma_start3A_390 = tpu.memref_squeeze %dma_start3A_389 : memref<1x32x128xf32, #tpu.memory_space<vmem_shared>> -> memref<32x128xf32, #tpu.memory_space<vmem_shared>>
        %dma_start3A_391 = arith.constant 0 : i32
        %dma_start3A_392 = arith.constant 0 : i32
        %dma_start3A_393 = tpu.memref_slice %arg29[%add3A_330, %dma_start3A_391, %dma_start3A_392] : memref<4x32x128xf32, #tpu.memory_space<vmem_shared>> -> memref<1x32x128xf32, #tpu.memory_space<vmem_shared>>
        %dma_start3A_394 = tpu.memref_squeeze %dma_start3A_393 : memref<1x32x128xf32, #tpu.memory_space<vmem_shared>> -> memref<32x128xf32, #tpu.memory_space<vmem_shared>>
        tpu.enqueue_dma source(%dma_start3A_394 : memref<32x128xf32, #tpu.memory_space<vmem_shared>>) target(%arg22 : memref<32x128xf32, #tpu.memory_space<vmem>>) target_semaphore(%run_scoped3A : memref<!tpu.dma_semaphore, #tpu.memory_space<semaphore_mem>>)
        %dma_wait3A_395 = arith.constant 0 : i32
        %dma_wait3A_396 = arith.constant 0 : i32
        %dma_wait3A_397 = tpu.memref_slice %arg29[%add3A_330, %dma_wait3A_395, %dma_wait3A_396] : memref<4x32x128xf32, #tpu.memory_space<vmem_shared>> -> memref<1x32x128xf32, #tpu.memory_space<vmem_shared>>
        %dma_wait3A_398 = tpu.memref_squeeze %dma_wait3A_397 : memref<1x32x128xf32, #tpu.memory_space<vmem_shared>> -> memref<32x128xf32, #tpu.memory_space<vmem_shared>>
        %dma_wait3A_399 = arith.constant 0 : i32
        %dma_wait3A_400 = arith.constant 0 : i32
        %dma_wait3A_401 = tpu.memref_slice %arg29[%add3A_330, %dma_wait3A_399, %dma_wait3A_400] : memref<4x32x128xf32, #tpu.memory_space<vmem_shared>> -> memref<1x32x128xf32, #tpu.memory_space<vmem_shared>>
        %dma_wait3A_402 = tpu.memref_squeeze %dma_wait3A_401 : memref<1x32x128xf32, #tpu.memory_space<vmem_shared>> -> memref<32x128xf32, #tpu.memory_space<vmem_shared>>
        tpu.wait_dma2 semaphore(%run_scoped3A : memref<!tpu.dma_semaphore, #tpu.memory_space<semaphore_mem>>) src(%dma_wait3A_402 : memref<32x128xf32, #tpu.memory_space<vmem_shared>>) dst(%arg22 : memref<32x128xf32, #tpu.memory_space<vmem>>)
        tpu.yield
      }) : () -> ()
      %scan3A_331 = arith.constant 0 : i32
      %scan3A_332 = arith.constant 32 : i32
      %scan3A_333 = arith.addi %scan3A_331, %scan3A_332 : i32
      %scan3A_334 = arith.constant 1 : i32
      %scan3A_335 = scf.for %scan3A_387 = %scan3A_331 to %scan3A_333 step %scan3A_334 iter_args(%scan3A_388 = %broadcast_in_dim3A_45) -> (vector<16xf32>)  : i32 {
        %get3A_389 = arith.index_cast %scan3A_387 : i32 to index
        %get3A_390 = arith.constant 0 : index
        %get3A_391 = tpu.vector_load %arg21[%get3A_389, %get3A_390] {strides = array<i32>} : memref<32x128xf32, #tpu.memory_space<vmem>>, vector<16xf32>,
        %get3A_392 = arith.index_cast %scan3A_387 : i32 to index
        %get3A_393 = arith.constant 0 : index
        %get3A_394 = tpu.vector_load %arg22[%get3A_392, %get3A_393] {strides = array<i32>} : memref<32x128xf32, #tpu.memory_space<vmem>>, vector<16xf32>,
        %mul3A_395 = arith.mulf %get3A_391, %get3A_394 : vector<16xf32>
        %add3A_396 = arith.addf %scan3A_388, %mul3A_395 : vector<16xf32>
        scf.yield %add3A_396 : vector<16xf32>
      }
      %scan3A_336 = arith.constant 32 : i32
      %scan3A_337 = arith.constant 0 : i32
      %scan3A_338 = arith.constant 32 : i32
      %scan3A_339 = arith.addi %scan3A_337, %scan3A_338 : i32
      %scan3A_340 = arith.constant 1 : i32
      %scan3A_341 = scf.for %scan3A_387 = %scan3A_337 to %scan3A_339 step %scan3A_340 iter_args(%scan3A_388 = %broadcast_in_dim3A_45) -> (vector<16xf32>)  : i32 {
        %get3A_389 = arith.index_cast %scan3A_387 : i32 to index
        %get3A_390 = arith.constant 16 : index
        %get3A_391 = tpu.vector_load %arg21[%get3A_389, %get3A_390] {strides = array<i32>} : memref<32x128xf32, #tpu.memory_space<vmem>>, vector<16xf32>,
        %get3A_392 = arith.index_cast %scan3A_387 : i32 to index
        %get3A_393 = arith.constant 16 : index
        %get3A_394 = tpu.vector_load %arg22[%get3A_392, %get3A_393] {strides = array<i32>} : memref<32x128xf32, #tpu.memory_space<vmem>>, vector<16xf32>,
        %mul3A_395 = arith.mulf %get3A_391, %get3A_394 : vector<16xf32>
        %add3A_396 = arith.addf %scan3A_388, %mul3A_395 : vector<16xf32>
        scf.yield %add3A_396 : vector<16xf32>
      }
      %scan3A_342 = arith.constant 32 : i32
      %reduce_sum3A = arith.constant true
      %reduce_sum3A_343 = vector.broadcast %reduce_sum3A : i1 to vector<16xi1>
      %reduce_sum3A_344 = tpu.scan <sum>, %scan3A_335 masked %reduce_sum3A_343 : vector<16xf32>, vector<16xi1> -> vector<16xf32>
      %reduce_sum3A_345 = vector.extract %reduce_sum3A_344[15] : f32 from vector<16xf32>
      %broadcast_in_dim3A_346 = vector.broadcast %reduce_sum3A_345 : f32 to vector<16xf32>
      %mul3A_347 = arith.constant 3.125000e-02 : f32
      %mul3A_348 = vector.broadcast %mul3A_347 : f32 to vector<16xf32>
      %mul3A_349 = arith.mulf %broadcast_in_dim3A_346, %mul3A_348 : vector<16xf32>
      %sub3A_350 = arith.constant 1.000000e+00 : f32
      %sub3A_351 = vector.broadcast %sub3A_350 : f32 to vector<16xf32>
      %sub3A_352 = arith.subf %sub3A_351, %mul3A_349 : vector<16xf32>
      %reduce_sum3A_353 = arith.constant true
      %reduce_sum3A_354 = vector.broadcast %reduce_sum3A_353 : i1 to vector<16xi1>
      %reduce_sum3A_355 = tpu.scan <sum>, %scan3A_341 masked %reduce_sum3A_354 : vector<16xf32>, vector<16xi1> -> vector<16xf32>
      %reduce_sum3A_356 = vector.extract %reduce_sum3A_355[15] : f32 from vector<16xf32>
      %broadcast_in_dim3A_357 = vector.broadcast %reduce_sum3A_356 : f32 to vector<16xf32>
      %mul3A_358 = arith.constant 3.125000e-02 : f32
      %mul3A_359 = vector.broadcast %mul3A_358 : f32 to vector<16xf32>
      %mul3A_360 = arith.mulf %broadcast_in_dim3A_357, %mul3A_359 : vector<16xf32>
      %sub3A_361 = arith.constant 1.000000e+00 : f32
      %sub3A_362 = vector.broadcast %sub3A_361 : f32 to vector<16xf32>
      %sub3A_363 = arith.subf %sub3A_362, %mul3A_360 : vector<16xf32>
      %get3A_364 = arith.constant 0 : index
      %get3A_365 = tpu.vector_load %arg20[%get3A_364] {strides = array<i32>} : memref<16xf32, #tpu.memory_space<vmem>>, vector<16xf32>,
      %sub3A_366 = arith.constant 1.000000e-01 : f32
      %sub3A_367 = vector.broadcast %sub3A_366 : f32 to vector<16xf32>
      %sub3A_368 = arith.subf %sub3A_352, %sub3A_367 : vector<16xf32>
      %max3A = arith.constant 0.000000e+00 : f32
      %max3A_369 = vector.broadcast %max3A : f32 to vector<16xf32>
      %max3A_370 = arith.maximumf %sub3A_368, %max3A_369 : vector<16xf32>
      %sub3A_371 = arith.constant 3.000000e-01 : f32
      %sub3A_372 = vector.broadcast %sub3A_371 : f32 to vector<16xf32>
      %sub3A_373 = arith.subf %sub3A_372, %sub3A_363 : vector<16xf32>
      %max3A_374 = arith.constant 0.000000e+00 : f32
      %max3A_375 = vector.broadcast %max3A_374 : f32 to vector<16xf32>
      %max3A_376 = arith.maximumf %sub3A_373, %max3A_375 : vector<16xf32>
      %mul3A_377 = arith.mulf %max3A_376, %get3A_365 : vector<16xf32>
      %add3A_378 = arith.addf %max3A_370, %mul3A_377 : vector<16xf32>
      %mul3A_379 = arith.constant 6.250000e-02 : f32
      %mul3A_380 = vector.broadcast %mul3A_379 : f32 to vector<16xf32>
      %mul3A_381 = arith.mulf %add3A_378, %mul3A_380 : vector<16xf32>
      %get3A_382 = arith.constant 0 : index
      %get3A_383 = tpu.vector_load %arg23[%get3A_382] {strides = array<i32>} : memref<16xf32, #tpu.memory_space<vmem>>, vector<16xf32>,
      %add3A_384 = arith.addf %get3A_383, %mul3A_381 : vector<16xf32>
      %swap3A_385 = arith.constant 0 : index
      %swap3A_386 = tpu.vector_load %arg23[%swap3A_385] {strides = array<i32>} : memref<16xf32, #tpu.memory_space<vmem>>, vector<16xf32>,
      tpu.vector_store %arg23[%swap3A_385], %add3A_384 {strides = array<i32>} : memref<16xf32, #tpu.memory_space<vmem>>, vector<16xf32>,
    } else {
    }
    "tpu.region"() ({
      %run_scoped3A = tpu.sem_alloc : memref<!tpu.dma_semaphore, #tpu.memory_space<semaphore_mem>>
      %dma_start3A_329 = arith.constant 0 : i32
      %dma_start3A_330 = tpu.memref_slice %arg30[%arg1, %dma_start3A_329] : memref<16x16xf32, #tpu.memory_space<vmem_shared>> -> memref<1x16xf32, #tpu.memory_space<vmem_shared>>
      %dma_start3A_331 = tpu.memref_squeeze %dma_start3A_330 : memref<1x16xf32, #tpu.memory_space<vmem_shared>> -> memref<16xf32, #tpu.memory_space<vmem_shared>>
      %dma_start3A_332 = arith.constant 0 : i32
      %dma_start3A_333 = tpu.memref_slice %arg30[%arg1, %dma_start3A_332] : memref<16x16xf32, #tpu.memory_space<vmem_shared>> -> memref<1x16xf32, #tpu.memory_space<vmem_shared>>
      %dma_start3A_334 = tpu.memref_squeeze %dma_start3A_333 : memref<1x16xf32, #tpu.memory_space<vmem_shared>> -> memref<16xf32, #tpu.memory_space<vmem_shared>>
      tpu.enqueue_dma source(%arg23 : memref<16xf32, #tpu.memory_space<vmem>>) target(%dma_start3A_334 : memref<16xf32, #tpu.memory_space<vmem_shared>>) target_semaphore(%run_scoped3A : memref<!tpu.dma_semaphore, #tpu.memory_space<semaphore_mem>>)
      %dma_wait3A_335 = arith.constant 0 : i32
      %dma_wait3A_336 = tpu.memref_slice %arg30[%arg1, %dma_wait3A_335] : memref<16x16xf32, #tpu.memory_space<vmem_shared>> -> memref<1x16xf32, #tpu.memory_space<vmem_shared>>
      %dma_wait3A_337 = tpu.memref_squeeze %dma_wait3A_336 : memref<1x16xf32, #tpu.memory_space<vmem_shared>> -> memref<16xf32, #tpu.memory_space<vmem_shared>>
      %dma_wait3A_338 = arith.constant 0 : i32
      %dma_wait3A_339 = tpu.memref_slice %arg30[%arg1, %dma_wait3A_338] : memref<16x16xf32, #tpu.memory_space<vmem_shared>> -> memref<1x16xf32, #tpu.memory_space<vmem_shared>>
      %dma_wait3A_340 = tpu.memref_squeeze %dma_wait3A_339 : memref<1x16xf32, #tpu.memory_space<vmem_shared>> -> memref<16xf32, #tpu.memory_space<vmem_shared>>
      tpu.wait_dma2 semaphore(%run_scoped3A : memref<!tpu.dma_semaphore, #tpu.memory_space<semaphore_mem>>) src(%arg23 : memref<16xf32, #tpu.memory_space<vmem>>) dst(%dma_wait3A_340 : memref<16xf32, #tpu.memory_space<vmem_shared>>)
      tpu.yield
    }) : () -> ()
    %barrier3A_323 = arith.constant 0 : index
    tpu.barrier barrier_id(%barrier3A_323)
    %eq3A_324 = arith.constant 0 : i32
    %eq3A_325 = arith.cmpi eq, %arg1, %eq3A_324 : i32
    %convert_element_type3A_326 = arith.extui %eq3A_325 : i1 to i32
    %cond3A_327 = arith.constant 0 : i32
    %cond3A_328 = arith.cmpi ne, %convert_element_type3A_326, %cond3A_327 : i32
    scf.if %cond3A_328 {
      "tpu.region"() ({
        %run_scoped3A = tpu.sem_alloc : memref<!tpu.dma_semaphore, #tpu.memory_space<semaphore_mem>>
        tpu.enqueue_dma source(%arg30 : memref<16x16xf32, #tpu.memory_space<vmem_shared>>) target(%arg24 : memref<16x16xf32, #tpu.memory_space<vmem>>) target_semaphore(%run_scoped3A : memref<!tpu.dma_semaphore, #tpu.memory_space<semaphore_mem>>)
        tpu.wait_dma2 semaphore(%run_scoped3A : memref<!tpu.dma_semaphore, #tpu.memory_space<semaphore_mem>>) src(%arg30 : memref<16x16xf32, #tpu.memory_space<vmem_shared>>) dst(%arg24 : memref<16x16xf32, #tpu.memory_space<vmem>>)
        tpu.yield
      }) : () -> ()
      %get3A_329 = arith.constant 0 : i32
      %get3A_330 = arith.index_cast %get3A_329 : i32 to index
      %get3A_331 = arith.constant 0 : index
      %get3A_332 = tpu.vector_load %arg24[%get3A_330, %get3A_331] {strides = array<i32>} : memref<16x16xf32, #tpu.memory_space<vmem>>, vector<16xf32>,
      %add3A_333 = arith.addf %broadcast_in_dim3A_45, %get3A_332 : vector<16xf32>
      %get3A_334 = arith.constant 1 : i32
      %get3A_335 = arith.index_cast %get3A_334 : i32 to index
      %get3A_336 = arith.constant 0 : index
      %get3A_337 = tpu.vector_load %arg24[%get3A_335, %get3A_336] {strides = array<i32>} : memref<16x16xf32, #tpu.memory_space<vmem>>, vector<16xf32>,
      %add3A_338 = arith.addf %add3A_333, %get3A_337 : vector<16xf32>
      %get3A_339 = arith.constant 2 : i32
      %get3A_340 = arith.index_cast %get3A_339 : i32 to index
      %get3A_341 = arith.constant 0 : index
      %get3A_342 = tpu.vector_load %arg24[%get3A_340, %get3A_341] {strides = array<i32>} : memref<16x16xf32, #tpu.memory_space<vmem>>, vector<16xf32>,
      %add3A_343 = arith.addf %add3A_338, %get3A_342 : vector<16xf32>
      %get3A_344 = arith.constant 3 : i32
      %get3A_345 = arith.index_cast %get3A_344 : i32 to index
      %get3A_346 = arith.constant 0 : index
      %get3A_347 = tpu.vector_load %arg24[%get3A_345, %get3A_346] {strides = array<i32>} : memref<16x16xf32, #tpu.memory_space<vmem>>, vector<16xf32>,
      %add3A_348 = arith.addf %add3A_343, %get3A_347 : vector<16xf32>
      %get3A_349 = arith.constant 4 : i32
      %get3A_350 = arith.index_cast %get3A_349 : i32 to index
      %get3A_351 = arith.constant 0 : index
      %get3A_352 = tpu.vector_load %arg24[%get3A_350, %get3A_351] {strides = array<i32>} : memref<16x16xf32, #tpu.memory_space<vmem>>, vector<16xf32>,
      %add3A_353 = arith.addf %add3A_348, %get3A_352 : vector<16xf32>
      %get3A_354 = arith.constant 5 : i32
      %get3A_355 = arith.index_cast %get3A_354 : i32 to index
      %get3A_356 = arith.constant 0 : index
      %get3A_357 = tpu.vector_load %arg24[%get3A_355, %get3A_356] {strides = array<i32>} : memref<16x16xf32, #tpu.memory_space<vmem>>, vector<16xf32>,
      %add3A_358 = arith.addf %add3A_353, %get3A_357 : vector<16xf32>
      %get3A_359 = arith.constant 6 : i32
      %get3A_360 = arith.index_cast %get3A_359 : i32 to index
      %get3A_361 = arith.constant 0 : index
      %get3A_362 = tpu.vector_load %arg24[%get3A_360, %get3A_361] {strides = array<i32>} : memref<16x16xf32, #tpu.memory_space<vmem>>, vector<16xf32>,
      %add3A_363 = arith.addf %add3A_358, %get3A_362 : vector<16xf32>
      %get3A_364 = arith.constant 7 : i32
      %get3A_365 = arith.index_cast %get3A_364 : i32 to index
      %get3A_366 = arith.constant 0 : index
      %get3A_367 = tpu.vector_load %arg24[%get3A_365, %get3A_366] {strides = array<i32>} : memref<16x16xf32, #tpu.memory_space<vmem>>, vector<16xf32>,
      %add3A_368 = arith.addf %add3A_363, %get3A_367 : vector<16xf32>
      %get3A_369 = arith.constant 8 : i32
      %get3A_370 = arith.index_cast %get3A_369 : i32 to index
      %get3A_371 = arith.constant 0 : index
      %get3A_372 = tpu.vector_load %arg24[%get3A_370, %get3A_371] {strides = array<i32>} : memref<16x16xf32, #tpu.memory_space<vmem>>, vector<16xf32>,
      %add3A_373 = arith.addf %add3A_368, %get3A_372 : vector<16xf32>
      %get3A_374 = arith.constant 9 : i32
      %get3A_375 = arith.index_cast %get3A_374 : i32 to index
      %get3A_376 = arith.constant 0 : index
      %get3A_377 = tpu.vector_load %arg24[%get3A_375, %get3A_376] {strides = array<i32>} : memref<16x16xf32, #tpu.memory_space<vmem>>, vector<16xf32>,
      %add3A_378 = arith.addf %add3A_373, %get3A_377 : vector<16xf32>
      %get3A_379 = arith.constant 10 : i32
      %get3A_380 = arith.index_cast %get3A_379 : i32 to index
      %get3A_381 = arith.constant 0 : index
      %get3A_382 = tpu.vector_load %arg24[%get3A_380, %get3A_381] {strides = array<i32>} : memref<16x16xf32, #tpu.memory_space<vmem>>, vector<16xf32>,
      %add3A_383 = arith.addf %add3A_378, %get3A_382 : vector<16xf32>
      %get3A_384 = arith.constant 11 : i32
      %get3A_385 = arith.index_cast %get3A_384 : i32 to index
      %get3A_386 = arith.constant 0 : index
      %get3A_387 = tpu.vector_load %arg24[%get3A_385, %get3A_386] {strides = array<i32>} : memref<16x16xf32, #tpu.memory_space<vmem>>, vector<16xf32>,
      %add3A_388 = arith.addf %add3A_383, %get3A_387 : vector<16xf32>
      %get3A_389 = arith.constant 12 : i32
      %get3A_390 = arith.index_cast %get3A_389 : i32 to index
      %get3A_391 = arith.constant 0 : index
      %get3A_392 = tpu.vector_load %arg24[%get3A_390, %get3A_391] {strides = array<i32>} : memref<16x16xf32, #tpu.memory_space<vmem>>, vector<16xf32>,
      %add3A_393 = arith.addf %add3A_388, %get3A_392 : vector<16xf32>
      %get3A_394 = arith.constant 13 : i32
      %get3A_395 = arith.index_cast %get3A_394 : i32 to index
      %get3A_396 = arith.constant 0 : index
      %get3A_397 = tpu.vector_load %arg24[%get3A_395, %get3A_396] {strides = array<i32>} : memref<16x16xf32, #tpu.memory_space<vmem>>, vector<16xf32>,
      %add3A_398 = arith.addf %add3A_393, %get3A_397 : vector<16xf32>
      %get3A_399 = arith.constant 14 : i32
      %get3A_400 = arith.index_cast %get3A_399 : i32 to index
      %get3A_401 = arith.constant 0 : index
      %get3A_402 = tpu.vector_load %arg24[%get3A_400, %get3A_401] {strides = array<i32>} : memref<16x16xf32, #tpu.memory_space<vmem>>, vector<16xf32>,
      %add3A_403 = arith.addf %add3A_398, %get3A_402 : vector<16xf32>
      %get3A_404 = arith.constant 15 : i32
      %get3A_405 = arith.index_cast %get3A_404 : i32 to index
      %get3A_406 = arith.constant 0 : index
      %get3A_407 = tpu.vector_load %arg24[%get3A_405, %get3A_406] {strides = array<i32>} : memref<16x16xf32, #tpu.memory_space<vmem>>, vector<16xf32>,
      %add3A_408 = arith.addf %add3A_403, %get3A_407 : vector<16xf32>
      %reduce_sum3A = arith.constant true
      %reduce_sum3A_409 = vector.broadcast %reduce_sum3A : i1 to vector<16xi1>
      %reduce_sum3A_410 = tpu.scan <sum>, %add3A_408 masked %reduce_sum3A_409 : vector<16xf32>, vector<16xi1> -> vector<16xf32>
      %reduce_sum3A_411 = vector.extract %reduce_sum3A_410[15] : f32 from vector<16xf32>
      %broadcast_in_dim3A_412 = vector.broadcast %reduce_sum3A_411 : f32 to vector<16xf32>
      %swap3A_413 = arith.constant 0 : index
      %swap3A_414 = tpu.vector_load %arg25[%swap3A_413] {strides = array<i32>} : memref<16xf32, #tpu.memory_space<vmem>>, vector<16xf32>,
      tpu.vector_store %arg25[%swap3A_413], %broadcast_in_dim3A_412 {strides = array<i32>} : memref<16xf32, #tpu.memory_space<vmem>>, vector<16xf32>,
      "tpu.region"() ({
        %run_scoped3A = tpu.sem_alloc : memref<!tpu.dma_semaphore, #tpu.memory_space<semaphore_mem>>
        tpu.enqueue_dma source(%arg25 : memref<16xf32, #tpu.memory_space<vmem>>) target(%arg9 : memref<16xf32, #tpu.memory_space<hbm>>) target_semaphore(%run_scoped3A : memref<!tpu.dma_semaphore, #tpu.memory_space<semaphore_mem>>)
        tpu.wait_dma2 semaphore(%run_scoped3A : memref<!tpu.dma_semaphore, #tpu.memory_space<semaphore_mem>>) src(%arg25 : memref<16xf32, #tpu.memory_space<vmem>>) dst(%arg9 : memref<16xf32, #tpu.memory_space<hbm>>)
        tpu.yield
      }) : () -> ()
    } else {
    }
    return
  }
}

</mosaic_0001>

<sc_bundles>
// kernel: _run.3.cloned.1.call-start
scs
__scs_entry_jumppad:
0x0: {  	(pc) =	sbr.rel $0x88, $3  }
0x1: {  	(tag) =	ssettag $0x0;
	lr =	simm.s32 $0x1  }
0x2: {  	[smem:$0x3F9A] =	sst lr;
	_ =	strace $0xD0000000  }
0x3: {  	_ = 	snop  }
0x4: {  	_ = 	snop  }
0x5: {  	_ = 	snop  }
0x6: {  	_ = 	snop  }
0x7: {  	_ = 	snop  }
__scs_overlays_trampoline_lowered:
0x8: {  	[smem:$0x3FA9] =	sst s0  }
0x9: {  	[smem:$0x3FAA] =	sst s1  }
0xa: {  	[smem:$0x3FAB] =	sst s2  }
0xb: {  	[smem:$0x3FAC] =	sst s3  }
0xc: {  	[smem:$0x3FAD] =	sst s4  }
0xd: {  	[smem:$0x3FAE] =	sst s5  }
0xe: {  	[smem:$0x3FAF] =	sst s6  }
0xf: {  	[smem:$0x3FB0] =	sst s7  }
0x10: {  	[smem:$0x3FB1] =	sst s8  }
0x11: {  	[smem:$0x3FB2] =	sst s9;
	s0 =	simm.s32 @!p0 $0x0  }
0x12: {  	s1 =	sld [smem:$0x3F98];
	s0 =	simm.s32 @p0 $0x1  }
0x13: {  	[smem:$0x3FB3] =	sst s0;
	s0 =	simm.s32 @!p1 $0x0  }
0x14: {  	s2 =	sld [smem:$0x3F97];
	s0 =	simm.s32 @p1 $0x1  }
0x15: {  	[smem:$0x3FB4] =	sst s0;
	s0 =	simm.s32 @!p2 $0x0  }
0x16: {  	s3 =	sld [smem:$0x3FDB];
	s0 =	simm.s32 @p2 $0x1  }
0x17: {  	s4 =	simm.s32 $0x1BF5;
	[smem:$0x3FB6] =	sst s0  }
0x18: {  	s0 =	sld [smem:$0x3F99];
	_ =	swait.ge [sflag:s4], $0x0  }
0x19: {  	s7 =	sld [smem:$0x3F9A]  }
0x1a: {  	s8 =	sadd.s32 $0xFFFFE003, lr  }
0x1b: {  	s9 =	sadd.s32 $0xFFFFFEF7, lr;
	s5 =	simm.s32 $0xFFFFFFFF;
	p2 =	slt.u32 s8, $0xFFFFF086  }
0x1c: {  	p1 =	slt.u32 s9, $0xF7A;
	s5 =	simm.s32 @!p2 $0x0  }
0x1d: {  	s5 =	simm.s32 @p1 $0x1;
	p0 =	seq.s32 s7, s2  }
0x1e: {  	s7 =	smul.u32 @!p0 $0xF7A, s2;
	p2 =	seq.s32 @!p0 s5, $0x0  }
0x1f: {  	s9 =	smul.u32 $0xF7A, s1;
	s8 =	simm.s32 @!p0 $0x1BF5;
	p2 =	por !p2, p0  }
0x20: {  	[sflag:s8] =	ssyncset.s32 @!p0 $0xFFFFF086;
	s6 =	sadd.s32 @!p0 s3, s7;
	s7 =	simm.s32 @!p0 $0x108  }
0x21: {  	s3 =	sadd.s32 s3, s9;
	s6 =	sadd.s32 @!p0 $0x88, s6;
	s7 =	simm.s32 @p2 $0x1082  }
0x22: {  	[simem:s7], [sflag:s8] =	dma.local @!p0 [hbm:s6], $0xF7A  }
0x23: {  	s9 =	sor.u32 $0xD0000000, s2;
	s6 =	simm.s32 $0x108;
	_ =	swait.ge @!p0 [sflag:s8], $0x0  }
0x24: {  	s3 =	sadd.s32 $0x88, s3;
	s6 =	simm.s32 @!p1 $0x1082;
	[sflag:s4] =	ssyncset.s32 $0xFFFFF086  }
0x25: {  	[simem:s6], [sflag:s4] =	dma.local [hbm:s3], $0xF7A  }
0x26: {  	[smem:$0x3F9A] =	sst s1;
	(tag) =	ssettag s2;
	_ =	strace s9  }
0x27: {  	s1 =	sld [smem:$0x3FAA]  }
0x28: {  	s2 =	sld [smem:$0x3FAB]  }
0x29: {  	s4 =	sld [smem:$0x3FAD]  }
0x2a: {  	p0 =	seq.s32 s5, $0x0;
	s5 =	sld [smem:$0x3FAE]  }
0x2b: {  	s6 =	sld [smem:$0x3FAF]  }
0x2c: {  	s7 =	sld [smem:$0x3FB0]  }
0x2d: {  	s3 =	simm.s32 $0x108;
	s8 =	sld [smem:$0x3FB1]  }
0x2e: {  	s3 =	simm.s32 @!p0 $0x1082;
	s9 =	sld [smem:$0x3FB2]  }
0x2f: {  	lr =	sadd.s32 s0, s3;
	s0 =	sld [smem:$0x3FA9]  }
0x30: {  	s3 =	sld [smem:$0x3FAC]  }
0x31: {  	[smem:$0x3FB5] =	sst s10  }
0x32: {  	s10 =	sld [smem:$0x3FB3];
	_ =	sdelay $0x3  }
0x33: {  	p0 =	seq.s32 s10, $0x1;
	s10 =	sld [smem:$0x3FB5];
	_ =	sdelay $0x3  }
0x34: {  	[smem:$0x3FB5] =	sst s10  }
0x35: {  	s10 =	sld [smem:$0x3FB4];
	_ =	sdelay $0x3  }
0x36: {  	p1 =	seq.s32 s10, $0x1;
	s10 =	sld [smem:$0x3FB5];
	_ =	sdelay $0x3  }
0x37: {  	[smem:$0x3FB5] =	sst s10  }
0x38: {  	s10 =	sld [smem:$0x3FB6]  }
0x39: {  	_ = 	snop;
	(pc) =	sbr.ind lr, $3  }
0x3a: {  	_ = 	snop  }
0x3b: {  	_ = 	snop  }
0x3c: {  	p2 =	seq.s32 s10, $0x1;
	s10 =	sld [smem:$0x3FB5]  }
0x3d: {  	_ =	shalt  }
0x3e: {  	_ =	shalt  }
0x3f: {  	_ =	shalt  }
0x40: {  	_ =	shalt  }
0x41: {  	_ =	shalt  }
0x42: {  	_ =	shalt  }
0x43: {  	_ =	shalt  }
0x44: {  	_ =	shalt  }
0x45: {  	_ =	shalt  }
0x46: {  	_ =	shalt  }
0x47: {  	_ =	shalt  }
0x48: {  	_ =	shalt  }
0x49: {  	_ =	shalt  }
0x4a: {  	_ =	shalt  }
0x4b: {  	_ =	shalt  }
0x4c: {  	_ =	shalt  }
0x4d: {  	_ =	shalt  }
0x4e: {  	_ =	shalt  }
0x4f: {  	_ =	shalt  }
0x50: {  	_ =	shalt  }
0x51: {  	_ =	shalt  }
0x52: {  	_ =	shalt  }
0x53: {  	_ =	shalt  }
0x54: {  	_ =	shalt  }
0x55: {  	_ =	shalt  }
0x56: {  	_ =	shalt  }
0x57: {  	_ =	shalt  }
0x58: {  	_ =	shalt  }
0x59: {  	_ =	shalt  }
0x5a: {  	_ =	shalt  }
0x5b: {  	_ =	shalt  }
0x5c: {  	_ =	shalt  }
0x5d: {  	_ =	shalt  }
0x5e: {  	_ =	shalt  }
0x5f: {  	_ =	shalt  }
0x60: {  	_ =	shalt  }
0x61: {  	_ =	shalt  }
0x62: {  	_ =	shalt  }
0x63: {  	_ =	shalt  }
0x64: {  	_ =	shalt  }
0x65: {  	_ =	shalt  }
0x66: {  	_ =	shalt  }
0x67: {  	_ =	shalt  }
0x68: {  	_ =	shalt  }
0x69: {  	_ =	shalt  }
0x6a: {  	_ =	shalt  }
0x6b: {  	_ =	shalt  }
0x6c: {  	_ =	shalt  }
0x6d: {  	_ =	shalt  }
0x6e: {  	_ =	shalt  }
0x6f: {  	_ =	shalt  }
0x70: {  	_ =	shalt  }
0x71: {  	_ =	shalt  }
0x72: {  	_ =	shalt  }
0x73: {  	_ =	shalt  }
0x74: {  	_ =	shalt  }
0x75: {  	_ =	shalt  }
0x76: {  	_ =	shalt  }
0x77: {  	_ =	shalt  }
0x78: {  	_ =	shalt  }
0x79: {  	_ =	shalt  }
0x7a: {  	_ =	shalt  }
0x7b: {  	_ =	shalt  }
0x7c: {  	_ =	shalt  }
0x7d: {  	_ =	shalt  }
0x7e: {  	_ =	shalt  }
0x7f: {  	_ =	shalt  }
0x80: {  	_ =	shalt  }
0x81: {  	_ =	shalt  }
0x82: {  	_ =	shalt  }
0x83: {  	_ =	shalt  }
0x84: {  	_ =	shalt  }
0x85: {  	_ =	shalt  }
0x86: {  	_ =	shalt  }
0x87: {  	_ =	shalt  }
.Lfunc_end0:
.L_simem_size_0:
called_computation_lowered:
.L_overlay_start_0:
0x88: {  	s0 =	sld [smem:$0x3FD9]  }
0x89: {  	s1 =	sld [smem:$0x3FFE];
	_ =	sdelay $0x3  }
0x8a: {  	s0 =	sadd.s32 s1, s0  }
0x8b: {  	[smem:$0x3FC1] =	sst s0  }
0x8c: {  	_ = 	snop  }
0x8d: {  	s0 =	sld [smem:$0x3FC4]  }
0x8e: {  	s16 =	sld [smem:$0x3FD0];
	(tm) =	ssettm $0x1  }
0x8f: {  	s2 =	sld [smem:$0x3FFB];
	_ =	sdelay $0x3  }
0x90: {  	_ =	strace s2  }
0x91: {  	s2 =	sld [smem:$0x3FFC];
	_ =	sdelay $0x3  }
0x92: {  	_ =	strace s2  }
0x93: {  	s2 =	sld [smem:$0x3FFD];
	_ =	sdelay $0x3  }
0x94: {  	_ =	strace s2  }
0x95: {  	_ =	strace $0x8FFFFFFF  }
0x96: {  	s17 =	sld [smem:$0x3FDB];
	_ =	sdelay $0x1  }
0x97: {  	s3 =	simm.s32 $_scs_section_size  }
0x98: {  	s4 =	simm.s32 $_size__tile_overlayer_lowered;
	s5 =	simm.s32 $_tile_overlayer_lowered  }
0x99: {  	s20 =	simm.s32 $0x1BFF;
	s19 =	sshll.u32 s5, $0x1;
	s2 =	sadd.s32 s3, s17  }
0x9a: {  	s6 =	simm.s32 $0x0;
	s18 =	sshll.u32 s4, $0x1;
	s4 =	sadd.s32 s19, s2  }
0x9b: {  	[timem:s6], [sflag:s20] =	dma.local [hbm:s4], s18  }
0x9c: {  	_ =	swait.ge [sflag:s20], s18  }
0x9d: {  	s3 =	ssub.s32 $0x0, s18;
	[sflag:s20] =	ssyncset.done $0x0  }
0x9e: {  	[sflag:s20] =	ssyncadd.s32 s3;
	_ =	sdelay $0x1  }
0x9f: {  	s21 =	simm.s32 $0x1B8B  }
0xa0: {  	_ =	swait.ge [sflag:s21], $0x1  }
0xa1: {  	[sflag:s21] =	ssyncset.done $0x0  }
0xa2: {  	s23 =	simm.s32 $0x1B8E;
	s22 =	sld [smem:$0x3FFE];
	[sflag:s21] =	ssyncadd.s32 $0xFFFFFFFF  }
0xa3: {  	s24 =	simm.s32 $execute0_lowered;
	[smem:$0x3FD2] =	sst s23  }
0xa4: {  	s4 =	sshll.u32 s24, $0x1;
	_ =	strace $0x80000046;
	[dreg:$0x1] =	wrdreg $0xFFFFFFFF  }
0xa5: {  	s25 =	simm.s32 $_size_execute0_lowered;
	s2 =	sadd.s32 s2, s4;
	[dreg:$0x0] =	wrdreg $0x0  }
0xa6: {  	s4 =	sshll.u32 s25, $0x1;
	[dreg:$0x2] =	wrdreg s2  }
0xa7: {  	[dreg:$0x3] =	wrdreg s4  }
0xa8: {  	[dreg:$0x4] =	wrdreg $0xC0  }
0xa9: {  	_ =	task [dreg:s6], $0x5FFFF  }
0xaa: {  	[dreg:$0x1] =	wrdreg $0xFFFFFFFF  }
0xab: {  	[dreg:$0x0] =	wrdreg $0x60  }
0xac: {  	[dreg:$0x2] =	wrdreg s22  }
0xad: {  	[dreg:$0x3] =	wrdreg s0  }
0xae: {  	[dreg:$0x4] =	wrdreg s16  }
0xaf: {  	[dreg:$0x5] =	wrdreg $0xDDD80  }
0xb0: {  	[dreg:$0x6] =	wrdreg $0xE1F80  }
0xb1: {  	[dreg:$0x7] =	wrdreg $0xE5F80  }
0xb2: {  	[dreg:$0x8] =	wrdreg $0x9  }
0xb3: {  	_ =	task.clear_ibuf [dreg:s6], $0x9FFFF;
	_ =	strace $0x90000046  }
0xb4: {  	s26 =	simm.s32 $0x9;
	_ =	strace $0x80000048  }
0xb5: {  	_ =	swait.ge [sflag:s26], $0x1  }
0xb6: {  	[sflag:s26] =	ssyncadd.s32 $0xFFFFFFFF  }
0xb7: {  	_ =	strace $0x90000048  }
0xb8: {  	_ =	sfence  }
0xb9: {  	s28 =	sld [smem:$0x0];
	_ =	sdelay $0x1  }
0xba: {  	s29 =	srdreg.scid  }
0xbb: {  	s30 =	sshll.u32 s29, $0xD;
	s31 =	sshrl.u32 s29, $0x2  }
0xbc: {  	s1 =	sand.u32 $0x1, s29;
	s2 =	sand.u32 $0x4000, s30;
	s0 =	sadd.s32 s31, s28  }
0xbd: {  	s1 =	sor.u32 s2, s1;
	s0 =	sshll.u32 s0, $0x11  }
0xbe: {  	s0 =	sor.u32 s0, s1  }
0xbf: {  	s0 =	sadd.s32 $0x8F2B, s0  }
0xc0: {  	[sflag:s0] =	ssyncadd.remote.s32 $0x1  }
0xc1: {  	_ =	sfence.sel $0xFFFF  }
0xc2: {  	[dreg:$0x0] =	wrdreg $0xFFFFFFFF;
	(pc) =	sbr.abs _section_cstart, $3  }
0xc3: {  	[dreg:$0x1] =	wrdreg $0xFFFFFFFF  }
0xc4: {  	_ =	task.clear_ibuf [dreg:s6], $0x2FFFF;
	_ =	strace $0x9FFFFFFF  }
0xc5: {  	(tm) =	ssettm $0x7FFFFFFF  }
tec
execute0_lowered:
.L_overlay_start_1:
0x0: {  	(tag) =	ssettag $0x1  }
0x1: {  	s1 =	rddreg [dreg:$0x0]  }
0x2: {  	s2 =	rddreg [dreg:$0x1]  }
0x3: {  	s11 =	rddreg [dreg:$0x3];
	s3 =	simm.s32 $0x0;
	s4 =	stileid.u32  }
0x4: {  	s8 =	simm.s32 $0x1000;
	s0 =	sshrl.u32 s4, $0x2;
	s10 =	sand.u32 $0x3, s4  }
0x5: {  	s4 =	sshll.u32 s10, $0xA;
	s5 =	sshll.u32 s0, $0x11;
	s16 =	sshll.u32 s0, $0xC  }
0x6: {  	s9 =	simm.s32 $0x400;
	s5 =	sor.u32 s4, s5;
	s4 =	sor.u32 s4, s16  }
0x7: {  	s18 =	simm.s32 $0xB600;
	[smem:$0x7FF] =	sst s3;
	s4 =	sshrl.u32 s4, $0x3  }
0x8: {  	_ =	strace $0x80000047;
	s5 =	sshrl.u32 s5, $0x3;
	s4 =	sadd.s32 s4, s1  }
0x9: {  	s6 =	sand.u32 $0x1, s0;
	s5 =	sadd.s32 s5, s1;
	s4 =	sadd.s32 $0x800, s4  }
0xa: {  	[tilespmem:s3], [sflag:$0x1] =	stream.linear.gather [hbm4b:s4+s3], $0x400, $0x38;
	[tilespmem:$0xE608] =	vst v63  }
0xb: {  	s7 =	sshll.u32 s6, $0x7;
	s14 =	sshll.u32 s6, $0x4;
	s5 =	sadd.s32 $0x1000, s5  }
0xc: {  	[tilespmem:s9], [sflag:$0x2] =	stream.strided.gather [hbm4b:s5+s9], $0x8000, s8, s9, $0x38;
	[tilespmem:$0xE608] =	vst v63  }
0xd: {  	s15 =	sshll.u32 s6, $0x6;
	s7 =	sadd.s32 s7, s1;
	s2 =	sadd.s32 s2, s14  }
0xe: {  	[tilespmem:s18], [sflag:$0x3] =	stream.linear.gather [hbm4b:s2+s3], $0x80, $0x38;
	[tilespmem:$0xE608] =	vst v63  }
0xf: {  	s21 =	simm.s32 $0xB680;
	s19 =	sadd.s32 s15, s1;
	s20 =	sadd.s32 $0x600, s7  }
0x10: {  	[tilespmem:s21], [sflag:$0x4] =	stream.linear.gather [hbm4b:s20+s3], $0x400, $0x38;
	[tilespmem:$0xE608] =	vst v63  }
0x11: {  	s22 =	simm.s32 $0xBA80;
	s2 =	sadd.s32 $0x400, s19  }
0x12: {  	[tilespmem:s22], [sflag:$0x5] =	stream.linear.gather [hbm4b:s2+s3], $0x200, $0x38;
	[tilespmem:$0xE608] =	vst v63  }
0x13: {  	s25 =	simm.s32 $0xBC80;
	s23 =	sadd.s32 $0x11000, s1;
	s24 =	smul.u32 $0x21, s0  }
0x14: {  	[tilespmem:s25], [sflag:$0x6] =	stream.linear.gather [hbm4b:s23+s3], $0x10, $0x38;
	[tilespmem:$0xE608] =	vst v63  }
0x15: {  	v0 =	vlaneseq.u32;
	s26 =	sadd.s32 $0x10, s24;
	s1 =	sadd.s32 $0x11200, s1;
	s9 =	simm.s32 $0x8400  }
0x16: {  	v1 =	vadd.s32 s24, v0;
	[tilespmem:s9], [sflag:$0x7] =	stream.linear.gather [hbm4b:s1+s3], $0x1080, $0x38;
	[tilespmem:$0xE608] =	vst v63  }
0x17: {  	v2 =	vadd.s32 s26, v0;
	s5 =	sadd.s32 $0x11, s24;
	[tilespmem:$0xDDB0] =	vst v1  }
0x18: {  	v0 =	vadd.s32 s5, v0;
	[tilespmem:$0xDDC0] =	vst v2  }
0x19: {  	s6 =	simm.s32 $0x1;
	[tilespmem:$0xDDC1] =	vst v0  }
0x1a: {  	_ =	swait.ge [sflag:s6], $0x400  }
0x1b: {  	[sflag:s6] =	ssyncset.done $0x0  }
0x1c: {  	s7 =	simm.s32 $0x2;
	[sflag:s6] =	ssyncadd.s32 $0xFFFFFC00  }
0x1d: {  	_ =	swait.ge [sflag:s7], $0x8000  }
0x1e: {  	[sflag:s7] =	ssyncset.done $0x0  }
0x1f: {  	s8 =	simm.s32 $0x3;
	[sflag:s7] =	ssyncadd.s32 $0xFFFF8000  }
0x20: {  	_ =	swait.ge [sflag:s8], $0x80  }
0x21: {  	[sflag:s8] =	ssyncset.done $0x0  }
0x22: {  	s12 =	simm.s32 $0x4;
	[sflag:s8] =	ssyncadd.s32 $0xFFFFFF80  }
0x23: {  	_ =	swait.ge [sflag:s12], $0x400  }
0x24: {  	[sflag:s12] =	ssyncset.done $0x0  }
0x25: {  	s13 =	simm.s32 $0x5;
	[sflag:s12] =	ssyncadd.s32 $0xFFFFFC00  }
0x26: {  	_ =	swait.ge [sflag:s13], $0x200  }
0x27: {  	[sflag:s13] =	ssyncset.done $0x0  }
0x28: {  	s14 =	simm.s32 $0x6;
	[sflag:s13] =	ssyncadd.s32 $0xFFFFFE00  }
0x29: {  	_ =	swait.ge [sflag:s14], $0x10  }
0x2a: {  	s0 =	smul.u32 $0x4200, s0;
	[sflag:s14] =	ssyncset.done $0x0  }
0x2b: {  	s15 =	simm.s32 $0x7;
	[sflag:s14] =	ssyncadd.s32 $0xFFFFFFF0  }
0x2c: {  	s0 =	sshrl.u32 s0, $0x2;
	_ =	swait.ge [sflag:s15], $0x1080  }
0x2d: {  	p0 =	sne.s32 s10, $0x0;
	s2 =	sadd.s32 s0, s11;
	[sflag:s15] =	ssyncset.done $0x0  }
0x2e: {  	s0 =	simm.s32 @!p0 $0x8400;
	[dreg:$0xc] =	wrdreg s10;
	[sflag:s15] =	ssyncadd.s32 $0xFFFFEF80  }
0x2f: {  	[spmem:s2] =	stream.linear.scatter @!p0 [tilespmem:s0], [sflag:$0x8], $0x1080, $0x38;
	[tilespmem:$0xE608] =	vst v63  }
0x30: {  	[dreg:$0x10] =	wrdreg s2;
	s0 =	simm.s32 @!p0 $0x8  }
0x31: {  	_ =	swait.ge @!p0 [sflag:s0], $0x1080  }
0x32: {  	[sflag:s0] =	ssyncset.done @!p0 $0x0  }
0x33: {  	[sflag:s0] =	ssyncadd.s32 @!p0 $0xFFFFEF80  }
0x34: {  	s12 =	simm.s32 $0x0;
	[bflag:$0x0] =	sbarrier.arrive $0xFFFF  }
0x35: {  	v4 =	vld [tilespmem:s12+$0x10];
	_ =	sdelay $0x2  }
0x36: {  	v0 =	vld [tilespmem:s12+$0x0];
	_ =	sdelay $0x3  }
0x37: {  	v1 =	vimm.f32 $1.000000000e+00;
	s0 =	simm.s32 $0x9400  }
0x38: {  	[tilespmem:v4+s0+$0x0] =	vst.idx.add.f32.msk $0xffff, v1  }
0x39: {  	v2 =	vld [tilespmem:s12+$0x410];
	_ =	sdelay $0x1  }
0x3a: {  	[tilespmem:v0+s0+$0x0] =	vst.idx.add.f32.msk $0xffff, v1  }
0x3b: {  	v3 =	vld [tilespmem:s12+$0x400];
	_ =	sdelay $0x1  }
0x3c: {  	[tilespmem:v4+s9+$0x0] =	vst.idx.add.f32.msk $0xffff, v2  }
0x3d: {  	v2 =	vld [tilespmem:s12+$0x810];
	_ =	sdelay $0x1  }
0x3e: {  	[tilespmem:v0+s9+$0x0] =	vst.idx.add.f32.msk $0xffff, v3  }
0x3f: {  	v3 =	vld [tilespmem:s12+$0x800]  }
0x40: {  	s10 =	simm.s32 $0x8480  }
0x41: {  	[tilespmem:v4+s10+$0x0] =	vst.idx.add.f32.msk $0xffff, v2  }
0x42: {  	v2 =	vld [tilespmem:s12+$0xC10];
	_ =	sdelay $0x1  }
0x43: {  	[tilespmem:v0+s10+$0x0] =	vst.idx.add.f32.msk $0xffff, v3  }
0x44: {  	v3 =	vld [tilespmem:s12+$0xC00]  }
0x45: {  	s11 =	simm.s32 $0x8500  }
0x46: {  	[tilespmem:v4+s11+$0x0] =	vst.idx.add.f32.msk $0xffff, v2  }
0x47: {  	v2 =	vld [tilespmem:s12+$0x1010];
	_ =	sdelay $0x1  }
0x48: {  	[tilespmem:v0+s11+$0x0] =	vst.idx.add.f32.msk $0xffff, v3  }
0x49: {  	v3 =	vld [tilespmem:s12+$0x1000]  }
0x4a: {  	s13 =	simm.s32 $0x8580  }
0x4b: {  	[tilespmem:v4+s13+$0x0] =	vst.idx.add.f32.msk $0xffff, v2  }
0x4c: {  	v2 =	vld [tilespmem:s12+$0x1410];
	_ =	sdelay $0x1  }
0x4d: {  	[tilespmem:v0+s13+$0x0] =	vst.idx.add.f32.msk $0xffff, v3  }
0x4e: {  	v3 =	vld [tilespmem:s12+$0x1400]  }
0x4f: {  	s14 =	simm.s32 $0x8600  }
0x50: {  	[tilespmem:v4+s14+$0x0] =	vst.idx.add.f32.msk $0xffff, v2  }
0x51: {  	v2 =	vld [tilespmem:s12+$0x1810];
	_ =	sdelay $0x1  }
0x52: {  	[tilespmem:v0+s14+$0x0] =	vst.idx.add.f32.msk $0xffff, v3  }
0x53: {  	v3 =	vld [tilespmem:s12+$0x1800]  }
0x54: {  	s15 =	simm.s32 $0x8680  }
0x55: {  	[tilespmem:v4+s15+$0x0] =	vst.idx.add.f32.msk $0xffff, v2  }
0x56: {  	v2 =	vld [tilespmem:s12+$0x1C10];
	_ =	sdelay $0x1  }
0x57: {  	[tilespmem:v0+s15+$0x0] =	vst.idx.add.f32.msk $0xffff, v3  }
0x58: {  	v3 =	vld [tilespmem:s12+$0x1C00]  }
0x59: {  	s18 =	simm.s32 $0x8700  }
0x5a: {  	[tilespmem:v4+s18+$0x0] =	vst.idx.add.f32.msk $0xffff, v2  }
0x5b: {  	v2 =	vld [tilespmem:s12+$0x2010];
	_ =	sdelay $0x1  }
0x5c: {  	[tilespmem:v0+s18+$0x0] =	vst.idx.add.f32.msk $0xffff, v3  }
0x5d: {  	v3 =	vld [tilespmem:s12+$0x2000]  }
0x5e: {  	s1 =	simm.s32 $0x8780  }
0x5f: {  	[tilespmem:v4+s1+$0x0] =	vst.idx.add.f32.msk $0xffff, v2  }
0x60: {  	v2 =	vld [tilespmem:s12+$0x2410];
	_ =	sdelay $0x1  }
0x61: {  	[tilespmem:v0+s1+$0x0] =	vst.idx.add.f32.msk $0xffff, v3  }
0x62: {  	v3 =	vld [tilespmem:s12+$0x2400]  }
0x63: {  	s2 =	simm.s32 $0x8800  }
0x64: {  	[tilespmem:v4+s2+$0x0] =	vst.idx.add.f32.msk $0xffff, v2  }
0x65: {  	v2 =	vld [tilespmem:s12+$0x2810];
	_ =	sdelay $0x1  }
0x66: {  	[tilespmem:v0+s2+$0x0] =	vst.idx.add.f32.msk $0xffff, v3  }
0x67: {  	v3 =	vld [tilespmem:s12+$0x2800]  }
0x68: {  	s19 =	simm.s32 $0x8880  }
0x69: {  	[tilespmem:v4+s19+$0x0] =	vst.idx.add.f32.msk $0xffff, v2  }
0x6a: {  	v2 =	vld [tilespmem:s12+$0x2C10];
	_ =	sdelay $0x1  }
0x6b: {  	[tilespmem:v0+s19+$0x0] =	vst.idx.add.f32.msk $0xffff, v3  }
0x6c: {  	v3 =	vld [tilespmem:s12+$0x2C00]  }
0x6d: {  	s20 =	simm.s32 $0x8900  }
0x6e: {  	[tilespmem:v4+s20+$0x0] =	vst.idx.add.f32.msk $0xffff, v2  }
0x6f: {  	v2 =	vld [tilespmem:s12+$0x3010];
	_ =	sdelay $0x1  }
0x70: {  	[tilespmem:v0+s20+$0x0] =	vst.idx.add.f32.msk $0xffff, v3  }
0x71: {  	v3 =	vld [tilespmem:s12+$0x3000]  }
0x72: {  	s4 =	simm.s32 $0x8980  }
0x73: {  	[tilespmem:v4+s4+$0x0] =	vst.idx.add.f32.msk $0xffff, v2  }
0x74: {  	v2 =	vld [tilespmem:s12+$0x3410];
	_ =	sdelay $0x1  }
0x75: {  	[tilespmem:v0+s4+$0x0] =	vst.idx.add.f32.msk $0xffff, v3  }
0x76: {  	v3 =	vld [tilespmem:s12+$0x3400]  }
0x77: {  	s21 =	simm.s32 $0x8A00  }
0x78: {  	[tilespmem:v4+s21+$0x0] =	vst.idx.add.f32.msk $0xffff, v2  }
0x79: {  	v2 =	vld [tilespmem:s12+$0x3810];
	_ =	sdelay $0x1  }
0x7a: {  	[tilespmem:v0+s21+$0x0] =	vst.idx.add.f32.msk $0xffff, v3  }
0x7b: {  	v3 =	vld [tilespmem:s12+$0x3800]  }
0x7c: {  	s8 =	simm.s32 $0x8A80  }
0x7d: {  	[tilespmem:v4+s8+$0x0] =	vst.idx.add.f32.msk $0xffff, v2  }
0x7e: {  	v2 =	vld [tilespmem:s12+$0x3C10];
	_ =	sdelay $0x1  }
0x7f: {  	[tilespmem:v0+s8+$0x0] =	vst.idx.add.f32.msk $0xffff, v3  }
0x80: {  	v3 =	vld [tilespmem:s12+$0x3C00]  }
0x81: {  	s3 =	simm.s32 $0x8B00  }
0x82: {  	[tilespmem:v4+s3+$0x0] =	vst.idx.add.f32.msk $0xffff, v2  }
0x83: {  	v2 =	vld [tilespmem:s12+$0x4010];
	_ =	sdelay $0x1  }
0x84: {  	[tilespmem:v0+s3+$0x0] =	vst.idx.add.f32.msk $0xffff, v3  }
0x85: {  	v3 =	vld [tilespmem:s12+$0x4000]  }
0x86: {  	s22 =	simm.s32 $0x8B80  }
0x87: {  	[tilespmem:v4+s22+$0x0] =	vst.idx.add.f32.msk $0xffff, v2  }
0x88: {  	v2 =	vld [tilespmem:s12+$0x4410];
	_ =	sdelay $0x1  }
0x89: {  	[tilespmem:v0+s22+$0x0] =	vst.idx.add.f32.msk $0xffff, v3  }
0x8a: {  	v3 =	vld [tilespmem:s12+$0x4400]  }
0x8b: {  	s7 =	simm.s32 $0x8C00  }
0x8c: {  	[tilespmem:v4+s7+$0x0] =	vst.idx.add.f32.msk $0xffff, v2  }
0x8d: {  	v2 =	vld [tilespmem:s12+$0x4810];
	_ =	sdelay $0x1  }
0x8e: {  	[tilespmem:v0+s7+$0x0] =	vst.idx.add.f32.msk $0xffff, v3  }
0x8f: {  	v3 =	vld [tilespmem:s12+$0x4800]  }
0x90: {  	s5 =	simm.s32 $0x8C80  }
0x91: {  	[tilespmem:v4+s5+$0x0] =	vst.idx.add.f32.msk $0xffff, v2  }
0x92: {  	v2 =	vld [tilespmem:s12+$0x4C10];
	_ =	sdelay $0x1  }
0x93: {  	[tilespmem:v0+s5+$0x0] =	vst.idx.add.f32.msk $0xffff, v3  }
0x94: {  	v3 =	vld [tilespmem:s12+$0x4C00]  }
0x95: {  	s23 =	simm.s32 $0x8D00  }
0x96: {  	[tilespmem:v4+s23+$0x0] =	vst.idx.add.f32.msk $0xffff, v2  }
0x97: {  	v2 =	vld [tilespmem:s12+$0x5010];
	_ =	sdelay $0x1  }
0x98: {  	s6 =	simm.s32 $0x20;
	[tilespmem:v0+s23+$0x0] =	vst.idx.add.f32.msk $0xffff, v3  }
0x99: {  	v3 =	vld [tilespmem:s6+$0x0]  }
0x9a: {  	s24 =	simm.s32 $0x8D80;
	v6 =	vld [tilespmem:s12+$0x5000]  }
0x9b: {  	[tilespmem:v4+s24+$0x0] =	vst.idx.add.f32.msk $0xffff, v2  }
0x9c: {  	v5 =	vld [tilespmem:s12+$0x5410]  }
0x9d: {  	v2 =	vld [tilespmem:s6+$0x10];
	_ =	sdelay $0x2  }
0x9e: {  	s25 =	simm.s32 $0x8E00;
	[tilespmem:v0+s24+$0x0] =	vst.idx.add.f32.msk $0xffff, v6  }
0x9f: {  	[tilespmem:v4+s25+$0x0] =	vst.idx.add.f32.msk $0xffff, v5  }
0xa0: {  	v5 =	vld [tilespmem:s12+$0x5810]  }
0xa1: {  	[tilespmem:v3+s0+$0x0] =	vst.idx.add.f32.msk $0xffff, v1  }
0xa2: {  	v7 =	vld [tilespmem:s6+$0x400]  }
0xa3: {  	[tilespmem:v2+s0+$0x0] =	vst.idx.add.f32.msk $0xffff, v1  }
0xa4: {  	s26 =	simm.s32 $0x8E80;
	v6 =	vld [tilespmem:s6+$0x410]  }
0xa5: {  	[tilespmem:v4+s26+$0x0] =	vst.idx.add.f32.msk $0xffff, v5  }
0xa6: {  	v5 =	vld [tilespmem:s12+$0x5C10]  }
0xa7: {  	[tilespmem:v3+s9+$0x0] =	vst.idx.add.f32.msk $0xffff, v7  }
0xa8: {  	v7 =	vld [tilespmem:s6+$0x800]  }
0xa9: {  	[tilespmem:v2+s9+$0x0] =	vst.idx.add.f32.msk $0xffff, v6  }
0xaa: {  	s28 =	simm.s32 $0x8F00;
	v6 =	vld [tilespmem:s6+$0x810]  }
0xab: {  	[tilespmem:v4+s28+$0x0] =	vst.idx.add.f32.msk $0xffff, v5  }
0xac: {  	v5 =	vld [tilespmem:s12+$0x6010]  }
0xad: {  	[tilespmem:v3+s10+$0x0] =	vst.idx.add.f32.msk $0xffff, v7  }
0xae: {  	v7 =	vld [tilespmem:s6+$0xC00]  }
0xaf: {  	[tilespmem:v2+s10+$0x0] =	vst.idx.add.f32.msk $0xffff, v6  }
0xb0: {  	s29 =	simm.s32 $0x8F80;
	v6 =	vld [tilespmem:s6+$0xC10]  }
0xb1: {  	[tilespmem:v4+s29+$0x0] =	vst.idx.add.f32.msk $0xffff, v5  }
0xb2: {  	v5 =	vld [tilespmem:s12+$0x6410]  }
0xb3: {  	[tilespmem:v3+s11+$0x0] =	vst.idx.add.f32.msk $0xffff, v7  }
0xb4: {  	v7 =	vld [tilespmem:s6+$0x1000]  }
0xb5: {  	[tilespmem:v2+s11+$0x0] =	vst.idx.add.f32.msk $0xffff, v6  }
0xb6: {  	s30 =	simm.s32 $0x9000;
	v6 =	vld [tilespmem:s6+$0x1010]  }
0xb7: {  	[tilespmem:v4+s30+$0x0] =	vst.idx.add.f32.msk $0xffff, v5  }
0xb8: {  	v5 =	vld [tilespmem:s12+$0x6810]  }
0xb9: {  	[tilespmem:v3+s13+$0x0] =	vst.idx.add.f32.msk $0xffff, v7  }
0xba: {  	v7 =	vld [tilespmem:s6+$0x1400]  }
0xbb: {  	[tilespmem:v2+s13+$0x0] =	vst.idx.add.f32.msk $0xffff, v6  }
0xbc: {  	s31 =	simm.s32 $0x9080;
	v6 =	vld [tilespmem:s6+$0x1410]  }
0xbd: {  	[tilespmem:v4+s31+$0x0] =	vst.idx.add.f32.msk $0xffff, v5  }
0xbe: {  	v5 =	vld [tilespmem:s12+$0x6C10]  }
0xbf: {  	[tilespmem:v3+s14+$0x0] =	vst.idx.add.f32.msk $0xffff, v7  }
0xc0: {  	v7 =	vld [tilespmem:s6+$0x1800]  }
0xc1: {  	[tilespmem:v2+s14+$0x0] =	vst.idx.add.f32.msk $0xffff, v6  }
0xc2: {  	s9 =	simm.s32 $0x9100;
	v6 =	vld [tilespmem:s6+$0x1810]  }
0xc3: {  	[tilespmem:v4+s9+$0x0] =	vst.idx.add.f32.msk $0xffff, v5  }
0xc4: {  	v5 =	vld [tilespmem:s12+$0x7010]  }
0xc5: {  	[tilespmem:v3+s15+$0x0] =	vst.idx.add.f32.msk $0xffff, v7  }
0xc6: {  	v7 =	vld [tilespmem:s6+$0x1C00]  }
0xc7: {  	[tilespmem:v2+s15+$0x0] =	vst.idx.add.f32.msk $0xffff, v6  }
0xc8: {  	s10 =	simm.s32 $0x9180;
	v6 =	vld [tilespmem:s6+$0x1C10]  }
0xc9: {  	[tilespmem:v4+s10+$0x0] =	vst.idx.add.f32.msk $0xffff, v5  }
0xca: {  	v5 =	vld [tilespmem:s12+$0x7410]  }
0xcb: {  	[tilespmem:v3+s18+$0x0] =	vst.idx.add.f32.msk $0xffff, v7  }
0xcc: {  	v7 =	vld [tilespmem:s6+$0x2000]  }
0xcd: {  	[tilespmem:v2+s18+$0x0] =	vst.idx.add.f32.msk $0xffff, v6  }
0xce: {  	s11 =	simm.s32 $0x9200;
	v6 =	vld [tilespmem:s6+$0x2010]  }
0xcf: {  	[tilespmem:v4+s11+$0x0] =	vst.idx.add.f32.msk $0xffff, v5  }
0xd0: {  	v5 =	vld [tilespmem:s12+$0x7810]  }
0xd1: {  	[tilespmem:v3+s1+$0x0] =	vst.idx.add.f32.msk $0xffff, v7  }
0xd2: {  	v7 =	vld [tilespmem:s6+$0x2400]  }
0xd3: {  	[tilespmem:v2+s1+$0x0] =	vst.idx.add.f32.msk $0xffff, v6  }
0xd4: {  	s13 =	simm.s32 $0x9280;
	v6 =	vld [tilespmem:s6+$0x2410]  }
0xd5: {  	[tilespmem:v4+s13+$0x0] =	vst.idx.add.f32.msk $0xffff, v5  }
0xd6: {  	v5 =	vld [tilespmem:s12+$0x7C10]  }
0xd7: {  	v8 =	vld [tilespmem:s12+$0x5400]  }
0xd8: {  	[tilespmem:v3+s2+$0x0] =	vst.idx.add.f32.msk $0xffff, v7  }
0xd9: {  	[tilespmem:v2+s2+$0x0] =	vst.idx.add.f32.msk $0xffff, v6  }
0xda: {  	s14 =	simm.s32 $0x9300;
	v6 =	vld [tilespmem:s6+$0x2810]  }
0xdb: {  	[tilespmem:v4+s14+$0x0] =	vst.idx.add.f32.msk $0xffff, v5  }
0xdc: {  	v5 =	vld [tilespmem:s6+$0x2800]  }
0xdd: {  	[tilespmem:v0+s25+$0x0] =	vst.idx.add.f32.msk $0xffff, v8  }
0xde: {  	v7 =	vld [tilespmem:s12+$0x8010]  }
0xdf: {  	[tilespmem:v2+s19+$0x0] =	vst.idx.add.f32.msk $0xffff, v6  }
0xe0: {  	v6 =	vld [tilespmem:s6+$0x2C10]  }
0xe1: {  	[tilespmem:v3+s19+$0x0] =	vst.idx.add.f32.msk $0xffff, v5  }
0xe2: {  	s15 =	simm.s32 $0x9380;
	v5 =	vld [tilespmem:s6+$0x2C00]  }
0xe3: {  	[tilespmem:v4+s15+$0x0] =	vst.idx.add.f32.msk $0xffff, v7  }
0xe4: {  	v4 =	vld [tilespmem:s12+$0x5800];
	_ =	sdelay $0x1  }
0xe5: {  	[tilespmem:v2+s20+$0x0] =	vst.idx.add.f32.msk $0xffff, v6  }
0xe6: {  	v6 =	vld [tilespmem:s6+$0x3010]  }
0xe7: {  	[tilespmem:v3+s20+$0x0] =	vst.idx.add.f32.msk $0xffff, v5  }
0xe8: {  	[tilespmem:v0+s26+$0x0] =	vst.idx.add.f32.msk $0xffff, v4  }
0xe9: {  	v5 =	vld [tilespmem:s6+$0x3000]  }
0xea: {  	v4 =	vld [tilespmem:s12+$0x5C00];
	_ =	sdelay $0x1  }
0xeb: {  	[tilespmem:v2+s4+$0x0] =	vst.idx.add.f32.msk $0xffff, v6  }
0xec: {  	v6 =	vld [tilespmem:s6+$0x3410]  }
0xed: {  	[tilespmem:v3+s4+$0x0] =	vst.idx.add.f32.msk $0xffff, v5  }
0xee: {  	[tilespmem:v0+s28+$0x0] =	vst.idx.add.f32.msk $0xffff, v4  }
0xef: {  	v5 =	vld [tilespmem:s6+$0x3400]  }
0xf0: {  	v4 =	vld [tilespmem:s12+$0x6000];
	_ =	sdelay $0x1  }
0xf1: {  	[tilespmem:v2+s21+$0x0] =	vst.idx.add.f32.msk $0xffff, v6  }
0xf2: {  	v6 =	vld [tilespmem:s6+$0x3810]  }
0xf3: {  	[tilespmem:v3+s21+$0x0] =	vst.idx.add.f32.msk $0xffff, v5  }
0xf4: {  	[tilespmem:v0+s29+$0x0] =	vst.idx.add.f32.msk $0xffff, v4  }
0xf5: {  	v5 =	vld [tilespmem:s6+$0x3800]  }
0xf6: {  	v4 =	vld [tilespmem:s12+$0x6400];
	_ =	sdelay $0x1  }
0xf7: {  	[tilespmem:v2+s8+$0x0] =	vst.idx.add.f32.msk $0xffff, v6  }
0xf8: {  	v6 =	vld [tilespmem:s6+$0x3C10]  }
0xf9: {  	[tilespmem:v3+s8+$0x0] =	vst.idx.add.f32.msk $0xffff, v5  }
0xfa: {  	[tilespmem:v0+s30+$0x0] =	vst.idx.add.f32.msk $0xffff, v4  }
0xfb: {  	v5 =	vld [tilespmem:s6+$0x3C00]  }
0xfc: {  	v4 =	vld [tilespmem:s12+$0x6800];
	_ =	sdelay $0x1  }
0xfd: {  	[tilespmem:v2+s3+$0x0] =	vst.idx.add.f32.msk $0xffff, v6  }
0xfe: {  	v6 =	vld [tilespmem:s6+$0x4010]  }
0xff: {  	[tilespmem:v3+s3+$0x0] =	vst.idx.add.f32.msk $0xffff, v5  }
0x100: {  	[tilespmem:v0+s31+$0x0] =	vst.idx.add.f32.msk $0xffff, v4  }
0x101: {  	v5 =	vld [tilespmem:s6+$0x4000]  }
0x102: {  	v4 =	vld [tilespmem:s12+$0x6C00];
	_ =	sdelay $0x1  }
0x103: {  	[tilespmem:v2+s22+$0x0] =	vst.idx.add.f32.msk $0xffff, v6  }
0x104: {  	v6 =	vld [tilespmem:s6+$0x4410]  }
0x105: {  	[tilespmem:v3+s22+$0x0] =	vst.idx.add.f32.msk $0xffff, v5  }
0x106: {  	[tilespmem:v0+s9+$0x0] =	vst.idx.add.f32.msk $0xffff, v4  }
0x107: {  	v5 =	vld [tilespmem:s6+$0x4400]  }
0x108: {  	v4 =	vld [tilespmem:s12+$0x7000];
	_ =	sdelay $0x1  }
0x109: {  	[tilespmem:v2+s7+$0x0] =	vst.idx.add.f32.msk $0xffff, v6  }
0x10a: {  	v6 =	vld [tilespmem:s6+$0x4810]  }
0x10b: {  	[tilespmem:v3+s7+$0x0] =	vst.idx.add.f32.msk $0xffff, v5  }
0x10c: {  	[tilespmem:v0+s10+$0x0] =	vst.idx.add.f32.msk $0xffff, v4  }
0x10d: {  	v5 =	vld [tilespmem:s6+$0x4800]  }
0x10e: {  	v4 =	vld [tilespmem:s12+$0x7400];
	_ =	sdelay $0x1  }
0x10f: {  	[tilespmem:v2+s5+$0x0] =	vst.idx.add.f32.msk $0xffff, v6  }
0x110: {  	v6 =	vld [tilespmem:s6+$0x4C10]  }
0x111: {  	[tilespmem:v3+s5+$0x0] =	vst.idx.add.f32.msk $0xffff, v5  }
0x112: {  	[tilespmem:v0+s11+$0x0] =	vst.idx.add.f32.msk $0xffff, v4  }
0x113: {  	v5 =	vld [tilespmem:s6+$0x4C00]  }
0x114: {  	v4 =	vld [tilespmem:s12+$0x7800];
	_ =	sdelay $0x1  }
0x115: {  	s17 =	stileid.u32;
	[tilespmem:v2+s23+$0x0] =	vst.idx.add.f32.msk $0xffff, v6  }
0x116: {  	s0 =	sshll.u32 s17, $0x4;
	s17 =	rddreg [dreg:$0x4];
	v8 =	vld [tilespmem:s6+$0x5010]  }
0x117: {  	s16 =	sadd.s32 s16, s17;
	s17 =	rddreg [dreg:$0x5];
	[tilespmem:v3+s23+$0x0] =	vst.idx.add.f32.msk $0xffff, v5  }
0x118: {  	s0 =	sadd.s32 s0, s17;
	s17 =	stileid.u32;
	[tilespmem:v0+s13+$0x0] =	vst.idx.add.f32.msk $0xffff, v4  }
0x119: {  	v7 =	vld [tilespmem:s6+$0x5000];
	[dreg:$0xb] =	wrdreg s0;
	s0 =	sand.u32 $0xB, s17  }
0x11a: {  	v6 =	vld [tilespmem:s12+$0x7C00];
	[dreg:$0xf] =	wrdreg s0  }
0x11b: {  	[tilespmem:v2+s24+$0x0] =	vst.idx.add.f32.msk $0xffff, v8  }
0x11c: {  	s17 =	sadd.s32 $0x2000, s16;
	[dreg:$0xe] =	wrdreg s16  }
0x11d: {  	[dreg:$0xd] =	wrdreg s17;
	s16 =	simm.s32 $0x2;
	s17 =	simm.s32 $0x100  }
.LBB2_1:
0x11e: {  	s0 =	sshra.s32 s17, $0x2;
	v8 =	vld [tilespmem:s6+$0x5410]  }
0x11f: {  	v5 =	vld [tilespmem:s0+$0x10]  }
0x120: {  	s16 =	sadd.s32 $0x2, s16;
	v4 =	vld [tilespmem:s0+$0x0]  }
0x121: {  	p1 =	slt.u32 s16, $0x3E;
	[tilespmem:v3+s24+$0x0] =	vst.idx.add.f32.msk $0xffff, v7  }
0x122: {  	v7 =	vld [tilespmem:s6+$0x5400]  }
0x123: {  	[tilespmem:v2+s25+$0x0] =	vst.idx.add.f32.msk $0xffff, v8  }
0x124: {  	v8 =	vld [tilespmem:s6+$0x5810]  }
0x125: {  	[tilespmem:v0+s14+$0x0] =	vst.idx.add.f32.msk $0xffff, v6  }
0x126: {  	v6 =	vld [tilespmem:s12+$0x8000];
	s12 =	smov.u32 s6;
	s6 =	smov.u32 s0;
	s0 =	simm.s32 $0x9400  }
0x127: {  	[tilespmem:v5+s0+$0x0] =	vst.idx.add.f32.msk $0xffff, v1  }
0x128: {  	v9 =	vld [tilespmem:s6+$0x410]  }
0x129: {  	[tilespmem:v2+s26+$0x0] =	vst.idx.add.f32.msk $0xffff, v8  }
0x12a: {  	v8 =	vld [tilespmem:s12+$0x5C10]  }
0x12b: {  	[tilespmem:v4+s0+$0x0] =	vst.idx.add.f32.msk $0xffff, v1  }
0x12c: {  	s0 =	simm.s32 $0x8400;
	v10 =	vld [tilespmem:s6+$0x400]  }
0x12d: {  	[tilespmem:v5+s0+$0x0] =	vst.idx.add.f32.msk $0xffff, v9  }
0x12e: {  	v9 =	vld [tilespmem:s6+$0x810]  }
0x12f: {  	[tilespmem:v2+s28+$0x0] =	vst.idx.add.f32.msk $0xffff, v8  }
0x130: {  	v8 =	vld [tilespmem:s12+$0x6010]  }
0x131: {  	[tilespmem:v4+s0+$0x0] =	vst.idx.add.f32.msk $0xffff, v10  }
0x132: {  	s0 =	simm.s32 $0x8480;
	v10 =	vld [tilespmem:s6+$0x800]  }
0x133: {  	[tilespmem:v5+s0+$0x0] =	vst.idx.add.f32.msk $0xffff, v9  }
0x134: {  	v9 =	vld [tilespmem:s6+$0xC10]  }
0x135: {  	[tilespmem:v2+s29+$0x0] =	vst.idx.add.f32.msk $0xffff, v8  }
0x136: {  	v8 =	vld [tilespmem:s12+$0x6410]  }
0x137: {  	[tilespmem:v4+s0+$0x0] =	vst.idx.add.f32.msk $0xffff, v10  }
0x138: {  	s0 =	simm.s32 $0x8500;
	v10 =	vld [tilespmem:s6+$0xC00]  }
0x139: {  	[tilespmem:v5+s0+$0x0] =	vst.idx.add.f32.msk $0xffff, v9  }
0x13a: {  	v9 =	vld [tilespmem:s6+$0x1010]  }
0x13b: {  	[tilespmem:v2+s30+$0x0] =	vst.idx.add.f32.msk $0xffff, v8  }
0x13c: {  	v8 =	vld [tilespmem:s12+$0x6810]  }
0x13d: {  	[tilespmem:v4+s0+$0x0] =	vst.idx.add.f32.msk $0xffff, v10  }
0x13e: {  	s0 =	simm.s32 $0x8580;
	v10 =	vld [tilespmem:s6+$0x1000]  }
0x13f: {  	[tilespmem:v5+s0+$0x0] =	vst.idx.add.f32.msk $0xffff, v9  }
0x140: {  	v9 =	vld [tilespmem:s6+$0x1410]  }
0x141: {  	[tilespmem:v2+s31+$0x0] =	vst.idx.add.f32.msk $0xffff, v8  }
0x142: {  	v8 =	vld [tilespmem:s12+$0x6C10]  }
0x143: {  	[tilespmem:v4+s0+$0x0] =	vst.idx.add.f32.msk $0xffff, v10  }
0x144: {  	s0 =	simm.s32 $0x8600;
	v10 =	vld [tilespmem:s6+$0x1400]  }
0x145: {  	[tilespmem:v5+s0+$0x0] =	vst.idx.add.f32.msk $0xffff, v9  }
0x146: {  	v9 =	vld [tilespmem:s6+$0x1810]  }
0x147: {  	[tilespmem:v2+s9+$0x0] =	vst.idx.add.f32.msk $0xffff, v8  }
0x148: {  	v8 =	vld [tilespmem:s12+$0x7010]  }
0x149: {  	[tilespmem:v4+s0+$0x0] =	vst.idx.add.f32.msk $0xffff, v10  }
0x14a: {  	s0 =	simm.s32 $0x8680;
	v10 =	vld [tilespmem:s6+$0x1800]  }
0x14b: {  	[tilespmem:v5+s0+$0x0] =	vst.idx.add.f32.msk $0xffff, v9  }
0x14c: {  	v9 =	vld [tilespmem:s6+$0x1C10]  }
0x14d: {  	[tilespmem:v2+s10+$0x0] =	vst.idx.add.f32.msk $0xffff, v8  }
0x14e: {  	v8 =	vld [tilespmem:s12+$0x7410]  }
0x14f: {  	[tilespmem:v4+s0+$0x0] =	vst.idx.add.f32.msk $0xffff, v10  }
0x150: {  	v10 =	vld [tilespmem:s6+$0x1C00]  }
0x151: {  	[tilespmem:v5+s18+$0x0] =	vst.idx.add.f32.msk $0xffff, v9  }
0x152: {  	v9 =	vld [tilespmem:s6+$0x2010]  }
0x153: {  	[tilespmem:v2+s11+$0x0] =	vst.idx.add.f32.msk $0xffff, v8  }
0x154: {  	v8 =	vld [tilespmem:s12+$0x7810]  }
0x155: {  	[tilespmem:v4+s18+$0x0] =	vst.idx.add.f32.msk $0xffff, v10  }
0x156: {  	v10 =	vld [tilespmem:s6+$0x2000]  }
0x157: {  	[tilespmem:v5+s1+$0x0] =	vst.idx.add.f32.msk $0xffff, v9  }
0x158: {  	v9 =	vld [tilespmem:s6+$0x2410]  }
0x159: {  	[tilespmem:v2+s13+$0x0] =	vst.idx.add.f32.msk $0xffff, v8  }
0x15a: {  	v8 =	vld [tilespmem:s12+$0x7C10]  }
0x15b: {  	[tilespmem:v4+s1+$0x0] =	vst.idx.add.f32.msk $0xffff, v10  }
0x15c: {  	v10 =	vld [tilespmem:s6+$0x2400]  }
0x15d: {  	[tilespmem:v5+s2+$0x0] =	vst.idx.add.f32.msk $0xffff, v9  }
0x15e: {  	v9 =	vld [tilespmem:s6+$0x2810]  }
0x15f: {  	[tilespmem:v2+s14+$0x0] =	vst.idx.add.f32.msk $0xffff, v8  }
0x160: {  	v8 =	vld [tilespmem:s12+$0x8010]  }
0x161: {  	[tilespmem:v4+s2+$0x0] =	vst.idx.add.f32.msk $0xffff, v10  }
0x162: {  	v10 =	vld [tilespmem:s6+$0x2800]  }
0x163: {  	[tilespmem:v3+s25+$0x0] =	vst.idx.add.f32.msk $0xffff, v7  }
0x164: {  	[tilespmem:v5+s19+$0x0] =	vst.idx.add.f32.msk $0xffff, v9  }
0x165: {  	[tilespmem:v2+s15+$0x0] =	vst.idx.add.f32.msk $0xffff, v8;
	v2 =	vmov v5  }
0x166: {  	v5 =	vld [tilespmem:s6+$0x2C10]  }
0x167: {  	[tilespmem:v4+s19+$0x0] =	vst.idx.add.f32.msk $0xffff, v10  }
0x168: {  	v7 =	vld [tilespmem:s6+$0x2C00]  }
0x169: {  	v8 =	vld [tilespmem:s12+$0x5800]  }
0x16a: {  	[tilespmem:v0+s15+$0x0] =	vst.idx.add.f32.msk $0xffff, v6;
	v0 =	vmov v3;
	v3 =	vmov v4  }
0x16b: {  	[tilespmem:v2+s20+$0x0] =	vst.idx.add.f32.msk $0xffff, v5  }
0x16c: {  	v5 =	vld [tilespmem:s6+$0x3010]  }
0x16d: {  	[tilespmem:v4+s20+$0x0] =	vst.idx.add.f32.msk $0xffff, v7  }
0x16e: {  	v4 =	vld [tilespmem:s6+$0x3000]  }
0x16f: {  	[tilespmem:v0+s26+$0x0] =	vst.idx.add.f32.msk $0xffff, v8  }
0x170: {  	v6 =	vld [tilespmem:s12+$0x5C00]  }
0x171: {  	[tilespmem:v2+s4+$0x0] =	vst.idx.add.f32.msk $0xffff, v5  }
0x172: {  	v5 =	vld [tilespmem:s6+$0x3410]  }
0x173: {  	[tilespmem:v3+s4+$0x0] =	vst.idx.add.f32.msk $0xffff, v4  }
0x174: {  	v4 =	vld [tilespmem:s6+$0x3400]  }
0x175: {  	[tilespmem:v0+s28+$0x0] =	vst.idx.add.f32.msk $0xffff, v6  }
0x176: {  	v6 =	vld [tilespmem:s12+$0x6000]  }
0x177: {  	[tilespmem:v2+s21+$0x0] =	vst.idx.add.f32.msk $0xffff, v5  }
0x178: {  	v5 =	vld [tilespmem:s6+$0x3810]  }
0x179: {  	[tilespmem:v3+s21+$0x0] =	vst.idx.add.f32.msk $0xffff, v4  }
0x17a: {  	v4 =	vld [tilespmem:s6+$0x3800]  }
0x17b: {  	[tilespmem:v0+s29+$0x0] =	vst.idx.add.f32.msk $0xffff, v6  }
0x17c: {  	v6 =	vld [tilespmem:s12+$0x6400]  }
0x17d: {  	[tilespmem:v2+s8+$0x0] =	vst.idx.add.f32.msk $0xffff, v5  }
0x17e: {  	v5 =	vld [tilespmem:s6+$0x3C10]  }
0x17f: {  	[tilespmem:v3+s8+$0x0] =	vst.idx.add.f32.msk $0xffff, v4  }
0x180: {  	v4 =	vld [tilespmem:s6+$0x3C00]  }
0x181: {  	[tilespmem:v0+s30+$0x0] =	vst.idx.add.f32.msk $0xffff, v6  }
0x182: {  	v6 =	vld [tilespmem:s12+$0x6800]  }
0x183: {  	[tilespmem:v2+s3+$0x0] =	vst.idx.add.f32.msk $0xffff, v5  }
0x184: {  	v5 =	vld [tilespmem:s6+$0x4010]  }
0x185: {  	[tilespmem:v3+s3+$0x0] =	vst.idx.add.f32.msk $0xffff, v4  }
0x186: {  	v4 =	vld [tilespmem:s6+$0x4000]  }
0x187: {  	[tilespmem:v0+s31+$0x0] =	vst.idx.add.f32.msk $0xffff, v6  }
0x188: {  	v6 =	vld [tilespmem:s12+$0x6C00]  }
0x189: {  	[tilespmem:v2+s22+$0x0] =	vst.idx.add.f32.msk $0xffff, v5  }
0x18a: {  	v5 =	vld [tilespmem:s6+$0x4410]  }
0x18b: {  	[tilespmem:v3+s22+$0x0] =	vst.idx.add.f32.msk $0xffff, v4  }
0x18c: {  	v4 =	vld [tilespmem:s6+$0x4400]  }
0x18d: {  	[tilespmem:v0+s9+$0x0] =	vst.idx.add.f32.msk $0xffff, v6  }
0x18e: {  	v6 =	vld [tilespmem:s12+$0x7000]  }
0x18f: {  	[tilespmem:v2+s7+$0x0] =	vst.idx.add.f32.msk $0xffff, v5  }
0x190: {  	v5 =	vld [tilespmem:s6+$0x4810]  }
0x191: {  	[tilespmem:v3+s7+$0x0] =	vst.idx.add.f32.msk $0xffff, v4  }
0x192: {  	v4 =	vld [tilespmem:s6+$0x4800]  }
0x193: {  	[tilespmem:v0+s10+$0x0] =	vst.idx.add.f32.msk $0xffff, v6  }
0x194: {  	v6 =	vld [tilespmem:s12+$0x7400]  }
0x195: {  	[tilespmem:v2+s5+$0x0] =	vst.idx.add.f32.msk $0xffff, v5  }
0x196: {  	v5 =	vld [tilespmem:s6+$0x4C10]  }
0x197: {  	[tilespmem:v3+s5+$0x0] =	vst.idx.add.f32.msk $0xffff, v4  }
0x198: {  	v4 =	vld [tilespmem:s6+$0x4C00]  }
0x199: {  	[tilespmem:v0+s11+$0x0] =	vst.idx.add.f32.msk $0xffff, v6  }
0x19a: {  	v6 =	vld [tilespmem:s12+$0x7800]  }
0x19b: {  	[tilespmem:v2+s23+$0x0] =	vst.idx.add.f32.msk $0xffff, v5  }
0x19c: {  	v5 =	vld [tilespmem:s6+$0x5010]  }
.Ltmp0:
0x19d: {  	[tilespmem:v3+s23+$0x0] =	vst.idx.add.f32.msk $0xffff, v4;
	(pc) =	sbr.rel @p1 .LBB2_1-.Ltmp0, $4  }
0x19e: {  	v7 =	vld [tilespmem:s6+$0x5000]  }
0x19f: {  	[tilespmem:v0+s13+$0x0] =	vst.idx.add.f32.msk $0xffff, v6  }
0x1a0: {  	v6 =	vld [tilespmem:s12+$0x7C00]  }
0x1a1: {  	s17 =	sadd.s32 $0x80, s17;
	[tilespmem:v2+s24+$0x0] =	vst.idx.add.f32.msk $0xffff, v5  }
0x1a2: {  	_ =	sdelay $0x2  }
0x1a3: {  	v1 =	vld [tilespmem:s6+$0x5410]  }
0x1a4: {  	[tilespmem:v3+s24+$0x0] =	vst.idx.add.f32.msk $0xffff, v7  }
0x1a5: {  	v4 =	vld [tilespmem:s6+$0x5400];
	_ =	sdelay $0x2  }
0x1a6: {  	[tilespmem:v2+s25+$0x0] =	vst.idx.add.f32.msk $0xffff, v1  }
0x1a7: {  	v1 =	vld [tilespmem:s6+$0x5810]  }
0x1a8: {  	[tilespmem:v3+s25+$0x0] =	vst.idx.add.f32.msk $0xffff, v4  }
0x1a9: {  	v4 =	vld [tilespmem:s6+$0x5800];
	_ =	sdelay $0x2  }
0x1aa: {  	[tilespmem:v2+s26+$0x0] =	vst.idx.add.f32.msk $0xffff, v1  }
0x1ab: {  	v1 =	vld [tilespmem:s6+$0x5C10]  }
0x1ac: {  	[tilespmem:v3+s26+$0x0] =	vst.idx.add.f32.msk $0xffff, v4  }
0x1ad: {  	v4 =	vld [tilespmem:s6+$0x5C00];
	_ =	sdelay $0x2  }
0x1ae: {  	[tilespmem:v2+s28+$0x0] =	vst.idx.add.f32.msk $0xffff, v1  }
0x1af: {  	v1 =	vld [tilespmem:s6+$0x6010]  }
0x1b0: {  	[tilespmem:v3+s28+$0x0] =	vst.idx.add.f32.msk $0xffff, v4  }
0x1b1: {  	v4 =	vld [tilespmem:s6+$0x6000];
	_ =	sdelay $0x2  }
0x1b2: {  	[tilespmem:v2+s29+$0x0] =	vst.idx.add.f32.msk $0xffff, v1  }
0x1b3: {  	v1 =	vld [tilespmem:s6+$0x6410]  }
0x1b4: {  	[tilespmem:v3+s29+$0x0] =	vst.idx.add.f32.msk $0xffff, v4  }
0x1b5: {  	v4 =	vld [tilespmem:s6+$0x6400];
	_ =	sdelay $0x2  }
0x1b6: {  	[tilespmem:v2+s30+$0x0] =	vst.idx.add.f32.msk $0xffff, v1  }
0x1b7: {  	v1 =	vld [tilespmem:s6+$0x6810]  }
0x1b8: {  	[tilespmem:v3+s30+$0x0] =	vst.idx.add.f32.msk $0xffff, v4  }
0x1b9: {  	v4 =	vld [tilespmem:s6+$0x6800];
	_ =	sdelay $0x2  }
0x1ba: {  	[tilespmem:v2+s31+$0x0] =	vst.idx.add.f32.msk $0xffff, v1  }
0x1bb: {  	v1 =	vld [tilespmem:s6+$0x6C10]  }
0x1bc: {  	[tilespmem:v3+s31+$0x0] =	vst.idx.add.f32.msk $0xffff, v4  }
0x1bd: {  	v4 =	vld [tilespmem:s6+$0x6C00];
	_ =	sdelay $0x2  }
0x1be: {  	[tilespmem:v2+s9+$0x0] =	vst.idx.add.f32.msk $0xffff, v1  }
0x1bf: {  	v1 =	vld [tilespmem:s6+$0x7010]  }
0x1c0: {  	[tilespmem:v3+s9+$0x0] =	vst.idx.add.f32.msk $0xffff, v4  }
0x1c1: {  	v4 =	vld [tilespmem:s6+$0x7000];
	_ =	sdelay $0x2  }
0x1c2: {  	[tilespmem:v2+s10+$0x0] =	vst.idx.add.f32.msk $0xffff, v1  }
0x1c3: {  	v1 =	vld [tilespmem:s6+$0x7410]  }
0x1c4: {  	[tilespmem:v3+s10+$0x0] =	vst.idx.add.f32.msk $0xffff, v4  }
0x1c5: {  	v4 =	vld [tilespmem:s6+$0x7400];
	_ =	sdelay $0x2  }
0x1c6: {  	[tilespmem:v2+s11+$0x0] =	vst.idx.add.f32.msk $0xffff, v1  }
0x1c7: {  	v1 =	vld [tilespmem:s6+$0x7810]  }
0x1c8: {  	[tilespmem:v3+s11+$0x0] =	vst.idx.add.f32.msk $0xffff, v4  }
0x1c9: {  	v4 =	vld [tilespmem:s6+$0x7800];
	_ =	sdelay $0x2  }
0x1ca: {  	[tilespmem:v2+s13+$0x0] =	vst.idx.add.f32.msk $0xffff, v1  }
0x1cb: {  	v1 =	vld [tilespmem:s6+$0x7C10]  }
0x1cc: {  	[tilespmem:v3+s13+$0x0] =	vst.idx.add.f32.msk $0xffff, v4  }
0x1cd: {  	v4 =	vld [tilespmem:s6+$0x7C00]  }
0x1ce: {  	[tilespmem:v0+s14+$0x0] =	vst.idx.add.f32.msk $0xffff, v6  }
0x1cf: {  	v5 =	vld [tilespmem:s12+$0x8000]  }
0x1d0: {  	[tilespmem:v2+s14+$0x0] =	vst.idx.add.f32.msk $0xffff, v1  }
0x1d1: {  	v1 =	vld [tilespmem:s6+$0x8010]  }
0x1d2: {  	[tilespmem:v3+s14+$0x0] =	vst.idx.add.f32.msk $0xffff, v4  }
0x1d3: {  	v4 =	vld [tilespmem:s6+$0x8000];
	_ =	sdelay $0x2  }
0x1d4: {  	[tilespmem:v0+s15+$0x0] =	vst.idx.add.f32.msk $0xffff, v5  }
0x1d5: {  	s0 =	simm.s32 $0x21;
	s1 =	simm.s32 $0xDDB0;
	[tilespmem:v2+s15+$0x0] =	vst.idx.add.f32.msk $0xffff, v1  }
0x1d6: {  	s2 =	simm.s32 $0x8400;
	s3 =	rddreg [dreg:$0x3];
	s28 =	simm.s32 $0x8;
	[tilespmem:v3+s15+$0x0] =	vst.idx.add.f32.msk $0xffff, v4  }
0x1d7: {  	[spmem:s3] =	stream.indirect.scatter.add.f32 [tilespmem:s2], [sflag:$0x8], $0x80, s1, s0, $0xb8;
	[tilespmem:$0xE608] =	vst v63  }
0x1d8: {  	_ =	swait.ge [sflag:s28], $0x1080  }
0x1d9: {  	[sflag:s28] =	ssyncset.done $0x0  }
0x1da: {  	[sflag:s28] =	ssyncadd.s32 $0xFFFFEF80  }
0x1db: {  	[bflag:$0x0] =	sbarrier.arrive $0xFFFF  }
0x1dc: {  	s29 =	simm.s32 $0x9480;
	s30 =	rddreg [dreg:$0x10]  }
0x1dd: {  	[tilespmem:s29], [sflag:$0x8] =	stream.linear.gather [spmem:s30], $0x1080, $0x38;
	[tilespmem:$0xE608] =	vst v63  }
0x1de: {  	_ =	swait.ge [sflag:s28], $0x1080  }
0x1df: {  	[sflag:s28] =	ssyncset.done $0x0  }
0x1e0: {  	v34 =	vimm.f32 $0.0e+00;
	[sflag:s28] =	ssyncadd.s32 $0xFFFFEF80  }
0x1e1: {  	[tilespmem:$0xB580] =	vst v34;
	v35 =	vld [tilespmem:$0xB600]  }
0x1e2: {  	[tilespmem:$0xB590] =	vst v34  }
0x1e3: {  	[tilespmem:$0xB5A0] =	vst v34  }
0x1e4: {  	[tilespmem:$0xB5B0] =	vst v34  }
0x1e5: {  	[tilespmem:$0xB5C0] =	vst v34  }
0x1e6: {  	[tilespmem:$0xB5D0] =	vst v34  }
0x1e7: {  	[tilespmem:$0xB5E0] =	vst v34  }
0x1e8: {  	v36 =	vimm.f32 $1.000000000e+00;
	s31 =	simm.s32 $0xB580;
	[tilespmem:$0xB5F0] =	vst v34  }
0x1e9: {  	[tilespmem:v35+s31+$0x0] =	vst.idx.add.f32.msk $0xffff, v36  }
0x1ea: {  	v1 =	vld [tilespmem:$0xB610];
	_ =	sdelay $0x7  }
0x1eb: {  	[tilespmem:v1+s31+$0x0] =	vst.idx.add.f32.msk $0xffff, v36  }
0x1ec: {  	v1 =	vld [tilespmem:$0xB620];
	_ =	sdelay $0x7  }
0x1ed: {  	[tilespmem:v1+s31+$0x0] =	vst.idx.add.f32.msk $0xffff, v36  }
0x1ee: {  	v1 =	vld [tilespmem:$0xB630];
	_ =	sdelay $0x7  }
0x1ef: {  	[tilespmem:v1+s31+$0x0] =	vst.idx.add.f32.msk $0xffff, v36  }
0x1f0: {  	v1 =	vld [tilespmem:$0xB640];
	_ =	sdelay $0x7  }
0x1f1: {  	[tilespmem:v1+s31+$0x0] =	vst.idx.add.f32.msk $0xffff, v36  }
0x1f2: {  	v1 =	vld [tilespmem:$0xB650];
	_ =	sdelay $0x7  }
0x1f3: {  	[tilespmem:v1+s31+$0x0] =	vst.idx.add.f32.msk $0xffff, v36  }
0x1f4: {  	v1 =	vld [tilespmem:$0xB660];
	_ =	sdelay $0x7  }
0x1f5: {  	[tilespmem:v1+s31+$0x0] =	vst.idx.add.f32.msk $0xffff, v36  }
0x1f6: {  	v1 =	vld [tilespmem:$0xB670];
	_ =	sdelay $0x7  }
0x1f7: {  	s9 =	simm.s32 $0x0;
	[tilespmem:v1+s31+$0x0] =	vst.idx.add.f32.msk $0xffff, v36  }
0x1f8: {  	v1 =	vld [tilespmem:s9+$0xA480];
	_ =	sdelay $0x4  }
0x1f9: {  	(erf) = vrcp.f32 v1;
	_ =	sdelay $0x2  }
0x1fa: {  	v2 =	vld [tilespmem:s9+$0x9C80]  }
0x1fb: {  	v37 =	vld [tilespmem:s9+$0x9D00]  }
0x1fc: {  	v38 =	vld [tilespmem:s9+$0x9D80]  }
0x1fd: {  	v7 =	vld [tilespmem:s9+$0x9480]  }
0x1fe: {  	v8 =	vld [tilespmem:s9+$0x9E00]  }
0x1ff: {  	v9 =	vld [tilespmem:s9+$0x9500]  }
0x200: {  	v11 =	vld [tilespmem:s9+$0x9580];
	v1 =	vpop (erf)  }
0x201: {  	v6 =	vmul.f32 v2, v1;
	v4 =	vmul.f32 v37, v1  }
0x202: {  	v10 =	vld [tilespmem:s9+$0x9E80];
	v3 =	vmul.f32 v38, v1;
	v5 =	vmul.f32 v1, v7  }
0x203: {  	v15 =	vld [tilespmem:s9+$0x9600];
	v12 =	vmul.f32 v6, v6;
	v13 =	vmul.f32 v4, v4  }
0x204: {  	v14 =	vld [tilespmem:s9+$0x9F00];
	v2 =	vmul.f32 v8, v1;
	v7 =	vmul.f32 v9, v1  }
0x205: {  	v16 =	vld [tilespmem:s9+$0x9680];
	v41 =	vmul.f32 v11, v1;
	v8 =	vadd.f32 v13, v12;
	v12 =	vmul.f32 v3, v3  }
0x206: {  	v9 =	vmul.f32 v5, v5;
	v11 =	vmul.f32 v7, v7;
	v13 =	vld [tilespmem:s9+$0x9F80]  }
0x207: {  	v17 =	vld [tilespmem:s9+$0x9700];
	v42 =	vmul.f32 v10, v1;
	v10 =	vmul.f32 v2, v2;
	v8 =	vadd.f32 v12, v8  }
0x208: {  	v44 =	vmul.f32 v15, v1;
	v9 =	vadd.f32 v11, v9;
	v11 =	vmul.f32 v41, v41;
	v12 =	vld [tilespmem:s9+$0xA000]  }
0x209: {  	v48 =	vmul.f32 v14, v1;
	v15 =	vld [tilespmem:s9+$0x9780];
	v8 =	vadd.f32 v10, v8;
	v10 =	vmul.f32 v42, v42  }
0x20a: {  	v14 =	vld [tilespmem:s9+$0xA080];
	v46 =	vmul.f32 v16, v1;
	v9 =	vadd.f32 v11, v9;
	v11 =	vmul.f32 v44, v44  }
0x20b: {  	v16 =	vld [tilespmem:s9+$0x9800];
	v52 =	vmul.f32 v13, v1;
	v8 =	vadd.f32 v10, v8;
	v10 =	vmul.f32 v48, v48  }
0x20c: {  	v45 =	vmul.f32 v17, v1;
	v9 =	vadd.f32 v11, v9;
	v11 =	vmul.f32 v46, v46;
	v13 =	vld [tilespmem:s9+$0xA100]  }
0x20d: {  	v17 =	vld [tilespmem:s9+$0x9880];
	v39 =	vmul.f32 v12, v1;
	v8 =	vadd.f32 v10, v8;
	v10 =	vmul.f32 v52, v52  }
0x20e: {  	v53 =	vmul.f32 v15, v1;
	v9 =	vadd.f32 v11, v9;
	v11 =	vmul.f32 v45, v45;
	v12 =	vld [tilespmem:s9+$0xA180]  }
0x20f: {  	v43 =	vmul.f32 v14, v1;
	v15 =	vld [tilespmem:s9+$0x9900];
	v8 =	vadd.f32 v10, v8;
	v10 =	vmul.f32 v39, v39  }
0x210: {  	v14 =	vld [tilespmem:s9+$0xA200];
	v54 =	vmul.f32 v16, v1;
	v9 =	vadd.f32 v11, v9;
	v11 =	vmul.f32 v53, v53  }
0x211: {  	v16 =	vld [tilespmem:s9+$0x9980];
	v47 =	vmul.f32 v13, v1;
	v8 =	vadd.f32 v10, v8;
	v10 =	vmul.f32 v43, v43  }
0x212: {  	v55 =	vmul.f32 v17, v1;
	v13 =	vld [tilespmem:s9+$0xA280];
	v9 =	vadd.f32 v11, v9;
	v11 =	vmul.f32 v54, v54  }
0x213: {  	v17 =	vld [tilespmem:s9+$0x9A00];
	v40 =	vmul.f32 v12, v1;
	v8 =	vadd.f32 v10, v8;
	v10 =	vmul.f32 v47, v47  }
0x214: {  	v56 =	vmul.f32 v15, v1;
	v12 =	vld [tilespmem:s9+$0xA300];
	v9 =	vadd.f32 v11, v9;
	v11 =	vmul.f32 v55, v55  }
0x215: {  	v18 =	vmul.f32 v14, v1;
	v15 =	vld [tilespmem:s9+$0x9A80];
	v8 =	vadd.f32 v10, v8;
	v10 =	vmul.f32 v40, v40  }
0x216: {  	v57 =	vmul.f32 v16, v1;
	v9 =	vadd.f32 v11, v9;
	v11 =	vmul.f32 v56, v56  }
0x217: {  	v14 =	vld [tilespmem:s9+$0xA380];
	v49 =	vmul.f32 v13, v1;
	v8 =	vadd.f32 v10, v8;
	v10 =	vmul.f32 v18, v18  }
0x218: {  	v16 =	vld [tilespmem:s9+$0x9B00];
	v59 =	vmul.f32 v17, v1;
	v9 =	vadd.f32 v11, v9;
	v11 =	vmul.f32 v57, v57  }
0x219: {  	v13 =	vld [tilespmem:s9+$0xA400];
	v12 =	vmul.f32 v12, v1;
	v8 =	vadd.f32 v10, v8;
	v10 =	vmul.f32 v49, v49  }
0x21a: {  	v60 =	vmul.f32 v15, v1;
	v9 =	vadd.f32 v11, v9  }
0x21b: {  	v11 =	vmul.f32 v59, v59;
	[tilespmem:$0x1FFF0] =	vst v12;
	v8 =	vadd.f32 v10, v8;
	v10 =	vmul.f32 v12, v12;
	v12 =	vld [tilespmem:s9+$0x9B80]  }
0x21c: {  	v14 =	vmul.f32 v14, v1;
	v15 =	vld [tilespmem:s9+$0x9C00]  }
0x21d: {  	v58 =	vmul.f32 v16, v1;
	v9 =	vadd.f32 v11, v9;
	v11 =	vmul.f32 v60, v60  }
0x21e: {  	v13 =	vmul.f32 v13, v1;
	v8 =	vadd.f32 v10, v8;
	v10 =	vmul.f32 v14, v14  }
0x21f: {  	v9 =	vadd.f32 v11, v9;
	v11 =	vmul.f32 v58, v58  }
0x220: {  	v8 =	vadd.f32 v10, v8;
	v10 =	vmul.f32 v13, v13;
	v24 =	vmul.f32 v12, v1  }
0x221: {  	v23 =	vmul.f32 v15, v1  }
0x222: {  	v9 =	vadd.f32 v11, v9;
	v8 =	vadd.f32 v10, v8;
	v10 =	vmul.f32 v24, v24  }
0x223: {  	v12 =	vmul.f32 v23, v23  }
0x224: {  	v11 =	vshrl.u32 v8, $0x1;
	v8 =	vmul.f32 $5.000000000e-01, v8;
	v9 =	vadd.f32 v10, v9  }
0x225: {  	v11 =	vsub.s32 $0x5F3759DF, v11  }
0x226: {  	v10 =	vmul.f32 v11, v8;
	v9 =	vadd.f32 v12, v9;
	_ =	sdelay $0x1  }
0x227: {  	v10 =	vmul.f32 v11, v10;
	v12 =	vshrl.u32 v9, $0x1;
	v9 =	vmul.f32 $5.000000000e-01, v9  }
0x228: {  	v12 =	vsub.s32 $0x5F3759DF, v12  }
0x229: {  	v10 =	vsub.f32 $1.500000000e+00, v10;
	v15 =	vmul.f32 v12, v9;
	_ =	sdelay $0x1  }
0x22a: {  	v10 =	vmul.f32 v11, v10;
	v11 =	vmul.f32 v12, v15;
	_ =	sdelay $0x1  }
0x22b: {  	v15 =	vmul.f32 v10, v8;
	v11 =	vsub.f32 $1.500000000e+00, v11;
	_ =	sdelay $0x1  }
0x22c: {  	v15 =	vmul.f32 v15, v10;
	v11 =	vmul.f32 v12, v11  }
0x22d: {  	s10 =	simm.s32 $0x10  }
0x22e: {  	[tilespmem:$0x1FFD0] =	vst v18;
	v12 =	vsub.f32 $1.500000000e+00, v15;
	v15 =	vld [tilespmem:s10+$0xA480];
	v18 =	vmul.f32 v11, v9;
	_ =	sdelay $0x1  }
0x22f: {  	v19 =	vld [tilespmem:s10+$0x9580];
	v10 =	vmul.f32 v12, v10;
	v18 =	vmul.f32 v18, v11  }
0x230: {  	v20 =	vld [tilespmem:s10+$0x9600]  }
0x231: {  	v21 =	vld [tilespmem:s10+$0x9680];
	v8 =	vmul.f32 v10, v8;
	v18 =	vsub.f32 $1.500000000e+00, v18  }
0x232: {  	v34 =	vld [tilespmem:s10+$0x9700];
	(erf) = vrcp.f32 v15  }
0x233: {  	v22 =	vld [tilespmem:s10+$0x9C80];
	v8 =	vmul.f32 v8, v10;
	v11 =	vmul.f32 v18, v11  }
0x234: {  	v30 =	vld [tilespmem:s10+$0x9E00]  }
0x235: {  	v37 =	vld [tilespmem:s10+$0x9780];
	v8 =	vsub.f32 $1.500000000e+00, v8;
	v9 =	vmul.f32 v11, v9  }
0x236: {  	v38 =	vld [tilespmem:s10+$0x9800]  }
0x237: {  	v17 =	vld [tilespmem:s10+$0x9480];
	v25 =	vmul.f32 v8, v10;
	v9 =	vmul.f32 v9, v11  }
0x238: {  	[tilespmem:$0x1FFB0] =	vst v39;
	v39 =	vld [tilespmem:s10+$0x9980]  }
0x239: {  	v8 =	vld [tilespmem:s10+$0x9D00];
	v13 =	vmul.f32 v25, v13;
	v9 =	vsub.f32 $1.500000000e+00, v9  }
0x23a: {  	v10 =	vld [tilespmem:s10+$0x9D80];
	v6 =	vmul.f32 v25, v6  }
0x23b: {  	[tilespmem:$0x1FFC0] =	vst v40;
	v40 =	vld [tilespmem:s10+$0x9900];
	v13 =	vadd.f32 $1.000000010e-10, v13;
	v29 =	vmul.f32 v9, v11  }
0x23c: {  	v12 =	vld [tilespmem:s10+$0x9500];
	v4 =	vmul.f32 v25, v4;
	v6 =	vadd.f32 $1.000000010e-10, v6;
	v27 =	vpop (erf)  }
0x23d: {  	v18 =	vld [tilespmem:s10+$0x9880];
	v31 =	vmul.f32 v22, v27;
	[tilespmem:s9+$0xB480] =	vst v13;
	v5 =	vmul.f32 v29, v5  }
0x23e: {  	v4 =	vadd.f32 $1.000000010e-10, v4;
	v28 =	vmul.f32 v8, v27;
	v9 =	vld [tilespmem:s10+$0x9E80];
	[tilespmem:s9+$0xAD00] =	vst v6;
	v6 =	vmul.f32 v29, v7  }
0x23f: {  	v16 =	vld [tilespmem:s9+$0xB580];
	v3 =	vmul.f32 v25, v3;
	v26 =	vmul.f32 v10, v27;
	v5 =	vadd.f32 $1.000000010e-10, v5  }
0x240: {  	v50 =	vmul.f32 v31, v31;
	v7 =	vmul.f32 v28, v28;
	v61 =	vld [tilespmem:s10+$0x9A00];
	[tilespmem:s9+$0xAD80] =	vst v4;
	v6 =	vadd.f32 $1.000000010e-10, v6  }
0x241: {  	v2 =	vmul.f32 v25, v2;
	v3 =	vadd.f32 $1.000000010e-10, v3;
	v4 =	vld [tilespmem:s10+$0x9F00];
	[tilespmem:s9+$0xA500] =	vst v5  }
0x242: {  	v30 =	vmul.f32 v30, v27;
	v5 =	vadd.f32 v7, v50;
	v7 =	vmul.f32 v26, v26;
	v62 =	vld [tilespmem:s10+$0x9A80];
	[tilespmem:s9+$0xA580] =	vst v6  }
0x243: {  	v2 =	vadd.f32 $1.000000010e-10, v2;
	v6 =	vld [tilespmem:s10+$0x9F80];
	[tilespmem:s9+$0xAE00] =	vst v3  }
0x244: {  	[tilespmem:$0x1FFE0] =	vst v49;
	v49 =	vmul.f32 v30, v30;
	v0 =	vmul.f32 v9, v27;
	v51 =	vadd.f32 v7, v5;
	v63 =	vld [tilespmem:s10+$0x9B00]  }
0x245: {  	v1 =	vmul.f32 v16, v1;
	v32 =	vmul.f32 v27, v17;
	v7 =	vld [tilespmem:s10+$0xA000];
	[tilespmem:s9+$0xAE80] =	vst v2  }
0x246: {  	v10 =	vmul.f32 v4, v27;
	v36 =	vld [tilespmem:s10+$0x9B80];
	v50 =	vadd.f32 v49, v51;
	v51 =	vmul.f32 v0, v0  }
0x247: {  	v33 =	vmul.f32 v12, v27;
	v11 =	vmul.f32 v19, v27;
	v5 =	vld [tilespmem:s10+$0xA080]  }
0x248: {  	v35 =	vld [tilespmem:s10+$0x9C00];
	v2 =	vadd.f32 v51, v50;
	v50 =	vmul.f32 v10, v10;
	v13 =	vmul.f32 v6, v27  }
0x249: {  	v8 =	vmov v0;
	v49 =	vmul.f32 v32, v32;
	v12 =	vld [tilespmem:s10+$0xA100];
	[tilespmem:s9+$0xB500] =	vst v1;
	v6 =	vmul.f32 v33, v33  }
0x24a: {  	v9 =	vmovc v10;
	v0 =	vmul.f32 v7, v27;
	v1 =	vadd.f32 v50, v2;
	v51 =	vmul.f32 v13, v13  }
0x24b: {  	v16 =	vld [tilespmem:s10+$0xA180];
	v50 =	vmul.f32 v11, v11;
	v10 =	vmovc v13;
	v13 =	vmul.f32 v20, v27;
	v49 =	vadd.f32 v6, v49  }
0x24c: {  	v5 =	vmul.f32 v5, v27;
	v1 =	vadd.f32 v51, v1;
	v51 =	vmul.f32 v0, v0  }
0x24d: {  	v22 =	vmul.f32 v21, v27;
	v17 =	vld [tilespmem:s10+$0xA200];
	v3 =	vadd.f32 v50, v49;
	v49 =	vmul.f32 v13, v13  }
0x24e: {  	v50 =	vmul.f32 v12, v27;
	v1 =	vadd.f32 v51, v1;
	v51 =	vmul.f32 v5, v5  }
0x24f: {  	v19 =	vld [tilespmem:s10+$0xA280];
	v20 =	vmul.f32 v34, v27;
	v12 =	vmul.f32 v22, v22;
	v3 =	vadd.f32 v49, v3  }
0x250: {  	v34 =	vmul.f32 v16, v27;
	v49 =	vmul.f32 v50, v50;
	v1 =	vadd.f32 v51, v1  }
0x251: {  	v15 =	vld [tilespmem:s10+$0xA300];
	v16 =	vmul.f32 v37, v27;
	v21 =	vmul.f32 v20, v20;
	v12 =	vadd.f32 v12, v3  }
0x252: {  	[tilespmem:$0x1FF60] =	vst v50;
	v50 =	vmul.f32 v17, v27;
	v51 =	vmul.f32 v34, v34;
	v1 =	vadd.f32 v49, v1  }
0x253: {  	v4 =	vld [tilespmem:s10+$0xA380];
	v17 =	vmul.f32 v38, v27;
	v12 =	vadd.f32 v21, v12;
	v21 =	vmul.f32 v16, v16  }
0x254: {  	[tilespmem:$0x1FF50] =	vst v5;
	v5 =	vmul.f32 v19, v27;
	v19 =	vmul.f32 v50, v50;
	v1 =	vadd.f32 v51, v1  }
0x255: {  	v18 =	vmul.f32 v18, v27;
	v49 =	vld [tilespmem:s10+$0xA400];
	v12 =	vadd.f32 v21, v12;
	v21 =	vmul.f32 v17, v17  }
0x256: {  	[tilespmem:$0x1FF80] =	vst v50;
	v50 =	vmul.f32 v15, v27;
	v51 =	vmul.f32 v5, v5;
	v19 =	vadd.f32 v19, v1  }
0x257: {  	v15 =	vmul.f32 v40, v27;
	v12 =	vadd.f32 v21, v12;
	v21 =	vmul.f32 v18, v18  }
0x258: {  	[tilespmem:$0x1FF70] =	vst v34;
	v34 =	vmul.f32 v4, v27;
	v1 =	vmul.f32 v50, v50;
	v19 =	vadd.f32 v51, v19  }
0x259: {  	v2 =	vmul.f32 v15, v15;
	v12 =	vadd.f32 v21, v12;
	v21 =	vmul.f32 v39, v27  }
0x25a: {  	v3 =	vmul.f32 v34, v34;
	v40 =	vmul.f32 v49, v27;
	v38 =	vadd.f32 v1, v19  }
0x25b: {  	v12 =	vadd.f32 v2, v12;
	v19 =	vmul.f32 v61, v27;
	v4 =	vmul.f32 v21, v21  }
0x25c: {  	[tilespmem:$0x1FF90] =	vst v5;
	v5 =	vmul.f32 v40, v40;
	v37 =	vadd.f32 v3, v38  }
0x25d: {  	v39 =	vadd.f32 v4, v12;
	v61 =	vmul.f32 v19, v19;
	v12 =	vmul.f32 v62, v27  }
0x25e: {  	v38 =	vadd.f32 v5, v37  }
0x25f: {  	[tilespmem:$0x1FFA0] =	vst v50;
	v37 =	vmul.f32 v63, v27;
	v39 =	vadd.f32 v61, v39;
	v50 =	vmul.f32 v12, v12  }
0x260: {  	v36 =	vmul.f32 v36, v27;
	v49 =	vshrl.u32 v38, $0x1  }
0x261: {  	v61 =	vmul.f32 $5.000000000e-01, v38;
	v38 =	vadd.f32 v50, v39;
	v51 =	vmul.f32 v37, v37  }
0x262: {  	v35 =	vmul.f32 v35, v27  }
0x263: {  	v2 =	vmul.f32 v36, v36;
	v62 =	vsub.s32 $0x5F3759DF, v49;
	v38 =	vadd.f32 v51, v38  }
0x264: {  	[tilespmem:$0x1FF40] =	vst v0;
	v0 =	vmul.f32 v62, v61  }
0x265: {  	v3 =	vmul.f32 v35, v35;
	v38 =	vadd.f32 v2, v38  }
0x266: {  	v1 =	vmul.f32 v62, v0  }
0x267: {  	v42 =	vmul.f32 v25, v42;
	v48 =	vmul.f32 v25, v48;
	v38 =	vadd.f32 v3, v38  }
0x268: {  	v44 =	vmul.f32 v29, v44;
	v46 =	vmul.f32 v29, v46;
	v4 =	vld [tilespmem:$0x1FFB0];
	v39 =	vsub.f32 $1.500000000e+00, v1  }
0x269: {  	v51 =	vmul.f32 v29, v41;
	v63 =	vshrl.u32 v38, $0x1;
	v41 =	vmul.f32 $5.000000000e-01, v38  }
0x26a: {  	v45 =	vmul.f32 v29, v45;
	v62 =	vmul.f32 v62, v39;
	v39 =	vsub.s32 $0x5F3759DF, v63  }
0x26b: {  	v50 =	vmul.f32 v25, v52;
	v38 =	vmul.f32 v39, v41  }
0x26c: {  	v52 =	vmul.f32 v29, v54;
	v49 =	vmul.f32 v29, v53  }
0x26d: {  	v51 =	vadd.f32 $1.000000010e-10, v51;
	v63 =	vmul.f32 v25, v4;
	v4 =	vld [tilespmem:$0x1FFD0];
	v5 =	vmul.f32 v39, v38  }
0x26e: {  	v44 =	vadd.f32 $1.000000010e-10, v44;
	v53 =	vmul.f32 v29, v55;
	v55 =	vmul.f32 v29, v57;
	v38 =	vld [tilespmem:s10+$0xB580]  }
0x26f: {  	v57 =	vmul.f32 v62, v61;
	[tilespmem:s9+$0xA600] =	vst v51;
	v51 =	vmul.f32 v29, v56;
	v56 =	vld [tilespmem:$0x1FFC0];
	v54 =	vsub.f32 $1.500000000e+00, v5  }
0x270: {  	v46 =	vadd.f32 $1.000000010e-10, v46;
	v5 =	vadd.f32 $1.000000010e-10, v49;
	v49 =	vmul.f32 v29, v60;
	v60 =	vld [tilespmem:$0x1FFF0]  }
0x271: {  	v42 =	vadd.f32 $1.000000010e-10, v42;
	[tilespmem:s9+$0xA680] =	vst v44;
	v54 =	vmul.f32 v39, v54;
	v39 =	vmul.f32 v57, v62;
	v57 =	vld [tilespmem:$0x1FFE0]  }
0x272: {  	v43 =	vmul.f32 v25, v43;
	v45 =	vadd.f32 $1.000000010e-10, v45;
	[tilespmem:s9+$0xA700] =	vst v46  }
0x273: {  	v47 =	vmul.f32 v25, v47;
	[tilespmem:s9+$0xAF00] =	vst v42;
	v46 =	vmul.f32 v29, v59;
	v59 =	vadd.f32 $1.000000010e-10, v48  }
0x274: {  	[tilespmem:s9+$0xA780] =	vst v45;
	v45 =	vmul.f32 v29, v58;
	v48 =	vmul.f32 v25, v4  }
0x275: {  	[tilespmem:s9+$0xAF80] =	vst v59;
	v59 =	vadd.f32 $1.000000010e-10, v50;
	v44 =	vmul.f32 v25, v56;
	v56 =	vmul.f32 v54, v41  }
0x276: {  	s11 =	simm.s32 $0x20;
	s1 =	simm.s32 $0xC0;
	s0 =	simm.s32 $0x0;
	[tilespmem:s9+$0xA800] =	vst v5;
	v42 =	vmul.f32 v25, v60;
	v50 =	vmul.f32 v25, v57;
	v57 =	vsub.f32 $1.500000000e+00, v39  }
.LBB2_3:
0x277: {  	_ = 	snop  }
0x278: {  	v58 =	vld [tilespmem:s11+$0xA480];
	[tilespmem:s0+$0xB000] =	vst v59;
	v52 =	vadd.f32 $1.000000010e-10, v52;
	v59 =	vmul.f32 v29, v24;
	v56 =	vmul.f32 v56, v54  }
0x279: {  	v39 =	vmovc v37;
	v60 =	vadd.f32 $1.000000010e-10, v63;
	v2 =	vadd.f32 $1.000000010e-10, v53;
	v37 =	vld [tilespmem:s11+$0x9480];
	v57 =	vmul.f32 v57, v62  }
0x27a: {  	v24 =	vmovc v36;
	v29 =	vmul.f32 v29, v23;
	v62 =	vmul.f32 v25, v14;
	v36 =	vld [tilespmem:s11+$0x9500];
	[tilespmem:s0+$0xA880] =	vst v52;
	v25 =	vsub.f32 $1.500000000e+00, v56  }
0x27b: {  	v23 =	vmovc v35;
	v43 =	vadd.f32 $1.000000010e-10, v43;
	v51 =	vadd.f32 $1.000000010e-10, v51;
	v35 =	vld [tilespmem:s11+$0x9580];
	v3 =	vmul.f32 v57, v61;
	[tilespmem:s0+$0xB080] =	vst v60  }
0x27c: {  	v63 =	vadd.f32 $1.000000010e-10, v48;
	v5 =	vadd.f32 $1.000000010e-10, v55;
	v53 =	vld [tilespmem:s11+$0x9600];
	[tilespmem:s0+$0xA900] =	vst v2;
	v4 =	vmul.f32 v25, v54  }
0x27d: {  	v25 =	vadd.f32 $1.000000010e-10, v47;
	v55 =	vld [tilespmem:s11+$0x9680];
	(erf) = vrcp.f32 v58;
	v58 =	vmul.f32 v3, v57;
	[tilespmem:s0+$0xB100] =	vst v43  }
0x27e: {  	v38 =	vmul.f32 v38, v27;
	v27 =	vadd.f32 $1.000000010e-10, v49;
	v52 =	vld [tilespmem:s11+$0x9700];
	[tilespmem:s0+$0xA980] =	vst v51;
	v41 =	vmul.f32 v4, v41  }
0x27f: {  	v60 =	vadd.f32 $1.000000010e-10, v44;
	v48 =	vld [tilespmem:s11+$0x9780];
	v0 =	vsub.f32 $1.500000000e+00, v58;
	[tilespmem:s0+$0xB180] =	vst v25  }
0x280: {  	v14 =	vmovc v34;
	v1 =	vadd.f32 $1.000000010e-10, v50;
	v61 =	vadd.f32 $1.000000010e-10, v46;
	v34 =	vld [tilespmem:s11+$0x9800];
	[tilespmem:s0+$0xAA00] =	vst v5;
	v41 =	vmul.f32 v41, v4  }
0x281: {  	v45 =	vadd.f32 $1.000000010e-10, v45;
	v42 =	vadd.f32 $1.000000010e-10, v42;
	v2 =	vld [tilespmem:s11+$0x9C80];
	v25 =	vmul.f32 v0, v57;
	[tilespmem:s0+$0xB200] =	vst v60  }
0x282: {  	v50 =	vadd.f32 $1.000000010e-10, v59;
	v43 =	vld [tilespmem:s11+$0x9D00];
	[tilespmem:s0+$0xAA80] =	vst v61;
	v41 =	vsub.f32 $1.500000000e+00, v41  }
0x283: {  	v44 =	vadd.f32 $1.000000010e-10, v62;
	v3 =	vld [tilespmem:s11+$0x9D80];
	v31 =	vmul.f32 v25, v31;
	v40 =	vmul.f32 v25, v40;
	[tilespmem:s0+$0xB280] =	vst v63  }
0x284: {  	v46 =	vadd.f32 $1.000000010e-10, v29;
	v57 =	vmul.f32 v25, v26;
	v56 =	vld [tilespmem:s11+$0x9880];
	[tilespmem:s0+$0xAB00] =	vst v27;
	v29 =	vmul.f32 v41, v4  }
0x285: {  	v5 =	vmul.f32 v25, v30;
	v4 =	vmul.f32 v25, v28;
	v54 =	vld [tilespmem:s11+$0x9900];
	v26 =	vadd.f32 $1.000000010e-10, v40;
	[tilespmem:s0+$0xB300] =	vst v1  }
0x286: {  	v62 =	vadd.f32 $1.000000010e-10, v31;
	v30 =	vld [tilespmem:s11+$0x9E00];
	v27 =	vpop (erf);
	[tilespmem:s0+$0xAB80] =	vst v45;
	v61 =	vmul.f32 v29, v32;
	v33 =	vmul.f32 v29, v33  }
0x287: {  	v45 =	vld [tilespmem:s11+$0x9980];
	v31 =	vmul.f32 v2, v27;
	v28 =	vmul.f32 v43, v27;
	v41 =	vadd.f32 $1.000000010e-10, v4;
	[tilespmem:s10+$0xB480] =	vst v26  }
0x288: {  	v32 =	vmul.f32 v27, v37;
	v26 =	vmul.f32 v3, v27;
	v37 =	vld [tilespmem:s11+$0x9E80];
	[tilespmem:s10+$0xAD00] =	vst v62;
	v40 =	vadd.f32 $1.000000010e-10, v61  }
0x289: {  	v47 =	vld [tilespmem:s11+$0x9A00];
	v63 =	vmul.f32 v31, v31;
	v0 =	vmul.f32 v28, v28;
	v1 =	vadd.f32 $1.000000010e-10, v33;
	[tilespmem:s10+$0xAD80] =	vst v41  }
0x28a: {  	v2 =	vadd.f32 $1.000000010e-10, v57;
	v43 =	vmul.f32 v35, v27;
	v33 =	vmul.f32 v36, v27;
	v36 =	vld [tilespmem:s11+$0x9F00];
	[tilespmem:s10+$0xA500] =	vst v40  }
0x28b: {  	v3 =	vmul.f32 v26, v26;
	v30 =	vmul.f32 v30, v27;
	v49 =	vadd.f32 v0, v63;
	v57 =	vld [tilespmem:s11+$0x9A80];
	[tilespmem:s10+$0xA580] =	vst v1  }
0x28c: {  	v5 =	vadd.f32 $1.000000010e-10, v5;
	v59 =	vmul.f32 v32, v32;
	v4 =	vmul.f32 v33, v33;
	v35 =	vld [tilespmem:s11+$0x9F80];
	[tilespmem:s10+$0xAE00] =	vst v2  }
0x28d: {  	v41 =	vmul.f32 v37, v27;
	v0 =	vadd.f32 v3, v49;
	v1 =	vmul.f32 v30, v30;
	v58 =	vld [tilespmem:s11+$0x9B00];
	[tilespmem:s0+$0xB380] =	vst v42  }
0x28e: {  	v53 =	vmul.f32 v53, v27;
	v51 =	vadd.f32 v4, v59;
	v2 =	vmul.f32 v43, v43;
	v60 =	vld [tilespmem:s11+$0xA000];
	[tilespmem:s10+$0xAE80] =	vst v5  }
0x28f: {  	v42 =	vmul.f32 v36, v27;
	v3 =	vadd.f32 v1, v0;
	v4 =	vmul.f32 v41, v41;
	v61 =	vld [tilespmem:s11+$0x9B80];
	[tilespmem:s0+$0xAC00] =	vst v50  }
0x290: {  	v49 =	vmul.f32 v55, v27;
	v59 =	vmul.f32 v53, v53;
	v5 =	vadd.f32 v2, v51;
	v40 =	vld [tilespmem:s11+$0xA080];
	[tilespmem:s0+$0xB400] =	vst v44  }
0x291: {  	v62 =	vadd.f32 v4, v3;
	v63 =	vmul.f32 v42, v42;
	v55 =	vld [tilespmem:s11+$0x9C00];
	v44 =	vmul.f32 v35, v27;
	[tilespmem:s0+$0xAC80] =	vst v46;
	s0 =	smov.u32 s10;
	s10 =	smov.u32 s11  }
0x292: {  	v1 =	vmul.f32 v49, v49;
	v50 =	vadd.f32 v59, v5;
	v46 =	vmul.f32 v52, v27;
	v0 =	vld [tilespmem:s10+$0xA100]  }
0x293: {  	[tilespmem:s0+$0xB500] =	vst v38;
	v35 =	vadd.f32 v63, v62;
	v59 =	vmul.f32 v60, v27;
	v2 =	vmul.f32 v44, v44  }
0x294: {  	v48 =	vmul.f32 v48, v27;
	v50 =	vadd.f32 v1, v50;
	v52 =	vld [tilespmem:s10+$0xA180];
	v3 =	vmul.f32 v46, v46  }
0x295: {  	v60 =	vmul.f32 v40, v27;
	v35 =	vadd.f32 v2, v35;
	v4 =	vmul.f32 v59, v59  }
0x296: {  	v62 =	vmul.f32 v34, v27;
	v63 =	vmul.f32 v48, v48;
	v34 =	vld [tilespmem:s10+$0xA200];
	v5 =	vadd.f32 v3, v50  }
0x297: {  	v0 =	vmul.f32 v0, v27;
	v35 =	vadd.f32 v4, v35;
	v3 =	vmul.f32 v60, v60  }
0x298: {  	v51 =	vmul.f32 v56, v27;
	v37 =	vld [tilespmem:s10+$0xA280];
	v40 =	vadd.f32 v63, v5;
	v4 =	vmul.f32 v62, v62  }
0x299: {  	v56 =	vmul.f32 v52, v27;
	v35 =	vadd.f32 v3, v35;
	v5 =	vmul.f32 v0, v0  }
0x29a: {  	v54 =	vmul.f32 v54, v27;
	v63 =	vmul.f32 v51, v51;
	v52 =	vld [tilespmem:s10+$0xA300];
	v40 =	vadd.f32 v4, v40  }
0x29b: {  	v1 =	vmul.f32 v34, v27;
	v4 =	vadd.f32 v5, v35;
	v5 =	vmul.f32 v56, v56  }
0x29c: {  	v36 =	vld [tilespmem:s10+$0xA380];
	v2 =	vmul.f32 v45, v27;
	v40 =	vadd.f32 v63, v40;
	v63 =	vmul.f32 v54, v54  }
0x29d: {  	v45 =	vmul.f32 v37, v27;
	v35 =	vmul.f32 v1, v1;
	v34 =	vadd.f32 v5, v4  }
0x29e: {  	v3 =	vmul.f32 v47, v27;
	v47 =	vld [tilespmem:s10+$0xA400];
	v37 =	vadd.f32 v63, v40;
	v63 =	vmul.f32 v2, v2  }
0x29f: {  	v4 =	vmul.f32 v52, v27;
	v5 =	vmul.f32 v45, v45;
	v35 =	vadd.f32 v35, v34  }
0x2a0: {  	v40 =	vadd.f32 v63, v37;
	v63 =	vmul.f32 v3, v3  }
0x2a1: {  	v34 =	vmul.f32 v36, v27;
	v35 =	vadd.f32 v5, v35;
	v5 =	vmul.f32 v4, v4  }
0x2a2: {  	v57 =	vmul.f32 v57, v27;
	v50 =	vadd.f32 v63, v40  }
0x2a3: {  	v40 =	vmul.f32 v47, v27;
	v63 =	vadd.f32 v5, v35;
	v5 =	vmul.f32 v34, v34  }
0x2a4: {  	v52 =	vmul.f32 v57, v57  }
0x2a5: {  	v37 =	vmul.f32 v58, v27;
	v47 =	vadd.f32 v5, v63;
	v63 =	vmul.f32 v40, v40  }
0x2a6: {  	v36 =	vmul.f32 v61, v27  }
0x2a7: {  	v61 =	vmul.f32 v37, v37;
	v50 =	vadd.f32 v52, v50;
	v47 =	vadd.f32 v63, v47  }
0x2a8: {  	v7 =	vmul.f32 v29, v20;
	v58 =	vmul.f32 v29, v11  }
0x2a9: {  	v50 =	vadd.f32 v61, v50;
	v52 =	vshrl.u32 v47, $0x1;
	v61 =	vmul.f32 $5.000000000e-01, v47  }
0x2aa: {  	v20 =	vmovc v46;
	v35 =	vmul.f32 v55, v27;
	v5 =	vmul.f32 v36, v36;
	v46 =	vsub.s32 $0x5F3759DF, v52  }
0x2ab: {  	v55 =	vmul.f32 v29, v13;
	v13 =	vmov v53;
	v53 =	vmul.f32 v46, v61  }
0x2ac: {  	v11 =	vmovc v43;
	v43 =	vmul.f32 v35, v35;
	v50 =	vadd.f32 v5, v50;
	v5 =	vmul.f32 v29, v22  }
0x2ad: {  	v22 =	vmovc v49;
	v49 =	vmul.f32 v25, v9;
	v9 =	vmov v42;
	v42 =	vmul.f32 v46, v53;
	v53 =	vld [tilespmem:$0x1FF40];
	_ =	sdelay $0x1  }
0x2ae: {  	v6 =	vmul.f32 v25, v8;
	v43 =	vadd.f32 v43, v50  }
0x2af: {  	v63 =	vadd.f32 $1.000000010e-10, v58  }
0x2b0: {  	v6 =	vadd.f32 $1.000000010e-10, v6;
	v8 =	vmov v41;
	v38 =	vld [tilespmem:s10+$0xB580];
	v41 =	vmul.f32 $5.000000000e-01, v43  }
0x2b1: {  	[tilespmem:s0+$0xA600] =	vst v63;
	v52 =	vshrl.u32 v43, $0x1;
	v63 =	vmul.f32 v25, v53;
	v53 =	vmul.f32 v29, v18;
	v18 =	vld [tilespmem:$0x1FF50]  }
0x2b2: {  	v50 =	vmul.f32 v29, v16;
	v16 =	vmovc v48;
	v47 =	vadd.f32 $1.000000010e-10, v55;
	v55 =	vmovc v59;
	v59 =	vld [tilespmem:$0x1FF70];
	v48 =	vsub.s32 $0x5F3759DF, v52  }
0x2b3: {  	v58 =	vmul.f32 v25, v10;
	v10 =	vmov v44;
	v44 =	vmul.f32 v48, v41  }
0x2b4: {  	[tilespmem:s0+$0xAF00] =	vst v6;
	v6 =	vadd.f32 $1.000000010e-10, v7  }
0x2b5: {  	v52 =	vmul.f32 v29, v17;
	v17 =	vmovc v62;
	v62 =	vmovc v60;
	v42 =	vsub.f32 $1.500000000e+00, v42;
	v44 =	vmul.f32 v48, v44  }
0x2b6: {  	[tilespmem:$0x1FF40] =	vst v55;
	v43 =	vmul.f32 v25, v18;
	v18 =	vmovc v51;
	v51 =	vmul.f32 v29, v15;
	v15 =	vmov v54;
	v54 =	vld [tilespmem:$0x1FF60]  }
0x2b7: {  	v55 =	vmovc v0;
	v0 =	vsub.f32 $1.500000000e+00, v44;
	v44 =	vmul.f32 v25, v59;
	v59 =	vld [tilespmem:$0x1FF80];
	[tilespmem:$0x1FF50] =	vst v62;
	v62 =	vmul.f32 v46, v42  }
0x2b8: {  	[tilespmem:s0+$0xA780] =	vst v6;
	v5 =	vadd.f32 $1.000000010e-10, v5;
	v60 =	vmov v56  }
0x2b9: {  	[tilespmem:s0+$0xA680] =	vst v47;
	v42 =	vmul.f32 v62, v61  }
0x2ba: {  	[tilespmem:s0+$0xA700] =	vst v5  }
0x2bb: {  	[tilespmem:$0x1FF70] =	vst v60;
	v60 =	vmovc v1;
	v5 =	vmul.f32 v42, v62;
	v42 =	vadd.f32 $1.000000010e-10, v50;
	v50 =	vld [tilespmem:$0x1FF90];
	v47 =	vmul.f32 v25, v54  }
0x2bc: {  	p1 =	sne.s32 s1, $0x1C0;
	[tilespmem:$0x1FF80] =	vst v60;
	v54 =	vmul.f32 v48, v0;
	v48 =	vmul.f32 v25, v59;
	v59 =	vadd.f32 $1.000000010e-10, v58;
	v58 =	vld [tilespmem:$0x1FFA0]  }
.Ltmp1:
0x2bd: {  	[tilespmem:$0x1FF60] =	vst v55;
	(pc) =	sbr.rel @p1 .LBB2_3-.Ltmp1, $4  }
0x2be: {  	v46 =	vmul.f32 v29, v19;
	v60 =	vmov v4;
	v55 =	vmul.f32 v29, v21;
	[tilespmem:s0+$0xA800] =	vst v42  }
0x2bf: {  	v0 =	vadd.f32 $1.000000010e-10, v49;
	v49 =	vmul.f32 v29, v12;
	v12 =	vmovc v57;
	v57 =	vmov v45;
	[tilespmem:$0x1FFA0] =	vst v60  }
0x2c0: {  	v19 =	vmov v3;
	v50 =	vmul.f32 v25, v50;
	v45 =	vmul.f32 v29, v39;
	[tilespmem:$0x1FF90] =	vst v57  }
0x2c1: {  	s11 =	sshra.s32 s1, $0x2;
	s1 =	sadd.s32 $0x40, s1;
	v21 =	vmovc v2;
	v57 =	vsub.f32 $1.500000000e+00, v5;
	v56 =	vmul.f32 v54, v41;
	[tilespmem:s0+$0xAF80] =	vst v0;
	v42 =	vmul.f32 v25, v58  }
0x2c2: {  	v0 =	vld [tilespmem:s11+$0xA480];
	[tilespmem:s0+$0xB000] =	vst v59;
	v1 =	vadd.f32 $1.000000010e-10, v52  }
0x2c3: {  	v4 =	vadd.f32 $1.000000010e-10, v63;
	v2 =	vld [tilespmem:s11+$0x9480];
	v63 =	vmul.f32 v57, v62;
	v57 =	vmul.f32 v56, v54  }
0x2c4: {  	v5 =	vadd.f32 $1.000000010e-10, v53;
	v6 =	vadd.f32 $1.000000010e-10, v43;
	v3 =	vld [tilespmem:s11+$0x9500];
	[tilespmem:s0+$0xA880] =	vst v1  }
0x2c5: {  	v39 =	vadd.f32 $1.000000010e-10, v47;
	v1 =	vld [tilespmem:s11+$0x9580];
	[tilespmem:s0+$0xB080] =	vst v4;
	v47 =	vsub.f32 $1.500000000e+00, v57  }
0x2c6: {  	v7 =	vadd.f32 $1.000000010e-10, v51;
	v58 =	vmul.f32 v63, v61;
	v4 =	vld [tilespmem:s11+$0x9600];
	[tilespmem:s0+$0xA900] =	vst v5  }
0x2c7: {  	v5 =	vld [tilespmem:s11+$0x9680];
	[tilespmem:s0+$0xB100] =	vst v6;
	v59 =	vmul.f32 v47, v54  }
0x2c8: {  	v60 =	vadd.f32 $1.000000010e-10, v55;
	v51 =	vmul.f32 v58, v63;
	v6 =	vld [tilespmem:s11+$0x9700];
	[tilespmem:s0+$0xA980] =	vst v7  }
0x2c9: {  	(erf) = vrcp.f32 v0;
	v7 =	vld [tilespmem:s11+$0x9780];
	[tilespmem:s0+$0xB180] =	vst v39;
	v41 =	vmul.f32 v59, v41  }
0x2ca: {  	v44 =	vadd.f32 $1.000000010e-10, v44;
	v52 =	vld [tilespmem:s11+$0x9800];
	[tilespmem:s0+$0xAA00] =	vst v60;
	v60 =	vsub.f32 $1.500000000e+00, v51  }
0x2cb: {  	v46 =	vadd.f32 $1.000000010e-10, v46;
	v41 =	vmul.f32 v41, v59  }
0x2cc: {  	v48 =	vadd.f32 $1.000000010e-10, v48;
	v49 =	vadd.f32 $1.000000010e-10, v49;
	v43 =	vld [tilespmem:s11+$0x9C80];
	[tilespmem:s0+$0xB200] =	vst v44;
	v39 =	vmul.f32 v60, v63  }
0x2cd: {  	v24 =	vmul.f32 v29, v24;
	v25 =	vmul.f32 v25, v14;
	v44 =	vld [tilespmem:s11+$0x9D00];
	[tilespmem:s0+$0xAA80] =	vst v46;
	v41 =	vsub.f32 $1.500000000e+00, v41  }
0x2ce: {  	v23 =	vmul.f32 v29, v23;
	v61 =	vadd.f32 $1.000000010e-10, v50;
	v53 =	vld [tilespmem:s11+$0x9D80];
	[tilespmem:s0+$0xB280] =	vst v48;
	v40 =	vmul.f32 v39, v40  }
0x2cf: {  	v45 =	vadd.f32 $1.000000010e-10, v45;
	v54 =	vld [tilespmem:s11+$0x9880];
	[tilespmem:s0+$0xAB00] =	vst v49;
	v62 =	vmul.f32 v39, v31;
	v31 =	vmul.f32 v41, v59  }
0x2d0: {  	v27 =	vmul.f32 v38, v27;
	v28 =	vmul.f32 v39, v28;
	v55 =	vld [tilespmem:s11+$0x9900];
	[tilespmem:s0+$0xB300] =	vst v61;
	v40 =	vadd.f32 $1.000000010e-10, v40  }
0x2d1: {  	v24 =	vadd.f32 $1.000000010e-10, v24;
	v47 =	vld [tilespmem:s11+$0x9E00];
	[tilespmem:s0+$0xAB80] =	vst v45;
	v63 =	vadd.f32 $1.000000010e-10, v62;
	v32 =	vmul.f32 v31, v32  }
0x2d2: {  	v26 =	vmul.f32 v39, v26;
	v28 =	vadd.f32 $1.000000010e-10, v28;
	v14 =	vpop (erf);
	v0 =	vld [tilespmem:s11+$0x9980];
	v33 =	vmul.f32 v31, v33;
	[tilespmem:s10+$0xB480] =	vst v40  }
0x2d3: {  	v38 =	vmul.f32 v39, v30;
	v48 =	vmul.f32 v43, v14;
	v40 =	vld [tilespmem:s11+$0x9E80];
	[tilespmem:s10+$0xAD00] =	vst v63;
	v32 =	vadd.f32 $1.000000010e-10, v32  }
0x2d4: {  	v45 =	vmul.f32 v44, v14;
	v46 =	vmul.f32 v14, v2;
	v33 =	vadd.f32 $1.000000010e-10, v33;
	v41 =	vld [tilespmem:s11+$0x9A00];
	[tilespmem:s10+$0xAD80] =	vst v28  }
0x2d5: {  	v57 =	vadd.f32 $1.000000010e-10, v42;
	v51 =	vmul.f32 v3, v14;
	v58 =	vmul.f32 v48, v48;
	v49 =	vld [tilespmem:s11+$0x9F00];
	[tilespmem:s10+$0xA500] =	vst v32  }
0x2d6: {  	v26 =	vadd.f32 $1.000000010e-10, v26;
	v59 =	vmul.f32 v45, v45;
	v56 =	vld [tilespmem:s11+$0x9A80];
	[tilespmem:s10+$0xA580] =	vst v33;
	v33 =	vmul.f32 v53, v14  }
0x2d7: {  	v60 =	vadd.f32 $1.000000010e-10, v25;
	v25 =	vmul.f32 v1, v14;
	v3 =	vmul.f32 v46, v46  }
0x2d8: {  	v44 =	vmul.f32 v47, v14;
	v29 =	vld [tilespmem:s11+$0x9F80];
	[tilespmem:s10+$0xAE00] =	vst v26;
	v26 =	vadd.f32 v59, v58;
	v62 =	vmul.f32 v33, v33  }
0x2d9: {  	v63 =	vadd.f32 $1.000000010e-10, v23;
	v1 =	vmul.f32 v51, v51;
	v28 =	vadd.f32 $1.000000010e-10, v38  }
0x2da: {  	v47 =	vmul.f32 v44, v44;
	v2 =	vld [tilespmem:s11+$0x9B00];
	[tilespmem:s0+$0xB380] =	vst v57;
	v23 =	vmul.f32 v40, v14;
	v26 =	vadd.f32 v62, v26  }
0x2db: {  	v1 =	vadd.f32 v1, v3;
	v3 =	vmul.f32 v25, v25;
	v61 =	vld [tilespmem:s11+$0xA000];
	[tilespmem:s10+$0xAE80] =	vst v28;
	v28 =	vmul.f32 v4, v14  }
0x2dc: {  	v59 =	vld [tilespmem:s11+$0x9B80];
	[tilespmem:s0+$0xAC00] =	vst v24;
	v24 =	vmul.f32 v49, v14;
	v40 =	vmul.f32 v23, v23;
	v32 =	vadd.f32 v47, v26  }
0x2dd: {  	v43 =	vmul.f32 v5, v14;
	v1 =	vadd.f32 v3, v1;
	v4 =	vld [tilespmem:s11+$0xA080];
	[tilespmem:s0+$0xB400] =	vst v60;
	v3 =	vmul.f32 v28, v28  }
0x2de: {  	v5 =	vld [tilespmem:s11+$0x9C00];
	v26 =	vmul.f32 v29, v14;
	v50 =	vmul.f32 v24, v24;
	[tilespmem:s0+$0xAC80] =	vst v63;
	v49 =	vadd.f32 v40, v32  }
0x2df: {  	v47 =	vmul.f32 v6, v14;
	v6 =	vld [tilespmem:s11+$0xA100];
	v1 =	vadd.f32 v3, v1;
	v3 =	vmul.f32 v43, v43  }
0x2e0: {  	[tilespmem:s10+$0xB500] =	vst v27;
	v27 =	vmul.f32 v61, v14;
	v53 =	vmul.f32 v26, v26;
	v30 =	vadd.f32 v50, v49  }
0x2e1: {  	v1 =	vadd.f32 v3, v1;
	v3 =	vmul.f32 v47, v47;
	v49 =	vmul.f32 v7, v14;
	v7 =	vld [tilespmem:s11+$0xA180]  }
0x2e2: {  	v29 =	vmul.f32 v4, v14;
	v57 =	vmul.f32 v27, v27;
	v4 =	vadd.f32 v53, v30  }
0x2e3: {  	v58 =	vld [tilespmem:s11+$0xA200];
	v50 =	vmul.f32 v52, v14;
	v1 =	vadd.f32 v3, v1;
	v3 =	vmul.f32 v49, v49  }
0x2e4: {  	v30 =	vmul.f32 v6, v14;
	v6 =	vmul.f32 v29, v29;
	v4 =	vadd.f32 v57, v4  }
0x2e5: {  	v60 =	vld [tilespmem:s11+$0xA280];
	v52 =	vmul.f32 v54, v14;
	v1 =	vadd.f32 v3, v1;
	v3 =	vmul.f32 v50, v50  }
0x2e6: {  	v32 =	vmul.f32 v7, v14;
	v4 =	vadd.f32 v6, v4;
	v6 =	vmul.f32 v30, v30  }
0x2e7: {  	v53 =	vmul.f32 v55, v14;
	v7 =	vld [tilespmem:s11+$0xA300];
	v1 =	vadd.f32 v3, v1;
	v3 =	vmul.f32 v52, v52  }
0x2e8: {  	v38 =	vmul.f32 v58, v14;
	v4 =	vadd.f32 v6, v4;
	v6 =	vmul.f32 v32, v32  }
0x2e9: {  	v54 =	vmul.f32 v0, v14;
	v0 =	vld [tilespmem:s11+$0xA380];
	v1 =	vadd.f32 v3, v1;
	v3 =	vmul.f32 v53, v53  }
0x2ea: {  	v40 =	vmul.f32 v60, v14;
	v4 =	vadd.f32 v6, v4;
	v6 =	vmul.f32 v38, v38  }
0x2eb: {  	v55 =	vmul.f32 v41, v14;
	v60 =	vld [tilespmem:s11+$0xA400];
	v1 =	vadd.f32 v3, v1;
	v3 =	vmul.f32 v54, v54  }
0x2ec: {  	v41 =	vmul.f32 v7, v14;
	v4 =	vadd.f32 v6, v4;
	v6 =	vmul.f32 v40, v40  }
0x2ed: {  	v57 =	vmul.f32 v56, v14;
	v1 =	vadd.f32 v3, v1;
	v3 =	vmul.f32 v55, v55  }
0x2ee: {  	v42 =	vmul.f32 v0, v14;
	v0 =	vadd.f32 v6, v4;
	v4 =	vmul.f32 v41, v41  }
0x2ef: {  	v58 =	vmul.f32 v2, v14;
	v2 =	vmul.f32 v57, v57;
	v1 =	vadd.f32 v3, v1  }
0x2f0: {  	v3 =	vmul.f32 v60, v14;
	v0 =	vadd.f32 v4, v0;
	v4 =	vmul.f32 v42, v42  }
0x2f1: {  	v59 =	vmul.f32 v59, v14;
	v1 =	vadd.f32 v2, v1;
	v2 =	vmul.f32 v58, v58  }
0x2f2: {  	v0 =	vadd.f32 v4, v0;
	v4 =	vmul.f32 v3, v3  }
0x2f3: {  	v61 =	vmul.f32 v5, v14;
	v1 =	vadd.f32 v2, v1;
	v2 =	vmul.f32 v59, v59  }
0x2f4: {  	v0 =	vadd.f32 v4, v0  }
0x2f5: {  	v4 =	vmul.f32 v61, v61;
	v1 =	vadd.f32 v2, v1  }
0x2f6: {  	v2 =	vshrl.u32 v0, $0x1;
	v0 =	vmul.f32 $5.000000000e-01, v0  }
0x2f7: {  	v1 =	vadd.f32 v4, v1;
	v2 =	vsub.s32 $0x5F3759DF, v2  }
0x2f8: {  	v4 =	vmul.f32 v2, v0  }
0x2f9: {  	v6 =	vmul.f32 v31, v11;
	v5 =	vshrl.u32 v1, $0x1;
	v1 =	vmul.f32 $5.000000000e-01, v1  }
0x2fa: {  	v5 =	vsub.s32 $0x5F3759DF, v5;
	v4 =	vmul.f32 v2, v4  }
0x2fb: {  	v11 =	vmul.f32 v31, v13;
	v6 =	vadd.f32 $1.000000010e-10, v6;
	v7 =	vmul.f32 v5, v1  }
0x2fc: {  	v13 =	vmul.f32 v31, v22;
	v4 =	vsub.f32 $1.500000000e+00, v4  }
0x2fd: {  	v62 =	vadd.f32 $1.000000010e-10, v11;
	v11 =	vld [tilespmem:s11+$0xB580];
	[tilespmem:s10+$0xA600] =	vst v6;
	v6 =	vmul.f32 v31, v20;
	v7 =	vmul.f32 v5, v7  }
0x2fe: {  	v13 =	vadd.f32 $1.000000010e-10, v13;
	v2 =	vmul.f32 v2, v4;
	v4 =	vmul.f32 v39, v8;
	v8 =	vld [tilespmem:$0x1FF40];
	_ =	sdelay $0x1  }
0x2ff: {  	[tilespmem:s10+$0xA700] =	vst v13;
	v13 =	vmul.f32 v31, v16;
	v6 =	vadd.f32 $1.000000010e-10, v6;
	v7 =	vsub.f32 $1.500000000e+00, v7  }
0x300: {  	v20 =	vmul.f32 v39, v9;
	v4 =	vadd.f32 $1.000000010e-10, v4;
	v63 =	vmul.f32 v2, v0  }
0x301: {  	[tilespmem:s10+$0xA780] =	vst v6;
	v6 =	vadd.f32 $1.000000010e-10, v13;
	v5 =	vmul.f32 v5, v7;
	v7 =	vmul.f32 v39, v10  }
0x302: {  	[tilespmem:s10+$0xAF00] =	vst v4;
	v4 =	vadd.f32 $1.000000010e-10, v20;
	v16 =	vmul.f32 v63, v2;
	v13 =	vmul.f32 v39, v8;
	v8 =	vld [tilespmem:$0x1FF50]  }
0x303: {  	v20 =	vmul.f32 v5, v1  }
0x304: {  	[tilespmem:s10+$0xAF80] =	vst v4;
	v4 =	vadd.f32 $1.000000010e-10, v7;
	v7 =	vsub.f32 $1.500000000e+00, v16  }
0x305: {  	[tilespmem:s10+$0xA800] =	vst v6;
	v16 =	vmul.f32 v31, v18;
	v6 =	vmul.f32 v20, v5  }
0x306: {  	v2 =	vmul.f32 v7, v2;
	v7 =	vmul.f32 v31, v15  }
0x307: {  	[tilespmem:s10+$0xB000] =	vst v4;
	v4 =	vadd.f32 $1.000000010e-10, v13;
	v6 =	vsub.f32 $1.500000000e+00, v6;
	v18 =	vmul.f32 v39, v8;
	v8 =	vld [tilespmem:$0x1FF60]  }
0x308: {  	v17 =	vmul.f32 v31, v17;
	v7 =	vadd.f32 $1.000000010e-10, v7  }
0x309: {  	[tilespmem:s10+$0xB080] =	vst v4;
	v5 =	vmul.f32 v6, v5;
	v6 =	vld [tilespmem:$0x1FF70];
	v4 =	vadd.f32 $1.000000010e-10, v18  }
0x30a: {  	v17 =	vadd.f32 $1.000000010e-10, v17;
	v0 =	vmul.f32 v2, v0;
	[tilespmem:s10+$0xA980] =	vst v7;
	v7 =	vld [tilespmem:$0x1FF80]  }
0x30b: {  	[tilespmem:s10+$0xB100] =	vst v4;
	v4 =	vmul.f32 v31, v19  }
0x30c: {  	[tilespmem:s10+$0xA880] =	vst v17;
	v13 =	vadd.f32 $1.000000010e-10, v16;
	v0 =	vmul.f32 v0, v2;
	v15 =	vmul.f32 v39, v8  }
0x30d: {  	[tilespmem:s10+$0xA680] =	vst v62;
	v16 =	vmul.f32 v31, v21;
	v8 =	vld [tilespmem:$0x1FF90];
	v4 =	vadd.f32 $1.000000010e-10, v4  }
0x30e: {  	[tilespmem:s10+$0xA900] =	vst v13;
	v0 =	vsub.f32 $1.500000000e+00, v0;
	v6 =	vmul.f32 v39, v6;
	v13 =	vadd.f32 $1.000000010e-10, v15  }
0x30f: {  	v15 =	vadd.f32 $1.000000010e-10, v16;
	v7 =	vmul.f32 v39, v7;
	[tilespmem:s10+$0xAA80] =	vst v4  }
0x310: {  	v0 =	vmul.f32 v0, v2;
	v2 =	vmul.f32 v31, v37;
	v6 =	vadd.f32 $1.000000010e-10, v6;
	[tilespmem:s10+$0xB180] =	vst v13  }
0x311: {  	v10 =	vmul.f32 v31, v12;
	v1 =	vmul.f32 v5, v1;
	[tilespmem:s10+$0xAA00] =	vst v15;
	v7 =	vadd.f32 $1.000000010e-10, v7  }
0x312: {  	v2 =	vadd.f32 $1.000000010e-10, v2;
	[tilespmem:s10+$0xB200] =	vst v6;
	v9 =	vmul.f32 v39, v8  }
0x313: {  	v1 =	vmul.f32 v1, v5;
	v6 =	vadd.f32 $1.000000010e-10, v10;
	[tilespmem:s10+$0xB280] =	vst v7;
	v7 =	vmul.f32 v0, v48  }
0x314: {  	[tilespmem:s10+$0xAB80] =	vst v2;
	v4 =	vadd.f32 $1.000000010e-10, v9  }
0x315: {  	v1 =	vsub.f32 $1.500000000e+00, v1;
	[tilespmem:s10+$0xAB00] =	vst v6;
	v6 =	vadd.f32 $1.000000010e-10, v7  }
0x316: {  	[tilespmem:s10+$0xB300] =	vst v4  }
0x317: {  	v3 =	vmul.f32 v0, v3;
	v1 =	vmul.f32 v1, v5;
	[tilespmem:s11+$0xAD00] =	vst v6;
	v6 =	vld [tilespmem:$0x1FFA0]  }
0x318: {  	v5 =	vmul.f32 v0, v45  }
0x319: {  	v3 =	vadd.f32 $1.000000010e-10, v3;
	v2 =	vmul.f32 v1, v51  }
0x31a: {  	v5 =	vadd.f32 $1.000000010e-10, v5;
	v4 =	vmul.f32 v1, v46  }
0x31b: {  	v2 =	vadd.f32 $1.000000010e-10, v2;
	[tilespmem:s11+$0xB480] =	vst v3;
	v3 =	vmul.f32 v0, v33  }
0x31c: {  	[tilespmem:s11+$0xAD80] =	vst v5;
	v4 =	vadd.f32 $1.000000010e-10, v4;
	v6 =	vmul.f32 v39, v6  }
0x31d: {  	v5 =	vmul.f32 v0, v44;
	[tilespmem:s11+$0xA580] =	vst v2;
	v3 =	vadd.f32 $1.000000010e-10, v3  }
0x31e: {  	[tilespmem:s11+$0xA500] =	vst v4;
	v4 =	vmul.f32 v31, v36;
	v6 =	vadd.f32 $1.000000010e-10, v6  }
0x31f: {  	v2 =	vmul.f32 v39, v34;
	[tilespmem:s11+$0xAE00] =	vst v3;
	v3 =	vadd.f32 $1.000000010e-10, v5  }
0x320: {  	v5 =	vmul.f32 v31, v35;
	v4 =	vadd.f32 $1.000000010e-10, v4;
	[tilespmem:s10+$0xB380] =	vst v6  }
0x321: {  	v2 =	vadd.f32 $1.000000010e-10, v2;
	[tilespmem:s11+$0xAE80] =	vst v3  }
0x322: {  	v3 =	vadd.f32 $1.000000010e-10, v5;
	[tilespmem:s10+$0xAC00] =	vst v4;
	v4 =	vmul.f32 v1, v25  }
0x323: {  	v5 =	vmul.f32 v11, v14;
	[tilespmem:s10+$0xB400] =	vst v2;
	v2 =	vmul.f32 v1, v28  }
0x324: {  	[tilespmem:s10+$0xAC80] =	vst v3;
	v3 =	vmul.f32 v1, v43;
	v4 =	vadd.f32 $1.000000010e-10, v4  }
0x325: {  	[tilespmem:s11+$0xB500] =	vst v5;
	v5 =	vmul.f32 v0, v23;
	v2 =	vadd.f32 $1.000000010e-10, v2  }
0x326: {  	v6 =	vmul.f32 v1, v47;
	v3 =	vadd.f32 $1.000000010e-10, v3;
	[tilespmem:s11+$0xA600] =	vst v4  }
0x327: {  	v4 =	vmul.f32 v0, v24;
	[tilespmem:s11+$0xA680] =	vst v2;
	v2 =	vadd.f32 $1.000000010e-10, v5  }
0x328: {  	v5 =	vmul.f32 v1, v49;
	[tilespmem:s11+$0xA700] =	vst v3;
	v3 =	vadd.f32 $1.000000010e-10, v6  }
0x329: {  	v6 =	vmul.f32 v0, v26;
	[tilespmem:s11+$0xAF00] =	vst v2;
	v2 =	vadd.f32 $1.000000010e-10, v4  }
0x32a: {  	v4 =	vmul.f32 v1, v50;
	[tilespmem:s11+$0xA780] =	vst v3;
	v3 =	vadd.f32 $1.000000010e-10, v5  }
0x32b: {  	v5 =	vmul.f32 v0, v27;
	[tilespmem:s11+$0xAF80] =	vst v2;
	v2 =	vadd.f32 $1.000000010e-10, v6  }
0x32c: {  	v6 =	vmul.f32 v1, v52;
	[tilespmem:s11+$0xA800] =	vst v3;
	v3 =	vadd.f32 $1.000000010e-10, v4  }
0x32d: {  	v4 =	vmul.f32 v0, v29;
	[tilespmem:s11+$0xB000] =	vst v2;
	v2 =	vadd.f32 $1.000000010e-10, v5  }
0x32e: {  	v5 =	vmul.f32 v1, v53;
	[tilespmem:s11+$0xA880] =	vst v3;
	v3 =	vadd.f32 $1.000000010e-10, v6  }
0x32f: {  	v6 =	vmul.f32 v0, v30;
	[tilespmem:s11+$0xB080] =	vst v2;
	v2 =	vadd.f32 $1.000000010e-10, v4  }
0x330: {  	v4 =	vmul.f32 v1, v54;
	v5 =	vadd.f32 $1.000000010e-10, v5;
	[tilespmem:s11+$0xA900] =	vst v3  }
0x331: {  	v3 =	vmul.f32 v0, v32;
	v6 =	vadd.f32 $1.000000010e-10, v6;
	[tilespmem:s11+$0xB100] =	vst v2  }
0x332: {  	v2 =	vmul.f32 v1, v55;
	v4 =	vadd.f32 $1.000000010e-10, v4;
	[tilespmem:s11+$0xA980] =	vst v5  }
0x333: {  	v5 =	vmul.f32 v0, v38;
	v3 =	vadd.f32 $1.000000010e-10, v3;
	[tilespmem:s11+$0xB180] =	vst v6  }
0x334: {  	v6 =	vmul.f32 v1, v57;
	v2 =	vadd.f32 $1.000000010e-10, v2;
	[tilespmem:s11+$0xAA00] =	vst v4  }
0x335: {  	v4 =	vmul.f32 v0, v40;
	v5 =	vadd.f32 $1.000000010e-10, v5;
	[tilespmem:s11+$0xB200] =	vst v3  }
0x336: {  	v3 =	vmul.f32 v1, v58;
	v6 =	vadd.f32 $1.000000010e-10, v6;
	[tilespmem:s11+$0xAA80] =	vst v2  }
0x337: {  	v2 =	vmul.f32 v0, v41;
	v4 =	vadd.f32 $1.000000010e-10, v4;
	[tilespmem:s11+$0xB280] =	vst v5  }
0x338: {  	v5 =	vmul.f32 v1, v59;
	v3 =	vadd.f32 $1.000000010e-10, v3;
	[tilespmem:s11+$0xAB00] =	vst v6  }
0x339: {  	v0 =	vmul.f32 v0, v42;
	v2 =	vadd.f32 $1.000000010e-10, v2;
	[tilespmem:s11+$0xB300] =	vst v4  }
0x33a: {  	v1 =	vmul.f32 v1, v61;
	v4 =	vadd.f32 $1.000000010e-10, v5;
	[tilespmem:s11+$0xAB80] =	vst v3  }
0x33b: {  	v0 =	vadd.f32 $1.000000010e-10, v0;
	[tilespmem:s11+$0xB380] =	vst v2  }
0x33c: {  	v1 =	vadd.f32 $1.000000010e-10, v1;
	[tilespmem:s11+$0xAC00] =	vst v4  }
0x33d: {  	[tilespmem:s11+$0xB400] =	vst v0  }
0x33e: {  	[tilespmem:s11+$0xAC80] =	vst v1  }
0x33f: {  	v0 =	vld [tilespmem:s9+$0x8000];
	_ =	sdelay $0x4  }
0x340: {  	[tilespmem:$0x1FED0] =	vst v0  }
0x341: {  	v0 =	vld [tilespmem:s9+$0x7810];
	_ =	sdelay $0x4  }
0x342: {  	v1 =	vld [tilespmem:s9+$0x7C00];
	[tilespmem:$0x1FEE0] =	vst v0  }
0x343: {  	v0 =	vld [tilespmem:s9+$0x7400];
	_ =	sdelay $0x3  }
0x344: {  	v3 =	vld [tilespmem:s9+$0x7800]  }
0x345: {  	v2 =	vld [tilespmem:s9+$0x7410];
	[tilespmem:$0x1FF20] =	vst v0  }
0x346: {  	v0 =	vld [tilespmem:s9+$0x7010];
	_ =	sdelay $0x4  }
0x347: {  	[tilespmem:$0x1FF30] =	vst v0  }
0x348: {  	v0 =	vld [tilespmem:s9+$0x7000];
	_ =	sdelay $0x4  }
0x349: {  	[tilespmem:$0x1FF00] =	vst v0  }
0x34a: {  	v0 =	vld [tilespmem:s9+$0x6C10];
	_ =	sdelay $0x4  }
0x34b: {  	[tilespmem:$0x1FF10] =	vst v0  }
0x34c: {  	v0 =	vld [tilespmem:s9+$0x6810];
	_ =	sdelay $0x4  }
0x34d: {  	v13 =	vld [tilespmem:s9+$0x6C00];
	[tilespmem:$0x1FEF0] =	vst v0  }
0x34e: {  	v14 =	vld [tilespmem:s9+$0x6410]  }
0x34f: {  	v16 =	vld [tilespmem:s9+$0x6010]  }
0x350: {  	v19 =	vld [tilespmem:s9+$0x6000]  }
0x351: {  	v18 =	vld [tilespmem:s9+$0x5C10]  }
0x352: {  	v21 =	vld [tilespmem:s9+$0x5C00]  }
0x353: {  	v20 =	vld [tilespmem:s9+$0x5810]  }
0x354: {  	v23 =	vld [tilespmem:s9+$0x5800]  }
0x355: {  	v22 =	vld [tilespmem:s9+$0x5410]  }
0x356: {  	v25 =	vld [tilespmem:s9+$0x5400]  }
0x357: {  	v24 =	vld [tilespmem:s9+$0x5010]  }
0x358: {  	v27 =	vld [tilespmem:s9+$0x5000]  }
0x359: {  	v26 =	vld [tilespmem:s9+$0x4C10]  }
0x35a: {  	v29 =	vld [tilespmem:s9+$0x4C00]  }
0x35b: {  	v28 =	vld [tilespmem:s9+$0x4810]  }
0x35c: {  	v31 =	vld [tilespmem:s9+$0x4800]  }
0x35d: {  	v30 =	vld [tilespmem:s9+$0x4410]  }
0x35e: {  	v33 =	vld [tilespmem:s9+$0x4400]  }
0x35f: {  	v32 =	vld [tilespmem:s9+$0x4010]  }
0x360: {  	v35 =	vld [tilespmem:s9+$0x4000]  }
0x361: {  	v34 =	vld [tilespmem:s9+$0x3C10]  }
0x362: {  	v37 =	vld [tilespmem:s9+$0x3C00]  }
0x363: {  	v36 =	vld [tilespmem:s9+$0x3810]  }
0x364: {  	v12 =	vld [tilespmem:s9+$0x3800]  }
0x365: {  	v38 =	vld [tilespmem:s9+$0x3410]  }
0x366: {  	v39 =	vld [tilespmem:s9+$0x3400]  }
0x367: {  	v40 =	vld [tilespmem:s9+$0x3010]  }
0x368: {  	v41 =	vld [tilespmem:s9+$0x3000]  }
0x369: {  	v42 =	vld [tilespmem:s9+$0x2C10]  }
0x36a: {  	v43 =	vld [tilespmem:s9+$0x2C00]  }
0x36b: {  	v44 =	vld [tilespmem:s9+$0x2810]  }
0x36c: {  	v45 =	vld [tilespmem:s9+$0x2800]  }
0x36d: {  	v46 =	vld [tilespmem:s9+$0x2410]  }
0x36e: {  	v47 =	vld [tilespmem:s9+$0x2400]  }
0x36f: {  	v48 =	vld [tilespmem:s9+$0x2010]  }
0x370: {  	v49 =	vld [tilespmem:s9+$0x2000]  }
0x371: {  	v56 =	vld [tilespmem:s9+$0x1010]  }
0x372: {  	v5 =	vld [tilespmem:s9+$0x0]  }
0x373: {  	v57 =	vld [tilespmem:s9+$0x1000]  }
0x374: {  	v4 =	vld [tilespmem:s9+$0x10]  }
0x375: {  	v58 =	vld [tilespmem:s9+$0xC10]  }
0x376: {  	v59 =	vld [tilespmem:s9+$0xC00]  }
0x377: {  	v61 =	vld [tilespmem:s9+$0x800]  }
0x378: {  	v62 =	vld [tilespmem:s9+$0x410]  }
0x379: {  	s22 =	simm.s32 $0xA500;
	v63 =	vld [tilespmem:s9+$0x400]  }
0x37a: {  	s1 =	simm.s32 $0xA580;
	v0 =	vld.idx.msk [tilespmem:v5+s22+$0x0], $0xffff  }
0x37b: {  	v7 =	vld.idx.msk [tilespmem:v5+s1+$0x0], $0xffff  }
0x37c: {  	v6 =	vld.idx.msk [tilespmem:v4+s22+$0x0], $0xffff  }
0x37d: {  	v60 =	vld [tilespmem:s9+$0x810]  }
0x37e: {  	s2 =	simm.s32 $0xA600;
	v9 =	vld.idx.msk [tilespmem:v4+s1+$0x0], $0xffff  }
0x37f: {  	v8 =	vld.idx.msk [tilespmem:v5+s2+$0x0], $0xffff;
	v0 =	vmul.f32 v63, v0  }
0x380: {  	s23 =	simm.s32 $0xA680;
	v63 =	vld.idx.msk [tilespmem:v4+s2+$0x0], $0xffff  }
0x381: {  	v10 =	vld.idx.msk [tilespmem:v5+s23+$0x0], $0xffff;
	v7 =	vmul.f32 v61, v7;
	v6 =	vmul.f32 v62, v6;
	v0 =	vadd.f32 $0.0e+00, v0  }
0x382: {  	v61 =	vld.idx.msk [tilespmem:v4+s23+$0x0], $0xffff  }
0x383: {  	s24 =	simm.s32 $0xA700;
	v54 =	vld [tilespmem:s9+$0x1410];
	v6 =	vadd.f32 $0.0e+00, v6;
	v0 =	vadd.f32 v7, v0;
	v7 =	vmul.f32 v60, v9  }
0x384: {  	v8 =	vmul.f32 v59, v8;
	v9 =	vld.idx.msk [tilespmem:v4+s24+$0x0], $0xffff  }
0x385: {  	s25 =	simm.s32 $0xA780;
	v52 =	vld [tilespmem:s9+$0x1810];
	v6 =	vadd.f32 v7, v6;
	v7 =	vmul.f32 v58, v63  }
0x386: {  	v10 =	vmul.f32 v57, v10;
	v0 =	vadd.f32 v8, v0;
	v8 =	vld.idx.msk [tilespmem:v4+s25+$0x0], $0xffff  }
0x387: {  	s26 =	simm.s32 $0xA800;
	v50 =	vld [tilespmem:s9+$0x1C10];
	v6 =	vadd.f32 v7, v6;
	v7 =	vmul.f32 v56, v61  }
0x388: {  	v0 =	vadd.f32 v10, v0;
	v10 =	vld.idx.msk [tilespmem:v4+s26+$0x0], $0xffff  }
0x389: {  	s17 =	simm.s32 $0xA880;
	v51 =	vld [tilespmem:s9+$0x1C00];
	v6 =	vadd.f32 v7, v6;
	v7 =	vmul.f32 v54, v9  }
0x38a: {  	v9 =	vld.idx.msk [tilespmem:v4+s17+$0x0], $0xffff  }
0x38b: {  	s18 =	simm.s32 $0xA900;
	v53 =	vld [tilespmem:s9+$0x1800];
	v6 =	vadd.f32 v7, v6;
	v7 =	vmul.f32 v52, v8  }
0x38c: {  	v8 =	vld.idx.msk [tilespmem:v4+s18+$0x0], $0xffff  }
0x38d: {  	s19 =	simm.s32 $0xA980;
	v55 =	vld [tilespmem:s9+$0x1400];
	v6 =	vadd.f32 v7, v6;
	v7 =	vmul.f32 v50, v10  }
0x38e: {  	v10 =	vld.idx.msk [tilespmem:v4+s19+$0x0], $0xffff  }
0x38f: {  	s20 =	simm.s32 $0xAA00;
	v11 =	vld.idx.msk [tilespmem:v5+s24+$0x0], $0xffff;
	v6 =	vadd.f32 v7, v6;
	v7 =	vmul.f32 v48, v9  }
0x390: {  	v9 =	vld.idx.msk [tilespmem:v4+s20+$0x0], $0xffff  }
0x391: {  	s21 =	simm.s32 $0xAA80;
	v59 =	vld.idx.msk [tilespmem:v5+s25+$0x0], $0xffff;
	v6 =	vadd.f32 v7, v6;
	v7 =	vmul.f32 v46, v8  }
0x392: {  	v8 =	vld.idx.msk [tilespmem:v4+s21+$0x0], $0xffff  }
0x393: {  	s22 =	simm.s32 $0xAB00;
	v60 =	vld.idx.msk [tilespmem:v5+s26+$0x0], $0xffff;
	v6 =	vadd.f32 v7, v6;
	v7 =	vmul.f32 v44, v10  }
0x394: {  	v11 =	vmul.f32 v55, v11;
	v10 =	vld.idx.msk [tilespmem:v4+s22+$0x0], $0xffff  }
0x395: {  	v62 =	vld.idx.msk [tilespmem:v5+s17+$0x0], $0xffff;
	s23 =	simm.s32 $0xAB80;
	v6 =	vadd.f32 v7, v6;
	v7 =	vmul.f32 v42, v9  }
0x396: {  	v53 =	vmul.f32 v53, v59;
	v0 =	vadd.f32 v11, v0;
	v9 =	vld.idx.msk [tilespmem:v4+s23+$0x0], $0xffff  }
0x397: {  	s24 =	simm.s32 $0xAC00;
	v63 =	vld.idx.msk [tilespmem:v5+s18+$0x0], $0xffff;
	v6 =	vadd.f32 v7, v6;
	v7 =	vmul.f32 v40, v8  }
0x398: {  	v11 =	vmul.f32 v51, v60;
	v0 =	vadd.f32 v53, v0;
	v8 =	vld.idx.msk [tilespmem:v4+s24+$0x0], $0xffff  }
0x399: {  	s25 =	simm.s32 $0xAC80;
	v60 =	vld.idx.msk [tilespmem:v5+s19+$0x0], $0xffff;
	v6 =	vadd.f32 v7, v6;
	v7 =	vmul.f32 v38, v10  }
0x39a: {  	v49 =	vmul.f32 v49, v62;
	v0 =	vadd.f32 v11, v0;
	v10 =	vld.idx.msk [tilespmem:v4+s25+$0x0], $0xffff  }
0x39b: {  	v61 =	vld.idx.msk [tilespmem:v5+s20+$0x0], $0xffff;
	s26 =	simm.s32 $0xAD00;
	v6 =	vadd.f32 v7, v6;
	v7 =	vmul.f32 v36, v9  }
0x39c: {  	v11 =	vmul.f32 v47, v63;
	v0 =	vadd.f32 v49, v0;
	v9 =	vld.idx.msk [tilespmem:v4+s26+$0x0], $0xffff  }
0x39d: {  	s28 =	simm.s32 $0xAD80;
	v62 =	vld.idx.msk [tilespmem:v5+s21+$0x0], $0xffff;
	v6 =	vadd.f32 v7, v6;
	v7 =	vmul.f32 v34, v8  }
0x39e: {  	v45 =	vmul.f32 v45, v60;
	v0 =	vadd.f32 v11, v0;
	v8 =	vld.idx.msk [tilespmem:v4+s28+$0x0], $0xffff  }
0x39f: {  	s29 =	simm.s32 $0xAE00;
	v63 =	vld.idx.msk [tilespmem:v5+s22+$0x0], $0xffff;
	v6 =	vadd.f32 v7, v6;
	v7 =	vmul.f32 v32, v10  }
0x3a0: {  	v11 =	vmul.f32 v43, v61;
	v0 =	vadd.f32 v45, v0;
	v10 =	vld.idx.msk [tilespmem:v4+s29+$0x0], $0xffff  }
0x3a1: {  	s30 =	simm.s32 $0xAE80;
	v51 =	vld.idx.msk [tilespmem:v5+s23+$0x0], $0xffff;
	v6 =	vadd.f32 v7, v6;
	v7 =	vmul.f32 v30, v9  }
0x3a2: {  	v41 =	vmul.f32 v41, v62;
	v0 =	vadd.f32 v11, v0;
	v9 =	vld.idx.msk [tilespmem:v4+s30+$0x0], $0xffff  }
0x3a3: {  	s31 =	simm.s32 $0xAF00;
	v52 =	vld.idx.msk [tilespmem:v5+s24+$0x0], $0xffff;
	v6 =	vadd.f32 v7, v6;
	v7 =	vmul.f32 v28, v8  }
0x3a4: {  	v11 =	vmul.f32 v39, v63;
	v0 =	vadd.f32 v41, v0;
	v8 =	vld.idx.msk [tilespmem:v4+s31+$0x0], $0xffff  }
0x3a5: {  	s0 =	simm.s32 $0xAF80;
	v53 =	vld.idx.msk [tilespmem:v5+s25+$0x0], $0xffff;
	v6 =	vadd.f32 v7, v6;
	v7 =	vmul.f32 v26, v10  }
0x3a6: {  	v12 =	vmul.f32 v12, v51;
	v0 =	vadd.f32 v11, v0;
	v10 =	vld.idx.msk [tilespmem:v4+s0+$0x0], $0xffff  }
0x3a7: {  	s1 =	simm.s32 $0xB000;
	v54 =	vld.idx.msk [tilespmem:v5+s26+$0x0], $0xffff;
	v6 =	vadd.f32 v7, v6;
	v7 =	vmul.f32 v24, v9  }
0x3a8: {  	v11 =	vmul.f32 v37, v52;
	v0 =	vadd.f32 v12, v0;
	v9 =	vld.idx.msk [tilespmem:v4+s1+$0x0], $0xffff  }
0x3a9: {  	v55 =	vld.idx.msk [tilespmem:v5+s28+$0x0], $0xffff;
	s2 =	simm.s32 $0xB080;
	v6 =	vadd.f32 v7, v6;
	v7 =	vmul.f32 v22, v8  }
0x3aa: {  	v12 =	vmul.f32 v35, v53;
	v0 =	vadd.f32 v11, v0;
	v8 =	vld.idx.msk [tilespmem:v4+s2+$0x0], $0xffff  }
0x3ab: {  	s6 =	simm.s32 $0xB100;
	v56 =	vld.idx.msk [tilespmem:v5+s29+$0x0], $0xffff;
	v6 =	vadd.f32 v7, v6;
	v7 =	vmul.f32 v20, v10  }
0x3ac: {  	v11 =	vmul.f32 v33, v54;
	v0 =	vadd.f32 v12, v0;
	v10 =	vld.idx.msk [tilespmem:v4+s6+$0x0], $0xffff  }
0x3ad: {  	v57 =	vld.idx.msk [tilespmem:v5+s30+$0x0], $0xffff;
	v6 =	vadd.f32 v7, v6;
	v7 =	vmul.f32 v18, v9  }
0x3ae: {  	v59 =	vld.idx.msk [tilespmem:v5+s0+$0x0], $0xffff;
	v12 =	vmul.f32 v31, v55;
	v0 =	vadd.f32 v11, v0  }
0x3af: {  	v58 =	vld.idx.msk [tilespmem:v5+s31+$0x0], $0xffff;
	v6 =	vadd.f32 v7, v6;
	v7 =	vmul.f32 v16, v8  }
0x3b0: {  	v60 =	vld.idx.msk [tilespmem:v5+s1+$0x0], $0xffff;
	v11 =	vmul.f32 v29, v56;
	v0 =	vadd.f32 v12, v0  }
0x3b1: {  	s4 =	simm.s32 $0xB180;
	v61 =	vld.idx.msk [tilespmem:v5+s2+$0x0], $0xffff;
	v6 =	vadd.f32 v7, v6;
	v7 =	vmul.f32 v14, v10  }
0x3b2: {  	v12 =	vmul.f32 v27, v57;
	v0 =	vadd.f32 v11, v0;
	v9 =	vld.idx.msk [tilespmem:v4+s4+$0x0], $0xffff  }
0x3b3: {  	v6 =	vadd.f32 v7, v6;
	v7 =	vld [tilespmem:$0x1FEF0]  }
0x3b4: {  	v15 =	vld [tilespmem:s9+$0x6800];
	v11 =	vmul.f32 v25, v58;
	v0 =	vadd.f32 v12, v0  }
0x3b5: {  	v17 =	vld [tilespmem:s9+$0x6400]  }
0x3b6: {  	v62 =	vld.idx.msk [tilespmem:v5+s6+$0x0], $0xffff;
	v12 =	vmul.f32 v23, v59;
	v0 =	vadd.f32 v11, v0  }
0x3b7: {  	s8 =	simm.s32 $0xB200;
	v63 =	vld.idx.msk [tilespmem:v5+s4+$0x0], $0xffff;
	v11 =	vmul.f32 v21, v60  }
0x3b8: {  	v0 =	vadd.f32 v12, v0;
	v12 =	vmul.f32 v19, v61;
	v19 =	vld.idx.msk [tilespmem:v5+s8+$0x0], $0xffff;
	v7 =	vmul.f32 v7, v9  }
0x3b9: {  	v8 =	vld.idx.msk [tilespmem:v4+s8+$0x0], $0xffff  }
0x3ba: {  	s3 =	simm.s32 $0xB280;
	v0 =	vadd.f32 v11, v0;
	v6 =	vadd.f32 v7, v6;
	v7 =	vld [tilespmem:$0x1FF10]  }
0x3bb: {  	s7 =	simm.s32 $0xB300;
	v11 =	vmul.f32 v17, v62;
	v17 =	vld.idx.msk [tilespmem:v5+s3+$0x0], $0xffff  }
0x3bc: {  	v0 =	vadd.f32 v12, v0;
	v12 =	vmul.f32 v15, v63;
	v15 =	vld.idx.msk [tilespmem:v5+s7+$0x0], $0xffff  }
0x3bd: {  	v16 =	vld.idx.msk [tilespmem:v4+s7+$0x0], $0xffff  }
0x3be: {  	v0 =	vadd.f32 v11, v0;
	v11 =	vld.idx.msk [tilespmem:v4+s3+$0x0], $0xffff  }
0x3bf: {  	v9 =	vld [tilespmem:$0x1FF00];
	v7 =	vmul.f32 v7, v8  }
0x3c0: {  	v8 =	vld [tilespmem:$0x1FF20]  }
0x3c1: {  	s5 =	simm.s32 $0xB380;
	v6 =	vadd.f32 v7, v6;
	v7 =	vld [tilespmem:$0x1FF30]  }
0x3c2: {  	s10 =	simm.s32 $0xB400;
	v10 =	vmul.f32 v13, v19;
	v13 =	vld.idx.msk [tilespmem:v5+s5+$0x0], $0xffff;
	v0 =	vadd.f32 v12, v0  }
0x3c3: {  	v12 =	vld.idx.msk [tilespmem:v5+s10+$0x0], $0xffff  }
0x3c4: {  	s12 =	simm.s32 $0xB480;
	v0 =	vadd.f32 v10, v0;
	v10 =	vld.idx.msk [tilespmem:v4+s5+$0x0], $0xffff;
	v14 =	vmul.f32 v9, v17  }
0x3c5: {  	v9 =	vld.idx.msk [tilespmem:v5+s12+$0x0], $0xffff  }
0x3c6: {  	v0 =	vadd.f32 v14, v0;
	v15 =	vmul.f32 v8, v15;
	v8 =	vld.idx.msk [tilespmem:v4+s10+$0x0], $0xffff;
	v11 =	vmul.f32 v7, v11  }
0x3c7: {  	v18 =	vimm.f32 $0.0e+00;
	v13 =	vmul.f32 v3, v13;
	v7 =	vld [tilespmem:s9+$0x7C10]  }
0x3c8: {  	s13 =	simm.s32 $0x0;
	s14 =	simm.s32 $0x80;
	s11 =	simm.s32 $0xB500;
	v14 =	vadd.f32 v15, v0;
	v15 =	vadd.f32 v11, v6;
	v6 =	vmul.f32 v2, v16;
	v11 =	vld.idx.msk [tilespmem:v4+s12+$0x0], $0xffff  }
.LBB2_5:
0x3c9: {  	_ = 	snop  }
0x3ca: {  	v5 =	vld.idx.msk [tilespmem:v5+s11+$0x0], $0xffff  }
0x3cb: {  	v4 =	vld.idx.msk [tilespmem:v4+s11+$0x0], $0xffff  }
0x3cc: {  	v0 =	vmul.f32 v1, v12;
	v12 =	vld [tilespmem:s9+$0x8010]  }
0x3cd: {  	s9 =	sshra.s32 s14, $0x2;
	v1 =	vld [tilespmem:$0x1FEE0]  }
0x3ce: {  	v16 =	vld [tilespmem:s9+$0x8000]  }
0x3cf: {  	v6 =	vadd.f32 v6, v15;
	v15 =	vld [tilespmem:s9+$0x6800]  }
0x3d0: {  	v17 =	vld [tilespmem:s9+$0x6400]  }
0x3d1: {  	v19 =	vld [tilespmem:s9+$0x6000]  }
0x3d2: {  	v21 =	vld [tilespmem:s9+$0x5C00]  }
0x3d3: {  	v20 =	vld [tilespmem:s9+$0x5810]  }
0x3d4: {  	v23 =	vld [tilespmem:s9+$0x5800]  }
0x3d5: {  	v22 =	vld [tilespmem:s9+$0x5410]  }
0x3d6: {  	v25 =	vld [tilespmem:s9+$0x5400]  }
0x3d7: {  	v24 =	vld [tilespmem:s9+$0x5010]  }
0x3d8: {  	v27 =	vld [tilespmem:s9+$0x5000]  }
0x3d9: {  	v26 =	vld [tilespmem:s9+$0x4C10]  }
0x3da: {  	v29 =	vld [tilespmem:s9+$0x4C00]  }
0x3db: {  	v28 =	vld [tilespmem:s9+$0x4810]  }
0x3dc: {  	v31 =	vld [tilespmem:s9+$0x4800]  }
0x3dd: {  	v30 =	vld [tilespmem:s9+$0x4410]  }
0x3de: {  	v33 =	vld [tilespmem:s9+$0x4400]  }
0x3df: {  	v32 =	vld [tilespmem:s9+$0x4010]  }
0x3e0: {  	v35 =	vld [tilespmem:s9+$0x4000]  }
0x3e1: {  	v34 =	vld [tilespmem:s9+$0x3C10]  }
0x3e2: {  	v37 =	vld [tilespmem:s9+$0x3C00]  }
0x3e3: {  	v36 =	vld [tilespmem:s9+$0x3810]  }
0x3e4: {  	v10 =	vmul.f32 v1, v10;
	v1 =	vld [tilespmem:s9+$0x7C00]  }
0x3e5: {  	v39 =	vld [tilespmem:s9+$0x3800]  }
0x3e6: {  	v38 =	vld [tilespmem:s9+$0x3410]  }
0x3e7: {  	v41 =	vld [tilespmem:s9+$0x3400]  }
0x3e8: {  	v40 =	vld [tilespmem:s9+$0x3010]  }
0x3e9: {  	[tilespmem:$0x1FEB0] =	vst v1;
	v1 =	vld [tilespmem:$0x1FED0]  }
0x3ea: {  	v43 =	vld [tilespmem:s9+$0x3000]  }
0x3eb: {  	v42 =	vld [tilespmem:s9+$0x2C10]  }
0x3ec: {  	v45 =	vld [tilespmem:s9+$0x2C00]  }
0x3ed: {  	v44 =	vld [tilespmem:s9+$0x2810]  }
0x3ee: {  	v2 =	vmul.f32 v1, v9;
	v1 =	vld [tilespmem:s9+$0x7810]  }
0x3ef: {  	v46 =	vld [tilespmem:s9+$0x2410]  }
0x3f0: {  	v47 =	vld [tilespmem:s9+$0x2400]  }
0x3f1: {  	v48 =	vld [tilespmem:s9+$0x2010]  }
0x3f2: {  	v49 =	vld [tilespmem:s9+$0x2000]  }
0x3f3: {  	[tilespmem:$0x1FEE0] =	vst v1;
	v1 =	vld [tilespmem:s9+$0x7800]  }
0x3f4: {  	v50 =	vld [tilespmem:s9+$0x1C10]  }
0x3f5: {  	v51 =	vld [tilespmem:s9+$0x1C00]  }
0x3f6: {  	v13 =	vadd.f32 v13, v14;
	v52 =	vld [tilespmem:s9+$0x1810]  }
0x3f7: {  	v53 =	vld [tilespmem:s9+$0x1800]  }
0x3f8: {  	v8 =	vmul.f32 v7, v8;
	v0 =	vadd.f32 v0, v13;
	v9 =	vadd.f32 v10, v6;
	[tilespmem:$0x1FEA0] =	vst v1;
	v1 =	vld [tilespmem:s9+$0x7410]  }
0x3f9: {  	v54 =	vld [tilespmem:s9+$0x1410]  }
0x3fa: {  	v55 =	vld [tilespmem:s9+$0x1400];
	v11 =	vmul.f32 v12, v11;
	v0 =	vadd.f32 v2, v0;
	v10 =	vadd.f32 v8, v9  }
0x3fb: {  	v56 =	vld [tilespmem:s9+$0x1010]  }
0x3fc: {  	v57 =	vld [tilespmem:s9+$0x1000];
	v0 =	vsub.f32 $2.000000000e+00, v0;
	v11 =	vadd.f32 v11, v10  }
0x3fd: {  	[tilespmem:$0x1FEC0] =	vst v1;
	v1 =	vld [tilespmem:s9+$0x7400]  }
0x3fe: {  	v58 =	vld [tilespmem:s9+$0xC10];
	v0 =	vmul.f32 $5.000000000e-01, v0;
	v12 =	vsub.f32 $2.000000000e+00, v11  }
0x3ff: {  	v59 =	vld [tilespmem:s9+$0xC00]  }
0x400: {  	v60 =	vld [tilespmem:s9+$0x810];
	v0 =	vadd.f32 $-1.000000010e-01, v0;
	v14 =	vmul.f32 $5.000000000e-01, v12  }
0x401: {  	v61 =	vld [tilespmem:s9+$0x800]  }
0x402: {  	v62 =	vld [tilespmem:s9+$0x410];
	v0 =	vmax.f32 v0, $0.0e+00;
	[tilespmem:$0x1FE80] =	vst v1;
	v1 =	vmov v16;
	v16 =	vadd.f32 $-1.000000010e-01, v14  }
0x403: {  	v0 =	vmul.f32 v0, v5;
	[tilespmem:$0x1FED0] =	vst v1;
	v1 =	vld [tilespmem:s9+$0x7010]  }
0x404: {  	v63 =	vld [tilespmem:s9+$0x400];
	v5 =	vmax.f32 v16, $0.0e+00  }
0x405: {  	v0 =	vadd.f32 v0, v18;
	v4 =	vmul.f32 v5, v4;
	v5 =	vld [tilespmem:s9+$0x0]  }
0x406: {  	v13 =	vld [tilespmem:s9+$0x6C00]  }
0x407: {  	v18 =	vadd.f32 v4, v0;
	v4 =	vld [tilespmem:s9+$0x10]  }
0x408: {  	[tilespmem:$0x1FE90] =	vst v1;
	v1 =	vld [tilespmem:s9+$0x7000]  }
0x409: {  	v9 =	vld [tilespmem:s9+$0x2800]  }
0x40a: {  	v10 =	vld [tilespmem:s9+$0x5C10]  }
0x40b: {  	v12 =	vld [tilespmem:s9+$0x6810]  }
0x40c: {  	s15 =	simm.s32 $0xA500;
	v14 =	vld [tilespmem:s9+$0x6410]  }
0x40d: {  	s16 =	simm.s32 $0xA580;
	[tilespmem:$0x1FE70] =	vst v1;
	v1 =	vld.idx.msk [tilespmem:v5+s15+$0x0], $0xffff  }
0x40e: {  	v2 =	vld.idx.msk [tilespmem:v5+s16+$0x0], $0xffff  }
0x40f: {  	v3 =	vld.idx.msk [tilespmem:v4+s15+$0x0], $0xffff;
	s15 =	simm.s32 $0xA600  }
0x410: {  	v0 =	vld.idx.msk [tilespmem:v5+s15+$0x0], $0xffff  }
0x411: {  	v6 =	vld.idx.msk [tilespmem:v4+s16+$0x0], $0xffff  }
0x412: {  	v16 =	vld [tilespmem:s9+$0x6010];
	v1 =	vmul.f32 v63, v1  }
0x413: {  	s16 =	simm.s32 $0xA680;
	v63 =	vld.idx.msk [tilespmem:v4+s15+$0x0], $0xffff  }
0x414: {  	v7 =	vld.idx.msk [tilespmem:v5+s16+$0x0], $0xffff;
	v2 =	vmul.f32 v61, v2;
	v1 =	vadd.f32 $0.0e+00, v1;
	v3 =	vmul.f32 v62, v3  }
0x415: {  	s15 =	simm.s32 $0xA700;
	v61 =	vld.idx.msk [tilespmem:v4+s16+$0x0], $0xffff;
	v0 =	vmul.f32 v59, v0  }
0x416: {  	v8 =	vld.idx.msk [tilespmem:v5+s15+$0x0], $0xffff;
	v1 =	vadd.f32 v2, v1;
	v2 =	vadd.f32 $0.0e+00, v3;
	v3 =	vmul.f32 v60, v6  }
0x417: {  	s16 =	simm.s32 $0xA780;
	v6 =	vld.idx.msk [tilespmem:v4+s15+$0x0], $0xffff  }
0x418: {  	v59 =	vld.idx.msk [tilespmem:v5+s16+$0x0], $0xffff;
	v0 =	vadd.f32 v0, v1;
	v1 =	vadd.f32 v3, v2;
	v2 =	vmul.f32 v58, v63  }
0x419: {  	v7 =	vmul.f32 v57, v7;
	s15 =	simm.s32 $0xA800;
	v3 =	vld.idx.msk [tilespmem:v4+s16+$0x0], $0xffff  }
0x41a: {  	v60 =	vld.idx.msk [tilespmem:v5+s15+$0x0], $0xffff;
	v1 =	vadd.f32 v2, v1;
	v2 =	vmul.f32 v56, v61  }
0x41b: {  	v8 =	vmul.f32 v55, v8;
	v0 =	vadd.f32 v7, v0;
	v7 =	vld.idx.msk [tilespmem:v4+s15+$0x0], $0xffff  }
0x41c: {  	v62 =	vld.idx.msk [tilespmem:v5+s17+$0x0], $0xffff;
	v1 =	vadd.f32 v2, v1;
	v2 =	vmul.f32 v54, v6  }
0x41d: {  	v53 =	vmul.f32 v53, v59;
	v0 =	vadd.f32 v8, v0;
	v6 =	vld.idx.msk [tilespmem:v4+s17+$0x0], $0xffff  }
0x41e: {  	v63 =	vld.idx.msk [tilespmem:v5+s18+$0x0], $0xffff;
	v1 =	vadd.f32 v2, v1;
	v2 =	vmul.f32 v52, v3  }
0x41f: {  	v8 =	vmul.f32 v51, v60;
	v0 =	vadd.f32 v53, v0;
	v3 =	vld.idx.msk [tilespmem:v4+s18+$0x0], $0xffff  }
0x420: {  	v60 =	vld.idx.msk [tilespmem:v5+s19+$0x0], $0xffff;
	v1 =	vadd.f32 v2, v1;
	v2 =	vmul.f32 v50, v7  }
0x421: {  	v49 =	vmul.f32 v49, v62;
	v0 =	vadd.f32 v8, v0;
	v7 =	vld.idx.msk [tilespmem:v4+s19+$0x0], $0xffff  }
0x422: {  	v61 =	vld.idx.msk [tilespmem:v5+s20+$0x0], $0xffff;
	v1 =	vadd.f32 v2, v1;
	v2 =	vmul.f32 v48, v6  }
0x423: {  	v8 =	vmul.f32 v47, v63;
	v0 =	vadd.f32 v49, v0;
	v6 =	vld.idx.msk [tilespmem:v4+s20+$0x0], $0xffff  }
0x424: {  	v62 =	vld.idx.msk [tilespmem:v5+s21+$0x0], $0xffff;
	v1 =	vadd.f32 v2, v1;
	v2 =	vmul.f32 v46, v3  }
0x425: {  	v9 =	vmul.f32 v9, v60;
	v0 =	vadd.f32 v8, v0;
	v3 =	vld.idx.msk [tilespmem:v4+s21+$0x0], $0xffff  }
0x426: {  	v63 =	vld.idx.msk [tilespmem:v5+s22+$0x0], $0xffff;
	v1 =	vadd.f32 v2, v1;
	v2 =	vmul.f32 v44, v7  }
0x427: {  	v8 =	vmul.f32 v45, v61;
	v0 =	vadd.f32 v9, v0;
	v7 =	vld.idx.msk [tilespmem:v4+s22+$0x0], $0xffff  }
0x428: {  	v51 =	vld.idx.msk [tilespmem:v5+s23+$0x0], $0xffff;
	v1 =	vadd.f32 v2, v1;
	v2 =	vmul.f32 v42, v6  }
0x429: {  	v9 =	vmul.f32 v43, v62;
	v0 =	vadd.f32 v8, v0;
	v6 =	vld.idx.msk [tilespmem:v4+s23+$0x0], $0xffff  }
0x42a: {  	v52 =	vld.idx.msk [tilespmem:v5+s24+$0x0], $0xffff;
	v1 =	vadd.f32 v2, v1;
	v2 =	vmul.f32 v40, v3  }
0x42b: {  	v8 =	vmul.f32 v41, v63;
	v0 =	vadd.f32 v9, v0;
	v3 =	vld.idx.msk [tilespmem:v4+s24+$0x0], $0xffff  }
0x42c: {  	v53 =	vld.idx.msk [tilespmem:v5+s25+$0x0], $0xffff;
	v1 =	vadd.f32 v2, v1;
	v2 =	vmul.f32 v38, v7  }
0x42d: {  	v9 =	vmul.f32 v39, v51;
	v0 =	vadd.f32 v8, v0;
	v7 =	vld.idx.msk [tilespmem:v4+s25+$0x0], $0xffff  }
0x42e: {  	v54 =	vld.idx.msk [tilespmem:v5+s26+$0x0], $0xffff;
	v1 =	vadd.f32 v2, v1;
	v2 =	vmul.f32 v36, v6  }
0x42f: {  	v8 =	vmul.f32 v37, v52;
	v0 =	vadd.f32 v9, v0;
	v6 =	vld.idx.msk [tilespmem:v4+s26+$0x0], $0xffff  }
0x430: {  	v55 =	vld.idx.msk [tilespmem:v5+s28+$0x0], $0xffff;
	v1 =	vadd.f32 v2, v1;
	v2 =	vmul.f32 v34, v3  }
0x431: {  	v9 =	vmul.f32 v35, v53;
	v0 =	vadd.f32 v8, v0;
	v3 =	vld.idx.msk [tilespmem:v4+s28+$0x0], $0xffff  }
0x432: {  	v56 =	vld.idx.msk [tilespmem:v5+s29+$0x0], $0xffff;
	v1 =	vadd.f32 v2, v1;
	v2 =	vmul.f32 v32, v7  }
0x433: {  	v8 =	vmul.f32 v33, v54;
	v0 =	vadd.f32 v9, v0;
	v7 =	vld.idx.msk [tilespmem:v4+s29+$0x0], $0xffff  }
0x434: {  	v57 =	vld.idx.msk [tilespmem:v5+s30+$0x0], $0xffff;
	v1 =	vadd.f32 v2, v1;
	v2 =	vmul.f32 v30, v6  }
0x435: {  	v9 =	vmul.f32 v31, v55;
	v0 =	vadd.f32 v8, v0;
	v6 =	vld.idx.msk [tilespmem:v4+s30+$0x0], $0xffff  }
0x436: {  	v58 =	vld.idx.msk [tilespmem:v5+s31+$0x0], $0xffff;
	v1 =	vadd.f32 v2, v1;
	v2 =	vmul.f32 v28, v3  }
0x437: {  	v8 =	vmul.f32 v29, v56;
	v0 =	vadd.f32 v9, v0;
	v3 =	vld.idx.msk [tilespmem:v4+s31+$0x0], $0xffff  }
0x438: {  	v59 =	vld.idx.msk [tilespmem:v5+s0+$0x0], $0xffff;
	v1 =	vadd.f32 v2, v1;
	v2 =	vmul.f32 v26, v7  }
0x439: {  	v9 =	vmul.f32 v27, v57;
	v0 =	vadd.f32 v8, v0;
	v7 =	vld.idx.msk [tilespmem:v4+s0+$0x0], $0xffff  }
0x43a: {  	v60 =	vld.idx.msk [tilespmem:v5+s1+$0x0], $0xffff;
	v1 =	vadd.f32 v2, v1;
	v2 =	vmul.f32 v24, v6  }
0x43b: {  	v8 =	vmul.f32 v25, v58;
	v0 =	vadd.f32 v9, v0;
	v6 =	vld.idx.msk [tilespmem:v4+s1+$0x0], $0xffff  }
0x43c: {  	v61 =	vld.idx.msk [tilespmem:v5+s2+$0x0], $0xffff;
	v1 =	vadd.f32 v2, v1;
	v2 =	vmul.f32 v22, v3  }
0x43d: {  	v9 =	vmul.f32 v23, v59;
	v0 =	vadd.f32 v8, v0;
	v3 =	vld.idx.msk [tilespmem:v4+s2+$0x0], $0xffff  }
0x43e: {  	v62 =	vld.idx.msk [tilespmem:v5+s6+$0x0], $0xffff;
	v1 =	vadd.f32 v2, v1;
	v2 =	vmul.f32 v20, v7  }
0x43f: {  	v8 =	vmul.f32 v21, v60;
	v0 =	vadd.f32 v9, v0;
	v7 =	vld.idx.msk [tilespmem:v4+s6+$0x0], $0xffff  }
0x440: {  	v63 =	vld.idx.msk [tilespmem:v5+s4+$0x0], $0xffff;
	v1 =	vadd.f32 v2, v1;
	v2 =	vmul.f32 v10, v6  }
0x441: {  	v9 =	vmul.f32 v19, v61;
	v0 =	vadd.f32 v8, v0;
	v6 =	vld.idx.msk [tilespmem:v4+s4+$0x0], $0xffff  }
0x442: {  	v11 =	vld [tilespmem:s9+$0x6C10];
	v1 =	vadd.f32 v2, v1;
	v2 =	vmul.f32 v16, v3  }
0x443: {  	v8 =	vmul.f32 v17, v62;
	v0 =	vadd.f32 v9, v0;
	v3 =	vld.idx.msk [tilespmem:v4+s8+$0x0], $0xffff  }
0x444: {  	v19 =	vld.idx.msk [tilespmem:v5+s8+$0x0], $0xffff;
	v1 =	vadd.f32 v2, v1;
	v2 =	vmul.f32 v14, v7  }
0x445: {  	v17 =	vld.idx.msk [tilespmem:v5+s3+$0x0], $0xffff;
	v9 =	vmul.f32 v15, v63;
	v0 =	vadd.f32 v8, v0  }
0x446: {  	v15 =	vld.idx.msk [tilespmem:v5+s7+$0x0], $0xffff;
	v1 =	vadd.f32 v2, v1;
	v2 =	vmul.f32 v12, v6  }
0x447: {  	v0 =	vadd.f32 v9, v0;
	v9 =	vld [tilespmem:$0x1FE70]  }
0x448: {  	v7 =	vld.idx.msk [tilespmem:v4+s3+$0x0], $0xffff;
	v1 =	vadd.f32 v2, v1;
	v2 =	vmul.f32 v11, v3  }
0x449: {  	v3 =	vld [tilespmem:$0x1FE80]  }
0x44a: {  	v8 =	vmul.f32 v13, v19;
	v1 =	vadd.f32 v2, v1;
	v2 =	vld [tilespmem:$0x1FE90]  }
0x44b: {  	v10 =	vld.idx.msk [tilespmem:v4+s5+$0x0], $0xffff  }
0x44c: {  	v13 =	vld.idx.msk [tilespmem:v5+s5+$0x0], $0xffff;
	v0 =	vadd.f32 v8, v0;
	v14 =	vmul.f32 v9, v17  }
0x44d: {  	v6 =	vld.idx.msk [tilespmem:v4+s7+$0x0], $0xffff  }
0x44e: {  	v12 =	vld.idx.msk [tilespmem:v5+s10+$0x0], $0xffff;
	v3 =	vmul.f32 v3, v15;
	v0 =	vadd.f32 v14, v0  }
0x44f: {  	s13 =	sadd.s32 $0x2, s13;
	v2 =	vmul.f32 v2, v7;
	v7 =	vld [tilespmem:$0x1FEA0]  }
0x450: {  	p1 =	slt.u32 s13, $0x3E;
	v14 =	vadd.f32 v3, v0;
	v0 =	vld [tilespmem:$0x1FEC0]  }
.Ltmp2:
0x451: {  	v8 =	vld.idx.msk [tilespmem:v4+s10+$0x0], $0xffff;
	(pc) =	sbr.rel @p1 .LBB2_5-.Ltmp2, $4  }
0x452: {  	v11 =	vld.idx.msk [tilespmem:v4+s12+$0x0], $0xffff  }
0x453: {  	v9 =	vld.idx.msk [tilespmem:v5+s12+$0x0], $0xffff  }
0x454: {  	v15 =	vadd.f32 v2, v1;
	v1 =	vld [tilespmem:$0x1FEB0]  }
0x455: {  	s14 =	sadd.s32 $0x80, s14;
	v13 =	vmul.f32 v7, v13;
	v7 =	vld [tilespmem:s9+$0x7C10];
	v6 =	vmul.f32 v0, v6  }
0x456: {  	v62 =	vld [tilespmem:$0x1FEE0]  }
0x457: {  	v63 =	vld [tilespmem:$0x1FED0];
	_ =	sdelay $0x2  }
0x458: {  	v0 =	vmul.f32 v1, v12;
	v1 =	vld [tilespmem:s9+$0x8010]  }
0x459: {  	v2 =	vadd.f32 v13, v14;
	v3 =	vadd.f32 v6, v15;
	v6 =	vmul.f32 v62, v10  }
0x45a: {  	v9 =	vmul.f32 v63, v9  }
0x45b: {  	v0 =	vadd.f32 v0, v2;
	v2 =	vadd.f32 v6, v3;
	v3 =	vmul.f32 v7, v8;
	_ =	sdelay $0x1  }
0x45c: {  	v0 =	vadd.f32 v9, v0;
	v1 =	vmul.f32 v1, v11;
	v2 =	vadd.f32 v3, v2;
	_ =	sdelay $0x1  }
0x45d: {  	v0 =	vsub.f32 $2.000000000e+00, v0;
	v1 =	vadd.f32 v1, v2;
	_ =	sdelay $0x1  }
0x45e: {  	v2 =	vld.idx.msk [tilespmem:v5+s11+$0x0], $0xffff;
	v0 =	vmul.f32 $5.000000000e-01, v0;
	v1 =	vsub.f32 $2.000000000e+00, v1;
	_ =	sdelay $0x1  }
0x45f: {  	v3 =	vld.idx.msk [tilespmem:v4+s11+$0x0], $0xffff;
	v0 =	vadd.f32 $-1.000000010e-01, v0;
	v1 =	vmul.f32 $5.000000000e-01, v1;
	_ =	sdelay $0x1  }
0x460: {  	v0 =	vmax.f32 v0, $0.0e+00;
	v1 =	vadd.f32 $-1.000000010e-01, v1  }
0x461: {  	v0 =	vmul.f32 v0, v2  }
0x462: {  	v1 =	vmax.f32 v1, $0.0e+00  }
0x463: {  	v0 =	vadd.f32 v0, v18;
	v1 =	vmul.f32 v1, v3;
	_ =	sdelay $0x1  }
0x464: {  	v0 =	vadd.f32 v1, v0;
	_ =	sdelay $0x1  }
0x465: {  	v0 =	vmul.f32 $7.812500000e-03, v0;
	_ =	sdelay $0x1  }
0x466: {  	s0 =	simm.s32 $0x0;
	[tilespmem:$0xDC90] =	vst v0  }
0x467: {  	v0 =	vld [tilespmem:s0+$0xB600];
	_ =	sdelay $0x4  }
0x468: {  	s1 =	simm.s32 $0xA500  }
0x469: {  	[dreg:$0x7] =	wrdreg s1  }
0x46a: {  	s1 =	rddreg [dreg:$0x7]  }
0x46b: {  	v1 =	vld.idx.msk [tilespmem:v0+s1+$0x0], $0xffff;
	_ =	sdelay $0x2  }
0x46c: {  	s22 =	simm.s32 $0xA580  }
0x46d: {  	[dreg:$0x8] =	wrdreg s22  }
0x46e: {  	s1 =	rddreg [dreg:$0x8];
	[tilespmem:s0+$0xBC90] =	vst v1  }
0x46f: {  	v1 =	vld.idx.msk [tilespmem:v0+s1+$0x0], $0xffff;
	_ =	sdelay $0x2  }
0x470: {  	s23 =	simm.s32 $0xA600  }
0x471: {  	[dreg:$0x9] =	wrdreg s23  }
0x472: {  	s1 =	rddreg [dreg:$0x9];
	[tilespmem:s0+$0xBD10] =	vst v1  }
0x473: {  	v1 =	vld.idx.msk [tilespmem:v0+s1+$0x0], $0xffff;
	_ =	sdelay $0x2  }
0x474: {  	s24 =	simm.s32 $0xA680  }
0x475: {  	[dreg:$0xa] =	wrdreg s24  }
0x476: {  	s1 =	rddreg [dreg:$0xa];
	[tilespmem:s0+$0xBD90] =	vst v1  }
0x477: {  	v1 =	vld.idx.msk [tilespmem:v0+s1+$0x0], $0xffff;
	_ =	sdelay $0x4  }
0x478: {  	s25 =	simm.s32 $0xA700;
	[tilespmem:s0+$0xBE10] =	vst v1  }
0x479: {  	v1 =	vld.idx.msk [tilespmem:v0+s25+$0x0], $0xffff;
	_ =	sdelay $0x4  }
0x47a: {  	s26 =	simm.s32 $0xA780;
	[tilespmem:s0+$0xBE90] =	vst v1  }
0x47b: {  	v1 =	vld.idx.msk [tilespmem:v0+s26+$0x0], $0xffff;
	_ =	sdelay $0x4  }
0x47c: {  	s3 =	simm.s32 $0xA800;
	[tilespmem:s0+$0xBF10] =	vst v1  }
0x47d: {  	v1 =	vld.idx.msk [tilespmem:v0+s3+$0x0], $0xffff;
	_ =	sdelay $0x4  }
0x47e: {  	s4 =	simm.s32 $0xA880;
	[tilespmem:s0+$0xBF90] =	vst v1  }
0x47f: {  	v1 =	vld.idx.msk [tilespmem:v0+s4+$0x0], $0xffff;
	_ =	sdelay $0x4  }
0x480: {  	s5 =	simm.s32 $0xA900;
	[tilespmem:s0+$0xC010] =	vst v1  }
0x481: {  	v1 =	vld.idx.msk [tilespmem:v0+s5+$0x0], $0xffff;
	_ =	sdelay $0x4  }
0x482: {  	s6 =	simm.s32 $0xA980;
	[tilespmem:s0+$0xC090] =	vst v1  }
0x483: {  	v1 =	vld.idx.msk [tilespmem:v0+s6+$0x0], $0xffff;
	_ =	sdelay $0x4  }
0x484: {  	s7 =	simm.s32 $0xAA00;
	[tilespmem:s0+$0xC110] =	vst v1  }
0x485: {  	v1 =	vld.idx.msk [tilespmem:v0+s7+$0x0], $0xffff;
	_ =	sdelay $0x4  }
0x486: {  	s8 =	simm.s32 $0xAA80;
	[tilespmem:s0+$0xC190] =	vst v1  }
0x487: {  	v1 =	vld.idx.msk [tilespmem:v0+s8+$0x0], $0xffff;
	_ =	sdelay $0x4  }
0x488: {  	s9 =	simm.s32 $0xAB00;
	[tilespmem:s0+$0xC210] =	vst v1  }
0x489: {  	v1 =	vld.idx.msk [tilespmem:v0+s9+$0x0], $0xffff;
	_ =	sdelay $0x4  }
0x48a: {  	s10 =	simm.s32 $0xAB80;
	[tilespmem:s0+$0xC290] =	vst v1  }
0x48b: {  	v1 =	vld.idx.msk [tilespmem:v0+s10+$0x0], $0xffff;
	_ =	sdelay $0x4  }
0x48c: {  	s11 =	simm.s32 $0xAC00;
	[tilespmem:s0+$0xC310] =	vst v1  }
0x48d: {  	v1 =	vld.idx.msk [tilespmem:v0+s11+$0x0], $0xffff;
	_ =	sdelay $0x4  }
0x48e: {  	s12 =	simm.s32 $0xAC80;
	[tilespmem:s0+$0xC390] =	vst v1  }
0x48f: {  	v1 =	vld.idx.msk [tilespmem:v0+s12+$0x0], $0xffff;
	_ =	sdelay $0x4  }
0x490: {  	s13 =	simm.s32 $0xAD00;
	[tilespmem:s0+$0xC410] =	vst v1  }
0x491: {  	v1 =	vld.idx.msk [tilespmem:v0+s13+$0x0], $0xffff;
	_ =	sdelay $0x4  }
0x492: {  	s14 =	simm.s32 $0xAD80;
	[tilespmem:s0+$0xC490] =	vst v1  }
0x493: {  	v1 =	vld.idx.msk [tilespmem:v0+s14+$0x0], $0xffff;
	_ =	sdelay $0x4  }
0x494: {  	s15 =	simm.s32 $0xAE00;
	[tilespmem:s0+$0xC510] =	vst v1  }
0x495: {  	v1 =	vld.idx.msk [tilespmem:v0+s15+$0x0], $0xffff;
	_ =	sdelay $0x4  }
0x496: {  	s16 =	simm.s32 $0xAE80;
	[tilespmem:s0+$0xC590] =	vst v1  }
0x497: {  	v1 =	vld.idx.msk [tilespmem:v0+s16+$0x0], $0xffff;
	_ =	sdelay $0x4  }
0x498: {  	s17 =	simm.s32 $0xAF00;
	[tilespmem:s0+$0xC610] =	vst v1  }
0x499: {  	v1 =	vld.idx.msk [tilespmem:v0+s17+$0x0], $0xffff;
	_ =	sdelay $0x4  }
0x49a: {  	s18 =	simm.s32 $0xAF80;
	[tilespmem:s0+$0xC690] =	vst v1  }
0x49b: {  	v1 =	vld.idx.msk [tilespmem:v0+s18+$0x0], $0xffff;
	_ =	sdelay $0x4  }
0x49c: {  	s19 =	simm.s32 $0xB000;
	[tilespmem:s0+$0xC710] =	vst v1  }
0x49d: {  	v1 =	vld.idx.msk [tilespmem:v0+s19+$0x0], $0xffff;
	_ =	sdelay $0x4  }
0x49e: {  	s20 =	simm.s32 $0xB080;
	[tilespmem:s0+$0xC790] =	vst v1  }
0x49f: {  	v1 =	vld.idx.msk [tilespmem:v0+s20+$0x0], $0xffff;
	_ =	sdelay $0x4  }
0x4a0: {  	s21 =	simm.s32 $0xB100;
	[tilespmem:s0+$0xC810] =	vst v1  }
0x4a1: {  	v1 =	vld.idx.msk [tilespmem:v0+s21+$0x0], $0xffff;
	_ =	sdelay $0x4  }
0x4a2: {  	s22 =	simm.s32 $0xB180;
	[tilespmem:s0+$0xC890] =	vst v1  }
0x4a3: {  	v1 =	vld.idx.msk [tilespmem:v0+s22+$0x0], $0xffff;
	_ =	sdelay $0x4  }
0x4a4: {  	s23 =	simm.s32 $0xB200;
	[tilespmem:s0+$0xC910] =	vst v1  }
0x4a5: {  	v1 =	vld.idx.msk [tilespmem:v0+s23+$0x0], $0xffff;
	_ =	sdelay $0x4  }
0x4a6: {  	s24 =	simm.s32 $0xB280;
	[tilespmem:s0+$0xC990] =	vst v1  }
0x4a7: {  	v1 =	vld.idx.msk [tilespmem:v0+s24+$0x0], $0xffff;
	_ =	sdelay $0x4  }
0x4a8: {  	s25 =	simm.s32 $0xB300;
	[tilespmem:s0+$0xCA10] =	vst v1  }
0x4a9: {  	v1 =	vld.idx.msk [tilespmem:v0+s25+$0x0], $0xffff;
	_ =	sdelay $0x4  }
0x4aa: {  	s26 =	simm.s32 $0xB380;
	[tilespmem:s0+$0xCA90] =	vst v1  }
0x4ab: {  	v1 =	vld.idx.msk [tilespmem:v0+s26+$0x0], $0xffff;
	_ =	sdelay $0x4  }
0x4ac: {  	s2 =	simm.s32 $0xA780;
	s28 =	simm.s32 $0xB400;
	[tilespmem:s0+$0xCB10] =	vst v1  }
0x4ad: {  	s29 =	simm.s32 $0xB480;
	s31 =	simm.s32 $0x10;
	s30 =	simm.s32 $0x80;
	v1 =	vld.idx.msk [tilespmem:v0+s28+$0x0], $0xffff  }
.LBB2_7:
0x4ae: {  	_ =	sdelay $0x2  }
0x4af: {  	v2 =	vld [tilespmem:s31+$0xB600]  }
0x4b0: {  	[tilespmem:s0+$0xCB90] =	vst v1  }
0x4b1: {  	v1 =	vld.idx.msk [tilespmem:v0+s29+$0x0], $0xffff;
	_ =	sdelay $0x4  }
0x4b2: {  	s1 =	rddreg [dreg:$0x7];
	[tilespmem:s0+$0xCC10] =	vst v1  }
0x4b3: {  	v1 =	vld.idx.msk [tilespmem:v2+s1+$0x0], $0xffff;
	_ =	sdelay $0x3  }
0x4b4: {  	s0 =	smov.u32 s31  }
0x4b5: {  	s1 =	rddreg [dreg:$0x8];
	[tilespmem:s0+$0xBC90] =	vst v1  }
0x4b6: {  	v1 =	vld.idx.msk [tilespmem:v2+s1+$0x0], $0xffff;
	_ =	sdelay $0x4  }
0x4b7: {  	s1 =	rddreg [dreg:$0x9];
	[tilespmem:s0+$0xBD10] =	vst v1  }
0x4b8: {  	v1 =	vld.idx.msk [tilespmem:v2+s1+$0x0], $0xffff;
	_ =	sdelay $0x4  }
0x4b9: {  	s1 =	rddreg [dreg:$0xa];
	[tilespmem:s0+$0xBD90] =	vst v1  }
0x4ba: {  	v1 =	vld.idx.msk [tilespmem:v2+s1+$0x0], $0xffff;
	_ =	sdelay $0x4  }
0x4bb: {  	s1 =	simm.s32 $0xA700;
	[tilespmem:s0+$0xBE10] =	vst v1  }
0x4bc: {  	v1 =	vld.idx.msk [tilespmem:v2+s1+$0x0], $0xffff  }
0x4bd: {  	v0 =	vmov v2;
	_ =	sdelay $0x3  }
0x4be: {  	[tilespmem:s0+$0xBE90] =	vst v1  }
0x4bf: {  	v1 =	vld.idx.msk [tilespmem:v0+s2+$0x0], $0xffff;
	_ =	sdelay $0x4  }
0x4c0: {  	[tilespmem:s0+$0xBF10] =	vst v1  }
0x4c1: {  	v1 =	vld.idx.msk [tilespmem:v0+s3+$0x0], $0xffff;
	_ =	sdelay $0x4  }
0x4c2: {  	[tilespmem:s0+$0xBF90] =	vst v1  }
0x4c3: {  	v1 =	vld.idx.msk [tilespmem:v0+s4+$0x0], $0xffff;
	_ =	sdelay $0x4  }
0x4c4: {  	[tilespmem:s0+$0xC010] =	vst v1  }
0x4c5: {  	v1 =	vld.idx.msk [tilespmem:v0+s5+$0x0], $0xffff;
	_ =	sdelay $0x4  }
0x4c6: {  	[tilespmem:s0+$0xC090] =	vst v1  }
0x4c7: {  	v1 =	vld.idx.msk [tilespmem:v0+s6+$0x0], $0xffff;
	_ =	sdelay $0x4  }
0x4c8: {  	[tilespmem:s0+$0xC110] =	vst v1  }
0x4c9: {  	v1 =	vld.idx.msk [tilespmem:v0+s7+$0x0], $0xffff;
	_ =	sdelay $0x4  }
0x4ca: {  	[tilespmem:s0+$0xC190] =	vst v1  }
0x4cb: {  	v1 =	vld.idx.msk [tilespmem:v0+s8+$0x0], $0xffff;
	_ =	sdelay $0x4  }
0x4cc: {  	[tilespmem:s0+$0xC210] =	vst v1  }
0x4cd: {  	v1 =	vld.idx.msk [tilespmem:v0+s9+$0x0], $0xffff;
	_ =	sdelay $0x4  }
0x4ce: {  	[tilespmem:s0+$0xC290] =	vst v1  }
0x4cf: {  	v1 =	vld.idx.msk [tilespmem:v0+s10+$0x0], $0xffff;
	_ =	sdelay $0x4  }
0x4d0: {  	[tilespmem:s0+$0xC310] =	vst v1  }
0x4d1: {  	v1 =	vld.idx.msk [tilespmem:v0+s11+$0x0], $0xffff;
	_ =	sdelay $0x4  }
0x4d2: {  	[tilespmem:s0+$0xC390] =	vst v1  }
0x4d3: {  	v1 =	vld.idx.msk [tilespmem:v0+s12+$0x0], $0xffff;
	_ =	sdelay $0x4  }
0x4d4: {  	[tilespmem:s0+$0xC410] =	vst v1  }
0x4d5: {  	v1 =	vld.idx.msk [tilespmem:v0+s13+$0x0], $0xffff;
	_ =	sdelay $0x4  }
0x4d6: {  	[tilespmem:s0+$0xC490] =	vst v1  }
0x4d7: {  	v1 =	vld.idx.msk [tilespmem:v0+s14+$0x0], $0xffff;
	_ =	sdelay $0x4  }
0x4d8: {  	[tilespmem:s0+$0xC510] =	vst v1  }
0x4d9: {  	v1 =	vld.idx.msk [tilespmem:v0+s15+$0x0], $0xffff;
	_ =	sdelay $0x4  }
0x4da: {  	[tilespmem:s0+$0xC590] =	vst v1  }
0x4db: {  	v1 =	vld.idx.msk [tilespmem:v0+s16+$0x0], $0xffff;
	_ =	sdelay $0x4  }
0x4dc: {  	[tilespmem:s0+$0xC610] =	vst v1  }
0x4dd: {  	v1 =	vld.idx.msk [tilespmem:v0+s17+$0x0], $0xffff;
	_ =	sdelay $0x4  }
0x4de: {  	[tilespmem:s0+$0xC690] =	vst v1  }
0x4df: {  	v1 =	vld.idx.msk [tilespmem:v0+s18+$0x0], $0xffff;
	_ =	sdelay $0x4  }
0x4e0: {  	[tilespmem:s0+$0xC710] =	vst v1  }
0x4e1: {  	v1 =	vld.idx.msk [tilespmem:v0+s19+$0x0], $0xffff;
	_ =	sdelay $0x4  }
0x4e2: {  	[tilespmem:s0+$0xC790] =	vst v1  }
0x4e3: {  	v1 =	vld.idx.msk [tilespmem:v0+s20+$0x0], $0xffff;
	_ =	sdelay $0x4  }
0x4e4: {  	[tilespmem:s0+$0xC810] =	vst v1  }
0x4e5: {  	v1 =	vld.idx.msk [tilespmem:v0+s21+$0x0], $0xffff;
	_ =	sdelay $0x4  }
0x4e6: {  	[tilespmem:s0+$0xC890] =	vst v1  }
0x4e7: {  	v1 =	vld.idx.msk [tilespmem:v0+s22+$0x0], $0xffff;
	_ =	sdelay $0x4  }
0x4e8: {  	[tilespmem:s0+$0xC910] =	vst v1  }
0x4e9: {  	v1 =	vld.idx.msk [tilespmem:v0+s23+$0x0], $0xffff;
	_ =	sdelay $0x4  }
0x4ea: {  	[tilespmem:s0+$0xC990] =	vst v1  }
0x4eb: {  	v1 =	vld.idx.msk [tilespmem:v0+s24+$0x0], $0xffff;
	_ =	sdelay $0x4  }
0x4ec: {  	[tilespmem:s0+$0xCA10] =	vst v1  }
0x4ed: {  	v1 =	vld.idx.msk [tilespmem:v0+s25+$0x0], $0xffff;
	_ =	sdelay $0x4  }
0x4ee: {  	[tilespmem:s0+$0xCA90] =	vst v1  }
0x4ef: {  	v1 =	vld.idx.msk [tilespmem:v0+s26+$0x0], $0xffff  }
0x4f0: {  	p1 =	sne.s32 s30, $0x1C0  }
.Ltmp3:
0x4f1: {  	_ = 	snop;
	(pc) =	sbr.rel @p1 .LBB2_7-.Ltmp3, $3  }
0x4f2: {  	_ =	sdelay $0x1  }
0x4f3: {  	[tilespmem:s0+$0xCB10] =	vst v1  }
0x4f4: {  	s31 =	sshra.s32 s30, $0x2;
	s30 =	sadd.s32 $0x40, s30;
	v1 =	vld.idx.msk [tilespmem:v0+s28+$0x0], $0xffff  }
0x4f5: {  	_ =	sdelay $0x2  }
0x4f6: {  	v2 =	vld [tilespmem:s31+$0xB600]  }
0x4f7: {  	[tilespmem:s0+$0xCB90] =	vst v1  }
0x4f8: {  	v0 =	vld.idx.msk [tilespmem:v0+s29+$0x0], $0xffff;
	_ =	sdelay $0x4  }
0x4f9: {  	s1 =	rddreg [dreg:$0x7];
	[tilespmem:s0+$0xCC10] =	vst v0  }
0x4fa: {  	v0 =	vld.idx.msk [tilespmem:v2+s1+$0x0], $0xffff;
	_ =	sdelay $0x4  }
0x4fb: {  	s30 =	rddreg [dreg:$0x8];
	[tilespmem:s31+$0xBC90] =	vst v0  }
0x4fc: {  	v0 =	vld.idx.msk [tilespmem:v2+s30+$0x0], $0xffff;
	_ =	sdelay $0x4  }
0x4fd: {  	s1 =	rddreg [dreg:$0x9];
	[tilespmem:s31+$0xBD10] =	vst v0  }
0x4fe: {  	v0 =	vld.idx.msk [tilespmem:v2+s1+$0x0], $0xffff;
	_ =	sdelay $0x4  }
0x4ff: {  	s30 =	rddreg [dreg:$0xa];
	[tilespmem:s31+$0xBD90] =	vst v0  }
0x500: {  	v0 =	vld.idx.msk [tilespmem:v2+s30+$0x0], $0xffff;
	_ =	sdelay $0x4  }
0x501: {  	s1 =	simm.s32 $0xA700;
	[tilespmem:s31+$0xBE10] =	vst v0  }
0x502: {  	v0 =	vld.idx.msk [tilespmem:v2+s1+$0x0], $0xffff;
	_ =	sdelay $0x4  }
0x503: {  	[tilespmem:s31+$0xBE90] =	vst v0  }
0x504: {  	v0 =	vld.idx.msk [tilespmem:v2+s2+$0x0], $0xffff;
	_ =	sdelay $0x4  }
0x505: {  	[tilespmem:s31+$0xBF10] =	vst v0  }
0x506: {  	v0 =	vld.idx.msk [tilespmem:v2+s3+$0x0], $0xffff;
	_ =	sdelay $0x4  }
0x507: {  	[tilespmem:s31+$0xBF90] =	vst v0  }
0x508: {  	v0 =	vld.idx.msk [tilespmem:v2+s4+$0x0], $0xffff;
	_ =	sdelay $0x4  }
0x509: {  	[tilespmem:s31+$0xC010] =	vst v0  }
0x50a: {  	v0 =	vld.idx.msk [tilespmem:v2+s5+$0x0], $0xffff;
	_ =	sdelay $0x4  }
0x50b: {  	[tilespmem:s31+$0xC090] =	vst v0  }
0x50c: {  	v0 =	vld.idx.msk [tilespmem:v2+s6+$0x0], $0xffff;
	_ =	sdelay $0x4  }
0x50d: {  	[tilespmem:s31+$0xC110] =	vst v0  }
0x50e: {  	v0 =	vld.idx.msk [tilespmem:v2+s7+$0x0], $0xffff;
	_ =	sdelay $0x4  }
0x50f: {  	[tilespmem:s31+$0xC190] =	vst v0  }
0x510: {  	v0 =	vld.idx.msk [tilespmem:v2+s8+$0x0], $0xffff;
	_ =	sdelay $0x4  }
0x511: {  	[tilespmem:s31+$0xC210] =	vst v0  }
0x512: {  	v0 =	vld.idx.msk [tilespmem:v2+s9+$0x0], $0xffff;
	_ =	sdelay $0x4  }
0x513: {  	[tilespmem:s31+$0xC290] =	vst v0  }
0x514: {  	v0 =	vld.idx.msk [tilespmem:v2+s10+$0x0], $0xffff;
	_ =	sdelay $0x4  }
0x515: {  	[tilespmem:s31+$0xC310] =	vst v0  }
0x516: {  	v0 =	vld.idx.msk [tilespmem:v2+s11+$0x0], $0xffff;
	_ =	sdelay $0x4  }
0x517: {  	[tilespmem:s31+$0xC390] =	vst v0  }
0x518: {  	v0 =	vld.idx.msk [tilespmem:v2+s12+$0x0], $0xffff;
	_ =	sdelay $0x4  }
0x519: {  	[tilespmem:s31+$0xC410] =	vst v0  }
0x51a: {  	v0 =	vld.idx.msk [tilespmem:v2+s13+$0x0], $0xffff;
	_ =	sdelay $0x4  }
0x51b: {  	[tilespmem:s31+$0xC490] =	vst v0  }
0x51c: {  	v0 =	vld.idx.msk [tilespmem:v2+s14+$0x0], $0xffff;
	_ =	sdelay $0x4  }
0x51d: {  	[tilespmem:s31+$0xC510] =	vst v0  }
0x51e: {  	v0 =	vld.idx.msk [tilespmem:v2+s15+$0x0], $0xffff;
	_ =	sdelay $0x4  }
0x51f: {  	[tilespmem:s31+$0xC590] =	vst v0  }
0x520: {  	v0 =	vld.idx.msk [tilespmem:v2+s16+$0x0], $0xffff;
	_ =	sdelay $0x4  }
0x521: {  	[tilespmem:s31+$0xC610] =	vst v0  }
0x522: {  	v0 =	vld.idx.msk [tilespmem:v2+s17+$0x0], $0xffff;
	_ =	sdelay $0x4  }
0x523: {  	[tilespmem:s31+$0xC690] =	vst v0  }
0x524: {  	v0 =	vld.idx.msk [tilespmem:v2+s18+$0x0], $0xffff;
	_ =	sdelay $0x4  }
0x525: {  	[tilespmem:s31+$0xC710] =	vst v0  }
0x526: {  	v0 =	vld.idx.msk [tilespmem:v2+s19+$0x0], $0xffff;
	_ =	sdelay $0x4  }
0x527: {  	[tilespmem:s31+$0xC790] =	vst v0  }
0x528: {  	v0 =	vld.idx.msk [tilespmem:v2+s20+$0x0], $0xffff;
	_ =	sdelay $0x4  }
0x529: {  	[tilespmem:s31+$0xC810] =	vst v0  }
0x52a: {  	v0 =	vld.idx.msk [tilespmem:v2+s21+$0x0], $0xffff;
	_ =	sdelay $0x4  }
0x52b: {  	[tilespmem:s31+$0xC890] =	vst v0  }
0x52c: {  	v0 =	vld.idx.msk [tilespmem:v2+s22+$0x0], $0xffff;
	_ =	sdelay $0x4  }
0x52d: {  	[tilespmem:s31+$0xC910] =	vst v0  }
0x52e: {  	v0 =	vld.idx.msk [tilespmem:v2+s23+$0x0], $0xffff;
	_ =	sdelay $0x4  }
0x52f: {  	[tilespmem:s31+$0xC990] =	vst v0  }
0x530: {  	v0 =	vld.idx.msk [tilespmem:v2+s24+$0x0], $0xffff;
	_ =	sdelay $0x4  }
0x531: {  	[tilespmem:s31+$0xCA10] =	vst v0  }
0x532: {  	v0 =	vld.idx.msk [tilespmem:v2+s25+$0x0], $0xffff;
	_ =	sdelay $0x4  }
0x533: {  	[tilespmem:s31+$0xCA90] =	vst v0  }
0x534: {  	v0 =	vld.idx.msk [tilespmem:v2+s26+$0x0], $0xffff;
	_ =	sdelay $0x4  }
0x535: {  	[tilespmem:s31+$0xCB10] =	vst v0  }
0x536: {  	v0 =	vld.idx.msk [tilespmem:v2+s28+$0x0], $0xffff;
	_ =	sdelay $0x4  }
0x537: {  	[tilespmem:s31+$0xCB90] =	vst v0  }
0x538: {  	v0 =	vld.idx.msk [tilespmem:v2+s29+$0x0], $0xffff;
	_ =	sdelay $0x3  }
0x539: {  	s29 =	rddreg [dreg:$0xc]  }
0x53a: {  	s0 =	simm.s32 @!p0 $0xBC90;
	s19 =	rddreg [dreg:$0xe];
	s30 =	sshll.u32 s29, $0x7;
	[tilespmem:s31+$0xCC10] =	vst v0  }
0x53b: {  	[spmem:s19] =	stream.linear.scatter @!p0 [tilespmem:s0], [sflag:$0x8], $0x1000, $0x38;
	[tilespmem:$0xE608] =	vst v63  }
0x53c: {  	s0 =	sadd.s32 $0xB680, s30  }
0x53d: {  	s1 =	simm.s32 @!p0 $0x8;
	v4 =	vmov s0  }
0x53e: {  	_ =	swait.ge @!p0 [sflag:s1], $0x1000  }
0x53f: {  	[sflag:s1] =	ssyncset.done @!p0 $0x0  }
0x540: {  	[sflag:s1] =	ssyncadd.s32 @!p0 $0xFFFFF000  }
0x541: {  	s1 =	simm.s32 $0x0;
	[bflag:$0x0] =	sbarrier.arrive $0xFFFF  }
0x542: {  	v5 =	vld.idx.msk [tilespmem:v4+s1+$0x0 ss:$0x1], $0xffff  }
0x543: {  	v6 =	vld.idx.msk [tilespmem:v4+s1+$0x200 ss:$0x1], $0xffff;
	_ =	sdelay $0x3  }
0x544: {  	s0 =	simm.s32 $0x10  }
0x545: {  	v1 =	vld.idx.msk [tilespmem:v4+s0+$0x0 ss:$0x1], $0xffff  }
0x546: {  	s2 =	simm.s32 $0xBC90;
	v0 =	vld.idx.msk [tilespmem:v4+s0+$0x200 ss:$0x1], $0xffff  }
0x547: {  	v2 =	vld.idx.msk [tilespmem:v5+s2+$0x0], $0xffff  }
0x548: {  	s3 =	simm.s32 $0xBD10;
	v3 =	vld.idx.msk [tilespmem:v6+s2+$0x0], $0xffff  }
0x549: {  	v7 =	vld.idx.msk [tilespmem:v5+s3+$0x0], $0xffff  }
0x54a: {  	s7 =	simm.s32 $0xBD90;
	v8 =	vld.idx.msk [tilespmem:v6+s3+$0x0], $0xffff  }
0x54b: {  	v9 =	vld.idx.msk [tilespmem:v5+s7+$0x0], $0xffff  }
0x54c: {  	s8 =	simm.s32 $0xBE10;
	v10 =	vld.idx.msk [tilespmem:v6+s7+$0x0], $0xffff  }
0x54d: {  	s4 =	simm.s32 $0xBE90;
	v11 =	vld.idx.msk [tilespmem:v5+s8+$0x0], $0xffff  }
0x54e: {  	v12 =	vld.idx.msk [tilespmem:v5+s4+$0x0], $0xffff;
	v2 =	vmul.f32 v3, v2  }
0x54f: {  	s5 =	simm.s32 $0xBF10;
	v3 =	vld.idx.msk [tilespmem:v6+s8+$0x0], $0xffff  }
0x550: {  	v13 =	vld.idx.msk [tilespmem:v5+s5+$0x0], $0xffff;
	v7 =	vmul.f32 v8, v7;
	v2 =	vadd.f32 $0.0e+00, v2  }
0x551: {  	s12 =	simm.s32 $0xC110;
	v8 =	vld.idx.msk [tilespmem:v6+s4+$0x0], $0xffff  }
0x552: {  	v14 =	vld.idx.msk [tilespmem:v5+s12+$0x0], $0xffff;
	v2 =	vadd.f32 v7, v2;
	v7 =	vmul.f32 v10, v9  }
0x553: {  	s9 =	simm.s32 $0xBF90;
	v9 =	vld.idx.msk [tilespmem:v6+s5+$0x0], $0xffff  }
0x554: {  	v10 =	vld.idx.msk [tilespmem:v5+s9+$0x0], $0xffff;
	v3 =	vmul.f32 v3, v11;
	v2 =	vadd.f32 v7, v2  }
0x555: {  	s10 =	simm.s32 $0xC010;
	v7 =	vld.idx.msk [tilespmem:v6+s9+$0x0], $0xffff  }
0x556: {  	v11 =	vld.idx.msk [tilespmem:v5+s10+$0x0], $0xffff;
	v2 =	vadd.f32 v3, v2;
	v3 =	vmul.f32 v8, v12  }
0x557: {  	s11 =	simm.s32 $0xC090;
	v8 =	vld.idx.msk [tilespmem:v6+s10+$0x0], $0xffff  }
0x558: {  	v12 =	vld.idx.msk [tilespmem:v5+s11+$0x0], $0xffff;
	v2 =	vadd.f32 v3, v2;
	v3 =	vmul.f32 v9, v13  }
0x559: {  	s14 =	simm.s32 $0xC190;
	v13 =	vld.idx.msk [tilespmem:v6+s11+$0x0], $0xffff  }
0x55a: {  	v15 =	vld.idx.msk [tilespmem:v5+s14+$0x0], $0xffff;
	v2 =	vadd.f32 v3, v2;
	v3 =	vmul.f32 v7, v10  }
0x55b: {  	s17 =	simm.s32 $0xC210;
	v7 =	vld.idx.msk [tilespmem:v6+s12+$0x0], $0xffff  }
0x55c: {  	v9 =	vld.idx.msk [tilespmem:v5+s17+$0x0], $0xffff;
	v2 =	vadd.f32 v3, v2;
	v3 =	vmul.f32 v8, v11  }
0x55d: {  	s15 =	simm.s32 $0xC290;
	v11 =	vld.idx.msk [tilespmem:v6+s14+$0x0], $0xffff  }
0x55e: {  	v10 =	vld.idx.msk [tilespmem:v6+s15+$0x0], $0xffff;
	v2 =	vadd.f32 v3, v2;
	v3 =	vmul.f32 v13, v12  }
0x55f: {  	v12 =	vld.idx.msk [tilespmem:v6+s17+$0x0], $0xffff  }
0x560: {  	s13 =	simm.s32 $0xC310;
	v8 =	vld.idx.msk [tilespmem:v5+s15+$0x0], $0xffff;
	v14 =	vmul.f32 v7, v14;
	v13 =	vadd.f32 v3, v2  }
0x561: {  	s31 =	sadd.s32 $0xBA80, s30;
	v7 =	vld.idx.msk [tilespmem:v5+s13+$0x0], $0xffff;
	v2 =	vimm.f32 $0.0e+00  }
0x562: {  	s6 =	simm.s32 $0xC410;
	s16 =	simm.s32 $0xC390;
	s18 =	simm.s32 $0x80;
	v3 =	vmov s31;
	v13 =	vadd.f32 v14, v13;
	v14 =	vmul.f32 v11, v15;
	v11 =	vld.idx.msk [tilespmem:v6+s13+$0x0], $0xffff  }
.LBB2_9:
0x563: {  	p0 =	sne.s32 s18, $0x1C0;
	v15 =	vld.idx.msk [tilespmem:v5+s16+$0x0], $0xffff  }
0x564: {  	v9 =	vmul.f32 v12, v9;
	v13 =	vadd.f32 v14, v13;
	v12 =	vld.idx.msk [tilespmem:v6+s16+$0x0], $0xffff  }
0x565: {  	v14 =	vld.idx.msk [tilespmem:v5+s6+$0x0], $0xffff;
	v5 =	vmov v1  }
0x566: {  	v8 =	vmul.f32 v10, v8;
	v9 =	vadd.f32 v9, v13;
	v10 =	vld.idx.msk [tilespmem:v6+s6+$0x0], $0xffff;
	v6 =	vmov v0  }
0x567: {  	v13 =	vld.idx.msk [tilespmem:v3+s1+$0x0 ss:$0x1], $0xffff;
	s1 =	smov.u32 s0;
	s0 =	sshra.s32 s18, $0x2  }
0x568: {  	v7 =	vmul.f32 v11, v7;
	v1 =	vld.idx.msk [tilespmem:v4+s0+$0x0 ss:$0x1], $0xffff;
	v8 =	vadd.f32 v8, v9  }
0x569: {  	v0 =	vld.idx.msk [tilespmem:v4+s0+$0x200 ss:$0x1], $0xffff  }
0x56a: {  	v9 =	vld.idx.msk [tilespmem:v5+s2+$0x0], $0xffff;
	v7 =	vadd.f32 v7, v8;
	v8 =	vmul.f32 v12, v15  }
0x56b: {  	v11 =	vld.idx.msk [tilespmem:v6+s2+$0x0], $0xffff  }
0x56c: {  	v12 =	vld.idx.msk [tilespmem:v5+s3+$0x0], $0xffff;
	v7 =	vadd.f32 v8, v7;
	v8 =	vmul.f32 v10, v14  }
0x56d: {  	v10 =	vld.idx.msk [tilespmem:v6+s3+$0x0], $0xffff  }
0x56e: {  	v14 =	vld.idx.msk [tilespmem:v5+s7+$0x0], $0xffff;
	v7 =	vadd.f32 v8, v7  }
0x56f: {  	v8 =	vld.idx.msk [tilespmem:v6+s7+$0x0], $0xffff  }
0x570: {  	v15 =	vld.idx.msk [tilespmem:v5+s8+$0x0], $0xffff;
	v7 =	vsub.f32 $1.000000000e+00, v7  }
0x571: {  	v9 =	vmul.f32 v11, v9;
	v11 =	vld.idx.msk [tilespmem:v6+s8+$0x0], $0xffff  }
0x572: {  	v16 =	vld.idx.msk [tilespmem:v5+s4+$0x0], $0xffff;
	v7 =	vmul.f32 v7, v13  }
0x573: {  	v9 =	vadd.f32 $0.0e+00, v9;
	v10 =	vmul.f32 v10, v12;
	v12 =	vld.idx.msk [tilespmem:v6+s4+$0x0], $0xffff  }
0x574: {  	v13 =	vld.idx.msk [tilespmem:v5+s5+$0x0], $0xffff;
	v7 =	vsub.f32 $3.000000120e-01, v7  }
0x575: {  	v9 =	vadd.f32 v10, v9;
	v8 =	vmul.f32 v8, v14;
	v10 =	vld.idx.msk [tilespmem:v6+s5+$0x0], $0xffff  }
0x576: {  	v14 =	vld.idx.msk [tilespmem:v5+s9+$0x0], $0xffff;
	v7 =	vmax.f32 v7, $0.0e+00  }
0x577: {  	v8 =	vadd.f32 v8, v9;
	v9 =	vmul.f32 v11, v15;
	v11 =	vld.idx.msk [tilespmem:v6+s9+$0x0], $0xffff;
	v2 =	vadd.f32 v7, v2  }
0x578: {  	v7 =	vld.idx.msk [tilespmem:v5+s10+$0x0], $0xffff  }
0x579: {  	v8 =	vadd.f32 v9, v8;
	v9 =	vmul.f32 v12, v16;
	v12 =	vld.idx.msk [tilespmem:v6+s10+$0x0], $0xffff  }
0x57a: {  	v15 =	vld.idx.msk [tilespmem:v5+s11+$0x0], $0xffff  }
0x57b: {  	v8 =	vadd.f32 v9, v8;
	v9 =	vmul.f32 v10, v13;
	v10 =	vld.idx.msk [tilespmem:v6+s11+$0x0], $0xffff  }
0x57c: {  	v13 =	vld.idx.msk [tilespmem:v5+s12+$0x0], $0xffff  }
0x57d: {  	v8 =	vadd.f32 v9, v8;
	v9 =	vmul.f32 v11, v14;
	v11 =	vld.idx.msk [tilespmem:v6+s12+$0x0], $0xffff  }
0x57e: {  	v14 =	vld.idx.msk [tilespmem:v5+s14+$0x0], $0xffff  }
0x57f: {  	v8 =	vadd.f32 v9, v8;
	v7 =	vmul.f32 v12, v7;
	v16 =	vld.idx.msk [tilespmem:v6+s14+$0x0], $0xffff  }
0x580: {  	v9 =	vld.idx.msk [tilespmem:v5+s17+$0x0], $0xffff  }
.Ltmp4:
0x581: {  	v7 =	vadd.f32 v7, v8;
	v10 =	vmul.f32 v10, v15;
	v12 =	vld.idx.msk [tilespmem:v6+s17+$0x0], $0xffff;
	(pc) =	sbr.rel @p0 .LBB2_9-.Ltmp4, $4  }
0x582: {  	v8 =	vld.idx.msk [tilespmem:v5+s15+$0x0], $0xffff  }
0x583: {  	v15 =	vadd.f32 v10, v7;
	v11 =	vmul.f32 v11, v13;
	v10 =	vld.idx.msk [tilespmem:v6+s15+$0x0], $0xffff  }
0x584: {  	v7 =	vld.idx.msk [tilespmem:v5+s13+$0x0], $0xffff  }
0x585: {  	s18 =	sadd.s32 $0x40, s18;
	v13 =	vadd.f32 v11, v15;
	v14 =	vmul.f32 v16, v14;
	v11 =	vld.idx.msk [tilespmem:v6+s13+$0x0], $0xffff  }
0x586: {  	_ =	sdelay $0x3  }
0x587: {  	v4 =	vld.idx.msk [tilespmem:v5+s16+$0x0], $0xffff  }
0x588: {  	v15 =	vld.idx.msk [tilespmem:v6+s16+$0x0], $0xffff  }
0x589: {  	v24 =	vld.idx.msk [tilespmem:v5+s6+$0x0], $0xffff  }
0x58a: {  	v25 =	vld.idx.msk [tilespmem:v6+s6+$0x0], $0xffff  }
0x58b: {  	v16 =	vld.idx.msk [tilespmem:v1+s2+$0x0], $0xffff  }
0x58c: {  	v17 =	vld.idx.msk [tilespmem:v0+s2+$0x0], $0xffff  }
0x58d: {  	v18 =	vld.idx.msk [tilespmem:v1+s3+$0x0], $0xffff  }
0x58e: {  	v19 =	vld.idx.msk [tilespmem:v0+s3+$0x0], $0xffff  }
0x58f: {  	v20 =	vld.idx.msk [tilespmem:v1+s7+$0x0], $0xffff  }
0x590: {  	v21 =	vld.idx.msk [tilespmem:v0+s7+$0x0], $0xffff  }
0x591: {  	v22 =	vld.idx.msk [tilespmem:v1+s8+$0x0], $0xffff;
	v16 =	vmul.f32 v17, v16  }
0x592: {  	v26 =	vld.idx.msk [tilespmem:v0+s8+$0x0], $0xffff  }
0x593: {  	v23 =	vld.idx.msk [tilespmem:v1+s4+$0x0], $0xffff;
	v18 =	vmul.f32 v19, v18;
	v16 =	vadd.f32 $0.0e+00, v16  }
0x594: {  	v27 =	vld.idx.msk [tilespmem:v0+s4+$0x0], $0xffff  }
0x595: {  	v28 =	vld.idx.msk [tilespmem:v1+s5+$0x0], $0xffff;
	v20 =	vmul.f32 v21, v20;
	v16 =	vadd.f32 v18, v16  }
0x596: {  	v29 =	vld.idx.msk [tilespmem:v0+s5+$0x0], $0xffff  }
0x597: {  	v30 =	vld.idx.msk [tilespmem:v1+s9+$0x0], $0xffff;
	v17 =	vmul.f32 v26, v22;
	v16 =	vadd.f32 v20, v16  }
0x598: {  	v31 =	vld.idx.msk [tilespmem:v0+s9+$0x0], $0xffff  }
0x599: {  	v32 =	vld.idx.msk [tilespmem:v1+s10+$0x0], $0xffff;
	v19 =	vmul.f32 v27, v23;
	v16 =	vadd.f32 v17, v16  }
0x59a: {  	v33 =	vld.idx.msk [tilespmem:v0+s10+$0x0], $0xffff  }
0x59b: {  	v34 =	vld.idx.msk [tilespmem:v1+s11+$0x0], $0xffff;
	v18 =	vmul.f32 v29, v28;
	v16 =	vadd.f32 v19, v16  }
0x59c: {  	v35 =	vld.idx.msk [tilespmem:v0+s11+$0x0], $0xffff  }
0x59d: {  	v36 =	vld.idx.msk [tilespmem:v1+s12+$0x0], $0xffff;
	v20 =	vmul.f32 v31, v30;
	v16 =	vadd.f32 v18, v16  }
0x59e: {  	v37 =	vld.idx.msk [tilespmem:v0+s12+$0x0], $0xffff  }
0x59f: {  	v38 =	vld.idx.msk [tilespmem:v1+s14+$0x0], $0xffff;
	v17 =	vmul.f32 v33, v32;
	v16 =	vadd.f32 v20, v16  }
0x5a0: {  	v39 =	vld.idx.msk [tilespmem:v0+s14+$0x0], $0xffff  }
0x5a1: {  	v40 =	vld.idx.msk [tilespmem:v1+s17+$0x0], $0xffff;
	v19 =	vmul.f32 v35, v34;
	v16 =	vadd.f32 v17, v16  }
0x5a2: {  	v41 =	vld.idx.msk [tilespmem:v0+s17+$0x0], $0xffff  }
0x5a3: {  	v42 =	vld.idx.msk [tilespmem:v1+s15+$0x0], $0xffff;
	v18 =	vmul.f32 v37, v36;
	v16 =	vadd.f32 v19, v16  }
0x5a4: {  	v9 =	vmul.f32 v12, v9;
	v43 =	vld.idx.msk [tilespmem:v0+s15+$0x0], $0xffff  }
0x5a5: {  	v46 =	vld.idx.msk [tilespmem:v1+s13+$0x0], $0xffff;
	v13 =	vadd.f32 v14, v13;
	v45 =	vmul.f32 v39, v38;
	v44 =	vadd.f32 v18, v16  }
0x5a6: {  	v47 =	vld.idx.msk [tilespmem:v0+s13+$0x0], $0xffff;
	v8 =	vmul.f32 v10, v8  }
0x5a7: {  	v50 =	vld.idx.msk [tilespmem:v1+s16+$0x0], $0xffff;
	v9 =	vadd.f32 v9, v13;
	v49 =	vmul.f32 v41, v40;
	v48 =	vadd.f32 v45, v44  }
0x5a8: {  	v51 =	vld.idx.msk [tilespmem:v0+s16+$0x0], $0xffff;
	v7 =	vmul.f32 v11, v7  }
0x5a9: {  	v53 =	vld.idx.msk [tilespmem:v1+s6+$0x0], $0xffff;
	v8 =	vadd.f32 v8, v9;
	v12 =	vmul.f32 v43, v42;
	v52 =	vadd.f32 v49, v48  }
0x5aa: {  	v54 =	vld.idx.msk [tilespmem:v0+s6+$0x0], $0xffff;
	v4 =	vmul.f32 v15, v4  }
0x5ab: {  	v10 =	vmul.f32 v47, v46;
	v7 =	vadd.f32 v7, v8;
	v55 =	vadd.f32 v12, v52  }
0x5ac: {  	v5 =	vmul.f32 v25, v24  }
0x5ad: {  	v57 =	vmul.f32 v51, v50;
	v4 =	vadd.f32 v4, v7;
	v56 =	vadd.f32 v10, v55  }
0x5ae: {  	v58 =	vld.idx.msk [tilespmem:v3+s1+$0x0 ss:$0x1], $0xffff  }
0x5af: {  	v0 =	vmul.f32 v54, v53;
	v4 =	vadd.f32 v5, v4;
	v59 =	vadd.f32 v57, v56  }
0x5b0: {  	v60 =	vld.idx.msk [tilespmem:v3+s0+$0x0 ss:$0x1], $0xffff  }
0x5b1: {  	v61 =	vsub.f32 $1.000000000e+00, v4;
	v0 =	vadd.f32 v0, v59;
	_ =	sdelay $0x1  }
0x5b2: {  	v3 =	vmul.f32 v61, v58;
	v0 =	vsub.f32 $1.000000000e+00, v0;
	_ =	sdelay $0x1  }
0x5b3: {  	v3 =	vsub.f32 $3.000000120e-01, v3;
	v0 =	vmul.f32 v0, v60;
	_ =	sdelay $0x1  }
0x5b4: {  	v62 =	vmax.f32 v3, $0.0e+00;
	v0 =	vsub.f32 $3.000000120e-01, v0  }
0x5b5: {  	v1 =	vadd.f32 v62, v2  }
0x5b6: {  	v63 =	vld [tilespmem:$0xDC90];
	v0 =	vmax.f32 v0, $0.0e+00  }
0x5b7: {  	s31 =	rddreg [dreg:$0xf];
	v0 =	vadd.f32 v0, v1  }
0x5b8: {  	p0 =	sne.s32 s31, $0x1  }
.Ltmp5:
0x5b9: {  	v0 =	vmul.f32 $1.953125000e-03, v0;
	(pc) =	sbr.rel @p0 .LBB2_16-.Ltmp5, $3  }
0x5ba: {  	_ = 	snop  }
0x5bb: {  	v0 =	vadd.f32 v63, v0;
	_ =	sdelay $0x1  }
0x5bc: {  	[tilespmem:$0xDC90] =	vst v0  }
0x5bd: {  	s0 =	simm.s32 $0xBC90;
	s30 =	simm.s32 $0x8  }
0x5be: {  	[tilespmem:s0], [sflag:$0x8] =	stream.linear.gather [spmem:s19], $0x1000, $0x38;
	[tilespmem:$0xE608] =	vst v63  }
0x5bf: {  	_ =	swait.ge [sflag:s30], $0x1000  }
0x5c0: {  	[sflag:s30] =	ssyncset.done $0x0  }
0x5c1: {  	s1 =	simm.s32 $0xCC90;
	s2 =	rddreg [dreg:$0xd];
	[sflag:s30] =	ssyncadd.s32 $0xFFFFF000  }
0x5c2: {  	[tilespmem:s1], [sflag:$0x8] =	stream.linear.gather [spmem:s2], $0x1000, $0x38;
	[tilespmem:$0xE608] =	vst v63  }
0x5c3: {  	_ =	swait.ge [sflag:s30], $0x1000  }
0x5c4: {  	[sflag:s30] =	ssyncset.done $0x0  }
0x5c5: {  	s31 =	simm.s32 $0x0;
	[sflag:s30] =	ssyncadd.s32 $0xFFFFF000  }
0x5c6: {  	v1 =	vld [tilespmem:s31+$0xBC90]  }
0x5c7: {  	v0 =	vimm.f32 $0.0e+00;
	s0 =	simm.s32 $0x200;
	v2 =	vld [tilespmem:s31+$0xCC90]  }
.LBB2_12:
0x5c8: {  	_ = 	snop  }
0x5c9: {  	p0 =	sne.s32 s0, $0x3E00  }
.Ltmp6:
0x5ca: {  	_ = 	snop;
	(pc) =	sbr.rel @p0 .LBB2_12-.Ltmp6, $4  }
0x5cb: {  	_ = 	snop  }
0x5cc: {  	s1 =	sshra.s32 s0, $0x2;
	v3 =	vmul.f32 v2, v1  }
0x5cd: {  	v1 =	vld [tilespmem:s1+$0xBC90]  }
0x5ce: {  	s0 =	sadd.s32 $0x200, s0;
	v2 =	vld [tilespmem:s1+$0xCC90];
	v0 =	vadd.f32 v3, v0  }
0x5cf: {  	_ =	sdelay $0x3  }
0x5d0: {  	s1 =	simm.s32 $0x0;
	v2 =	vmul.f32 v2, v1  }
0x5d1: {  	v3 =	vld [tilespmem:s1+$0xCCA0]  }
0x5d2: {  	s0 =	simm.s32 $0x200;
	v1 =	vld [tilespmem:s1+$0xBCA0];
	v0 =	vadd.f32 v2, v0;
	v2 =	vimm.f32 $0.0e+00  }
.LBB2_14:
0x5d3: {  	_ = 	snop  }
0x5d4: {  	p0 =	sne.s32 s0, $0x3E00  }
.Ltmp7:
0x5d5: {  	_ = 	snop;
	(pc) =	sbr.rel @p0 .LBB2_14-.Ltmp7, $4  }
0x5d6: {  	_ = 	snop  }
0x5d7: {  	s1 =	sshra.s32 s0, $0x2;
	v4 =	vmul.f32 v3, v1  }
0x5d8: {  	v1 =	vld [tilespmem:s1+$0xBCA0]  }
0x5d9: {  	s0 =	sadd.s32 $0x200, s0;
	v3 =	vld [tilespmem:s1+$0xCCA0];
	v2 =	vadd.f32 v4, v2  }
0x5da: {  	_ =	sdelay $0x3  }
0x5db: {  	v1 =	vmul.f32 v3, v1;
	_ =	sdelay $0x1  }
0x5dc: {  	v1 =	vadd.f32 v1, v2  }
0x5dd: {  	(xrf2) =	vadd.scan.msk.f32 $0xffff, v0  }
0x5de: {  	(xrf2) =	vadd.scan.msk.f32 $0xffff, v1;
	_ =	sdelay $0x8  }
0x5df: {  	v0, _, _ =	vpop (xrf2)  }
0x5e0: {  	v1, _, _ =	vpop (xrf2)  }
0x5e1: {  	v1 =	vmul.f32 $3.125000000e-02, v1;
	_ =	sdelay $0x1  }
0x5e2: {  	v0 =	vmul.f32 $3.125000000e-02, v0;
	v1 =	vadd.f32 $-1.000000000e+00, v1;
	_ =	sdelay $0x1  }
0x5e3: {  	v62 =	vld [tilespmem:$0xBC80];
	v0 =	vsub.f32 $1.000000000e+00, v0;
	v1 =	vadd.f32 $3.000000120e-01, v1;
	_ =	sdelay $0x1  }
0x5e4: {  	v0 =	vadd.f32 $-1.000000010e-01, v0;
	v1 =	vmax.f32 v1, $0.0e+00  }
0x5e5: {  	v1 =	vbroadcast v1, $0xF  }
0x5e6: {  	v0 =	vmax.f32 v0, $0.0e+00  }
0x5e7: {  	v0 =	vbroadcast v0, $0xF;
	v1 =	vmul.f32 v62, v1  }
0x5e8: {  	v63 =	vld [tilespmem:$0xDC90]  }
0x5e9: {  	v0 =	vadd.f32 v1, v0;
	_ =	sdelay $0x1  }
0x5ea: {  	v0 =	vmul.f32 $6.250000000e-02, v0;
	_ =	sdelay $0x1  }
0x5eb: {  	v0 =	vadd.f32 v0, v63;
	_ =	sdelay $0x1  }
0x5ec: {  	[tilespmem:$0xDC90] =	vst v0  }
.LBB2_16:
0x5ed: {  	s0 =	simm.s32 $0xDC90;
	s1 =	rddreg [dreg:$0xb];
	s30 =	simm.s32 $0x8  }
0x5ee: {  	[spmem:s1] =	stream.linear.scatter [tilespmem:s0], [sflag:$0x8], $0x10, $0x38;
	[tilespmem:$0xE608] =	vst v63  }
0x5ef: {  	_ =	swait.ge [sflag:s30], $0x10  }
0x5f0: {  	[sflag:s30] =	ssyncset.done $0x0  }
0x5f1: {  	s31 =	stileid.u32;
	[sflag:s30] =	ssyncadd.s32 $0xFFFFFFF0  }
0x5f2: {  	p0 =	sne.s32 s31, $0x0;
	[bflag:$0x0] =	sbarrier.arrive $0xFFFF  }
0x5f3: {  	_ =	sfence.sel @p0 $0x180000  }
0x5f4: {  	[bflag:$0x0] =	sbarrier.arrive @p0 $0xFFFF  }
0x5f5: {  	_ =	strace @p0 $0x90000047  }
0x5f6: {  	[bflag:$0x2] =	sbarrier.arrive @p0 $0xFFFF  }
0x5f7: {  	s0 =	simm.s32 @!p0 $0xDCA0;
	s1 =	rddreg [dreg:$0x5]  }
0x5f8: {  	[tilespmem:s0], [sflag:$0x8] =	stream.linear.gather @!p0 [spmem:s1], $0x100, $0x38;
	[tilespmem:$0xE608] =	vst v63  }
0x5f9: {  	s0 =	simm.s32 @!p0 $0x8  }
0x5fa: {  	_ =	swait.ge @!p0 [sflag:s0], $0x100  }
0x5fb: {  	[sflag:s0] =	ssyncset.done @!p0 $0x0  }
0x5fc: {  	[sflag:s0] =	ssyncadd.s32 @!p0 $0xFFFFFF00  }
0x5fd: {  	v0 =	vld @!p0 [tilespmem:$0xDCA0];
	_ =	sdelay $0x1  }
0x5fe: {  	v1 =	vld @!p0 [tilespmem:$0xDCB0];
	_ =	sdelay $0x1  }
0x5ff: {  	v2 =	vld @!p0 [tilespmem:$0xDCC0]  }
0x600: {  	v0 =	vadd.f32 @!p0 $0.0e+00, v0  }
0x601: {  	v3 =	vld @!p0 [tilespmem:$0xDCD0]  }
0x602: {  	v0 =	vadd.f32 @!p0 v1, v0  }
0x603: {  	v1 =	vld @!p0 [tilespmem:$0xDCE0]  }
0x604: {  	v0 =	vadd.f32 @!p0 v2, v0  }
0x605: {  	v2 =	vld @!p0 [tilespmem:$0xDCF0]  }
0x606: {  	v0 =	vadd.f32 @!p0 v3, v0  }
0x607: {  	v3 =	vld @!p0 [tilespmem:$0xDD00]  }
0x608: {  	v0 =	vadd.f32 @!p0 v1, v0  }
0x609: {  	v1 =	vld @!p0 [tilespmem:$0xDD10]  }
0x60a: {  	v0 =	vadd.f32 @!p0 v2, v0  }
0x60b: {  	v2 =	vld @!p0 [tilespmem:$0xDD20]  }
0x60c: {  	v0 =	vadd.f32 @!p0 v3, v0  }
0x60d: {  	v3 =	vld @!p0 [tilespmem:$0xDD30]  }
0x60e: {  	v0 =	vadd.f32 @!p0 v1, v0  }
0x60f: {  	v1 =	vld @!p0 [tilespmem:$0xDD40]  }
0x610: {  	v0 =	vadd.f32 @!p0 v2, v0  }
0x611: {  	v2 =	vld @!p0 [tilespmem:$0xDD50]  }
0x612: {  	v0 =	vadd.f32 @!p0 v3, v0  }
0x613: {  	v3 =	vld @!p0 [tilespmem:$0xDD60]  }
0x614: {  	v0 =	vadd.f32 @!p0 v1, v0  }
0x615: {  	v1 =	vld @!p0 [tilespmem:$0xDD70]  }
0x616: {  	v0 =	vadd.f32 @!p0 v2, v0  }
0x617: {  	v2 =	vld @!p0 [tilespmem:$0xDD80]  }
0x618: {  	v0 =	vadd.f32 @!p0 v3, v0  }
0x619: {  	v3 =	vld @!p0 [tilespmem:$0xDD90]  }
0x61a: {  	v0 =	vadd.f32 @!p0 v1, v0;
	_ =	sdelay $0x1  }
0x61b: {  	v0 =	vadd.f32 @!p0 v2, v0;
	_ =	sdelay $0x1  }
0x61c: {  	v0 =	vadd.f32 @!p0 v3, v0;
	_ =	sdelay $0x1  }
0x61d: {  	(xrf2) =	vadd.scan.msk.f32 @!p0 $0xffff, v0;
	_ =	sdelay $0x9  }
0x61e: {  	v0, _, _ =	vpop @!p0 (xrf2)  }
0x61f: {  	v0 =	vbroadcast @!p0 v0, $0xF;
	_ =	sdelay $0x1  }
0x620: {  	s2 =	simm.s32 @!p0 $0xDDA0;
	s1 =	simm.s32 @!p0 $0x0;
	s3 =	rddreg [dreg:$0x2];
	[tilespmem:$0xDDA0] =	vst @!p0 v0  }
0x621: {  	[hbm4b:s3+s1] =	stream.linear.scatter @!p0 [tilespmem:s2], [sflag:$0x8], $0x10, $0x38;
	[tilespmem:$0xE608] =	vst v63  }
0x622: {  	_ =	swait.ge @!p0 [sflag:s0], $0x10  }
0x623: {  	[sflag:s0] =	ssyncset.done @!p0 $0x0  }
0x624: {  	[sflag:s0] =	ssyncadd.s32 @!p0 $0xFFFFFFF0  }
0x625: {  	_ =	sfence.sel @!p0 $0x180000  }
0x626: {  	[bflag:$0x0] =	sbarrier.arrive @!p0 $0xFFFF  }
0x627: {  	_ =	strace @!p0 $0x90000047  }
0x628: {  	[bflag:$0x2] =	sbarrier.arrive @!p0 $0xFFFF  }
0x629: {  	s0 =	rddreg [dreg:$0x6]  }
0x62a: {  	s0 =	sadd.s32 @!p0 $0x100000, s0  }
0x62b: {  	[sflag:s0] =	ssyncadd.tile.s32 @!p0 $0x1;
	_ =	shalt  }
.Lfunc_end2:
_tile_overlayer_lowered:
.L_overlay_start_2:
0x62c: {  	(tag) =	ssettag $0x2  }
0x62d: {  	s0 =	rddreg [dreg:$0x0];
	s2 =	stileid.u32  }
0x62e: {  	s1 =	rddreg [dreg:$0x1];
	p0 =	sne.s32 s2, $0x0  }
0x62f: {  	s3 =	rddreg [dreg:$0x2];
	[bflag:$0x3] =	sbarrier.arrive $0xFFFF;
	s2 =	simm.s32 @!p0 $0x1C08  }
0x630: {  	[timem:s3], [sflag:s2] =	dma.local @!p0 [hbm:s0], s1  }
0x631: {  	s0 =	simm.s32 @!p0 $0x8  }
0x632: {  	_ =	swait.ge @!p0 [sflag:s0], s1  }
0x633: {  	s1 =	ssub.s32 @!p0 $0x0, s1;
	[sflag:s0] =	ssyncset.done @!p0 $0x0  }
0x634: {  	[sflag:s0] =	ssyncadd.s32 @!p0 s1  }
0x635: {  	[bflag:$0x3] =	sbarrier.arrive $0xFFFF  }
0x636: {  	_ =	shalt  }

</sc_bundles>
